<compile_context>
chip_gen: v7x
topology: tpu7x:2x2x1
jax: 0.10.2.dev20260603
libtpu: 0.0.44.dev20260713+nightly
codegen_flags: <defaults>
</compile_context>

<pallas_src>
import functools

import jax
import jax.numpy as jnp
from jax import lax
from jax.experimental import pallas as pl
from jax.experimental.pallas import tpu as pltpu
from jax.experimental.pallas import tpu_sc as plsc

_L = 16
_NB = 64
_NG = _NB // _L
_HWORDS = _NB * _L
_N = 8192
_NV = _N // _L
_UNROLL = 8
_RANK = 4096
_NROWS = 2048
_NW = 32
_RPW = _NROWS // _NW
_NBF = float(_NB)
_NB2F = float(_NB * _NB)


def _sc_run(x_hbm, out_hbm, row0_v, row1_v, hist_v, stage_v, out_v,
            sem0, sem1):
    wid = lax.axis_index("s") * 2 + lax.axis_index("c")
    base_row = wid * _RPW
    lane = lax.iota(jnp.int32, _L)
    lane2 = lane - _NB * _L
    ones = jnp.ones((_L,), jnp.int32)
    zeros = jnp.zeros((_L,), jnp.int32)

    def zero_hist(i, c):
        hist_v[pl.ds(i * _L, _L)] = zeros
        return c

    lax.fori_loop(0, _NB, zero_hist, 0, unroll=8)

    def fold_scan(rank):
        gtot = []
        for g in range(_NG):
            gacc = hist_v[pl.ds(g * 256, _L)]
            for j in range(1, _L):
                gacc = gacc + hist_v[pl.ds(g * 256 + j * _L, _L)]
            gtot.append(jnp.sum(gacc))
        cum = jnp.int32(0)
        gstar = jnp.int32(0)
        cumbef = jnp.int32(0)
        for g in range(_NG):
            cum = cum + gtot[g]
            lt = cum < rank
            gstar = gstar + lt.astype(jnp.int32)
            cumbef = jnp.where(lt, cum, cumbef)
        gbase = gstar * 256
        cnts = []
        for j in range(_L):
            v = hist_v[pl.ds(gbase + j * _L, _L)]
            cnts.append(jnp.sum(v))
        for g in range(_NG):
            for j in range(_L):
                hist_v[pl.ds(g * 256 + j * _L, _L)] = zeros
        cum2 = cumbef
        boff = jnp.int32(0)
        cumbef2 = cumbef
        for j in range(_L):
            cum2 = cum2 + cnts[j]
            lt = cum2 < rank
            boff = boff + lt.astype(jnp.int32)
            cumbef2 = jnp.where(lt, cum2, cumbef2)
        bucket = gstar * _L + boff
        return bucket, rank - cumbef2

    def process(row_v, r):
        @plsc.parallel_loop(
            0, _NV, step=2, unroll=4,
            carry=(jnp.zeros((_L,), jnp.float32),
                   jnp.zeros((_L,), jnp.float32)))
        def p1_accs(i, accs):
            a0, a1 = accs
            v0 = row_v[pl.ds(i * _L, _L)]
            v1 = row_v[pl.ds((i + 1) * _L, _L)]
            b0 = (v0 * _NBF).astype(jnp.int32)
            b1i = (v1 * _NBF).astype(jnp.int32)
            plsc.addupdate_scatter(hist_v, [b0 * _L + lane], ones)
            plsc.addupdate_scatter(hist_v, [b1i * _L + lane], ones)
            return (a0 + v0, a1 + v1)

        acc = p1_accs[0] + p1_accs[1]

        b1, kk = fold_scan(jnp.int32(_RANK))

        mv = jnp.broadcast_to((b1 - 1) * _NB, (_L,)).astype(jnp.float32)

        @plsc.parallel_loop(0, _NV, unroll=_UNROLL)
        def p2(i):
            v = row_v[pl.ds(i * _L, _L)]
            z = v * _NB2F - mv
            b2s = z.astype(jnp.int32)
            valid = (b2s - _NB).astype(jnp.uint32) < jnp.uint32(_NB)
            plsc.addupdate_scatter(hist_v, [b2s * _L + lane2], ones,
                                   mask=valid)

        b2, _ = fold_scan(kk)

        meanv = jnp.broadcast_to(jnp.sum(acc), (_L,)) * jnp.float32(1.0 / _N)
        q = jnp.broadcast_to(b1 * _NB + b2, (_L,)).astype(jnp.float32)
        mb = q * jnp.float32(1.0 / _NB2F) + jnp.float32(0.5 / _NB2F)
        margin = jnp.abs(mb - 0.5)
        delta = meanv * margin
        outv = jnp.where(mb > 0.5, 0.5 + delta, mb + delta)
        stage_v[pl.ds(r * _L, _L)] = outv

    pltpu.async_copy(x_hbm.at[base_row], row0_v, sem0)

    def pair_step(i, c):
        r0 = i * 2
        pltpu.async_copy(x_hbm.at[base_row + r0 + 1], row1_v, sem1)
        pltpu.make_async_copy(x_hbm.at[base_row + r0], row0_v, sem0).wait()
        process(row0_v, r0)

        @pl.when(r0 + 2 < _RPW)
        def _():
            pltpu.async_copy(x_hbm.at[base_row + r0 + 2], row0_v, sem0)

        pltpu.make_async_copy(x_hbm.at[base_row + r0 + 1], row1_v,
                              sem1).wait()
        process(row1_v, r0 + 1)
        return c

    lax.fori_loop(0, _RPW // 2, pair_step, 0)

    def compact(g, c):
        addr = g * (_L * _L) + lane * _L
        out_v[pl.ds(g * _L, _L)] = plsc.load_gather(stage_v, [addr])
        return c

    lax.fori_loop(0, _RPW // _L, compact, 0)
    pltpu.sync_copy(out_v, out_hbm.at[pl.ds(base_row, _RPW)])


@jax.jit
def kernel(x):
    b, s, n = x.shape
    x2 = x.reshape(b * s, n)
    mesh = plsc.VectorSubcoreMesh(core_axis_name="c", subcore_axis_name="s")
    run = functools.partial(
        pl.kernel,
        mesh=mesh,
        compiler_params=pltpu.CompilerParams(needs_layout_passes=False),
        out_type=jax.ShapeDtypeStruct((_NROWS,), jnp.float32),
        scratch_types=[
            pltpu.VMEM((_N,), jnp.float32),
            pltpu.VMEM((_N,), jnp.float32),
            pltpu.VMEM((_HWORDS,), jnp.int32),
            pltpu.VMEM((_RPW * _L,), jnp.float32),
            pltpu.VMEM((_RPW,), jnp.float32),
            pltpu.SemaphoreType.DMA,
            pltpu.SemaphoreType.DMA,
        ],
    )(_sc_run)
    out = run(x2)
    return out.reshape(b, s)

# --- scband reference (transcript-rebuilt; emitter-appended) ---
"""Pipeline reference for scband-soft-majority-layer-24275155157520 (READ-ONLY COPY).

The authoritative reference and input builder live on the scoring server;
editing this copy changes nothing except your own understanding.
"""

import jax, jax.numpy as jnp
import numpy as np


def majority_index(input_size: int) -> int:
    return (input_size - 1) // 2


def soft_majority(x):
    index = majority_index(x.shape[-1])
    sorted_x = jnp.sort(x, axis=-1)
    majority_bit = jnp.take(sorted_x, index, axis=-1)
    margin = jnp.abs(majority_bit - 0.5)
    mean = jnp.mean(x, axis=-1)
    margin_delta = mean * margin
    representative_bit = jnp.where(majority_bit > 0.5, 0.5 + margin_delta, majority_bit + margin_delta)
    return representative_bit


def setup_inputs(seed: int = 0) -> dict:
    key = jax.random.key(seed)
    x = jax.random.uniform(key, (64, 32, 8192), dtype=jnp.float32)
    return {"x": x}


def reference(x):
    # SoftMajorityLayer.__call__: vmap(soft_majority, in_axes=0)
    return jax.vmap(soft_majority, in_axes=0)(x)

if __name__ == "__main__":
    import jax
    _d = setup_inputs()
    print(jax.jit(kernel)(*tuple(_d.values())))

</pallas_src>

<mosaic_0001>
#map = affine_map<(d0, d1) -> (0, 0)>
#map1 = affine_map<(d0, d1) -> (0)>
module attributes {stable_mosaic.version = 14 : i64} {
  func.func @_sc_run(%arg0: i32, %arg1: i32, %arg2: memref<2048x8192xf32, #tpu.memory_space<hbm>>, %arg3: memref<2048xf32, #tpu.memory_space<hbm>>, %arg4: memref<8192xf32, #tpu.memory_space<vmem>>, %arg5: memref<8192xf32, #tpu.memory_space<vmem>>, %arg6: memref<1024xi32, #tpu.memory_space<vmem>>, %arg7: memref<1024xf32, #tpu.memory_space<vmem>>, %arg8: memref<64xf32, #tpu.memory_space<vmem>>, %arg9: memref<!tpu.dma_semaphore, #tpu.memory_space<semaphore_mem>>, %arg10: memref<!tpu.dma_semaphore, #tpu.memory_space<semaphore_mem>>) attributes {dimension_semantics = [#tpu.dimension_semantics<core_parallel>, #tpu.dimension_semantics<subcore_parallel>], iteration_bounds = array<i64: 2, 16>, scalar_prefetch = 0 : i64, scratch_operands = 7 : i64, tpu.core_type = #tpu.core_type<sc_vector_subcore>, window_params = [{transform_indices = #map}, {transform_indices = #map1}]} {
    %mul3A = arith.constant 2 : i32
    %mul3A_0 = arith.muli %arg1, %mul3A : i32
    %add3A = arith.addi %mul3A_0, %arg0 : i32
    %mul3A_1 = arith.constant 64 : i32
    %mul3A_2 = arith.muli %add3A, %mul3A_1 : i32
    %iota3A = tpu.iota {dimensions = array<i32: 0>} : vector<16xi32>
    %sub3A = arith.constant 1024 : i32
    %sub3A_3 = vector.broadcast %sub3A : i32 to vector<16xi32>
    %sub3A_4 = arith.subi %iota3A, %sub3A_3 : vector<16xi32>
    %broadcast_in_dim3A = arith.constant 1 : i32
    %broadcast_in_dim3A_5 = vector.broadcast %broadcast_in_dim3A : i32 to vector<16xi32>
    %broadcast_in_dim3A_6 = arith.constant 0 : i32
    %broadcast_in_dim3A_7 = vector.broadcast %broadcast_in_dim3A_6 : i32 to vector<16xi32>
    %scan3A = arith.constant 0 : i32
    %scan3A_8 = arith.constant 0 : i32
    %scan3A_9 = arith.constant 64 : i32
    %scan3A_10 = arith.addi %scan3A_8, %scan3A_9 : i32
    %scan3A_11 = arith.constant 8 : i32
    scf.for %scan3A_30 = %scan3A_8 to %scan3A_10 step %scan3A_11  : i32 {
      %mul3A_31 = arith.constant 16 : i32
      %mul3A_32 = arith.muli %scan3A_30, %mul3A_31 : i32
      %swap3A = arith.index_cast %mul3A_32 : i32 to index
      %swap3A_33 = tpu.vector_load %arg6[%swap3A] {strides = array<i32>} : memref<1024xi32, #tpu.memory_space<vmem>>, vector<16xi32>,
      tpu.vector_store %arg6[%swap3A], %broadcast_in_dim3A_7 {strides = array<i32>} : memref<1024xi32, #tpu.memory_space<vmem>>, vector<16xi32>,
      %scan3A_34 = arith.constant 1 : i32
      %scan3A_35 = arith.addi %scan3A_30, %scan3A_34 : i32
      %mul3A_36 = arith.constant 16 : i32
      %mul3A_37 = arith.muli %scan3A_35, %mul3A_36 : i32
      %swap3A_38 = arith.index_cast %mul3A_37 : i32 to index
      %swap3A_39 = tpu.vector_load %arg6[%swap3A_38] {strides = array<i32>} : memref<1024xi32, #tpu.memory_space<vmem>>, vector<16xi32>,
      tpu.vector_store %arg6[%swap3A_38], %broadcast_in_dim3A_7 {strides = array<i32>} : memref<1024xi32, #tpu.memory_space<vmem>>, vector<16xi32>,
      %scan3A_40 = arith.constant 2 : i32
      %scan3A_41 = arith.addi %scan3A_30, %scan3A_40 : i32
      %mul3A_42 = arith.constant 16 : i32
      %mul3A_43 = arith.muli %scan3A_41, %mul3A_42 : i32
      %swap3A_44 = arith.index_cast %mul3A_43 : i32 to index
      %swap3A_45 = tpu.vector_load %arg6[%swap3A_44] {strides = array<i32>} : memref<1024xi32, #tpu.memory_space<vmem>>, vector<16xi32>,
      tpu.vector_store %arg6[%swap3A_44], %broadcast_in_dim3A_7 {strides = array<i32>} : memref<1024xi32, #tpu.memory_space<vmem>>, vector<16xi32>,
      %scan3A_46 = arith.constant 3 : i32
      %scan3A_47 = arith.addi %scan3A_30, %scan3A_46 : i32
      %mul3A_48 = arith.constant 16 : i32
      %mul3A_49 = arith.muli %scan3A_47, %mul3A_48 : i32
      %swap3A_50 = arith.index_cast %mul3A_49 : i32 to index
      %swap3A_51 = tpu.vector_load %arg6[%swap3A_50] {strides = array<i32>} : memref<1024xi32, #tpu.memory_space<vmem>>, vector<16xi32>,
      tpu.vector_store %arg6[%swap3A_50], %broadcast_in_dim3A_7 {strides = array<i32>} : memref<1024xi32, #tpu.memory_space<vmem>>, vector<16xi32>,
      %scan3A_52 = arith.constant 4 : i32
      %scan3A_53 = arith.addi %scan3A_30, %scan3A_52 : i32
      %mul3A_54 = arith.constant 16 : i32
      %mul3A_55 = arith.muli %scan3A_53, %mul3A_54 : i32
      %swap3A_56 = arith.index_cast %mul3A_55 : i32 to index
      %swap3A_57 = tpu.vector_load %arg6[%swap3A_56] {strides = array<i32>} : memref<1024xi32, #tpu.memory_space<vmem>>, vector<16xi32>,
      tpu.vector_store %arg6[%swap3A_56], %broadcast_in_dim3A_7 {strides = array<i32>} : memref<1024xi32, #tpu.memory_space<vmem>>, vector<16xi32>,
      %scan3A_58 = arith.constant 5 : i32
      %scan3A_59 = arith.addi %scan3A_30, %scan3A_58 : i32
      %mul3A_60 = arith.constant 16 : i32
      %mul3A_61 = arith.muli %scan3A_59, %mul3A_60 : i32
      %swap3A_62 = arith.index_cast %mul3A_61 : i32 to index
      %swap3A_63 = tpu.vector_load %arg6[%swap3A_62] {strides = array<i32>} : memref<1024xi32, #tpu.memory_space<vmem>>, vector<16xi32>,
      tpu.vector_store %arg6[%swap3A_62], %broadcast_in_dim3A_7 {strides = array<i32>} : memref<1024xi32, #tpu.memory_space<vmem>>, vector<16xi32>,
      %scan3A_64 = arith.constant 6 : i32
      %scan3A_65 = arith.addi %scan3A_30, %scan3A_64 : i32
      %mul3A_66 = arith.constant 16 : i32
      %mul3A_67 = arith.muli %scan3A_65, %mul3A_66 : i32
      %swap3A_68 = arith.index_cast %mul3A_67 : i32 to index
      %swap3A_69 = tpu.vector_load %arg6[%swap3A_68] {strides = array<i32>} : memref<1024xi32, #tpu.memory_space<vmem>>, vector<16xi32>,
      tpu.vector_store %arg6[%swap3A_68], %broadcast_in_dim3A_7 {strides = array<i32>} : memref<1024xi32, #tpu.memory_space<vmem>>, vector<16xi32>,
      %scan3A_70 = arith.constant 7 : i32
      %scan3A_71 = arith.addi %scan3A_30, %scan3A_70 : i32
      %mul3A_72 = arith.constant 16 : i32
      %mul3A_73 = arith.muli %scan3A_71, %mul3A_72 : i32
      %swap3A_74 = arith.index_cast %mul3A_73 : i32 to index
      %swap3A_75 = tpu.vector_load %arg6[%swap3A_74] {strides = array<i32>} : memref<1024xi32, #tpu.memory_space<vmem>>, vector<16xi32>,
      tpu.vector_store %arg6[%swap3A_74], %broadcast_in_dim3A_7 {strides = array<i32>} : memref<1024xi32, #tpu.memory_space<vmem>>, vector<16xi32>,
    }
    %scan3A_12 = arith.constant 64 : i32
    %dma_start3A = arith.constant 0 : i32
    %dma_start3A_13 = tpu.memref_slice %arg2[%mul3A_2, %dma_start3A] : memref<2048x8192xf32, #tpu.memory_space<hbm>> -> memref<1x8192xf32, #tpu.memory_space<hbm>>
    %dma_start3A_14 = tpu.memref_squeeze %dma_start3A_13 : memref<1x8192xf32, #tpu.memory_space<hbm>> -> memref<8192xf32, #tpu.memory_space<hbm>>
    %dma_start3A_15 = arith.constant 0 : i32
    %dma_start3A_16 = tpu.memref_slice %arg2[%mul3A_2, %dma_start3A_15] : memref<2048x8192xf32, #tpu.memory_space<hbm>> -> memref<1x8192xf32, #tpu.memory_space<hbm>>
    %dma_start3A_17 = tpu.memref_squeeze %dma_start3A_16 : memref<1x8192xf32, #tpu.memory_space<hbm>> -> memref<8192xf32, #tpu.memory_space<hbm>>
    tpu.enqueue_dma source(%dma_start3A_17 : memref<8192xf32, #tpu.memory_space<hbm>>) target(%arg4 : memref<8192xf32, #tpu.memory_space<vmem>>) target_semaphore(%arg9 : memref<!tpu.dma_semaphore, #tpu.memory_space<semaphore_mem>>)
    %scan3A_18 = arith.constant 0 : i32
    %scan3A_19 = arith.constant 0 : i32
    %scan3A_20 = arith.constant 32 : i32
    %scan3A_21 = arith.addi %scan3A_19, %scan3A_20 : i32
    %scan3A_22 = arith.constant 1 : i32
    scf.for %scan3A_30 = %scan3A_19 to %scan3A_21 step %scan3A_22  : i32 {
      %mul3A_31 = arith.constant 2 : i32
      %mul3A_32 = arith.muli %scan3A_30, %mul3A_31 : i32
      %add3A_33 = arith.addi %mul3A_2, %mul3A_32 : i32
      %add3A_34 = arith.constant 1 : i32
      %add3A_35 = arith.addi %add3A_33, %add3A_34 : i32
      %dma_start3A_36 = arith.constant 0 : i32
      %dma_start3A_37 = tpu.memref_slice %arg2[%add3A_35, %dma_start3A_36] : memref<2048x8192xf32, #tpu.memory_space<hbm>> -> memref<1x8192xf32, #tpu.memory_space<hbm>>
      %dma_start3A_38 = tpu.memref_squeeze %dma_start3A_37 : memref<1x8192xf32, #tpu.memory_space<hbm>> -> memref<8192xf32, #tpu.memory_space<hbm>>
      %dma_start3A_39 = arith.constant 0 : i32
      %dma_start3A_40 = tpu.memref_slice %arg2[%add3A_35, %dma_start3A_39] : memref<2048x8192xf32, #tpu.memory_space<hbm>> -> memref<1x8192xf32, #tpu.memory_space<hbm>>
      %dma_start3A_41 = tpu.memref_squeeze %dma_start3A_40 : memref<1x8192xf32, #tpu.memory_space<hbm>> -> memref<8192xf32, #tpu.memory_space<hbm>>
      tpu.enqueue_dma source(%dma_start3A_41 : memref<8192xf32, #tpu.memory_space<hbm>>) target(%arg5 : memref<8192xf32, #tpu.memory_space<vmem>>) target_semaphore(%arg10 : memref<!tpu.dma_semaphore, #tpu.memory_space<semaphore_mem>>)
      %add3A_42 = arith.addi %mul3A_2, %mul3A_32 : i32
      %dma_wait3A = arith.constant 0 : i32
      %dma_wait3A_43 = tpu.memref_slice %arg2[%add3A_42, %dma_wait3A] : memref<2048x8192xf32, #tpu.memory_space<hbm>> -> memref<1x8192xf32, #tpu.memory_space<hbm>>
      %dma_wait3A_44 = tpu.memref_squeeze %dma_wait3A_43 : memref<1x8192xf32, #tpu.memory_space<hbm>> -> memref<8192xf32, #tpu.memory_space<hbm>>
      %dma_wait3A_45 = arith.constant 0 : i32
      %dma_wait3A_46 = tpu.memref_slice %arg2[%add3A_42, %dma_wait3A_45] : memref<2048x8192xf32, #tpu.memory_space<hbm>> -> memref<1x8192xf32, #tpu.memory_space<hbm>>
      %dma_wait3A_47 = tpu.memref_squeeze %dma_wait3A_46 : memref<1x8192xf32, #tpu.memory_space<hbm>> -> memref<8192xf32, #tpu.memory_space<hbm>>
      tpu.wait_dma2 semaphore(%arg9 : memref<!tpu.dma_semaphore, #tpu.memory_space<semaphore_mem>>) src(%dma_wait3A_47 : memref<8192xf32, #tpu.memory_space<hbm>>) dst(%arg4 : memref<8192xf32, #tpu.memory_space<vmem>>)
      %broadcast_in_dim3A_48 = arith.constant 0.000000e+00 : f32
      %broadcast_in_dim3A_49 = vector.broadcast %broadcast_in_dim3A_48 : f32 to vector<16xf32>
      %broadcast_in_dim3A_50 = arith.constant 0.000000e+00 : f32
      %broadcast_in_dim3A_51 = vector.broadcast %broadcast_in_dim3A_50 : f32 to vector<16xf32>
      %parallel_loop3A = arith.constant 0 : i32
      %parallel_loop3A_52 = arith.constant 512 : i32
      %parallel_loop3A_53 = arith.constant 2 : i32
      %parallel_loop3A_54:2 = scf.for %parallel_loop3A_2485 = %parallel_loop3A to %parallel_loop3A_52 step %parallel_loop3A_53 iter_args(%parallel_loop3A_2486 = %broadcast_in_dim3A_49, %parallel_loop3A_2487 = %broadcast_in_dim3A_51) -> (vector<16xf32>, vector<16xf32>)  : i32 {
        %parallel_loop3A_2488 = arith.constant 16 : i32
        %parallel_loop3A_2489 = arith.muli %parallel_loop3A_2485, %parallel_loop3A_2488 : i32
        %parallel_loop3A_2490 = arith.index_cast %parallel_loop3A_2489 : i32 to index
        %parallel_loop3A_2491 = tpu.vector_load %arg4[%parallel_loop3A_2490] {strides = array<i32>} : memref<8192xf32, #tpu.memory_space<vmem>>, vector<16xf32>,
        %parallel_loop3A_2492 = arith.constant 1 : i32
        %parallel_loop3A_2493 = arith.addi %parallel_loop3A_2485, %parallel_loop3A_2492 : i32
        %parallel_loop3A_2494 = arith.constant 16 : i32
        %parallel_loop3A_2495 = arith.muli %parallel_loop3A_2493, %parallel_loop3A_2494 : i32
        %parallel_loop3A_2496 = arith.index_cast %parallel_loop3A_2495 : i32 to index
        %parallel_loop3A_2497 = tpu.vector_load %arg4[%parallel_loop3A_2496] {strides = array<i32>} : memref<8192xf32, #tpu.memory_space<vmem>>, vector<16xf32>,
        %parallel_loop3A_2498 = arith.constant 6.400000e+01 : f32
        %parallel_loop3A_2499 = vector.broadcast %parallel_loop3A_2498 : f32 to vector<16xf32>
        %parallel_loop3A_2500 = arith.mulf %parallel_loop3A_2491, %parallel_loop3A_2499 : vector<16xf32>
        %parallel_loop3A_2501 = arith.fptosi %parallel_loop3A_2500 : vector<16xf32> to vector<16xi32>
        %parallel_loop3A_2502 = arith.constant 6.400000e+01 : f32
        %parallel_loop3A_2503 = vector.broadcast %parallel_loop3A_2502 : f32 to vector<16xf32>
        %parallel_loop3A_2504 = arith.mulf %parallel_loop3A_2497, %parallel_loop3A_2503 : vector<16xf32>
        %parallel_loop3A_2505 = arith.fptosi %parallel_loop3A_2504 : vector<16xf32> to vector<16xi32>
        %parallel_loop3A_2506 = arith.constant 16 : i32
        %parallel_loop3A_2507 = vector.broadcast %parallel_loop3A_2506 : i32 to vector<16xi32>
        %parallel_loop3A_2508 = arith.muli %parallel_loop3A_2501, %parallel_loop3A_2507 : vector<16xi32>
        %parallel_loop3A_2509 = arith.addi %parallel_loop3A_2508, %iota3A : vector<16xi32>
        tpu.vector_store_idx %arg6[%parallel_loop3A_2509], %broadcast_in_dim3A_5 {add = true} : memref<1024xi32, #tpu.memory_space<vmem>>[vector<16xi32>], vector<16xi32>,
        %parallel_loop3A_2510 = arith.constant 16 : i32
        %parallel_loop3A_2511 = vector.broadcast %parallel_loop3A_2510 : i32 to vector<16xi32>
        %parallel_loop3A_2512 = arith.muli %parallel_loop3A_2505, %parallel_loop3A_2511 : vector<16xi32>
        %parallel_loop3A_2513 = arith.addi %parallel_loop3A_2512, %iota3A : vector<16xi32>
        tpu.vector_store_idx %arg6[%parallel_loop3A_2513], %broadcast_in_dim3A_5 {add = true} : memref<1024xi32, #tpu.memory_space<vmem>>[vector<16xi32>], vector<16xi32>,
        %parallel_loop3A_2514 = arith.addf %parallel_loop3A_2486, %parallel_loop3A_2491 : vector<16xf32>
        %parallel_loop3A_2515 = arith.addf %parallel_loop3A_2487, %parallel_loop3A_2497 : vector<16xf32>
        scf.yield %parallel_loop3A_2514, %parallel_loop3A_2515 : vector<16xf32>, vector<16xf32>
      } {sc.loop_unroll_factor = 4 : i64, sc.parallel_access}
      %add3A_55 = arith.addf %parallel_loop3A_54#0, %parallel_loop3A_54#1 : vector<16xf32>
      %get3A = arith.constant 0 : index
      %get3A_56 = tpu.vector_load %arg6[%get3A] {strides = array<i32>} : memref<1024xi32, #tpu.memory_space<vmem>>, vector<16xi32>,
      %get3A_57 = arith.constant 16 : index
      %get3A_58 = tpu.vector_load %arg6[%get3A_57] {strides = array<i32>} : memref<1024xi32, #tpu.memory_space<vmem>>, vector<16xi32>,
      %add3A_59 = arith.addi %get3A_56, %get3A_58 : vector<16xi32>
      %get3A_60 = arith.constant 32 : index
      %get3A_61 = tpu.vector_load %arg6[%get3A_60] {strides = array<i32>} : memref<1024xi32, #tpu.memory_space<vmem>>, vector<16xi32>,
      %add3A_62 = arith.addi %add3A_59, %get3A_61 : vector<16xi32>
      %get3A_63 = arith.constant 48 : index
      %get3A_64 = tpu.vector_load %arg6[%get3A_63] {strides = array<i32>} : memref<1024xi32, #tpu.memory_space<vmem>>, vector<16xi32>,
      %add3A_65 = arith.addi %add3A_62, %get3A_64 : vector<16xi32>
      %get3A_66 = arith.constant 64 : index
      %get3A_67 = tpu.vector_load %arg6[%get3A_66] {strides = array<i32>} : memref<1024xi32, #tpu.memory_space<vmem>>, vector<16xi32>,
      %add3A_68 = arith.addi %add3A_65, %get3A_67 : vector<16xi32>
      %get3A_69 = arith.constant 80 : index
      %get3A_70 = tpu.vector_load %arg6[%get3A_69] {strides = array<i32>} : memref<1024xi32, #tpu.memory_space<vmem>>, vector<16xi32>,
      %add3A_71 = arith.addi %add3A_68, %get3A_70 : vector<16xi32>
      %get3A_72 = arith.constant 96 : index
      %get3A_73 = tpu.vector_load %arg6[%get3A_72] {strides = array<i32>} : memref<1024xi32, #tpu.memory_space<vmem>>, vector<16xi32>,
      %add3A_74 = arith.addi %add3A_71, %get3A_73 : vector<16xi32>
      %get3A_75 = arith.constant 112 : index
      %get3A_76 = tpu.vector_load %arg6[%get3A_75] {strides = array<i32>} : memref<1024xi32, #tpu.memory_space<vmem>>, vector<16xi32>,
      %add3A_77 = arith.addi %add3A_74, %get3A_76 : vector<16xi32>
      %get3A_78 = arith.constant 128 : index
      %get3A_79 = tpu.vector_load %arg6[%get3A_78] {strides = array<i32>} : memref<1024xi32, #tpu.memory_space<vmem>>, vector<16xi32>,
      %add3A_80 = arith.addi %add3A_77, %get3A_79 : vector<16xi32>
      %get3A_81 = arith.constant 144 : index
      %get3A_82 = tpu.vector_load %arg6[%get3A_81] {strides = array<i32>} : memref<1024xi32, #tpu.memory_space<vmem>>, vector<16xi32>,
      %add3A_83 = arith.addi %add3A_80, %get3A_82 : vector<16xi32>
      %get3A_84 = arith.constant 160 : index
      %get3A_85 = tpu.vector_load %arg6[%get3A_84] {strides = array<i32>} : memref<1024xi32, #tpu.memory_space<vmem>>, vector<16xi32>,
      %add3A_86 = arith.addi %add3A_83, %get3A_85 : vector<16xi32>
      %get3A_87 = arith.constant 176 : index
      %get3A_88 = tpu.vector_load %arg6[%get3A_87] {strides = array<i32>} : memref<1024xi32, #tpu.memory_space<vmem>>, vector<16xi32>,
      %add3A_89 = arith.addi %add3A_86, %get3A_88 : vector<16xi32>
      %get3A_90 = arith.constant 192 : index
      %get3A_91 = tpu.vector_load %arg6[%get3A_90] {strides = array<i32>} : memref<1024xi32, #tpu.memory_space<vmem>>, vector<16xi32>,
      %add3A_92 = arith.addi %add3A_89, %get3A_91 : vector<16xi32>
      %get3A_93 = arith.constant 208 : index
      %get3A_94 = tpu.vector_load %arg6[%get3A_93] {strides = array<i32>} : memref<1024xi32, #tpu.memory_space<vmem>>, vector<16xi32>,
      %add3A_95 = arith.addi %add3A_92, %get3A_94 : vector<16xi32>
      %get3A_96 = arith.constant 224 : index
      %get3A_97 = tpu.vector_load %arg6[%get3A_96] {strides = array<i32>} : memref<1024xi32, #tpu.memory_space<vmem>>, vector<16xi32>,
      %add3A_98 = arith.addi %add3A_95, %get3A_97 : vector<16xi32>
      %get3A_99 = arith.constant 240 : index
      %get3A_100 = tpu.vector_load %arg6[%get3A_99] {strides = array<i32>} : memref<1024xi32, #tpu.memory_space<vmem>>, vector<16xi32>,
      %add3A_101 = arith.addi %add3A_98, %get3A_100 : vector<16xi32>
      %reduce_sum3A = arith.constant true
      %reduce_sum3A_102 = vector.broadcast %reduce_sum3A : i1 to vector<16xi1>
      %reduce_sum3A_103 = tpu.scan <sum>, %add3A_101 masked %reduce_sum3A_102 : vector<16xi32>, vector<16xi1> -> vector<16xi32>
      %reduce_sum3A_104 = vector.extract %reduce_sum3A_103[15] : i32 from vector<16xi32>
      %get3A_105 = arith.constant 256 : index
      %get3A_106 = tpu.vector_load %arg6[%get3A_105] {strides = array<i32>} : memref<1024xi32, #tpu.memory_space<vmem>>, vector<16xi32>,
      %get3A_107 = arith.constant 272 : index
      %get3A_108 = tpu.vector_load %arg6[%get3A_107] {strides = array<i32>} : memref<1024xi32, #tpu.memory_space<vmem>>, vector<16xi32>,
      %add3A_109 = arith.addi %get3A_106, %get3A_108 : vector<16xi32>
      %get3A_110 = arith.constant 288 : index
      %get3A_111 = tpu.vector_load %arg6[%get3A_110] {strides = array<i32>} : memref<1024xi32, #tpu.memory_space<vmem>>, vector<16xi32>,
      %add3A_112 = arith.addi %add3A_109, %get3A_111 : vector<16xi32>
      %get3A_113 = arith.constant 304 : index
      %get3A_114 = tpu.vector_load %arg6[%get3A_113] {strides = array<i32>} : memref<1024xi32, #tpu.memory_space<vmem>>, vector<16xi32>,
      %add3A_115 = arith.addi %add3A_112, %get3A_114 : vector<16xi32>
      %get3A_116 = arith.constant 320 : index
      %get3A_117 = tpu.vector_load %arg6[%get3A_116] {strides = array<i32>} : memref<1024xi32, #tpu.memory_space<vmem>>, vector<16xi32>,
      %add3A_118 = arith.addi %add3A_115, %get3A_117 : vector<16xi32>
      %get3A_119 = arith.constant 336 : index
      %get3A_120 = tpu.vector_load %arg6[%get3A_119] {strides = array<i32>} : memref<1024xi32, #tpu.memory_space<vmem>>, vector<16xi32>,
      %add3A_121 = arith.addi %add3A_118, %get3A_120 : vector<16xi32>
      %get3A_122 = arith.constant 352 : index
      %get3A_123 = tpu.vector_load %arg6[%get3A_122] {strides = array<i32>} : memref<1024xi32, #tpu.memory_space<vmem>>, vector<16xi32>,
      %add3A_124 = arith.addi %add3A_121, %get3A_123 : vector<16xi32>
      %get3A_125 = arith.constant 368 : index
      %get3A_126 = tpu.vector_load %arg6[%get3A_125] {strides = array<i32>} : memref<1024xi32, #tpu.memory_space<vmem>>, vector<16xi32>,
      %add3A_127 = arith.addi %add3A_124, %get3A_126 : vector<16xi32>
      %get3A_128 = arith.constant 384 : index
      %get3A_129 = tpu.vector_load %arg6[%get3A_128] {strides = array<i32>} : memref<1024xi32, #tpu.memory_space<vmem>>, vector<16xi32>,
      %add3A_130 = arith.addi %add3A_127, %get3A_129 : vector<16xi32>
      %get3A_131 = arith.constant 400 : index
      %get3A_132 = tpu.vector_load %arg6[%get3A_131] {strides = array<i32>} : memref<1024xi32, #tpu.memory_space<vmem>>, vector<16xi32>,
      %add3A_133 = arith.addi %add3A_130, %get3A_132 : vector<16xi32>
      %get3A_134 = arith.constant 416 : index
      %get3A_135 = tpu.vector_load %arg6[%get3A_134] {strides = array<i32>} : memref<1024xi32, #tpu.memory_space<vmem>>, vector<16xi32>,
      %add3A_136 = arith.addi %add3A_133, %get3A_135 : vector<16xi32>
      %get3A_137 = arith.constant 432 : index
      %get3A_138 = tpu.vector_load %arg6[%get3A_137] {strides = array<i32>} : memref<1024xi32, #tpu.memory_space<vmem>>, vector<16xi32>,
      %add3A_139 = arith.addi %add3A_136, %get3A_138 : vector<16xi32>
      %get3A_140 = arith.constant 448 : index
      %get3A_141 = tpu.vector_load %arg6[%get3A_140] {strides = array<i32>} : memref<1024xi32, #tpu.memory_space<vmem>>, vector<16xi32>,
      %add3A_142 = arith.addi %add3A_139, %get3A_141 : vector<16xi32>
      %get3A_143 = arith.constant 464 : index
      %get3A_144 = tpu.vector_load %arg6[%get3A_143] {strides = array<i32>} : memref<1024xi32, #tpu.memory_space<vmem>>, vector<16xi32>,
      %add3A_145 = arith.addi %add3A_142, %get3A_144 : vector<16xi32>
      %get3A_146 = arith.constant 480 : index
      %get3A_147 = tpu.vector_load %arg6[%get3A_146] {strides = array<i32>} : memref<1024xi32, #tpu.memory_space<vmem>>, vector<16xi32>,
      %add3A_148 = arith.addi %add3A_145, %get3A_147 : vector<16xi32>
      %get3A_149 = arith.constant 496 : index
      %get3A_150 = tpu.vector_load %arg6[%get3A_149] {strides = array<i32>} : memref<1024xi32, #tpu.memory_space<vmem>>, vector<16xi32>,
      %add3A_151 = arith.addi %add3A_148, %get3A_150 : vector<16xi32>
      %reduce_sum3A_152 = arith.constant true
      %reduce_sum3A_153 = vector.broadcast %reduce_sum3A_152 : i1 to vector<16xi1>
      %reduce_sum3A_154 = tpu.scan <sum>, %add3A_151 masked %reduce_sum3A_153 : vector<16xi32>, vector<16xi1> -> vector<16xi32>
      %reduce_sum3A_155 = vector.extract %reduce_sum3A_154[15] : i32 from vector<16xi32>
      %get3A_156 = arith.constant 512 : index
      %get3A_157 = tpu.vector_load %arg6[%get3A_156] {strides = array<i32>} : memref<1024xi32, #tpu.memory_space<vmem>>, vector<16xi32>,
      %get3A_158 = arith.constant 528 : index
      %get3A_159 = tpu.vector_load %arg6[%get3A_158] {strides = array<i32>} : memref<1024xi32, #tpu.memory_space<vmem>>, vector<16xi32>,
      %add3A_160 = arith.addi %get3A_157, %get3A_159 : vector<16xi32>
      %get3A_161 = arith.constant 544 : index
      %get3A_162 = tpu.vector_load %arg6[%get3A_161] {strides = array<i32>} : memref<1024xi32, #tpu.memory_space<vmem>>, vector<16xi32>,
      %add3A_163 = arith.addi %add3A_160, %get3A_162 : vector<16xi32>
      %get3A_164 = arith.constant 560 : index
      %get3A_165 = tpu.vector_load %arg6[%get3A_164] {strides = array<i32>} : memref<1024xi32, #tpu.memory_space<vmem>>, vector<16xi32>,
      %add3A_166 = arith.addi %add3A_163, %get3A_165 : vector<16xi32>
      %get3A_167 = arith.constant 576 : index
      %get3A_168 = tpu.vector_load %arg6[%get3A_167] {strides = array<i32>} : memref<1024xi32, #tpu.memory_space<vmem>>, vector<16xi32>,
      %add3A_169 = arith.addi %add3A_166, %get3A_168 : vector<16xi32>
      %get3A_170 = arith.constant 592 : index
      %get3A_171 = tpu.vector_load %arg6[%get3A_170] {strides = array<i32>} : memref<1024xi32, #tpu.memory_space<vmem>>, vector<16xi32>,
      %add3A_172 = arith.addi %add3A_169, %get3A_171 : vector<16xi32>
      %get3A_173 = arith.constant 608 : index
      %get3A_174 = tpu.vector_load %arg6[%get3A_173] {strides = array<i32>} : memref<1024xi32, #tpu.memory_space<vmem>>, vector<16xi32>,
      %add3A_175 = arith.addi %add3A_172, %get3A_174 : vector<16xi32>
      %get3A_176 = arith.constant 624 : index
      %get3A_177 = tpu.vector_load %arg6[%get3A_176] {strides = array<i32>} : memref<1024xi32, #tpu.memory_space<vmem>>, vector<16xi32>,
      %add3A_178 = arith.addi %add3A_175, %get3A_177 : vector<16xi32>
      %get3A_179 = arith.constant 640 : index
      %get3A_180 = tpu.vector_load %arg6[%get3A_179] {strides = array<i32>} : memref<1024xi32, #tpu.memory_space<vmem>>, vector<16xi32>,
      %add3A_181 = arith.addi %add3A_178, %get3A_180 : vector<16xi32>
      %get3A_182 = arith.constant 656 : index
      %get3A_183 = tpu.vector_load %arg6[%get3A_182] {strides = array<i32>} : memref<1024xi32, #tpu.memory_space<vmem>>, vector<16xi32>,
      %add3A_184 = arith.addi %add3A_181, %get3A_183 : vector<16xi32>
      %get3A_185 = arith.constant 672 : index
      %get3A_186 = tpu.vector_load %arg6[%get3A_185] {strides = array<i32>} : memref<1024xi32, #tpu.memory_space<vmem>>, vector<16xi32>,
      %add3A_187 = arith.addi %add3A_184, %get3A_186 : vector<16xi32>
      %get3A_188 = arith.constant 688 : index
      %get3A_189 = tpu.vector_load %arg6[%get3A_188] {strides = array<i32>} : memref<1024xi32, #tpu.memory_space<vmem>>, vector<16xi32>,
      %add3A_190 = arith.addi %add3A_187, %get3A_189 : vector<16xi32>
      %get3A_191 = arith.constant 704 : index
      %get3A_192 = tpu.vector_load %arg6[%get3A_191] {strides = array<i32>} : memref<1024xi32, #tpu.memory_space<vmem>>, vector<16xi32>,
      %add3A_193 = arith.addi %add3A_190, %get3A_192 : vector<16xi32>
      %get3A_194 = arith.constant 720 : index
      %get3A_195 = tpu.vector_load %arg6[%get3A_194] {strides = array<i32>} : memref<1024xi32, #tpu.memory_space<vmem>>, vector<16xi32>,
      %add3A_196 = arith.addi %add3A_193, %get3A_195 : vector<16xi32>
      %get3A_197 = arith.constant 736 : index
      %get3A_198 = tpu.vector_load %arg6[%get3A_197] {strides = array<i32>} : memref<1024xi32, #tpu.memory_space<vmem>>, vector<16xi32>,
      %add3A_199 = arith.addi %add3A_196, %get3A_198 : vector<16xi32>
      %get3A_200 = arith.constant 752 : index
      %get3A_201 = tpu.vector_load %arg6[%get3A_200] {strides = array<i32>} : memref<1024xi32, #tpu.memory_space<vmem>>, vector<16xi32>,
      %add3A_202 = arith.addi %add3A_199, %get3A_201 : vector<16xi32>
      %reduce_sum3A_203 = arith.constant true
      %reduce_sum3A_204 = vector.broadcast %reduce_sum3A_203 : i1 to vector<16xi1>
      %reduce_sum3A_205 = tpu.scan <sum>, %add3A_202 masked %reduce_sum3A_204 : vector<16xi32>, vector<16xi1> -> vector<16xi32>
      %reduce_sum3A_206 = vector.extract %reduce_sum3A_205[15] : i32 from vector<16xi32>
      %get3A_207 = arith.constant 768 : index
      %get3A_208 = tpu.vector_load %arg6[%get3A_207] {strides = array<i32>} : memref<1024xi32, #tpu.memory_space<vmem>>, vector<16xi32>,
      %get3A_209 = arith.constant 784 : index
      %get3A_210 = tpu.vector_load %arg6[%get3A_209] {strides = array<i32>} : memref<1024xi32, #tpu.memory_space<vmem>>, vector<16xi32>,
      %add3A_211 = arith.addi %get3A_208, %get3A_210 : vector<16xi32>
      %get3A_212 = arith.constant 800 : index
      %get3A_213 = tpu.vector_load %arg6[%get3A_212] {strides = array<i32>} : memref<1024xi32, #tpu.memory_space<vmem>>, vector<16xi32>,
      %add3A_214 = arith.addi %add3A_211, %get3A_213 : vector<16xi32>
      %get3A_215 = arith.constant 816 : index
      %get3A_216 = tpu.vector_load %arg6[%get3A_215] {strides = array<i32>} : memref<1024xi32, #tpu.memory_space<vmem>>, vector<16xi32>,
      %add3A_217 = arith.addi %add3A_214, %get3A_216 : vector<16xi32>
      %get3A_218 = arith.constant 832 : index
      %get3A_219 = tpu.vector_load %arg6[%get3A_218] {strides = array<i32>} : memref<1024xi32, #tpu.memory_space<vmem>>, vector<16xi32>,
      %add3A_220 = arith.addi %add3A_217, %get3A_219 : vector<16xi32>
      %get3A_221 = arith.constant 848 : index
      %get3A_222 = tpu.vector_load %arg6[%get3A_221] {strides = array<i32>} : memref<1024xi32, #tpu.memory_space<vmem>>, vector<16xi32>,
      %add3A_223 = arith.addi %add3A_220, %get3A_222 : vector<16xi32>
      %get3A_224 = arith.constant 864 : index
      %get3A_225 = tpu.vector_load %arg6[%get3A_224] {strides = array<i32>} : memref<1024xi32, #tpu.memory_space<vmem>>, vector<16xi32>,
      %add3A_226 = arith.addi %add3A_223, %get3A_225 : vector<16xi32>
      %get3A_227 = arith.constant 880 : index
      %get3A_228 = tpu.vector_load %arg6[%get3A_227] {strides = array<i32>} : memref<1024xi32, #tpu.memory_space<vmem>>, vector<16xi32>,
      %add3A_229 = arith.addi %add3A_226, %get3A_228 : vector<16xi32>
      %get3A_230 = arith.constant 896 : index
      %get3A_231 = tpu.vector_load %arg6[%get3A_230] {strides = array<i32>} : memref<1024xi32, #tpu.memory_space<vmem>>, vector<16xi32>,
      %add3A_232 = arith.addi %add3A_229, %get3A_231 : vector<16xi32>
      %get3A_233 = arith.constant 912 : index
      %get3A_234 = tpu.vector_load %arg6[%get3A_233] {strides = array<i32>} : memref<1024xi32, #tpu.memory_space<vmem>>, vector<16xi32>,
      %add3A_235 = arith.addi %add3A_232, %get3A_234 : vector<16xi32>
      %get3A_236 = arith.constant 928 : index
      %get3A_237 = tpu.vector_load %arg6[%get3A_236] {strides = array<i32>} : memref<1024xi32, #tpu.memory_space<vmem>>, vector<16xi32>,
      %add3A_238 = arith.addi %add3A_235, %get3A_237 : vector<16xi32>
      %get3A_239 = arith.constant 944 : index
      %get3A_240 = tpu.vector_load %arg6[%get3A_239] {strides = array<i32>} : memref<1024xi32, #tpu.memory_space<vmem>>, vector<16xi32>,
      %add3A_241 = arith.addi %add3A_238, %get3A_240 : vector<16xi32>
      %get3A_242 = arith.constant 960 : index
      %get3A_243 = tpu.vector_load %arg6[%get3A_242] {strides = array<i32>} : memref<1024xi32, #tpu.memory_space<vmem>>, vector<16xi32>,
      %add3A_244 = arith.addi %add3A_241, %get3A_243 : vector<16xi32>
      %get3A_245 = arith.constant 976 : index
      %get3A_246 = tpu.vector_load %arg6[%get3A_245] {strides = array<i32>} : memref<1024xi32, #tpu.memory_space<vmem>>, vector<16xi32>,
      %add3A_247 = arith.addi %add3A_244, %get3A_246 : vector<16xi32>
      %get3A_248 = arith.constant 992 : index
      %get3A_249 = tpu.vector_load %arg6[%get3A_248] {strides = array<i32>} : memref<1024xi32, #tpu.memory_space<vmem>>, vector<16xi32>,
      %add3A_250 = arith.addi %add3A_247, %get3A_249 : vector<16xi32>
      %get3A_251 = arith.constant 1008 : index
      %get3A_252 = tpu.vector_load %arg6[%get3A_251] {strides = array<i32>} : memref<1024xi32, #tpu.memory_space<vmem>>, vector<16xi32>,
      %add3A_253 = arith.addi %add3A_250, %get3A_252 : vector<16xi32>
      %reduce_sum3A_254 = arith.constant true
      %reduce_sum3A_255 = vector.broadcast %reduce_sum3A_254 : i1 to vector<16xi1>
      %reduce_sum3A_256 = tpu.scan <sum>, %add3A_253 masked %reduce_sum3A_255 : vector<16xi32>, vector<16xi1> -> vector<16xi32>
      %reduce_sum3A_257 = vector.extract %reduce_sum3A_256[15] : i32 from vector<16xi32>
      %add3A_258 = arith.constant 0 : i32
      %add3A_259 = arith.addi %add3A_258, %reduce_sum3A_104 : i32
      %lt3A = arith.constant 4096 : i32
      %lt3A_260 = arith.cmpi slt, %add3A_259, %lt3A : i32
      %convert_element_type3A = arith.extui %lt3A_260 : i1 to i32
      %add3A_261 = arith.constant 0 : i32
      %add3A_262 = arith.addi %add3A_261, %convert_element_type3A : i32
      %jit3A = arith.constant 0 : i32
      %select_n3A = arith.select %lt3A_260, %add3A_259, %jit3A : i32
      %add3A_263 = arith.addi %add3A_259, %reduce_sum3A_155 : i32
      %lt3A_264 = arith.constant 4096 : i32
      %lt3A_265 = arith.cmpi slt, %add3A_263, %lt3A_264 : i32
      %convert_element_type3A_266 = arith.extui %lt3A_265 : i1 to i32
      %add3A_267 = arith.addi %add3A_262, %convert_element_type3A_266 : i32
      %select_n3A_268 = arith.select %lt3A_265, %add3A_263, %select_n3A : i32
      %add3A_269 = arith.addi %add3A_263, %reduce_sum3A_206 : i32
      %lt3A_270 = arith.constant 4096 : i32
      %lt3A_271 = arith.cmpi slt, %add3A_269, %lt3A_270 : i32
      %convert_element_type3A_272 = arith.extui %lt3A_271 : i1 to i32
      %add3A_273 = arith.addi %add3A_267, %convert_element_type3A_272 : i32
      %select_n3A_274 = arith.select %lt3A_271, %add3A_269, %select_n3A_268 : i32
      %add3A_275 = arith.addi %add3A_269, %reduce_sum3A_257 : i32
      %lt3A_276 = arith.constant 4096 : i32
      %lt3A_277 = arith.cmpi slt, %add3A_275, %lt3A_276 : i32
      %convert_element_type3A_278 = arith.extui %lt3A_277 : i1 to i32
      %add3A_279 = arith.addi %add3A_273, %convert_element_type3A_278 : i32
      %select_n3A_280 = arith.select %lt3A_277, %add3A_275, %select_n3A_274 : i32
      %mul3A_281 = arith.constant 256 : i32
      %mul3A_282 = arith.muli %add3A_279, %mul3A_281 : i32
      %add3A_283 = arith.constant 0 : i32
      %add3A_284 = arith.addi %mul3A_282, %add3A_283 : i32
      %get3A_285 = arith.index_cast %add3A_284 : i32 to index
      %get3A_286 = tpu.vector_load %arg6[%get3A_285] {strides = array<i32>} : memref<1024xi32, #tpu.memory_space<vmem>>, vector<16xi32>,
      %reduce_sum3A_287 = arith.constant true
      %reduce_sum3A_288 = vector.broadcast %reduce_sum3A_287 : i1 to vector<16xi1>
      %reduce_sum3A_289 = tpu.scan <sum>, %get3A_286 masked %reduce_sum3A_288 : vector<16xi32>, vector<16xi1> -> vector<16xi32>
      %reduce_sum3A_290 = vector.extract %reduce_sum3A_289[15] : i32 from vector<16xi32>
      %add3A_291 = arith.constant 16 : i32
      %add3A_292 = arith.addi %mul3A_282, %add3A_291 : i32
      %get3A_293 = arith.index_cast %add3A_292 : i32 to index
      %get3A_294 = tpu.vector_load %arg6[%get3A_293] {strides = array<i32>} : memref<1024xi32, #tpu.memory_space<vmem>>, vector<16xi32>,
      %reduce_sum3A_295 = arith.constant true
      %reduce_sum3A_296 = vector.broadcast %reduce_sum3A_295 : i1 to vector<16xi1>
      %reduce_sum3A_297 = tpu.scan <sum>, %get3A_294 masked %reduce_sum3A_296 : vector<16xi32>, vector<16xi1> -> vector<16xi32>
      %reduce_sum3A_298 = vector.extract %reduce_sum3A_297[15] : i32 from vector<16xi32>
      %add3A_299 = arith.constant 32 : i32
      %add3A_300 = arith.addi %mul3A_282, %add3A_299 : i32
      %get3A_301 = arith.index_cast %add3A_300 : i32 to index
      %get3A_302 = tpu.vector_load %arg6[%get3A_301] {strides = array<i32>} : memref<1024xi32, #tpu.memory_space<vmem>>, vector<16xi32>,
      %reduce_sum3A_303 = arith.constant true
      %reduce_sum3A_304 = vector.broadcast %reduce_sum3A_303 : i1 to vector<16xi1>
      %reduce_sum3A_305 = tpu.scan <sum>, %get3A_302 masked %reduce_sum3A_304 : vector<16xi32>, vector<16xi1> -> vector<16xi32>
      %reduce_sum3A_306 = vector.extract %reduce_sum3A_305[15] : i32 from vector<16xi32>
      %add3A_307 = arith.constant 48 : i32
      %add3A_308 = arith.addi %mul3A_282, %add3A_307 : i32
      %get3A_309 = arith.index_cast %add3A_308 : i32 to index
      %get3A_310 = tpu.vector_load %arg6[%get3A_309] {strides = array<i32>} : memref<1024xi32, #tpu.memory_space<vmem>>, vector<16xi32>,
      %reduce_sum3A_311 = arith.constant true
      %reduce_sum3A_312 = vector.broadcast %reduce_sum3A_311 : i1 to vector<16xi1>
      %reduce_sum3A_313 = tpu.scan <sum>, %get3A_310 masked %reduce_sum3A_312 : vector<16xi32>, vector<16xi1> -> vector<16xi32>
      %reduce_sum3A_314 = vector.extract %reduce_sum3A_313[15] : i32 from vector<16xi32>
      %add3A_315 = arith.constant 64 : i32
      %add3A_316 = arith.addi %mul3A_282, %add3A_315 : i32
      %get3A_317 = arith.index_cast %add3A_316 : i32 to index
      %get3A_318 = tpu.vector_load %arg6[%get3A_317] {strides = array<i32>} : memref<1024xi32, #tpu.memory_space<vmem>>, vector<16xi32>,
      %reduce_sum3A_319 = arith.constant true
      %reduce_sum3A_320 = vector.broadcast %reduce_sum3A_319 : i1 to vector<16xi1>
      %reduce_sum3A_321 = tpu.scan <sum>, %get3A_318 masked %reduce_sum3A_320 : vector<16xi32>, vector<16xi1> -> vector<16xi32>
      %reduce_sum3A_322 = vector.extract %reduce_sum3A_321[15] : i32 from vector<16xi32>
      %add3A_323 = arith.constant 80 : i32
      %add3A_324 = arith.addi %mul3A_282, %add3A_323 : i32
      %get3A_325 = arith.index_cast %add3A_324 : i32 to index
      %get3A_326 = tpu.vector_load %arg6[%get3A_325] {strides = array<i32>} : memref<1024xi32, #tpu.memory_space<vmem>>, vector<16xi32>,
      %reduce_sum3A_327 = arith.constant true
      %reduce_sum3A_328 = vector.broadcast %reduce_sum3A_327 : i1 to vector<16xi1>
      %reduce_sum3A_329 = tpu.scan <sum>, %get3A_326 masked %reduce_sum3A_328 : vector<16xi32>, vector<16xi1> -> vector<16xi32>
      %reduce_sum3A_330 = vector.extract %reduce_sum3A_329[15] : i32 from vector<16xi32>
      %add3A_331 = arith.constant 96 : i32
      %add3A_332 = arith.addi %mul3A_282, %add3A_331 : i32
      %get3A_333 = arith.index_cast %add3A_332 : i32 to index
      %get3A_334 = tpu.vector_load %arg6[%get3A_333] {strides = array<i32>} : memref<1024xi32, #tpu.memory_space<vmem>>, vector<16xi32>,
      %reduce_sum3A_335 = arith.constant true
      %reduce_sum3A_336 = vector.broadcast %reduce_sum3A_335 : i1 to vector<16xi1>
      %reduce_sum3A_337 = tpu.scan <sum>, %get3A_334 masked %reduce_sum3A_336 : vector<16xi32>, vector<16xi1> -> vector<16xi32>
      %reduce_sum3A_338 = vector.extract %reduce_sum3A_337[15] : i32 from vector<16xi32>
      %add3A_339 = arith.constant 112 : i32
      %add3A_340 = arith.addi %mul3A_282, %add3A_339 : i32
      %get3A_341 = arith.index_cast %add3A_340 : i32 to index
      %get3A_342 = tpu.vector_load %arg6[%get3A_341] {strides = array<i32>} : memref<1024xi32, #tpu.memory_space<vmem>>, vector<16xi32>,
      %reduce_sum3A_343 = arith.constant true
      %reduce_sum3A_344 = vector.broadcast %reduce_sum3A_343 : i1 to vector<16xi1>
      %reduce_sum3A_345 = tpu.scan <sum>, %get3A_342 masked %reduce_sum3A_344 : vector<16xi32>, vector<16xi1> -> vector<16xi32>
      %reduce_sum3A_346 = vector.extract %reduce_sum3A_345[15] : i32 from vector<16xi32>
      %add3A_347 = arith.constant 128 : i32
      %add3A_348 = arith.addi %mul3A_282, %add3A_347 : i32
      %get3A_349 = arith.index_cast %add3A_348 : i32 to index
      %get3A_350 = tpu.vector_load %arg6[%get3A_349] {strides = array<i32>} : memref<1024xi32, #tpu.memory_space<vmem>>, vector<16xi32>,
      %reduce_sum3A_351 = arith.constant true
      %reduce_sum3A_352 = vector.broadcast %reduce_sum3A_351 : i1 to vector<16xi1>
      %reduce_sum3A_353 = tpu.scan <sum>, %get3A_350 masked %reduce_sum3A_352 : vector<16xi32>, vector<16xi1> -> vector<16xi32>
      %reduce_sum3A_354 = vector.extract %reduce_sum3A_353[15] : i32 from vector<16xi32>
      %add3A_355 = arith.constant 144 : i32
      %add3A_356 = arith.addi %mul3A_282, %add3A_355 : i32
      %get3A_357 = arith.index_cast %add3A_356 : i32 to index
      %get3A_358 = tpu.vector_load %arg6[%get3A_357] {strides = array<i32>} : memref<1024xi32, #tpu.memory_space<vmem>>, vector<16xi32>,
      %reduce_sum3A_359 = arith.constant true
      %reduce_sum3A_360 = vector.broadcast %reduce_sum3A_359 : i1 to vector<16xi1>
      %reduce_sum3A_361 = tpu.scan <sum>, %get3A_358 masked %reduce_sum3A_360 : vector<16xi32>, vector<16xi1> -> vector<16xi32>
      %reduce_sum3A_362 = vector.extract %reduce_sum3A_361[15] : i32 from vector<16xi32>
      %add3A_363 = arith.constant 160 : i32
      %add3A_364 = arith.addi %mul3A_282, %add3A_363 : i32
      %get3A_365 = arith.index_cast %add3A_364 : i32 to index
      %get3A_366 = tpu.vector_load %arg6[%get3A_365] {strides = array<i32>} : memref<1024xi32, #tpu.memory_space<vmem>>, vector<16xi32>,
      %reduce_sum3A_367 = arith.constant true
      %reduce_sum3A_368 = vector.broadcast %reduce_sum3A_367 : i1 to vector<16xi1>
      %reduce_sum3A_369 = tpu.scan <sum>, %get3A_366 masked %reduce_sum3A_368 : vector<16xi32>, vector<16xi1> -> vector<16xi32>
      %reduce_sum3A_370 = vector.extract %reduce_sum3A_369[15] : i32 from vector<16xi32>
      %add3A_371 = arith.constant 176 : i32
      %add3A_372 = arith.addi %mul3A_282, %add3A_371 : i32
      %get3A_373 = arith.index_cast %add3A_372 : i32 to index
      %get3A_374 = tpu.vector_load %arg6[%get3A_373] {strides = array<i32>} : memref<1024xi32, #tpu.memory_space<vmem>>, vector<16xi32>,
      %reduce_sum3A_375 = arith.constant true
      %reduce_sum3A_376 = vector.broadcast %reduce_sum3A_375 : i1 to vector<16xi1>
      %reduce_sum3A_377 = tpu.scan <sum>, %get3A_374 masked %reduce_sum3A_376 : vector<16xi32>, vector<16xi1> -> vector<16xi32>
      %reduce_sum3A_378 = vector.extract %reduce_sum3A_377[15] : i32 from vector<16xi32>
      %add3A_379 = arith.constant 192 : i32
      %add3A_380 = arith.addi %mul3A_282, %add3A_379 : i32
      %get3A_381 = arith.index_cast %add3A_380 : i32 to index
      %get3A_382 = tpu.vector_load %arg6[%get3A_381] {strides = array<i32>} : memref<1024xi32, #tpu.memory_space<vmem>>, vector<16xi32>,
      %reduce_sum3A_383 = arith.constant true
      %reduce_sum3A_384 = vector.broadcast %reduce_sum3A_383 : i1 to vector<16xi1>
      %reduce_sum3A_385 = tpu.scan <sum>, %get3A_382 masked %reduce_sum3A_384 : vector<16xi32>, vector<16xi1> -> vector<16xi32>
      %reduce_sum3A_386 = vector.extract %reduce_sum3A_385[15] : i32 from vector<16xi32>
      %add3A_387 = arith.constant 208 : i32
      %add3A_388 = arith.addi %mul3A_282, %add3A_387 : i32
      %get3A_389 = arith.index_cast %add3A_388 : i32 to index
      %get3A_390 = tpu.vector_load %arg6[%get3A_389] {strides = array<i32>} : memref<1024xi32, #tpu.memory_space<vmem>>, vector<16xi32>,
      %reduce_sum3A_391 = arith.constant true
      %reduce_sum3A_392 = vector.broadcast %reduce_sum3A_391 : i1 to vector<16xi1>
      %reduce_sum3A_393 = tpu.scan <sum>, %get3A_390 masked %reduce_sum3A_392 : vector<16xi32>, vector<16xi1> -> vector<16xi32>
      %reduce_sum3A_394 = vector.extract %reduce_sum3A_393[15] : i32 from vector<16xi32>
      %add3A_395 = arith.constant 224 : i32
      %add3A_396 = arith.addi %mul3A_282, %add3A_395 : i32
      %get3A_397 = arith.index_cast %add3A_396 : i32 to index
      %get3A_398 = tpu.vector_load %arg6[%get3A_397] {strides = array<i32>} : memref<1024xi32, #tpu.memory_space<vmem>>, vector<16xi32>,
      %reduce_sum3A_399 = arith.constant true
      %reduce_sum3A_400 = vector.broadcast %reduce_sum3A_399 : i1 to vector<16xi1>
      %reduce_sum3A_401 = tpu.scan <sum>, %get3A_398 masked %reduce_sum3A_400 : vector<16xi32>, vector<16xi1> -> vector<16xi32>
      %reduce_sum3A_402 = vector.extract %reduce_sum3A_401[15] : i32 from vector<16xi32>
      %add3A_403 = arith.constant 240 : i32
      %add3A_404 = arith.addi %mul3A_282, %add3A_403 : i32
      %get3A_405 = arith.index_cast %add3A_404 : i32 to index
      %get3A_406 = tpu.vector_load %arg6[%get3A_405] {strides = array<i32>} : memref<1024xi32, #tpu.memory_space<vmem>>, vector<16xi32>,
      %reduce_sum3A_407 = arith.constant true
      %reduce_sum3A_408 = vector.broadcast %reduce_sum3A_407 : i1 to vector<16xi1>
      %reduce_sum3A_409 = tpu.scan <sum>, %get3A_406 masked %reduce_sum3A_408 : vector<16xi32>, vector<16xi1> -> vector<16xi32>
      %reduce_sum3A_410 = vector.extract %reduce_sum3A_409[15] : i32 from vector<16xi32>
      %swap3A = arith.constant 0 : index
      %swap3A_411 = tpu.vector_load %arg6[%swap3A] {strides = array<i32>} : memref<1024xi32, #tpu.memory_space<vmem>>, vector<16xi32>,
      tpu.vector_store %arg6[%swap3A], %broadcast_in_dim3A_7 {strides = array<i32>} : memref<1024xi32, #tpu.memory_space<vmem>>, vector<16xi32>,
      %swap3A_412 = arith.constant 16 : index
      %swap3A_413 = tpu.vector_load %arg6[%swap3A_412] {strides = array<i32>} : memref<1024xi32, #tpu.memory_space<vmem>>, vector<16xi32>,
      tpu.vector_store %arg6[%swap3A_412], %broadcast_in_dim3A_7 {strides = array<i32>} : memref<1024xi32, #tpu.memory_space<vmem>>, vector<16xi32>,
      %swap3A_414 = arith.constant 32 : index
      %swap3A_415 = tpu.vector_load %arg6[%swap3A_414] {strides = array<i32>} : memref<1024xi32, #tpu.memory_space<vmem>>, vector<16xi32>,
      tpu.vector_store %arg6[%swap3A_414], %broadcast_in_dim3A_7 {strides = array<i32>} : memref<1024xi32, #tpu.memory_space<vmem>>, vector<16xi32>,
      %swap3A_416 = arith.constant 48 : index
      %swap3A_417 = tpu.vector_load %arg6[%swap3A_416] {strides = array<i32>} : memref<1024xi32, #tpu.memory_space<vmem>>, vector<16xi32>,
      tpu.vector_store %arg6[%swap3A_416], %broadcast_in_dim3A_7 {strides = array<i32>} : memref<1024xi32, #tpu.memory_space<vmem>>, vector<16xi32>,
      %swap3A_418 = arith.constant 64 : index
      %swap3A_419 = tpu.vector_load %arg6[%swap3A_418] {strides = array<i32>} : memref<1024xi32, #tpu.memory_space<vmem>>, vector<16xi32>,
      tpu.vector_store %arg6[%swap3A_418], %broadcast_in_dim3A_7 {strides = array<i32>} : memref<1024xi32, #tpu.memory_space<vmem>>, vector<16xi32>,
      %swap3A_420 = arith.constant 80 : index
      %swap3A_421 = tpu.vector_load %arg6[%swap3A_420] {strides = array<i32>} : memref<1024xi32, #tpu.memory_space<vmem>>, vector<16xi32>,
      tpu.vector_store %arg6[%swap3A_420], %broadcast_in_dim3A_7 {strides = array<i32>} : memref<1024xi32, #tpu.memory_space<vmem>>, vector<16xi32>,
      %swap3A_422 = arith.constant 96 : index
      %swap3A_423 = tpu.vector_load %arg6[%swap3A_422] {strides = array<i32>} : memref<1024xi32, #tpu.memory_space<vmem>>, vector<16xi32>,
      tpu.vector_store %arg6[%swap3A_422], %broadcast_in_dim3A_7 {strides = array<i32>} : memref<1024xi32, #tpu.memory_space<vmem>>, vector<16xi32>,
      %swap3A_424 = arith.constant 112 : index
      %swap3A_425 = tpu.vector_load %arg6[%swap3A_424] {strides = array<i32>} : memref<1024xi32, #tpu.memory_space<vmem>>, vector<16xi32>,
      tpu.vector_store %arg6[%swap3A_424], %broadcast_in_dim3A_7 {strides = array<i32>} : memref<1024xi32, #tpu.memory_space<vmem>>, vector<16xi32>,
      %swap3A_426 = arith.constant 128 : index
      %swap3A_427 = tpu.vector_load %arg6[%swap3A_426] {strides = array<i32>} : memref<1024xi32, #tpu.memory_space<vmem>>, vector<16xi32>,
      tpu.vector_store %arg6[%swap3A_426], %broadcast_in_dim3A_7 {strides = array<i32>} : memref<1024xi32, #tpu.memory_space<vmem>>, vector<16xi32>,
      %swap3A_428 = arith.constant 144 : index
      %swap3A_429 = tpu.vector_load %arg6[%swap3A_428] {strides = array<i32>} : memref<1024xi32, #tpu.memory_space<vmem>>, vector<16xi32>,
      tpu.vector_store %arg6[%swap3A_428], %broadcast_in_dim3A_7 {strides = array<i32>} : memref<1024xi32, #tpu.memory_space<vmem>>, vector<16xi32>,
      %swap3A_430 = arith.constant 160 : index
      %swap3A_431 = tpu.vector_load %arg6[%swap3A_430] {strides = array<i32>} : memref<1024xi32, #tpu.memory_space<vmem>>, vector<16xi32>,
      tpu.vector_store %arg6[%swap3A_430], %broadcast_in_dim3A_7 {strides = array<i32>} : memref<1024xi32, #tpu.memory_space<vmem>>, vector<16xi32>,
      %swap3A_432 = arith.constant 176 : index
      %swap3A_433 = tpu.vector_load %arg6[%swap3A_432] {strides = array<i32>} : memref<1024xi32, #tpu.memory_space<vmem>>, vector<16xi32>,
      tpu.vector_store %arg6[%swap3A_432], %broadcast_in_dim3A_7 {strides = array<i32>} : memref<1024xi32, #tpu.memory_space<vmem>>, vector<16xi32>,
      %swap3A_434 = arith.constant 192 : index
      %swap3A_435 = tpu.vector_load %arg6[%swap3A_434] {strides = array<i32>} : memref<1024xi32, #tpu.memory_space<vmem>>, vector<16xi32>,
      tpu.vector_store %arg6[%swap3A_434], %broadcast_in_dim3A_7 {strides = array<i32>} : memref<1024xi32, #tpu.memory_space<vmem>>, vector<16xi32>,
      %swap3A_436 = arith.constant 208 : index
      %swap3A_437 = tpu.vector_load %arg6[%swap3A_436] {strides = array<i32>} : memref<1024xi32, #tpu.memory_space<vmem>>, vector<16xi32>,
      tpu.vector_store %arg6[%swap3A_436], %broadcast_in_dim3A_7 {strides = array<i32>} : memref<1024xi32, #tpu.memory_space<vmem>>, vector<16xi32>,
      %swap3A_438 = arith.constant 224 : index
      %swap3A_439 = tpu.vector_load %arg6[%swap3A_438] {strides = array<i32>} : memref<1024xi32, #tpu.memory_space<vmem>>, vector<16xi32>,
      tpu.vector_store %arg6[%swap3A_438], %broadcast_in_dim3A_7 {strides = array<i32>} : memref<1024xi32, #tpu.memory_space<vmem>>, vector<16xi32>,
      %swap3A_440 = arith.constant 240 : index
      %swap3A_441 = tpu.vector_load %arg6[%swap3A_440] {strides = array<i32>} : memref<1024xi32, #tpu.memory_space<vmem>>, vector<16xi32>,
      tpu.vector_store %arg6[%swap3A_440], %broadcast_in_dim3A_7 {strides = array<i32>} : memref<1024xi32, #tpu.memory_space<vmem>>, vector<16xi32>,
      %swap3A_442 = arith.constant 256 : index
      %swap3A_443 = tpu.vector_load %arg6[%swap3A_442] {strides = array<i32>} : memref<1024xi32, #tpu.memory_space<vmem>>, vector<16xi32>,
      tpu.vector_store %arg6[%swap3A_442], %broadcast_in_dim3A_7 {strides = array<i32>} : memref<1024xi32, #tpu.memory_space<vmem>>, vector<16xi32>,
      %swap3A_444 = arith.constant 272 : index
      %swap3A_445 = tpu.vector_load %arg6[%swap3A_444] {strides = array<i32>} : memref<1024xi32, #tpu.memory_space<vmem>>, vector<16xi32>,
      tpu.vector_store %arg6[%swap3A_444], %broadcast_in_dim3A_7 {strides = array<i32>} : memref<1024xi32, #tpu.memory_space<vmem>>, vector<16xi32>,
      %swap3A_446 = arith.constant 288 : index
      %swap3A_447 = tpu.vector_load %arg6[%swap3A_446] {strides = array<i32>} : memref<1024xi32, #tpu.memory_space<vmem>>, vector<16xi32>,
      tpu.vector_store %arg6[%swap3A_446], %broadcast_in_dim3A_7 {strides = array<i32>} : memref<1024xi32, #tpu.memory_space<vmem>>, vector<16xi32>,
      %swap3A_448 = arith.constant 304 : index
      %swap3A_449 = tpu.vector_load %arg6[%swap3A_448] {strides = array<i32>} : memref<1024xi32, #tpu.memory_space<vmem>>, vector<16xi32>,
      tpu.vector_store %arg6[%swap3A_448], %broadcast_in_dim3A_7 {strides = array<i32>} : memref<1024xi32, #tpu.memory_space<vmem>>, vector<16xi32>,
      %swap3A_450 = arith.constant 320 : index
      %swap3A_451 = tpu.vector_load %arg6[%swap3A_450] {strides = array<i32>} : memref<1024xi32, #tpu.memory_space<vmem>>, vector<16xi32>,
      tpu.vector_store %arg6[%swap3A_450], %broadcast_in_dim3A_7 {strides = array<i32>} : memref<1024xi32, #tpu.memory_space<vmem>>, vector<16xi32>,
      %swap3A_452 = arith.constant 336 : index
      %swap3A_453 = tpu.vector_load %arg6[%swap3A_452] {strides = array<i32>} : memref<1024xi32, #tpu.memory_space<vmem>>, vector<16xi32>,
      tpu.vector_store %arg6[%swap3A_452], %broadcast_in_dim3A_7 {strides = array<i32>} : memref<1024xi32, #tpu.memory_space<vmem>>, vector<16xi32>,
      %swap3A_454 = arith.constant 352 : index
      %swap3A_455 = tpu.vector_load %arg6[%swap3A_454] {strides = array<i32>} : memref<1024xi32, #tpu.memory_space<vmem>>, vector<16xi32>,
      tpu.vector_store %arg6[%swap3A_454], %broadcast_in_dim3A_7 {strides = array<i32>} : memref<1024xi32, #tpu.memory_space<vmem>>, vector<16xi32>,
      %swap3A_456 = arith.constant 368 : index
      %swap3A_457 = tpu.vector_load %arg6[%swap3A_456] {strides = array<i32>} : memref<1024xi32, #tpu.memory_space<vmem>>, vector<16xi32>,
      tpu.vector_store %arg6[%swap3A_456], %broadcast_in_dim3A_7 {strides = array<i32>} : memref<1024xi32, #tpu.memory_space<vmem>>, vector<16xi32>,
      %swap3A_458 = arith.constant 384 : index
      %swap3A_459 = tpu.vector_load %arg6[%swap3A_458] {strides = array<i32>} : memref<1024xi32, #tpu.memory_space<vmem>>, vector<16xi32>,
      tpu.vector_store %arg6[%swap3A_458], %broadcast_in_dim3A_7 {strides = array<i32>} : memref<1024xi32, #tpu.memory_space<vmem>>, vector<16xi32>,
      %swap3A_460 = arith.constant 400 : index
      %swap3A_461 = tpu.vector_load %arg6[%swap3A_460] {strides = array<i32>} : memref<1024xi32, #tpu.memory_space<vmem>>, vector<16xi32>,
      tpu.vector_store %arg6[%swap3A_460], %broadcast_in_dim3A_7 {strides = array<i32>} : memref<1024xi32, #tpu.memory_space<vmem>>, vector<16xi32>,
      %swap3A_462 = arith.constant 416 : index
      %swap3A_463 = tpu.vector_load %arg6[%swap3A_462] {strides = array<i32>} : memref<1024xi32, #tpu.memory_space<vmem>>, vector<16xi32>,
      tpu.vector_store %arg6[%swap3A_462], %broadcast_in_dim3A_7 {strides = array<i32>} : memref<1024xi32, #tpu.memory_space<vmem>>, vector<16xi32>,
      %swap3A_464 = arith.constant 432 : index
      %swap3A_465 = tpu.vector_load %arg6[%swap3A_464] {strides = array<i32>} : memref<1024xi32, #tpu.memory_space<vmem>>, vector<16xi32>,
      tpu.vector_store %arg6[%swap3A_464], %broadcast_in_dim3A_7 {strides = array<i32>} : memref<1024xi32, #tpu.memory_space<vmem>>, vector<16xi32>,
      %swap3A_466 = arith.constant 448 : index
      %swap3A_467 = tpu.vector_load %arg6[%swap3A_466] {strides = array<i32>} : memref<1024xi32, #tpu.memory_space<vmem>>, vector<16xi32>,
      tpu.vector_store %arg6[%swap3A_466], %broadcast_in_dim3A_7 {strides = array<i32>} : memref<1024xi32, #tpu.memory_space<vmem>>, vector<16xi32>,
      %swap3A_468 = arith.constant 464 : index
      %swap3A_469 = tpu.vector_load %arg6[%swap3A_468] {strides = array<i32>} : memref<1024xi32, #tpu.memory_space<vmem>>, vector<16xi32>,
      tpu.vector_store %arg6[%swap3A_468], %broadcast_in_dim3A_7 {strides = array<i32>} : memref<1024xi32, #tpu.memory_space<vmem>>, vector<16xi32>,
      %swap3A_470 = arith.constant 480 : index
      %swap3A_471 = tpu.vector_load %arg6[%swap3A_470] {strides = array<i32>} : memref<1024xi32, #tpu.memory_space<vmem>>, vector<16xi32>,
      tpu.vector_store %arg6[%swap3A_470], %broadcast_in_dim3A_7 {strides = array<i32>} : memref<1024xi32, #tpu.memory_space<vmem>>, vector<16xi32>,
      %swap3A_472 = arith.constant 496 : index
      %swap3A_473 = tpu.vector_load %arg6[%swap3A_472] {strides = array<i32>} : memref<1024xi32, #tpu.memory_space<vmem>>, vector<16xi32>,
      tpu.vector_store %arg6[%swap3A_472], %broadcast_in_dim3A_7 {strides = array<i32>} : memref<1024xi32, #tpu.memory_space<vmem>>, vector<16xi32>,
      %swap3A_474 = arith.constant 512 : index
      %swap3A_475 = tpu.vector_load %arg6[%swap3A_474] {strides = array<i32>} : memref<1024xi32, #tpu.memory_space<vmem>>, vector<16xi32>,
      tpu.vector_store %arg6[%swap3A_474], %broadcast_in_dim3A_7 {strides = array<i32>} : memref<1024xi32, #tpu.memory_space<vmem>>, vector<16xi32>,
      %swap3A_476 = arith.constant 528 : index
      %swap3A_477 = tpu.vector_load %arg6[%swap3A_476] {strides = array<i32>} : memref<1024xi32, #tpu.memory_space<vmem>>, vector<16xi32>,
      tpu.vector_store %arg6[%swap3A_476], %broadcast_in_dim3A_7 {strides = array<i32>} : memref<1024xi32, #tpu.memory_space<vmem>>, vector<16xi32>,
      %swap3A_478 = arith.constant 544 : index
      %swap3A_479 = tpu.vector_load %arg6[%swap3A_478] {strides = array<i32>} : memref<1024xi32, #tpu.memory_space<vmem>>, vector<16xi32>,
      tpu.vector_store %arg6[%swap3A_478], %broadcast_in_dim3A_7 {strides = array<i32>} : memref<1024xi32, #tpu.memory_space<vmem>>, vector<16xi32>,
      %swap3A_480 = arith.constant 560 : index
      %swap3A_481 = tpu.vector_load %arg6[%swap3A_480] {strides = array<i32>} : memref<1024xi32, #tpu.memory_space<vmem>>, vector<16xi32>,
      tpu.vector_store %arg6[%swap3A_480], %broadcast_in_dim3A_7 {strides = array<i32>} : memref<1024xi32, #tpu.memory_space<vmem>>, vector<16xi32>,
      %swap3A_482 = arith.constant 576 : index
      %swap3A_483 = tpu.vector_load %arg6[%swap3A_482] {strides = array<i32>} : memref<1024xi32, #tpu.memory_space<vmem>>, vector<16xi32>,
      tpu.vector_store %arg6[%swap3A_482], %broadcast_in_dim3A_7 {strides = array<i32>} : memref<1024xi32, #tpu.memory_space<vmem>>, vector<16xi32>,
      %swap3A_484 = arith.constant 592 : index
      %swap3A_485 = tpu.vector_load %arg6[%swap3A_484] {strides = array<i32>} : memref<1024xi32, #tpu.memory_space<vmem>>, vector<16xi32>,
      tpu.vector_store %arg6[%swap3A_484], %broadcast_in_dim3A_7 {strides = array<i32>} : memref<1024xi32, #tpu.memory_space<vmem>>, vector<16xi32>,
      %swap3A_486 = arith.constant 608 : index
      %swap3A_487 = tpu.vector_load %arg6[%swap3A_486] {strides = array<i32>} : memref<1024xi32, #tpu.memory_space<vmem>>, vector<16xi32>,
      tpu.vector_store %arg6[%swap3A_486], %broadcast_in_dim3A_7 {strides = array<i32>} : memref<1024xi32, #tpu.memory_space<vmem>>, vector<16xi32>,
      %swap3A_488 = arith.constant 624 : index
      %swap3A_489 = tpu.vector_load %arg6[%swap3A_488] {strides = array<i32>} : memref<1024xi32, #tpu.memory_space<vmem>>, vector<16xi32>,
      tpu.vector_store %arg6[%swap3A_488], %broadcast_in_dim3A_7 {strides = array<i32>} : memref<1024xi32, #tpu.memory_space<vmem>>, vector<16xi32>,
      %swap3A_490 = arith.constant 640 : index
      %swap3A_491 = tpu.vector_load %arg6[%swap3A_490] {strides = array<i32>} : memref<1024xi32, #tpu.memory_space<vmem>>, vector<16xi32>,
      tpu.vector_store %arg6[%swap3A_490], %broadcast_in_dim3A_7 {strides = array<i32>} : memref<1024xi32, #tpu.memory_space<vmem>>, vector<16xi32>,
      %swap3A_492 = arith.constant 656 : index
      %swap3A_493 = tpu.vector_load %arg6[%swap3A_492] {strides = array<i32>} : memref<1024xi32, #tpu.memory_space<vmem>>, vector<16xi32>,
      tpu.vector_store %arg6[%swap3A_492], %broadcast_in_dim3A_7 {strides = array<i32>} : memref<1024xi32, #tpu.memory_space<vmem>>, vector<16xi32>,
      %swap3A_494 = arith.constant 672 : index
      %swap3A_495 = tpu.vector_load %arg6[%swap3A_494] {strides = array<i32>} : memref<1024xi32, #tpu.memory_space<vmem>>, vector<16xi32>,
      tpu.vector_store %arg6[%swap3A_494], %broadcast_in_dim3A_7 {strides = array<i32>} : memref<1024xi32, #tpu.memory_space<vmem>>, vector<16xi32>,
      %swap3A_496 = arith.constant 688 : index
      %swap3A_497 = tpu.vector_load %arg6[%swap3A_496] {strides = array<i32>} : memref<1024xi32, #tpu.memory_space<vmem>>, vector<16xi32>,
      tpu.vector_store %arg6[%swap3A_496], %broadcast_in_dim3A_7 {strides = array<i32>} : memref<1024xi32, #tpu.memory_space<vmem>>, vector<16xi32>,
      %swap3A_498 = arith.constant 704 : index
      %swap3A_499 = tpu.vector_load %arg6[%swap3A_498] {strides = array<i32>} : memref<1024xi32, #tpu.memory_space<vmem>>, vector<16xi32>,
      tpu.vector_store %arg6[%swap3A_498], %broadcast_in_dim3A_7 {strides = array<i32>} : memref<1024xi32, #tpu.memory_space<vmem>>, vector<16xi32>,
      %swap3A_500 = arith.constant 720 : index
      %swap3A_501 = tpu.vector_load %arg6[%swap3A_500] {strides = array<i32>} : memref<1024xi32, #tpu.memory_space<vmem>>, vector<16xi32>,
      tpu.vector_store %arg6[%swap3A_500], %broadcast_in_dim3A_7 {strides = array<i32>} : memref<1024xi32, #tpu.memory_space<vmem>>, vector<16xi32>,
      %swap3A_502 = arith.constant 736 : index
      %swap3A_503 = tpu.vector_load %arg6[%swap3A_502] {strides = array<i32>} : memref<1024xi32, #tpu.memory_space<vmem>>, vector<16xi32>,
      tpu.vector_store %arg6[%swap3A_502], %broadcast_in_dim3A_7 {strides = array<i32>} : memref<1024xi32, #tpu.memory_space<vmem>>, vector<16xi32>,
      %swap3A_504 = arith.constant 752 : index
      %swap3A_505 = tpu.vector_load %arg6[%swap3A_504] {strides = array<i32>} : memref<1024xi32, #tpu.memory_space<vmem>>, vector<16xi32>,
      tpu.vector_store %arg6[%swap3A_504], %broadcast_in_dim3A_7 {strides = array<i32>} : memref<1024xi32, #tpu.memory_space<vmem>>, vector<16xi32>,
      %swap3A_506 = arith.constant 768 : index
      %swap3A_507 = tpu.vector_load %arg6[%swap3A_506] {strides = array<i32>} : memref<1024xi32, #tpu.memory_space<vmem>>, vector<16xi32>,
      tpu.vector_store %arg6[%swap3A_506], %broadcast_in_dim3A_7 {strides = array<i32>} : memref<1024xi32, #tpu.memory_space<vmem>>, vector<16xi32>,
      %swap3A_508 = arith.constant 784 : index
      %swap3A_509 = tpu.vector_load %arg6[%swap3A_508] {strides = array<i32>} : memref<1024xi32, #tpu.memory_space<vmem>>, vector<16xi32>,
      tpu.vector_store %arg6[%swap3A_508], %broadcast_in_dim3A_7 {strides = array<i32>} : memref<1024xi32, #tpu.memory_space<vmem>>, vector<16xi32>,
      %swap3A_510 = arith.constant 800 : index
      %swap3A_511 = tpu.vector_load %arg6[%swap3A_510] {strides = array<i32>} : memref<1024xi32, #tpu.memory_space<vmem>>, vector<16xi32>,
      tpu.vector_store %arg6[%swap3A_510], %broadcast_in_dim3A_7 {strides = array<i32>} : memref<1024xi32, #tpu.memory_space<vmem>>, vector<16xi32>,
      %swap3A_512 = arith.constant 816 : index
      %swap3A_513 = tpu.vector_load %arg6[%swap3A_512] {strides = array<i32>} : memref<1024xi32, #tpu.memory_space<vmem>>, vector<16xi32>,
      tpu.vector_store %arg6[%swap3A_512], %broadcast_in_dim3A_7 {strides = array<i32>} : memref<1024xi32, #tpu.memory_space<vmem>>, vector<16xi32>,
      %swap3A_514 = arith.constant 832 : index
      %swap3A_515 = tpu.vector_load %arg6[%swap3A_514] {strides = array<i32>} : memref<1024xi32, #tpu.memory_space<vmem>>, vector<16xi32>,
      tpu.vector_store %arg6[%swap3A_514], %broadcast_in_dim3A_7 {strides = array<i32>} : memref<1024xi32, #tpu.memory_space<vmem>>, vector<16xi32>,
      %swap3A_516 = arith.constant 848 : index
      %swap3A_517 = tpu.vector_load %arg6[%swap3A_516] {strides = array<i32>} : memref<1024xi32, #tpu.memory_space<vmem>>, vector<16xi32>,
      tpu.vector_store %arg6[%swap3A_516], %broadcast_in_dim3A_7 {strides = array<i32>} : memref<1024xi32, #tpu.memory_space<vmem>>, vector<16xi32>,
      %swap3A_518 = arith.constant 864 : index
      %swap3A_519 = tpu.vector_load %arg6[%swap3A_518] {strides = array<i32>} : memref<1024xi32, #tpu.memory_space<vmem>>, vector<16xi32>,
      tpu.vector_store %arg6[%swap3A_518], %broadcast_in_dim3A_7 {strides = array<i32>} : memref<1024xi32, #tpu.memory_space<vmem>>, vector<16xi32>,
      %swap3A_520 = arith.constant 880 : index
      %swap3A_521 = tpu.vector_load %arg6[%swap3A_520] {strides = array<i32>} : memref<1024xi32, #tpu.memory_space<vmem>>, vector<16xi32>,
      tpu.vector_store %arg6[%swap3A_520], %broadcast_in_dim3A_7 {strides = array<i32>} : memref<1024xi32, #tpu.memory_space<vmem>>, vector<16xi32>,
      %swap3A_522 = arith.constant 896 : index
      %swap3A_523 = tpu.vector_load %arg6[%swap3A_522] {strides = array<i32>} : memref<1024xi32, #tpu.memory_space<vmem>>, vector<16xi32>,
      tpu.vector_store %arg6[%swap3A_522], %broadcast_in_dim3A_7 {strides = array<i32>} : memref<1024xi32, #tpu.memory_space<vmem>>, vector<16xi32>,
      %swap3A_524 = arith.constant 912 : index
      %swap3A_525 = tpu.vector_load %arg6[%swap3A_524] {strides = array<i32>} : memref<1024xi32, #tpu.memory_space<vmem>>, vector<16xi32>,
      tpu.vector_store %arg6[%swap3A_524], %broadcast_in_dim3A_7 {strides = array<i32>} : memref<1024xi32, #tpu.memory_space<vmem>>, vector<16xi32>,
      %swap3A_526 = arith.constant 928 : index
      %swap3A_527 = tpu.vector_load %arg6[%swap3A_526] {strides = array<i32>} : memref<1024xi32, #tpu.memory_space<vmem>>, vector<16xi32>,
      tpu.vector_store %arg6[%swap3A_526], %broadcast_in_dim3A_7 {strides = array<i32>} : memref<1024xi32, #tpu.memory_space<vmem>>, vector<16xi32>,
      %swap3A_528 = arith.constant 944 : index
      %swap3A_529 = tpu.vector_load %arg6[%swap3A_528] {strides = array<i32>} : memref<1024xi32, #tpu.memory_space<vmem>>, vector<16xi32>,
      tpu.vector_store %arg6[%swap3A_528], %broadcast_in_dim3A_7 {strides = array<i32>} : memref<1024xi32, #tpu.memory_space<vmem>>, vector<16xi32>,
      %swap3A_530 = arith.constant 960 : index
      %swap3A_531 = tpu.vector_load %arg6[%swap3A_530] {strides = array<i32>} : memref<1024xi32, #tpu.memory_space<vmem>>, vector<16xi32>,
      tpu.vector_store %arg6[%swap3A_530], %broadcast_in_dim3A_7 {strides = array<i32>} : memref<1024xi32, #tpu.memory_space<vmem>>, vector<16xi32>,
      %swap3A_532 = arith.constant 976 : index
      %swap3A_533 = tpu.vector_load %arg6[%swap3A_532] {strides = array<i32>} : memref<1024xi32, #tpu.memory_space<vmem>>, vector<16xi32>,
      tpu.vector_store %arg6[%swap3A_532], %broadcast_in_dim3A_7 {strides = array<i32>} : memref<1024xi32, #tpu.memory_space<vmem>>, vector<16xi32>,
      %swap3A_534 = arith.constant 992 : index
      %swap3A_535 = tpu.vector_load %arg6[%swap3A_534] {strides = array<i32>} : memref<1024xi32, #tpu.memory_space<vmem>>, vector<16xi32>,
      tpu.vector_store %arg6[%swap3A_534], %broadcast_in_dim3A_7 {strides = array<i32>} : memref<1024xi32, #tpu.memory_space<vmem>>, vector<16xi32>,
      %swap3A_536 = arith.constant 1008 : index
      %swap3A_537 = tpu.vector_load %arg6[%swap3A_536] {strides = array<i32>} : memref<1024xi32, #tpu.memory_space<vmem>>, vector<16xi32>,
      tpu.vector_store %arg6[%swap3A_536], %broadcast_in_dim3A_7 {strides = array<i32>} : memref<1024xi32, #tpu.memory_space<vmem>>, vector<16xi32>,
      %add3A_538 = arith.addi %select_n3A_280, %reduce_sum3A_290 : i32
      %lt3A_539 = arith.constant 4096 : i32
      %lt3A_540 = arith.cmpi slt, %add3A_538, %lt3A_539 : i32
      %convert_element_type3A_541 = arith.extui %lt3A_540 : i1 to i32
      %add3A_542 = arith.constant 0 : i32
      %add3A_543 = arith.addi %add3A_542, %convert_element_type3A_541 : i32
      %select_n3A_544 = arith.select %lt3A_540, %add3A_538, %select_n3A_280 : i32
      %add3A_545 = arith.addi %add3A_538, %reduce_sum3A_298 : i32
      %lt3A_546 = arith.constant 4096 : i32
      %lt3A_547 = arith.cmpi slt, %add3A_545, %lt3A_546 : i32
      %convert_element_type3A_548 = arith.extui %lt3A_547 : i1 to i32
      %add3A_549 = arith.addi %add3A_543, %convert_element_type3A_548 : i32
      %select_n3A_550 = arith.select %lt3A_547, %add3A_545, %select_n3A_544 : i32
      %add3A_551 = arith.addi %add3A_545, %reduce_sum3A_306 : i32
      %lt3A_552 = arith.constant 4096 : i32
      %lt3A_553 = arith.cmpi slt, %add3A_551, %lt3A_552 : i32
      %convert_element_type3A_554 = arith.extui %lt3A_553 : i1 to i32
      %add3A_555 = arith.addi %add3A_549, %convert_element_type3A_554 : i32
      %select_n3A_556 = arith.select %lt3A_553, %add3A_551, %select_n3A_550 : i32
      %add3A_557 = arith.addi %add3A_551, %reduce_sum3A_314 : i32
      %lt3A_558 = arith.constant 4096 : i32
      %lt3A_559 = arith.cmpi slt, %add3A_557, %lt3A_558 : i32
      %convert_element_type3A_560 = arith.extui %lt3A_559 : i1 to i32
      %add3A_561 = arith.addi %add3A_555, %convert_element_type3A_560 : i32
      %select_n3A_562 = arith.select %lt3A_559, %add3A_557, %select_n3A_556 : i32
      %add3A_563 = arith.addi %add3A_557, %reduce_sum3A_322 : i32
      %lt3A_564 = arith.constant 4096 : i32
      %lt3A_565 = arith.cmpi slt, %add3A_563, %lt3A_564 : i32
      %convert_element_type3A_566 = arith.extui %lt3A_565 : i1 to i32
      %add3A_567 = arith.addi %add3A_561, %convert_element_type3A_566 : i32
      %select_n3A_568 = arith.select %lt3A_565, %add3A_563, %select_n3A_562 : i32
      %add3A_569 = arith.addi %add3A_563, %reduce_sum3A_330 : i32
      %lt3A_570 = arith.constant 4096 : i32
      %lt3A_571 = arith.cmpi slt, %add3A_569, %lt3A_570 : i32
      %convert_element_type3A_572 = arith.extui %lt3A_571 : i1 to i32
      %add3A_573 = arith.addi %add3A_567, %convert_element_type3A_572 : i32
      %select_n3A_574 = arith.select %lt3A_571, %add3A_569, %select_n3A_568 : i32
      %add3A_575 = arith.addi %add3A_569, %reduce_sum3A_338 : i32
      %lt3A_576 = arith.constant 4096 : i32
      %lt3A_577 = arith.cmpi slt, %add3A_575, %lt3A_576 : i32
      %convert_element_type3A_578 = arith.extui %lt3A_577 : i1 to i32
      %add3A_579 = arith.addi %add3A_573, %convert_element_type3A_578 : i32
      %select_n3A_580 = arith.select %lt3A_577, %add3A_575, %select_n3A_574 : i32
      %add3A_581 = arith.addi %add3A_575, %reduce_sum3A_346 : i32
      %lt3A_582 = arith.constant 4096 : i32
      %lt3A_583 = arith.cmpi slt, %add3A_581, %lt3A_582 : i32
      %convert_element_type3A_584 = arith.extui %lt3A_583 : i1 to i32
      %add3A_585 = arith.addi %add3A_579, %convert_element_type3A_584 : i32
      %select_n3A_586 = arith.select %lt3A_583, %add3A_581, %select_n3A_580 : i32
      %add3A_587 = arith.addi %add3A_581, %reduce_sum3A_354 : i32
      %lt3A_588 = arith.constant 4096 : i32
      %lt3A_589 = arith.cmpi slt, %add3A_587, %lt3A_588 : i32
      %convert_element_type3A_590 = arith.extui %lt3A_589 : i1 to i32
      %add3A_591 = arith.addi %add3A_585, %convert_element_type3A_590 : i32
      %select_n3A_592 = arith.select %lt3A_589, %add3A_587, %select_n3A_586 : i32
      %add3A_593 = arith.addi %add3A_587, %reduce_sum3A_362 : i32
      %lt3A_594 = arith.constant 4096 : i32
      %lt3A_595 = arith.cmpi slt, %add3A_593, %lt3A_594 : i32
      %convert_element_type3A_596 = arith.extui %lt3A_595 : i1 to i32
      %add3A_597 = arith.addi %add3A_591, %convert_element_type3A_596 : i32
      %select_n3A_598 = arith.select %lt3A_595, %add3A_593, %select_n3A_592 : i32
      %add3A_599 = arith.addi %add3A_593, %reduce_sum3A_370 : i32
      %lt3A_600 = arith.constant 4096 : i32
      %lt3A_601 = arith.cmpi slt, %add3A_599, %lt3A_600 : i32
      %convert_element_type3A_602 = arith.extui %lt3A_601 : i1 to i32
      %add3A_603 = arith.addi %add3A_597, %convert_element_type3A_602 : i32
      %select_n3A_604 = arith.select %lt3A_601, %add3A_599, %select_n3A_598 : i32
      %add3A_605 = arith.addi %add3A_599, %reduce_sum3A_378 : i32
      %lt3A_606 = arith.constant 4096 : i32
      %lt3A_607 = arith.cmpi slt, %add3A_605, %lt3A_606 : i32
      %convert_element_type3A_608 = arith.extui %lt3A_607 : i1 to i32
      %add3A_609 = arith.addi %add3A_603, %convert_element_type3A_608 : i32
      %select_n3A_610 = arith.select %lt3A_607, %add3A_605, %select_n3A_604 : i32
      %add3A_611 = arith.addi %add3A_605, %reduce_sum3A_386 : i32
      %lt3A_612 = arith.constant 4096 : i32
      %lt3A_613 = arith.cmpi slt, %add3A_611, %lt3A_612 : i32
      %convert_element_type3A_614 = arith.extui %lt3A_613 : i1 to i32
      %add3A_615 = arith.addi %add3A_609, %convert_element_type3A_614 : i32
      %select_n3A_616 = arith.select %lt3A_613, %add3A_611, %select_n3A_610 : i32
      %add3A_617 = arith.addi %add3A_611, %reduce_sum3A_394 : i32
      %lt3A_618 = arith.constant 4096 : i32
      %lt3A_619 = arith.cmpi slt, %add3A_617, %lt3A_618 : i32
      %convert_element_type3A_620 = arith.extui %lt3A_619 : i1 to i32
      %add3A_621 = arith.addi %add3A_615, %convert_element_type3A_620 : i32
      %select_n3A_622 = arith.select %lt3A_619, %add3A_617, %select_n3A_616 : i32
      %add3A_623 = arith.addi %add3A_617, %reduce_sum3A_402 : i32
      %lt3A_624 = arith.constant 4096 : i32
      %lt3A_625 = arith.cmpi slt, %add3A_623, %lt3A_624 : i32
      %convert_element_type3A_626 = arith.extui %lt3A_625 : i1 to i32
      %add3A_627 = arith.addi %add3A_621, %convert_element_type3A_626 : i32
      %select_n3A_628 = arith.select %lt3A_625, %add3A_623, %select_n3A_622 : i32
      %add3A_629 = arith.addi %add3A_623, %reduce_sum3A_410 : i32
      %lt3A_630 = arith.constant 4096 : i32
      %lt3A_631 = arith.cmpi slt, %add3A_629, %lt3A_630 : i32
      %convert_element_type3A_632 = arith.extui %lt3A_631 : i1 to i32
      %add3A_633 = arith.addi %add3A_627, %convert_element_type3A_632 : i32
      %select_n3A_634 = arith.select %lt3A_631, %add3A_629, %select_n3A_628 : i32
      %mul3A_635 = arith.constant 16 : i32
      %mul3A_636 = arith.muli %add3A_279, %mul3A_635 : i32
      %add3A_637 = arith.addi %mul3A_636, %add3A_633 : i32
      %sub3A_638 = arith.constant 4096 : i32
      %sub3A_639 = arith.subi %sub3A_638, %select_n3A_634 : i32
      %sub3A_640 = arith.constant 1 : i32
      %sub3A_641 = arith.subi %add3A_637, %sub3A_640 : i32
      %mul3A_642 = arith.constant 64 : i32
      %mul3A_643 = arith.muli %sub3A_641, %mul3A_642 : i32
      %broadcast_in_dim3A_644 = vector.broadcast %mul3A_643 : i32 to vector<16xi32>
      %convert_element_type3A_645 = arith.sitofp %broadcast_in_dim3A_644 : vector<16xi32> to vector<16xf32>
      %parallel_loop3A_646 = arith.constant 0 : i32
      %parallel_loop3A_647 = arith.constant 512 : i32
      %parallel_loop3A_648 = arith.constant 1 : i32
      scf.for %parallel_loop3A_2485 = %parallel_loop3A_646 to %parallel_loop3A_647 step %parallel_loop3A_648  : i32 {
        %parallel_loop3A_2486 = arith.constant 16 : i32
        %parallel_loop3A_2487 = arith.muli %parallel_loop3A_2485, %parallel_loop3A_2486 : i32
        %parallel_loop3A_2488 = arith.index_cast %parallel_loop3A_2487 : i32 to index
        %parallel_loop3A_2489 = tpu.vector_load %arg4[%parallel_loop3A_2488] {strides = array<i32>} : memref<8192xf32, #tpu.memory_space<vmem>>, vector<16xf32>,
        %parallel_loop3A_2490 = arith.constant 4.096000e+03 : f32
        %parallel_loop3A_2491 = vector.broadcast %parallel_loop3A_2490 : f32 to vector<16xf32>
        %parallel_loop3A_2492 = arith.mulf %parallel_loop3A_2489, %parallel_loop3A_2491 : vector<16xf32>
        %parallel_loop3A_2493 = arith.subf %parallel_loop3A_2492, %convert_element_type3A_645 : vector<16xf32>
        %parallel_loop3A_2494 = arith.fptosi %parallel_loop3A_2493 : vector<16xf32> to vector<16xi32>
        %parallel_loop3A_2495 = arith.constant 64 : i32
        %parallel_loop3A_2496 = vector.broadcast %parallel_loop3A_2495 : i32 to vector<16xi32>
        %parallel_loop3A_2497 = arith.subi %parallel_loop3A_2494, %parallel_loop3A_2496 : vector<16xi32>
        %parallel_loop3A_2498 = arith.constant 64 : i32
        %parallel_loop3A_2499 = vector.broadcast %parallel_loop3A_2498 : i32 to vector<16xi32>
        %parallel_loop3A_2500 = arith.cmpi ult, %parallel_loop3A_2497, %parallel_loop3A_2499 : vector<16xi32>
        %parallel_loop3A_2501 = arith.constant 16 : i32
        %parallel_loop3A_2502 = vector.broadcast %parallel_loop3A_2501 : i32 to vector<16xi32>
        %parallel_loop3A_2503 = arith.muli %parallel_loop3A_2494, %parallel_loop3A_2502 : vector<16xi32>
        %parallel_loop3A_2504 = arith.addi %parallel_loop3A_2503, %sub3A_4 : vector<16xi32>
        tpu.vector_store_idx %arg6[%parallel_loop3A_2504], %broadcast_in_dim3A_5 masked %parallel_loop3A_2500 {add = true} : memref<1024xi32, #tpu.memory_space<vmem>>[vector<16xi32>], vector<16xi32>, vector<16xi1>
      } {sc.loop_unroll_factor = 8 : i64, sc.parallel_access}
      %get3A_649 = arith.constant 0 : index
      %get3A_650 = tpu.vector_load %arg6[%get3A_649] {strides = array<i32>} : memref<1024xi32, #tpu.memory_space<vmem>>, vector<16xi32>,
      %get3A_651 = arith.constant 16 : index
      %get3A_652 = tpu.vector_load %arg6[%get3A_651] {strides = array<i32>} : memref<1024xi32, #tpu.memory_space<vmem>>, vector<16xi32>,
      %add3A_653 = arith.addi %get3A_650, %get3A_652 : vector<16xi32>
      %get3A_654 = arith.constant 32 : index
      %get3A_655 = tpu.vector_load %arg6[%get3A_654] {strides = array<i32>} : memref<1024xi32, #tpu.memory_space<vmem>>, vector<16xi32>,
      %add3A_656 = arith.addi %add3A_653, %get3A_655 : vector<16xi32>
      %get3A_657 = arith.constant 48 : index
      %get3A_658 = tpu.vector_load %arg6[%get3A_657] {strides = array<i32>} : memref<1024xi32, #tpu.memory_space<vmem>>, vector<16xi32>,
      %add3A_659 = arith.addi %add3A_656, %get3A_658 : vector<16xi32>
      %get3A_660 = arith.constant 64 : index
      %get3A_661 = tpu.vector_load %arg6[%get3A_660] {strides = array<i32>} : memref<1024xi32, #tpu.memory_space<vmem>>, vector<16xi32>,
      %add3A_662 = arith.addi %add3A_659, %get3A_661 : vector<16xi32>
      %get3A_663 = arith.constant 80 : index
      %get3A_664 = tpu.vector_load %arg6[%get3A_663] {strides = array<i32>} : memref<1024xi32, #tpu.memory_space<vmem>>, vector<16xi32>,
      %add3A_665 = arith.addi %add3A_662, %get3A_664 : vector<16xi32>
      %get3A_666 = arith.constant 96 : index
      %get3A_667 = tpu.vector_load %arg6[%get3A_666] {strides = array<i32>} : memref<1024xi32, #tpu.memory_space<vmem>>, vector<16xi32>,
      %add3A_668 = arith.addi %add3A_665, %get3A_667 : vector<16xi32>
      %get3A_669 = arith.constant 112 : index
      %get3A_670 = tpu.vector_load %arg6[%get3A_669] {strides = array<i32>} : memref<1024xi32, #tpu.memory_space<vmem>>, vector<16xi32>,
      %add3A_671 = arith.addi %add3A_668, %get3A_670 : vector<16xi32>
      %get3A_672 = arith.constant 128 : index
      %get3A_673 = tpu.vector_load %arg6[%get3A_672] {strides = array<i32>} : memref<1024xi32, #tpu.memory_space<vmem>>, vector<16xi32>,
      %add3A_674 = arith.addi %add3A_671, %get3A_673 : vector<16xi32>
      %get3A_675 = arith.constant 144 : index
      %get3A_676 = tpu.vector_load %arg6[%get3A_675] {strides = array<i32>} : memref<1024xi32, #tpu.memory_space<vmem>>, vector<16xi32>,
      %add3A_677 = arith.addi %add3A_674, %get3A_676 : vector<16xi32>
      %get3A_678 = arith.constant 160 : index
      %get3A_679 = tpu.vector_load %arg6[%get3A_678] {strides = array<i32>} : memref<1024xi32, #tpu.memory_space<vmem>>, vector<16xi32>,
      %add3A_680 = arith.addi %add3A_677, %get3A_679 : vector<16xi32>
      %get3A_681 = arith.constant 176 : index
      %get3A_682 = tpu.vector_load %arg6[%get3A_681] {strides = array<i32>} : memref<1024xi32, #tpu.memory_space<vmem>>, vector<16xi32>,
      %add3A_683 = arith.addi %add3A_680, %get3A_682 : vector<16xi32>
      %get3A_684 = arith.constant 192 : index
      %get3A_685 = tpu.vector_load %arg6[%get3A_684] {strides = array<i32>} : memref<1024xi32, #tpu.memory_space<vmem>>, vector<16xi32>,
      %add3A_686 = arith.addi %add3A_683, %get3A_685 : vector<16xi32>
      %get3A_687 = arith.constant 208 : index
      %get3A_688 = tpu.vector_load %arg6[%get3A_687] {strides = array<i32>} : memref<1024xi32, #tpu.memory_space<vmem>>, vector<16xi32>,
      %add3A_689 = arith.addi %add3A_686, %get3A_688 : vector<16xi32>
      %get3A_690 = arith.constant 224 : index
      %get3A_691 = tpu.vector_load %arg6[%get3A_690] {strides = array<i32>} : memref<1024xi32, #tpu.memory_space<vmem>>, vector<16xi32>,
      %add3A_692 = arith.addi %add3A_689, %get3A_691 : vector<16xi32>
      %get3A_693 = arith.constant 240 : index
      %get3A_694 = tpu.vector_load %arg6[%get3A_693] {strides = array<i32>} : memref<1024xi32, #tpu.memory_space<vmem>>, vector<16xi32>,
      %add3A_695 = arith.addi %add3A_692, %get3A_694 : vector<16xi32>
      %reduce_sum3A_696 = arith.constant true
      %reduce_sum3A_697 = vector.broadcast %reduce_sum3A_696 : i1 to vector<16xi1>
      %reduce_sum3A_698 = tpu.scan <sum>, %add3A_695 masked %reduce_sum3A_697 : vector<16xi32>, vector<16xi1> -> vector<16xi32>
      %reduce_sum3A_699 = vector.extract %reduce_sum3A_698[15] : i32 from vector<16xi32>
      %get3A_700 = arith.constant 256 : index
      %get3A_701 = tpu.vector_load %arg6[%get3A_700] {strides = array<i32>} : memref<1024xi32, #tpu.memory_space<vmem>>, vector<16xi32>,
      %get3A_702 = arith.constant 272 : index
      %get3A_703 = tpu.vector_load %arg6[%get3A_702] {strides = array<i32>} : memref<1024xi32, #tpu.memory_space<vmem>>, vector<16xi32>,
      %add3A_704 = arith.addi %get3A_701, %get3A_703 : vector<16xi32>
      %get3A_705 = arith.constant 288 : index
      %get3A_706 = tpu.vector_load %arg6[%get3A_705] {strides = array<i32>} : memref<1024xi32, #tpu.memory_space<vmem>>, vector<16xi32>,
      %add3A_707 = arith.addi %add3A_704, %get3A_706 : vector<16xi32>
      %get3A_708 = arith.constant 304 : index
      %get3A_709 = tpu.vector_load %arg6[%get3A_708] {strides = array<i32>} : memref<1024xi32, #tpu.memory_space<vmem>>, vector<16xi32>,
      %add3A_710 = arith.addi %add3A_707, %get3A_709 : vector<16xi32>
      %get3A_711 = arith.constant 320 : index
      %get3A_712 = tpu.vector_load %arg6[%get3A_711] {strides = array<i32>} : memref<1024xi32, #tpu.memory_space<vmem>>, vector<16xi32>,
      %add3A_713 = arith.addi %add3A_710, %get3A_712 : vector<16xi32>
      %get3A_714 = arith.constant 336 : index
      %get3A_715 = tpu.vector_load %arg6[%get3A_714] {strides = array<i32>} : memref<1024xi32, #tpu.memory_space<vmem>>, vector<16xi32>,
      %add3A_716 = arith.addi %add3A_713, %get3A_715 : vector<16xi32>
      %get3A_717 = arith.constant 352 : index
      %get3A_718 = tpu.vector_load %arg6[%get3A_717] {strides = array<i32>} : memref<1024xi32, #tpu.memory_space<vmem>>, vector<16xi32>,
      %add3A_719 = arith.addi %add3A_716, %get3A_718 : vector<16xi32>
      %get3A_720 = arith.constant 368 : index
      %get3A_721 = tpu.vector_load %arg6[%get3A_720] {strides = array<i32>} : memref<1024xi32, #tpu.memory_space<vmem>>, vector<16xi32>,
      %add3A_722 = arith.addi %add3A_719, %get3A_721 : vector<16xi32>
      %get3A_723 = arith.constant 384 : index
      %get3A_724 = tpu.vector_load %arg6[%get3A_723] {strides = array<i32>} : memref<1024xi32, #tpu.memory_space<vmem>>, vector<16xi32>,
      %add3A_725 = arith.addi %add3A_722, %get3A_724 : vector<16xi32>
      %get3A_726 = arith.constant 400 : index
      %get3A_727 = tpu.vector_load %arg6[%get3A_726] {strides = array<i32>} : memref<1024xi32, #tpu.memory_space<vmem>>, vector<16xi32>,
      %add3A_728 = arith.addi %add3A_725, %get3A_727 : vector<16xi32>
      %get3A_729 = arith.constant 416 : index
      %get3A_730 = tpu.vector_load %arg6[%get3A_729] {strides = array<i32>} : memref<1024xi32, #tpu.memory_space<vmem>>, vector<16xi32>,
      %add3A_731 = arith.addi %add3A_728, %get3A_730 : vector<16xi32>
      %get3A_732 = arith.constant 432 : index
      %get3A_733 = tpu.vector_load %arg6[%get3A_732] {strides = array<i32>} : memref<1024xi32, #tpu.memory_space<vmem>>, vector<16xi32>,
      %add3A_734 = arith.addi %add3A_731, %get3A_733 : vector<16xi32>
      %get3A_735 = arith.constant 448 : index
      %get3A_736 = tpu.vector_load %arg6[%get3A_735] {strides = array<i32>} : memref<1024xi32, #tpu.memory_space<vmem>>, vector<16xi32>,
      %add3A_737 = arith.addi %add3A_734, %get3A_736 : vector<16xi32>
      %get3A_738 = arith.constant 464 : index
      %get3A_739 = tpu.vector_load %arg6[%get3A_738] {strides = array<i32>} : memref<1024xi32, #tpu.memory_space<vmem>>, vector<16xi32>,
      %add3A_740 = arith.addi %add3A_737, %get3A_739 : vector<16xi32>
      %get3A_741 = arith.constant 480 : index
      %get3A_742 = tpu.vector_load %arg6[%get3A_741] {strides = array<i32>} : memref<1024xi32, #tpu.memory_space<vmem>>, vector<16xi32>,
      %add3A_743 = arith.addi %add3A_740, %get3A_742 : vector<16xi32>
      %get3A_744 = arith.constant 496 : index
      %get3A_745 = tpu.vector_load %arg6[%get3A_744] {strides = array<i32>} : memref<1024xi32, #tpu.memory_space<vmem>>, vector<16xi32>,
      %add3A_746 = arith.addi %add3A_743, %get3A_745 : vector<16xi32>
      %reduce_sum3A_747 = arith.constant true
      %reduce_sum3A_748 = vector.broadcast %reduce_sum3A_747 : i1 to vector<16xi1>
      %reduce_sum3A_749 = tpu.scan <sum>, %add3A_746 masked %reduce_sum3A_748 : vector<16xi32>, vector<16xi1> -> vector<16xi32>
      %reduce_sum3A_750 = vector.extract %reduce_sum3A_749[15] : i32 from vector<16xi32>
      %get3A_751 = arith.constant 512 : index
      %get3A_752 = tpu.vector_load %arg6[%get3A_751] {strides = array<i32>} : memref<1024xi32, #tpu.memory_space<vmem>>, vector<16xi32>,
      %get3A_753 = arith.constant 528 : index
      %get3A_754 = tpu.vector_load %arg6[%get3A_753] {strides = array<i32>} : memref<1024xi32, #tpu.memory_space<vmem>>, vector<16xi32>,
      %add3A_755 = arith.addi %get3A_752, %get3A_754 : vector<16xi32>
      %get3A_756 = arith.constant 544 : index
      %get3A_757 = tpu.vector_load %arg6[%get3A_756] {strides = array<i32>} : memref<1024xi32, #tpu.memory_space<vmem>>, vector<16xi32>,
      %add3A_758 = arith.addi %add3A_755, %get3A_757 : vector<16xi32>
      %get3A_759 = arith.constant 560 : index
      %get3A_760 = tpu.vector_load %arg6[%get3A_759] {strides = array<i32>} : memref<1024xi32, #tpu.memory_space<vmem>>, vector<16xi32>,
      %add3A_761 = arith.addi %add3A_758, %get3A_760 : vector<16xi32>
      %get3A_762 = arith.constant 576 : index
      %get3A_763 = tpu.vector_load %arg6[%get3A_762] {strides = array<i32>} : memref<1024xi32, #tpu.memory_space<vmem>>, vector<16xi32>,
      %add3A_764 = arith.addi %add3A_761, %get3A_763 : vector<16xi32>
      %get3A_765 = arith.constant 592 : index
      %get3A_766 = tpu.vector_load %arg6[%get3A_765] {strides = array<i32>} : memref<1024xi32, #tpu.memory_space<vmem>>, vector<16xi32>,
      %add3A_767 = arith.addi %add3A_764, %get3A_766 : vector<16xi32>
      %get3A_768 = arith.constant 608 : index
      %get3A_769 = tpu.vector_load %arg6[%get3A_768] {strides = array<i32>} : memref<1024xi32, #tpu.memory_space<vmem>>, vector<16xi32>,
      %add3A_770 = arith.addi %add3A_767, %get3A_769 : vector<16xi32>
      %get3A_771 = arith.constant 624 : index
      %get3A_772 = tpu.vector_load %arg6[%get3A_771] {strides = array<i32>} : memref<1024xi32, #tpu.memory_space<vmem>>, vector<16xi32>,
      %add3A_773 = arith.addi %add3A_770, %get3A_772 : vector<16xi32>
      %get3A_774 = arith.constant 640 : index
      %get3A_775 = tpu.vector_load %arg6[%get3A_774] {strides = array<i32>} : memref<1024xi32, #tpu.memory_space<vmem>>, vector<16xi32>,
      %add3A_776 = arith.addi %add3A_773, %get3A_775 : vector<16xi32>
      %get3A_777 = arith.constant 656 : index
      %get3A_778 = tpu.vector_load %arg6[%get3A_777] {strides = array<i32>} : memref<1024xi32, #tpu.memory_space<vmem>>, vector<16xi32>,
      %add3A_779 = arith.addi %add3A_776, %get3A_778 : vector<16xi32>
      %get3A_780 = arith.constant 672 : index
      %get3A_781 = tpu.vector_load %arg6[%get3A_780] {strides = array<i32>} : memref<1024xi32, #tpu.memory_space<vmem>>, vector<16xi32>,
      %add3A_782 = arith.addi %add3A_779, %get3A_781 : vector<16xi32>
      %get3A_783 = arith.constant 688 : index
      %get3A_784 = tpu.vector_load %arg6[%get3A_783] {strides = array<i32>} : memref<1024xi32, #tpu.memory_space<vmem>>, vector<16xi32>,
      %add3A_785 = arith.addi %add3A_782, %get3A_784 : vector<16xi32>
      %get3A_786 = arith.constant 704 : index
      %get3A_787 = tpu.vector_load %arg6[%get3A_786] {strides = array<i32>} : memref<1024xi32, #tpu.memory_space<vmem>>, vector<16xi32>,
      %add3A_788 = arith.addi %add3A_785, %get3A_787 : vector<16xi32>
      %get3A_789 = arith.constant 720 : index
      %get3A_790 = tpu.vector_load %arg6[%get3A_789] {strides = array<i32>} : memref<1024xi32, #tpu.memory_space<vmem>>, vector<16xi32>,
      %add3A_791 = arith.addi %add3A_788, %get3A_790 : vector<16xi32>
      %get3A_792 = arith.constant 736 : index
      %get3A_793 = tpu.vector_load %arg6[%get3A_792] {strides = array<i32>} : memref<1024xi32, #tpu.memory_space<vmem>>, vector<16xi32>,
      %add3A_794 = arith.addi %add3A_791, %get3A_793 : vector<16xi32>
      %get3A_795 = arith.constant 752 : index
      %get3A_796 = tpu.vector_load %arg6[%get3A_795] {strides = array<i32>} : memref<1024xi32, #tpu.memory_space<vmem>>, vector<16xi32>,
      %add3A_797 = arith.addi %add3A_794, %get3A_796 : vector<16xi32>
      %reduce_sum3A_798 = arith.constant true
      %reduce_sum3A_799 = vector.broadcast %reduce_sum3A_798 : i1 to vector<16xi1>
      %reduce_sum3A_800 = tpu.scan <sum>, %add3A_797 masked %reduce_sum3A_799 : vector<16xi32>, vector<16xi1> -> vector<16xi32>
      %reduce_sum3A_801 = vector.extract %reduce_sum3A_800[15] : i32 from vector<16xi32>
      %get3A_802 = arith.constant 768 : index
      %get3A_803 = tpu.vector_load %arg6[%get3A_802] {strides = array<i32>} : memref<1024xi32, #tpu.memory_space<vmem>>, vector<16xi32>,
      %get3A_804 = arith.constant 784 : index
      %get3A_805 = tpu.vector_load %arg6[%get3A_804] {strides = array<i32>} : memref<1024xi32, #tpu.memory_space<vmem>>, vector<16xi32>,
      %add3A_806 = arith.addi %get3A_803, %get3A_805 : vector<16xi32>
      %get3A_807 = arith.constant 800 : index
      %get3A_808 = tpu.vector_load %arg6[%get3A_807] {strides = array<i32>} : memref<1024xi32, #tpu.memory_space<vmem>>, vector<16xi32>,
      %add3A_809 = arith.addi %add3A_806, %get3A_808 : vector<16xi32>
      %get3A_810 = arith.constant 816 : index
      %get3A_811 = tpu.vector_load %arg6[%get3A_810] {strides = array<i32>} : memref<1024xi32, #tpu.memory_space<vmem>>, vector<16xi32>,
      %add3A_812 = arith.addi %add3A_809, %get3A_811 : vector<16xi32>
      %get3A_813 = arith.constant 832 : index
      %get3A_814 = tpu.vector_load %arg6[%get3A_813] {strides = array<i32>} : memref<1024xi32, #tpu.memory_space<vmem>>, vector<16xi32>,
      %add3A_815 = arith.addi %add3A_812, %get3A_814 : vector<16xi32>
      %get3A_816 = arith.constant 848 : index
      %get3A_817 = tpu.vector_load %arg6[%get3A_816] {strides = array<i32>} : memref<1024xi32, #tpu.memory_space<vmem>>, vector<16xi32>,
      %add3A_818 = arith.addi %add3A_815, %get3A_817 : vector<16xi32>
      %get3A_819 = arith.constant 864 : index
      %get3A_820 = tpu.vector_load %arg6[%get3A_819] {strides = array<i32>} : memref<1024xi32, #tpu.memory_space<vmem>>, vector<16xi32>,
      %add3A_821 = arith.addi %add3A_818, %get3A_820 : vector<16xi32>
      %get3A_822 = arith.constant 880 : index
      %get3A_823 = tpu.vector_load %arg6[%get3A_822] {strides = array<i32>} : memref<1024xi32, #tpu.memory_space<vmem>>, vector<16xi32>,
      %add3A_824 = arith.addi %add3A_821, %get3A_823 : vector<16xi32>
      %get3A_825 = arith.constant 896 : index
      %get3A_826 = tpu.vector_load %arg6[%get3A_825] {strides = array<i32>} : memref<1024xi32, #tpu.memory_space<vmem>>, vector<16xi32>,
      %add3A_827 = arith.addi %add3A_824, %get3A_826 : vector<16xi32>
      %get3A_828 = arith.constant 912 : index
      %get3A_829 = tpu.vector_load %arg6[%get3A_828] {strides = array<i32>} : memref<1024xi32, #tpu.memory_space<vmem>>, vector<16xi32>,
      %add3A_830 = arith.addi %add3A_827, %get3A_829 : vector<16xi32>
      %get3A_831 = arith.constant 928 : index
      %get3A_832 = tpu.vector_load %arg6[%get3A_831] {strides = array<i32>} : memref<1024xi32, #tpu.memory_space<vmem>>, vector<16xi32>,
      %add3A_833 = arith.addi %add3A_830, %get3A_832 : vector<16xi32>
      %get3A_834 = arith.constant 944 : index
      %get3A_835 = tpu.vector_load %arg6[%get3A_834] {strides = array<i32>} : memref<1024xi32, #tpu.memory_space<vmem>>, vector<16xi32>,
      %add3A_836 = arith.addi %add3A_833, %get3A_835 : vector<16xi32>
      %get3A_837 = arith.constant 960 : index
      %get3A_838 = tpu.vector_load %arg6[%get3A_837] {strides = array<i32>} : memref<1024xi32, #tpu.memory_space<vmem>>, vector<16xi32>,
      %add3A_839 = arith.addi %add3A_836, %get3A_838 : vector<16xi32>
      %get3A_840 = arith.constant 976 : index
      %get3A_841 = tpu.vector_load %arg6[%get3A_840] {strides = array<i32>} : memref<1024xi32, #tpu.memory_space<vmem>>, vector<16xi32>,
      %add3A_842 = arith.addi %add3A_839, %get3A_841 : vector<16xi32>
      %get3A_843 = arith.constant 992 : index
      %get3A_844 = tpu.vector_load %arg6[%get3A_843] {strides = array<i32>} : memref<1024xi32, #tpu.memory_space<vmem>>, vector<16xi32>,
      %add3A_845 = arith.addi %add3A_842, %get3A_844 : vector<16xi32>
      %get3A_846 = arith.constant 1008 : index
      %get3A_847 = tpu.vector_load %arg6[%get3A_846] {strides = array<i32>} : memref<1024xi32, #tpu.memory_space<vmem>>, vector<16xi32>,
      %add3A_848 = arith.addi %add3A_845, %get3A_847 : vector<16xi32>
      %reduce_sum3A_849 = arith.constant true
      %reduce_sum3A_850 = vector.broadcast %reduce_sum3A_849 : i1 to vector<16xi1>
      %reduce_sum3A_851 = tpu.scan <sum>, %add3A_848 masked %reduce_sum3A_850 : vector<16xi32>, vector<16xi1> -> vector<16xi32>
      %reduce_sum3A_852 = vector.extract %reduce_sum3A_851[15] : i32 from vector<16xi32>
      %add3A_853 = arith.constant 0 : i32
      %add3A_854 = arith.addi %add3A_853, %reduce_sum3A_699 : i32
      %lt3A_855 = arith.cmpi slt, %add3A_854, %sub3A_639 : i32
      %convert_element_type3A_856 = arith.extui %lt3A_855 : i1 to i32
      %add3A_857 = arith.constant 0 : i32
      %add3A_858 = arith.addi %add3A_857, %convert_element_type3A_856 : i32
      %jit3A_859 = arith.constant 0 : i32
      %select_n3A_860 = arith.select %lt3A_855, %add3A_854, %jit3A_859 : i32
      %add3A_861 = arith.addi %add3A_854, %reduce_sum3A_750 : i32
      %lt3A_862 = arith.cmpi slt, %add3A_861, %sub3A_639 : i32
      %convert_element_type3A_863 = arith.extui %lt3A_862 : i1 to i32
      %add3A_864 = arith.addi %add3A_858, %convert_element_type3A_863 : i32
      %select_n3A_865 = arith.select %lt3A_862, %add3A_861, %select_n3A_860 : i32
      %add3A_866 = arith.addi %add3A_861, %reduce_sum3A_801 : i32
      %lt3A_867 = arith.cmpi slt, %add3A_866, %sub3A_639 : i32
      %convert_element_type3A_868 = arith.extui %lt3A_867 : i1 to i32
      %add3A_869 = arith.addi %add3A_864, %convert_element_type3A_868 : i32
      %select_n3A_870 = arith.select %lt3A_867, %add3A_866, %select_n3A_865 : i32
      %add3A_871 = arith.addi %add3A_866, %reduce_sum3A_852 : i32
      %lt3A_872 = arith.cmpi slt, %add3A_871, %sub3A_639 : i32
      %convert_element_type3A_873 = arith.extui %lt3A_872 : i1 to i32
      %add3A_874 = arith.addi %add3A_869, %convert_element_type3A_873 : i32
      %select_n3A_875 = arith.select %lt3A_872, %add3A_871, %select_n3A_870 : i32
      %mul3A_876 = arith.constant 256 : i32
      %mul3A_877 = arith.muli %add3A_874, %mul3A_876 : i32
      %add3A_878 = arith.constant 0 : i32
      %add3A_879 = arith.addi %mul3A_877, %add3A_878 : i32
      %get3A_880 = arith.index_cast %add3A_879 : i32 to index
      %get3A_881 = tpu.vector_load %arg6[%get3A_880] {strides = array<i32>} : memref<1024xi32, #tpu.memory_space<vmem>>, vector<16xi32>,
      %reduce_sum3A_882 = arith.constant true
      %reduce_sum3A_883 = vector.broadcast %reduce_sum3A_882 : i1 to vector<16xi1>
      %reduce_sum3A_884 = tpu.scan <sum>, %get3A_881 masked %reduce_sum3A_883 : vector<16xi32>, vector<16xi1> -> vector<16xi32>
      %reduce_sum3A_885 = vector.extract %reduce_sum3A_884[15] : i32 from vector<16xi32>
      %add3A_886 = arith.constant 16 : i32
      %add3A_887 = arith.addi %mul3A_877, %add3A_886 : i32
      %get3A_888 = arith.index_cast %add3A_887 : i32 to index
      %get3A_889 = tpu.vector_load %arg6[%get3A_888] {strides = array<i32>} : memref<1024xi32, #tpu.memory_space<vmem>>, vector<16xi32>,
      %reduce_sum3A_890 = arith.constant true
      %reduce_sum3A_891 = vector.broadcast %reduce_sum3A_890 : i1 to vector<16xi1>
      %reduce_sum3A_892 = tpu.scan <sum>, %get3A_889 masked %reduce_sum3A_891 : vector<16xi32>, vector<16xi1> -> vector<16xi32>
      %reduce_sum3A_893 = vector.extract %reduce_sum3A_892[15] : i32 from vector<16xi32>
      %add3A_894 = arith.constant 32 : i32
      %add3A_895 = arith.addi %mul3A_877, %add3A_894 : i32
      %get3A_896 = arith.index_cast %add3A_895 : i32 to index
      %get3A_897 = tpu.vector_load %arg6[%get3A_896] {strides = array<i32>} : memref<1024xi32, #tpu.memory_space<vmem>>, vector<16xi32>,
      %reduce_sum3A_898 = arith.constant true
      %reduce_sum3A_899 = vector.broadcast %reduce_sum3A_898 : i1 to vector<16xi1>
      %reduce_sum3A_900 = tpu.scan <sum>, %get3A_897 masked %reduce_sum3A_899 : vector<16xi32>, vector<16xi1> -> vector<16xi32>
      %reduce_sum3A_901 = vector.extract %reduce_sum3A_900[15] : i32 from vector<16xi32>
      %add3A_902 = arith.constant 48 : i32
      %add3A_903 = arith.addi %mul3A_877, %add3A_902 : i32
      %get3A_904 = arith.index_cast %add3A_903 : i32 to index
      %get3A_905 = tpu.vector_load %arg6[%get3A_904] {strides = array<i32>} : memref<1024xi32, #tpu.memory_space<vmem>>, vector<16xi32>,
      %reduce_sum3A_906 = arith.constant true
      %reduce_sum3A_907 = vector.broadcast %reduce_sum3A_906 : i1 to vector<16xi1>
      %reduce_sum3A_908 = tpu.scan <sum>, %get3A_905 masked %reduce_sum3A_907 : vector<16xi32>, vector<16xi1> -> vector<16xi32>
      %reduce_sum3A_909 = vector.extract %reduce_sum3A_908[15] : i32 from vector<16xi32>
      %add3A_910 = arith.constant 64 : i32
      %add3A_911 = arith.addi %mul3A_877, %add3A_910 : i32
      %get3A_912 = arith.index_cast %add3A_911 : i32 to index
      %get3A_913 = tpu.vector_load %arg6[%get3A_912] {strides = array<i32>} : memref<1024xi32, #tpu.memory_space<vmem>>, vector<16xi32>,
      %reduce_sum3A_914 = arith.constant true
      %reduce_sum3A_915 = vector.broadcast %reduce_sum3A_914 : i1 to vector<16xi1>
      %reduce_sum3A_916 = tpu.scan <sum>, %get3A_913 masked %reduce_sum3A_915 : vector<16xi32>, vector<16xi1> -> vector<16xi32>
      %reduce_sum3A_917 = vector.extract %reduce_sum3A_916[15] : i32 from vector<16xi32>
      %add3A_918 = arith.constant 80 : i32
      %add3A_919 = arith.addi %mul3A_877, %add3A_918 : i32
      %get3A_920 = arith.index_cast %add3A_919 : i32 to index
      %get3A_921 = tpu.vector_load %arg6[%get3A_920] {strides = array<i32>} : memref<1024xi32, #tpu.memory_space<vmem>>, vector<16xi32>,
      %reduce_sum3A_922 = arith.constant true
      %reduce_sum3A_923 = vector.broadcast %reduce_sum3A_922 : i1 to vector<16xi1>
      %reduce_sum3A_924 = tpu.scan <sum>, %get3A_921 masked %reduce_sum3A_923 : vector<16xi32>, vector<16xi1> -> vector<16xi32>
      %reduce_sum3A_925 = vector.extract %reduce_sum3A_924[15] : i32 from vector<16xi32>
      %add3A_926 = arith.constant 96 : i32
      %add3A_927 = arith.addi %mul3A_877, %add3A_926 : i32
      %get3A_928 = arith.index_cast %add3A_927 : i32 to index
      %get3A_929 = tpu.vector_load %arg6[%get3A_928] {strides = array<i32>} : memref<1024xi32, #tpu.memory_space<vmem>>, vector<16xi32>,
      %reduce_sum3A_930 = arith.constant true
      %reduce_sum3A_931 = vector.broadcast %reduce_sum3A_930 : i1 to vector<16xi1>
      %reduce_sum3A_932 = tpu.scan <sum>, %get3A_929 masked %reduce_sum3A_931 : vector<16xi32>, vector<16xi1> -> vector<16xi32>
      %reduce_sum3A_933 = vector.extract %reduce_sum3A_932[15] : i32 from vector<16xi32>
      %add3A_934 = arith.constant 112 : i32
      %add3A_935 = arith.addi %mul3A_877, %add3A_934 : i32
      %get3A_936 = arith.index_cast %add3A_935 : i32 to index
      %get3A_937 = tpu.vector_load %arg6[%get3A_936] {strides = array<i32>} : memref<1024xi32, #tpu.memory_space<vmem>>, vector<16xi32>,
      %reduce_sum3A_938 = arith.constant true
      %reduce_sum3A_939 = vector.broadcast %reduce_sum3A_938 : i1 to vector<16xi1>
      %reduce_sum3A_940 = tpu.scan <sum>, %get3A_937 masked %reduce_sum3A_939 : vector<16xi32>, vector<16xi1> -> vector<16xi32>
      %reduce_sum3A_941 = vector.extract %reduce_sum3A_940[15] : i32 from vector<16xi32>
      %add3A_942 = arith.constant 128 : i32
      %add3A_943 = arith.addi %mul3A_877, %add3A_942 : i32
      %get3A_944 = arith.index_cast %add3A_943 : i32 to index
      %get3A_945 = tpu.vector_load %arg6[%get3A_944] {strides = array<i32>} : memref<1024xi32, #tpu.memory_space<vmem>>, vector<16xi32>,
      %reduce_sum3A_946 = arith.constant true
      %reduce_sum3A_947 = vector.broadcast %reduce_sum3A_946 : i1 to vector<16xi1>
      %reduce_sum3A_948 = tpu.scan <sum>, %get3A_945 masked %reduce_sum3A_947 : vector<16xi32>, vector<16xi1> -> vector<16xi32>
      %reduce_sum3A_949 = vector.extract %reduce_sum3A_948[15] : i32 from vector<16xi32>
      %add3A_950 = arith.constant 144 : i32
      %add3A_951 = arith.addi %mul3A_877, %add3A_950 : i32
      %get3A_952 = arith.index_cast %add3A_951 : i32 to index
      %get3A_953 = tpu.vector_load %arg6[%get3A_952] {strides = array<i32>} : memref<1024xi32, #tpu.memory_space<vmem>>, vector<16xi32>,
      %reduce_sum3A_954 = arith.constant true
      %reduce_sum3A_955 = vector.broadcast %reduce_sum3A_954 : i1 to vector<16xi1>
      %reduce_sum3A_956 = tpu.scan <sum>, %get3A_953 masked %reduce_sum3A_955 : vector<16xi32>, vector<16xi1> -> vector<16xi32>
      %reduce_sum3A_957 = vector.extract %reduce_sum3A_956[15] : i32 from vector<16xi32>
      %add3A_958 = arith.constant 160 : i32
      %add3A_959 = arith.addi %mul3A_877, %add3A_958 : i32
      %get3A_960 = arith.index_cast %add3A_959 : i32 to index
      %get3A_961 = tpu.vector_load %arg6[%get3A_960] {strides = array<i32>} : memref<1024xi32, #tpu.memory_space<vmem>>, vector<16xi32>,
      %reduce_sum3A_962 = arith.constant true
      %reduce_sum3A_963 = vector.broadcast %reduce_sum3A_962 : i1 to vector<16xi1>
      %reduce_sum3A_964 = tpu.scan <sum>, %get3A_961 masked %reduce_sum3A_963 : vector<16xi32>, vector<16xi1> -> vector<16xi32>
      %reduce_sum3A_965 = vector.extract %reduce_sum3A_964[15] : i32 from vector<16xi32>
      %add3A_966 = arith.constant 176 : i32
      %add3A_967 = arith.addi %mul3A_877, %add3A_966 : i32
      %get3A_968 = arith.index_cast %add3A_967 : i32 to index
      %get3A_969 = tpu.vector_load %arg6[%get3A_968] {strides = array<i32>} : memref<1024xi32, #tpu.memory_space<vmem>>, vector<16xi32>,
      %reduce_sum3A_970 = arith.constant true
      %reduce_sum3A_971 = vector.broadcast %reduce_sum3A_970 : i1 to vector<16xi1>
      %reduce_sum3A_972 = tpu.scan <sum>, %get3A_969 masked %reduce_sum3A_971 : vector<16xi32>, vector<16xi1> -> vector<16xi32>
      %reduce_sum3A_973 = vector.extract %reduce_sum3A_972[15] : i32 from vector<16xi32>
      %add3A_974 = arith.constant 192 : i32
      %add3A_975 = arith.addi %mul3A_877, %add3A_974 : i32
      %get3A_976 = arith.index_cast %add3A_975 : i32 to index
      %get3A_977 = tpu.vector_load %arg6[%get3A_976] {strides = array<i32>} : memref<1024xi32, #tpu.memory_space<vmem>>, vector<16xi32>,
      %reduce_sum3A_978 = arith.constant true
      %reduce_sum3A_979 = vector.broadcast %reduce_sum3A_978 : i1 to vector<16xi1>
      %reduce_sum3A_980 = tpu.scan <sum>, %get3A_977 masked %reduce_sum3A_979 : vector<16xi32>, vector<16xi1> -> vector<16xi32>
      %reduce_sum3A_981 = vector.extract %reduce_sum3A_980[15] : i32 from vector<16xi32>
      %add3A_982 = arith.constant 208 : i32
      %add3A_983 = arith.addi %mul3A_877, %add3A_982 : i32
      %get3A_984 = arith.index_cast %add3A_983 : i32 to index
      %get3A_985 = tpu.vector_load %arg6[%get3A_984] {strides = array<i32>} : memref<1024xi32, #tpu.memory_space<vmem>>, vector<16xi32>,
      %reduce_sum3A_986 = arith.constant true
      %reduce_sum3A_987 = vector.broadcast %reduce_sum3A_986 : i1 to vector<16xi1>
      %reduce_sum3A_988 = tpu.scan <sum>, %get3A_985 masked %reduce_sum3A_987 : vector<16xi32>, vector<16xi1> -> vector<16xi32>
      %reduce_sum3A_989 = vector.extract %reduce_sum3A_988[15] : i32 from vector<16xi32>
      %add3A_990 = arith.constant 224 : i32
      %add3A_991 = arith.addi %mul3A_877, %add3A_990 : i32
      %get3A_992 = arith.index_cast %add3A_991 : i32 to index
      %get3A_993 = tpu.vector_load %arg6[%get3A_992] {strides = array<i32>} : memref<1024xi32, #tpu.memory_space<vmem>>, vector<16xi32>,
      %reduce_sum3A_994 = arith.constant true
      %reduce_sum3A_995 = vector.broadcast %reduce_sum3A_994 : i1 to vector<16xi1>
      %reduce_sum3A_996 = tpu.scan <sum>, %get3A_993 masked %reduce_sum3A_995 : vector<16xi32>, vector<16xi1> -> vector<16xi32>
      %reduce_sum3A_997 = vector.extract %reduce_sum3A_996[15] : i32 from vector<16xi32>
      %add3A_998 = arith.constant 240 : i32
      %add3A_999 = arith.addi %mul3A_877, %add3A_998 : i32
      %get3A_1000 = arith.index_cast %add3A_999 : i32 to index
      %get3A_1001 = tpu.vector_load %arg6[%get3A_1000] {strides = array<i32>} : memref<1024xi32, #tpu.memory_space<vmem>>, vector<16xi32>,
      %reduce_sum3A_1002 = arith.constant true
      %reduce_sum3A_1003 = vector.broadcast %reduce_sum3A_1002 : i1 to vector<16xi1>
      %reduce_sum3A_1004 = tpu.scan <sum>, %get3A_1001 masked %reduce_sum3A_1003 : vector<16xi32>, vector<16xi1> -> vector<16xi32>
      %reduce_sum3A_1005 = vector.extract %reduce_sum3A_1004[15] : i32 from vector<16xi32>
      %swap3A_1006 = arith.constant 0 : index
      %swap3A_1007 = tpu.vector_load %arg6[%swap3A_1006] {strides = array<i32>} : memref<1024xi32, #tpu.memory_space<vmem>>, vector<16xi32>,
      tpu.vector_store %arg6[%swap3A_1006], %broadcast_in_dim3A_7 {strides = array<i32>} : memref<1024xi32, #tpu.memory_space<vmem>>, vector<16xi32>,
      %swap3A_1008 = arith.constant 16 : index
      %swap3A_1009 = tpu.vector_load %arg6[%swap3A_1008] {strides = array<i32>} : memref<1024xi32, #tpu.memory_space<vmem>>, vector<16xi32>,
      tpu.vector_store %arg6[%swap3A_1008], %broadcast_in_dim3A_7 {strides = array<i32>} : memref<1024xi32, #tpu.memory_space<vmem>>, vector<16xi32>,
      %swap3A_1010 = arith.constant 32 : index
      %swap3A_1011 = tpu.vector_load %arg6[%swap3A_1010] {strides = array<i32>} : memref<1024xi32, #tpu.memory_space<vmem>>, vector<16xi32>,
      tpu.vector_store %arg6[%swap3A_1010], %broadcast_in_dim3A_7 {strides = array<i32>} : memref<1024xi32, #tpu.memory_space<vmem>>, vector<16xi32>,
      %swap3A_1012 = arith.constant 48 : index
      %swap3A_1013 = tpu.vector_load %arg6[%swap3A_1012] {strides = array<i32>} : memref<1024xi32, #tpu.memory_space<vmem>>, vector<16xi32>,
      tpu.vector_store %arg6[%swap3A_1012], %broadcast_in_dim3A_7 {strides = array<i32>} : memref<1024xi32, #tpu.memory_space<vmem>>, vector<16xi32>,
      %swap3A_1014 = arith.constant 64 : index
      %swap3A_1015 = tpu.vector_load %arg6[%swap3A_1014] {strides = array<i32>} : memref<1024xi32, #tpu.memory_space<vmem>>, vector<16xi32>,
      tpu.vector_store %arg6[%swap3A_1014], %broadcast_in_dim3A_7 {strides = array<i32>} : memref<1024xi32, #tpu.memory_space<vmem>>, vector<16xi32>,
      %swap3A_1016 = arith.constant 80 : index
      %swap3A_1017 = tpu.vector_load %arg6[%swap3A_1016] {strides = array<i32>} : memref<1024xi32, #tpu.memory_space<vmem>>, vector<16xi32>,
      tpu.vector_store %arg6[%swap3A_1016], %broadcast_in_dim3A_7 {strides = array<i32>} : memref<1024xi32, #tpu.memory_space<vmem>>, vector<16xi32>,
      %swap3A_1018 = arith.constant 96 : index
      %swap3A_1019 = tpu.vector_load %arg6[%swap3A_1018] {strides = array<i32>} : memref<1024xi32, #tpu.memory_space<vmem>>, vector<16xi32>,
      tpu.vector_store %arg6[%swap3A_1018], %broadcast_in_dim3A_7 {strides = array<i32>} : memref<1024xi32, #tpu.memory_space<vmem>>, vector<16xi32>,
      %swap3A_1020 = arith.constant 112 : index
      %swap3A_1021 = tpu.vector_load %arg6[%swap3A_1020] {strides = array<i32>} : memref<1024xi32, #tpu.memory_space<vmem>>, vector<16xi32>,
      tpu.vector_store %arg6[%swap3A_1020], %broadcast_in_dim3A_7 {strides = array<i32>} : memref<1024xi32, #tpu.memory_space<vmem>>, vector<16xi32>,
      %swap3A_1022 = arith.constant 128 : index
      %swap3A_1023 = tpu.vector_load %arg6[%swap3A_1022] {strides = array<i32>} : memref<1024xi32, #tpu.memory_space<vmem>>, vector<16xi32>,
      tpu.vector_store %arg6[%swap3A_1022], %broadcast_in_dim3A_7 {strides = array<i32>} : memref<1024xi32, #tpu.memory_space<vmem>>, vector<16xi32>,
      %swap3A_1024 = arith.constant 144 : index
      %swap3A_1025 = tpu.vector_load %arg6[%swap3A_1024] {strides = array<i32>} : memref<1024xi32, #tpu.memory_space<vmem>>, vector<16xi32>,
      tpu.vector_store %arg6[%swap3A_1024], %broadcast_in_dim3A_7 {strides = array<i32>} : memref<1024xi32, #tpu.memory_space<vmem>>, vector<16xi32>,
      %swap3A_1026 = arith.constant 160 : index
      %swap3A_1027 = tpu.vector_load %arg6[%swap3A_1026] {strides = array<i32>} : memref<1024xi32, #tpu.memory_space<vmem>>, vector<16xi32>,
      tpu.vector_store %arg6[%swap3A_1026], %broadcast_in_dim3A_7 {strides = array<i32>} : memref<1024xi32, #tpu.memory_space<vmem>>, vector<16xi32>,
      %swap3A_1028 = arith.constant 176 : index
      %swap3A_1029 = tpu.vector_load %arg6[%swap3A_1028] {strides = array<i32>} : memref<1024xi32, #tpu.memory_space<vmem>>, vector<16xi32>,
      tpu.vector_store %arg6[%swap3A_1028], %broadcast_in_dim3A_7 {strides = array<i32>} : memref<1024xi32, #tpu.memory_space<vmem>>, vector<16xi32>,
      %swap3A_1030 = arith.constant 192 : index
      %swap3A_1031 = tpu.vector_load %arg6[%swap3A_1030] {strides = array<i32>} : memref<1024xi32, #tpu.memory_space<vmem>>, vector<16xi32>,
      tpu.vector_store %arg6[%swap3A_1030], %broadcast_in_dim3A_7 {strides = array<i32>} : memref<1024xi32, #tpu.memory_space<vmem>>, vector<16xi32>,
      %swap3A_1032 = arith.constant 208 : index
      %swap3A_1033 = tpu.vector_load %arg6[%swap3A_1032] {strides = array<i32>} : memref<1024xi32, #tpu.memory_space<vmem>>, vector<16xi32>,
      tpu.vector_store %arg6[%swap3A_1032], %broadcast_in_dim3A_7 {strides = array<i32>} : memref<1024xi32, #tpu.memory_space<vmem>>, vector<16xi32>,
      %swap3A_1034 = arith.constant 224 : index
      %swap3A_1035 = tpu.vector_load %arg6[%swap3A_1034] {strides = array<i32>} : memref<1024xi32, #tpu.memory_space<vmem>>, vector<16xi32>,
      tpu.vector_store %arg6[%swap3A_1034], %broadcast_in_dim3A_7 {strides = array<i32>} : memref<1024xi32, #tpu.memory_space<vmem>>, vector<16xi32>,
      %swap3A_1036 = arith.constant 240 : index
      %swap3A_1037 = tpu.vector_load %arg6[%swap3A_1036] {strides = array<i32>} : memref<1024xi32, #tpu.memory_space<vmem>>, vector<16xi32>,
      tpu.vector_store %arg6[%swap3A_1036], %broadcast_in_dim3A_7 {strides = array<i32>} : memref<1024xi32, #tpu.memory_space<vmem>>, vector<16xi32>,
      %swap3A_1038 = arith.constant 256 : index
      %swap3A_1039 = tpu.vector_load %arg6[%swap3A_1038] {strides = array<i32>} : memref<1024xi32, #tpu.memory_space<vmem>>, vector<16xi32>,
      tpu.vector_store %arg6[%swap3A_1038], %broadcast_in_dim3A_7 {strides = array<i32>} : memref<1024xi32, #tpu.memory_space<vmem>>, vector<16xi32>,
      %swap3A_1040 = arith.constant 272 : index
      %swap3A_1041 = tpu.vector_load %arg6[%swap3A_1040] {strides = array<i32>} : memref<1024xi32, #tpu.memory_space<vmem>>, vector<16xi32>,
      tpu.vector_store %arg6[%swap3A_1040], %broadcast_in_dim3A_7 {strides = array<i32>} : memref<1024xi32, #tpu.memory_space<vmem>>, vector<16xi32>,
      %swap3A_1042 = arith.constant 288 : index
      %swap3A_1043 = tpu.vector_load %arg6[%swap3A_1042] {strides = array<i32>} : memref<1024xi32, #tpu.memory_space<vmem>>, vector<16xi32>,
      tpu.vector_store %arg6[%swap3A_1042], %broadcast_in_dim3A_7 {strides = array<i32>} : memref<1024xi32, #tpu.memory_space<vmem>>, vector<16xi32>,
      %swap3A_1044 = arith.constant 304 : index
      %swap3A_1045 = tpu.vector_load %arg6[%swap3A_1044] {strides = array<i32>} : memref<1024xi32, #tpu.memory_space<vmem>>, vector<16xi32>,
      tpu.vector_store %arg6[%swap3A_1044], %broadcast_in_dim3A_7 {strides = array<i32>} : memref<1024xi32, #tpu.memory_space<vmem>>, vector<16xi32>,
      %swap3A_1046 = arith.constant 320 : index
      %swap3A_1047 = tpu.vector_load %arg6[%swap3A_1046] {strides = array<i32>} : memref<1024xi32, #tpu.memory_space<vmem>>, vector<16xi32>,
      tpu.vector_store %arg6[%swap3A_1046], %broadcast_in_dim3A_7 {strides = array<i32>} : memref<1024xi32, #tpu.memory_space<vmem>>, vector<16xi32>,
      %swap3A_1048 = arith.constant 336 : index
      %swap3A_1049 = tpu.vector_load %arg6[%swap3A_1048] {strides = array<i32>} : memref<1024xi32, #tpu.memory_space<vmem>>, vector<16xi32>,
      tpu.vector_store %arg6[%swap3A_1048], %broadcast_in_dim3A_7 {strides = array<i32>} : memref<1024xi32, #tpu.memory_space<vmem>>, vector<16xi32>,
      %swap3A_1050 = arith.constant 352 : index
      %swap3A_1051 = tpu.vector_load %arg6[%swap3A_1050] {strides = array<i32>} : memref<1024xi32, #tpu.memory_space<vmem>>, vector<16xi32>,
      tpu.vector_store %arg6[%swap3A_1050], %broadcast_in_dim3A_7 {strides = array<i32>} : memref<1024xi32, #tpu.memory_space<vmem>>, vector<16xi32>,
      %swap3A_1052 = arith.constant 368 : index
      %swap3A_1053 = tpu.vector_load %arg6[%swap3A_1052] {strides = array<i32>} : memref<1024xi32, #tpu.memory_space<vmem>>, vector<16xi32>,
      tpu.vector_store %arg6[%swap3A_1052], %broadcast_in_dim3A_7 {strides = array<i32>} : memref<1024xi32, #tpu.memory_space<vmem>>, vector<16xi32>,
      %swap3A_1054 = arith.constant 384 : index
      %swap3A_1055 = tpu.vector_load %arg6[%swap3A_1054] {strides = array<i32>} : memref<1024xi32, #tpu.memory_space<vmem>>, vector<16xi32>,
      tpu.vector_store %arg6[%swap3A_1054], %broadcast_in_dim3A_7 {strides = array<i32>} : memref<1024xi32, #tpu.memory_space<vmem>>, vector<16xi32>,
      %swap3A_1056 = arith.constant 400 : index
      %swap3A_1057 = tpu.vector_load %arg6[%swap3A_1056] {strides = array<i32>} : memref<1024xi32, #tpu.memory_space<vmem>>, vector<16xi32>,
      tpu.vector_store %arg6[%swap3A_1056], %broadcast_in_dim3A_7 {strides = array<i32>} : memref<1024xi32, #tpu.memory_space<vmem>>, vector<16xi32>,
      %swap3A_1058 = arith.constant 416 : index
      %swap3A_1059 = tpu.vector_load %arg6[%swap3A_1058] {strides = array<i32>} : memref<1024xi32, #tpu.memory_space<vmem>>, vector<16xi32>,
      tpu.vector_store %arg6[%swap3A_1058], %broadcast_in_dim3A_7 {strides = array<i32>} : memref<1024xi32, #tpu.memory_space<vmem>>, vector<16xi32>,
      %swap3A_1060 = arith.constant 432 : index
      %swap3A_1061 = tpu.vector_load %arg6[%swap3A_1060] {strides = array<i32>} : memref<1024xi32, #tpu.memory_space<vmem>>, vector<16xi32>,
      tpu.vector_store %arg6[%swap3A_1060], %broadcast_in_dim3A_7 {strides = array<i32>} : memref<1024xi32, #tpu.memory_space<vmem>>, vector<16xi32>,
      %swap3A_1062 = arith.constant 448 : index
      %swap3A_1063 = tpu.vector_load %arg6[%swap3A_1062] {strides = array<i32>} : memref<1024xi32, #tpu.memory_space<vmem>>, vector<16xi32>,
      tpu.vector_store %arg6[%swap3A_1062], %broadcast_in_dim3A_7 {strides = array<i32>} : memref<1024xi32, #tpu.memory_space<vmem>>, vector<16xi32>,
      %swap3A_1064 = arith.constant 464 : index
      %swap3A_1065 = tpu.vector_load %arg6[%swap3A_1064] {strides = array<i32>} : memref<1024xi32, #tpu.memory_space<vmem>>, vector<16xi32>,
      tpu.vector_store %arg6[%swap3A_1064], %broadcast_in_dim3A_7 {strides = array<i32>} : memref<1024xi32, #tpu.memory_space<vmem>>, vector<16xi32>,
      %swap3A_1066 = arith.constant 480 : index
      %swap3A_1067 = tpu.vector_load %arg6[%swap3A_1066] {strides = array<i32>} : memref<1024xi32, #tpu.memory_space<vmem>>, vector<16xi32>,
      tpu.vector_store %arg6[%swap3A_1066], %broadcast_in_dim3A_7 {strides = array<i32>} : memref<1024xi32, #tpu.memory_space<vmem>>, vector<16xi32>,
      %swap3A_1068 = arith.constant 496 : index
      %swap3A_1069 = tpu.vector_load %arg6[%swap3A_1068] {strides = array<i32>} : memref<1024xi32, #tpu.memory_space<vmem>>, vector<16xi32>,
      tpu.vector_store %arg6[%swap3A_1068], %broadcast_in_dim3A_7 {strides = array<i32>} : memref<1024xi32, #tpu.memory_space<vmem>>, vector<16xi32>,
      %swap3A_1070 = arith.constant 512 : index
      %swap3A_1071 = tpu.vector_load %arg6[%swap3A_1070] {strides = array<i32>} : memref<1024xi32, #tpu.memory_space<vmem>>, vector<16xi32>,
      tpu.vector_store %arg6[%swap3A_1070], %broadcast_in_dim3A_7 {strides = array<i32>} : memref<1024xi32, #tpu.memory_space<vmem>>, vector<16xi32>,
      %swap3A_1072 = arith.constant 528 : index
      %swap3A_1073 = tpu.vector_load %arg6[%swap3A_1072] {strides = array<i32>} : memref<1024xi32, #tpu.memory_space<vmem>>, vector<16xi32>,
      tpu.vector_store %arg6[%swap3A_1072], %broadcast_in_dim3A_7 {strides = array<i32>} : memref<1024xi32, #tpu.memory_space<vmem>>, vector<16xi32>,
      %swap3A_1074 = arith.constant 544 : index
      %swap3A_1075 = tpu.vector_load %arg6[%swap3A_1074] {strides = array<i32>} : memref<1024xi32, #tpu.memory_space<vmem>>, vector<16xi32>,
      tpu.vector_store %arg6[%swap3A_1074], %broadcast_in_dim3A_7 {strides = array<i32>} : memref<1024xi32, #tpu.memory_space<vmem>>, vector<16xi32>,
      %swap3A_1076 = arith.constant 560 : index
      %swap3A_1077 = tpu.vector_load %arg6[%swap3A_1076] {strides = array<i32>} : memref<1024xi32, #tpu.memory_space<vmem>>, vector<16xi32>,
      tpu.vector_store %arg6[%swap3A_1076], %broadcast_in_dim3A_7 {strides = array<i32>} : memref<1024xi32, #tpu.memory_space<vmem>>, vector<16xi32>,
      %swap3A_1078 = arith.constant 576 : index
      %swap3A_1079 = tpu.vector_load %arg6[%swap3A_1078] {strides = array<i32>} : memref<1024xi32, #tpu.memory_space<vmem>>, vector<16xi32>,
      tpu.vector_store %arg6[%swap3A_1078], %broadcast_in_dim3A_7 {strides = array<i32>} : memref<1024xi32, #tpu.memory_space<vmem>>, vector<16xi32>,
      %swap3A_1080 = arith.constant 592 : index
      %swap3A_1081 = tpu.vector_load %arg6[%swap3A_1080] {strides = array<i32>} : memref<1024xi32, #tpu.memory_space<vmem>>, vector<16xi32>,
      tpu.vector_store %arg6[%swap3A_1080], %broadcast_in_dim3A_7 {strides = array<i32>} : memref<1024xi32, #tpu.memory_space<vmem>>, vector<16xi32>,
      %swap3A_1082 = arith.constant 608 : index
      %swap3A_1083 = tpu.vector_load %arg6[%swap3A_1082] {strides = array<i32>} : memref<1024xi32, #tpu.memory_space<vmem>>, vector<16xi32>,
      tpu.vector_store %arg6[%swap3A_1082], %broadcast_in_dim3A_7 {strides = array<i32>} : memref<1024xi32, #tpu.memory_space<vmem>>, vector<16xi32>,
      %swap3A_1084 = arith.constant 624 : index
      %swap3A_1085 = tpu.vector_load %arg6[%swap3A_1084] {strides = array<i32>} : memref<1024xi32, #tpu.memory_space<vmem>>, vector<16xi32>,
      tpu.vector_store %arg6[%swap3A_1084], %broadcast_in_dim3A_7 {strides = array<i32>} : memref<1024xi32, #tpu.memory_space<vmem>>, vector<16xi32>,
      %swap3A_1086 = arith.constant 640 : index
      %swap3A_1087 = tpu.vector_load %arg6[%swap3A_1086] {strides = array<i32>} : memref<1024xi32, #tpu.memory_space<vmem>>, vector<16xi32>,
      tpu.vector_store %arg6[%swap3A_1086], %broadcast_in_dim3A_7 {strides = array<i32>} : memref<1024xi32, #tpu.memory_space<vmem>>, vector<16xi32>,
      %swap3A_1088 = arith.constant 656 : index
      %swap3A_1089 = tpu.vector_load %arg6[%swap3A_1088] {strides = array<i32>} : memref<1024xi32, #tpu.memory_space<vmem>>, vector<16xi32>,
      tpu.vector_store %arg6[%swap3A_1088], %broadcast_in_dim3A_7 {strides = array<i32>} : memref<1024xi32, #tpu.memory_space<vmem>>, vector<16xi32>,
      %swap3A_1090 = arith.constant 672 : index
      %swap3A_1091 = tpu.vector_load %arg6[%swap3A_1090] {strides = array<i32>} : memref<1024xi32, #tpu.memory_space<vmem>>, vector<16xi32>,
      tpu.vector_store %arg6[%swap3A_1090], %broadcast_in_dim3A_7 {strides = array<i32>} : memref<1024xi32, #tpu.memory_space<vmem>>, vector<16xi32>,
      %swap3A_1092 = arith.constant 688 : index
      %swap3A_1093 = tpu.vector_load %arg6[%swap3A_1092] {strides = array<i32>} : memref<1024xi32, #tpu.memory_space<vmem>>, vector<16xi32>,
      tpu.vector_store %arg6[%swap3A_1092], %broadcast_in_dim3A_7 {strides = array<i32>} : memref<1024xi32, #tpu.memory_space<vmem>>, vector<16xi32>,
      %swap3A_1094 = arith.constant 704 : index
      %swap3A_1095 = tpu.vector_load %arg6[%swap3A_1094] {strides = array<i32>} : memref<1024xi32, #tpu.memory_space<vmem>>, vector<16xi32>,
      tpu.vector_store %arg6[%swap3A_1094], %broadcast_in_dim3A_7 {strides = array<i32>} : memref<1024xi32, #tpu.memory_space<vmem>>, vector<16xi32>,
      %swap3A_1096 = arith.constant 720 : index
      %swap3A_1097 = tpu.vector_load %arg6[%swap3A_1096] {strides = array<i32>} : memref<1024xi32, #tpu.memory_space<vmem>>, vector<16xi32>,
      tpu.vector_store %arg6[%swap3A_1096], %broadcast_in_dim3A_7 {strides = array<i32>} : memref<1024xi32, #tpu.memory_space<vmem>>, vector<16xi32>,
      %swap3A_1098 = arith.constant 736 : index
      %swap3A_1099 = tpu.vector_load %arg6[%swap3A_1098] {strides = array<i32>} : memref<1024xi32, #tpu.memory_space<vmem>>, vector<16xi32>,
      tpu.vector_store %arg6[%swap3A_1098], %broadcast_in_dim3A_7 {strides = array<i32>} : memref<1024xi32, #tpu.memory_space<vmem>>, vector<16xi32>,
      %swap3A_1100 = arith.constant 752 : index
      %swap3A_1101 = tpu.vector_load %arg6[%swap3A_1100] {strides = array<i32>} : memref<1024xi32, #tpu.memory_space<vmem>>, vector<16xi32>,
      tpu.vector_store %arg6[%swap3A_1100], %broadcast_in_dim3A_7 {strides = array<i32>} : memref<1024xi32, #tpu.memory_space<vmem>>, vector<16xi32>,
      %swap3A_1102 = arith.constant 768 : index
      %swap3A_1103 = tpu.vector_load %arg6[%swap3A_1102] {strides = array<i32>} : memref<1024xi32, #tpu.memory_space<vmem>>, vector<16xi32>,
      tpu.vector_store %arg6[%swap3A_1102], %broadcast_in_dim3A_7 {strides = array<i32>} : memref<1024xi32, #tpu.memory_space<vmem>>, vector<16xi32>,
      %swap3A_1104 = arith.constant 784 : index
      %swap3A_1105 = tpu.vector_load %arg6[%swap3A_1104] {strides = array<i32>} : memref<1024xi32, #tpu.memory_space<vmem>>, vector<16xi32>,
      tpu.vector_store %arg6[%swap3A_1104], %broadcast_in_dim3A_7 {strides = array<i32>} : memref<1024xi32, #tpu.memory_space<vmem>>, vector<16xi32>,
      %swap3A_1106 = arith.constant 800 : index
      %swap3A_1107 = tpu.vector_load %arg6[%swap3A_1106] {strides = array<i32>} : memref<1024xi32, #tpu.memory_space<vmem>>, vector<16xi32>,
      tpu.vector_store %arg6[%swap3A_1106], %broadcast_in_dim3A_7 {strides = array<i32>} : memref<1024xi32, #tpu.memory_space<vmem>>, vector<16xi32>,
      %swap3A_1108 = arith.constant 816 : index
      %swap3A_1109 = tpu.vector_load %arg6[%swap3A_1108] {strides = array<i32>} : memref<1024xi32, #tpu.memory_space<vmem>>, vector<16xi32>,
      tpu.vector_store %arg6[%swap3A_1108], %broadcast_in_dim3A_7 {strides = array<i32>} : memref<1024xi32, #tpu.memory_space<vmem>>, vector<16xi32>,
      %swap3A_1110 = arith.constant 832 : index
      %swap3A_1111 = tpu.vector_load %arg6[%swap3A_1110] {strides = array<i32>} : memref<1024xi32, #tpu.memory_space<vmem>>, vector<16xi32>,
      tpu.vector_store %arg6[%swap3A_1110], %broadcast_in_dim3A_7 {strides = array<i32>} : memref<1024xi32, #tpu.memory_space<vmem>>, vector<16xi32>,
      %swap3A_1112 = arith.constant 848 : index
      %swap3A_1113 = tpu.vector_load %arg6[%swap3A_1112] {strides = array<i32>} : memref<1024xi32, #tpu.memory_space<vmem>>, vector<16xi32>,
      tpu.vector_store %arg6[%swap3A_1112], %broadcast_in_dim3A_7 {strides = array<i32>} : memref<1024xi32, #tpu.memory_space<vmem>>, vector<16xi32>,
      %swap3A_1114 = arith.constant 864 : index
      %swap3A_1115 = tpu.vector_load %arg6[%swap3A_1114] {strides = array<i32>} : memref<1024xi32, #tpu.memory_space<vmem>>, vector<16xi32>,
      tpu.vector_store %arg6[%swap3A_1114], %broadcast_in_dim3A_7 {strides = array<i32>} : memref<1024xi32, #tpu.memory_space<vmem>>, vector<16xi32>,
      %swap3A_1116 = arith.constant 880 : index
      %swap3A_1117 = tpu.vector_load %arg6[%swap3A_1116] {strides = array<i32>} : memref<1024xi32, #tpu.memory_space<vmem>>, vector<16xi32>,
      tpu.vector_store %arg6[%swap3A_1116], %broadcast_in_dim3A_7 {strides = array<i32>} : memref<1024xi32, #tpu.memory_space<vmem>>, vector<16xi32>,
      %swap3A_1118 = arith.constant 896 : index
      %swap3A_1119 = tpu.vector_load %arg6[%swap3A_1118] {strides = array<i32>} : memref<1024xi32, #tpu.memory_space<vmem>>, vector<16xi32>,
      tpu.vector_store %arg6[%swap3A_1118], %broadcast_in_dim3A_7 {strides = array<i32>} : memref<1024xi32, #tpu.memory_space<vmem>>, vector<16xi32>,
      %swap3A_1120 = arith.constant 912 : index
      %swap3A_1121 = tpu.vector_load %arg6[%swap3A_1120] {strides = array<i32>} : memref<1024xi32, #tpu.memory_space<vmem>>, vector<16xi32>,
      tpu.vector_store %arg6[%swap3A_1120], %broadcast_in_dim3A_7 {strides = array<i32>} : memref<1024xi32, #tpu.memory_space<vmem>>, vector<16xi32>,
      %swap3A_1122 = arith.constant 928 : index
      %swap3A_1123 = tpu.vector_load %arg6[%swap3A_1122] {strides = array<i32>} : memref<1024xi32, #tpu.memory_space<vmem>>, vector<16xi32>,
      tpu.vector_store %arg6[%swap3A_1122], %broadcast_in_dim3A_7 {strides = array<i32>} : memref<1024xi32, #tpu.memory_space<vmem>>, vector<16xi32>,
      %swap3A_1124 = arith.constant 944 : index
      %swap3A_1125 = tpu.vector_load %arg6[%swap3A_1124] {strides = array<i32>} : memref<1024xi32, #tpu.memory_space<vmem>>, vector<16xi32>,
      tpu.vector_store %arg6[%swap3A_1124], %broadcast_in_dim3A_7 {strides = array<i32>} : memref<1024xi32, #tpu.memory_space<vmem>>, vector<16xi32>,
      %swap3A_1126 = arith.constant 960 : index
      %swap3A_1127 = tpu.vector_load %arg6[%swap3A_1126] {strides = array<i32>} : memref<1024xi32, #tpu.memory_space<vmem>>, vector<16xi32>,
      tpu.vector_store %arg6[%swap3A_1126], %broadcast_in_dim3A_7 {strides = array<i32>} : memref<1024xi32, #tpu.memory_space<vmem>>, vector<16xi32>,
      %swap3A_1128 = arith.constant 976 : index
      %swap3A_1129 = tpu.vector_load %arg6[%swap3A_1128] {strides = array<i32>} : memref<1024xi32, #tpu.memory_space<vmem>>, vector<16xi32>,
      tpu.vector_store %arg6[%swap3A_1128], %broadcast_in_dim3A_7 {strides = array<i32>} : memref<1024xi32, #tpu.memory_space<vmem>>, vector<16xi32>,
      %swap3A_1130 = arith.constant 992 : index
      %swap3A_1131 = tpu.vector_load %arg6[%swap3A_1130] {strides = array<i32>} : memref<1024xi32, #tpu.memory_space<vmem>>, vector<16xi32>,
      tpu.vector_store %arg6[%swap3A_1130], %broadcast_in_dim3A_7 {strides = array<i32>} : memref<1024xi32, #tpu.memory_space<vmem>>, vector<16xi32>,
      %swap3A_1132 = arith.constant 1008 : index
      %swap3A_1133 = tpu.vector_load %arg6[%swap3A_1132] {strides = array<i32>} : memref<1024xi32, #tpu.memory_space<vmem>>, vector<16xi32>,
      tpu.vector_store %arg6[%swap3A_1132], %broadcast_in_dim3A_7 {strides = array<i32>} : memref<1024xi32, #tpu.memory_space<vmem>>, vector<16xi32>,
      %add3A_1134 = arith.addi %select_n3A_875, %reduce_sum3A_885 : i32
      %lt3A_1135 = arith.cmpi slt, %add3A_1134, %sub3A_639 : i32
      %convert_element_type3A_1136 = arith.extui %lt3A_1135 : i1 to i32
      %add3A_1137 = arith.constant 0 : i32
      %add3A_1138 = arith.addi %add3A_1137, %convert_element_type3A_1136 : i32
      %select_n3A_1139 = arith.select %lt3A_1135, %add3A_1134, %select_n3A_875 : i32
      %add3A_1140 = arith.addi %add3A_1134, %reduce_sum3A_893 : i32
      %lt3A_1141 = arith.cmpi slt, %add3A_1140, %sub3A_639 : i32
      %convert_element_type3A_1142 = arith.extui %lt3A_1141 : i1 to i32
      %add3A_1143 = arith.addi %add3A_1138, %convert_element_type3A_1142 : i32
      %select_n3A_1144 = arith.select %lt3A_1141, %add3A_1140, %select_n3A_1139 : i32
      %add3A_1145 = arith.addi %add3A_1140, %reduce_sum3A_901 : i32
      %lt3A_1146 = arith.cmpi slt, %add3A_1145, %sub3A_639 : i32
      %convert_element_type3A_1147 = arith.extui %lt3A_1146 : i1 to i32
      %add3A_1148 = arith.addi %add3A_1143, %convert_element_type3A_1147 : i32
      %select_n3A_1149 = arith.select %lt3A_1146, %add3A_1145, %select_n3A_1144 : i32
      %add3A_1150 = arith.addi %add3A_1145, %reduce_sum3A_909 : i32
      %lt3A_1151 = arith.cmpi slt, %add3A_1150, %sub3A_639 : i32
      %convert_element_type3A_1152 = arith.extui %lt3A_1151 : i1 to i32
      %add3A_1153 = arith.addi %add3A_1148, %convert_element_type3A_1152 : i32
      %select_n3A_1154 = arith.select %lt3A_1151, %add3A_1150, %select_n3A_1149 : i32
      %add3A_1155 = arith.addi %add3A_1150, %reduce_sum3A_917 : i32
      %lt3A_1156 = arith.cmpi slt, %add3A_1155, %sub3A_639 : i32
      %convert_element_type3A_1157 = arith.extui %lt3A_1156 : i1 to i32
      %add3A_1158 = arith.addi %add3A_1153, %convert_element_type3A_1157 : i32
      %select_n3A_1159 = arith.select %lt3A_1156, %add3A_1155, %select_n3A_1154 : i32
      %add3A_1160 = arith.addi %add3A_1155, %reduce_sum3A_925 : i32
      %lt3A_1161 = arith.cmpi slt, %add3A_1160, %sub3A_639 : i32
      %convert_element_type3A_1162 = arith.extui %lt3A_1161 : i1 to i32
      %add3A_1163 = arith.addi %add3A_1158, %convert_element_type3A_1162 : i32
      %select_n3A_1164 = arith.select %lt3A_1161, %add3A_1160, %select_n3A_1159 : i32
      %add3A_1165 = arith.addi %add3A_1160, %reduce_sum3A_933 : i32
      %lt3A_1166 = arith.cmpi slt, %add3A_1165, %sub3A_639 : i32
      %convert_element_type3A_1167 = arith.extui %lt3A_1166 : i1 to i32
      %add3A_1168 = arith.addi %add3A_1163, %convert_element_type3A_1167 : i32
      %select_n3A_1169 = arith.select %lt3A_1166, %add3A_1165, %select_n3A_1164 : i32
      %add3A_1170 = arith.addi %add3A_1165, %reduce_sum3A_941 : i32
      %lt3A_1171 = arith.cmpi slt, %add3A_1170, %sub3A_639 : i32
      %convert_element_type3A_1172 = arith.extui %lt3A_1171 : i1 to i32
      %add3A_1173 = arith.addi %add3A_1168, %convert_element_type3A_1172 : i32
      %select_n3A_1174 = arith.select %lt3A_1171, %add3A_1170, %select_n3A_1169 : i32
      %add3A_1175 = arith.addi %add3A_1170, %reduce_sum3A_949 : i32
      %lt3A_1176 = arith.cmpi slt, %add3A_1175, %sub3A_639 : i32
      %convert_element_type3A_1177 = arith.extui %lt3A_1176 : i1 to i32
      %add3A_1178 = arith.addi %add3A_1173, %convert_element_type3A_1177 : i32
      %select_n3A_1179 = arith.select %lt3A_1176, %add3A_1175, %select_n3A_1174 : i32
      %add3A_1180 = arith.addi %add3A_1175, %reduce_sum3A_957 : i32
      %lt3A_1181 = arith.cmpi slt, %add3A_1180, %sub3A_639 : i32
      %convert_element_type3A_1182 = arith.extui %lt3A_1181 : i1 to i32
      %add3A_1183 = arith.addi %add3A_1178, %convert_element_type3A_1182 : i32
      %select_n3A_1184 = arith.select %lt3A_1181, %add3A_1180, %select_n3A_1179 : i32
      %add3A_1185 = arith.addi %add3A_1180, %reduce_sum3A_965 : i32
      %lt3A_1186 = arith.cmpi slt, %add3A_1185, %sub3A_639 : i32
      %convert_element_type3A_1187 = arith.extui %lt3A_1186 : i1 to i32
      %add3A_1188 = arith.addi %add3A_1183, %convert_element_type3A_1187 : i32
      %select_n3A_1189 = arith.select %lt3A_1186, %add3A_1185, %select_n3A_1184 : i32
      %add3A_1190 = arith.addi %add3A_1185, %reduce_sum3A_973 : i32
      %lt3A_1191 = arith.cmpi slt, %add3A_1190, %sub3A_639 : i32
      %convert_element_type3A_1192 = arith.extui %lt3A_1191 : i1 to i32
      %add3A_1193 = arith.addi %add3A_1188, %convert_element_type3A_1192 : i32
      %select_n3A_1194 = arith.select %lt3A_1191, %add3A_1190, %select_n3A_1189 : i32
      %add3A_1195 = arith.addi %add3A_1190, %reduce_sum3A_981 : i32
      %lt3A_1196 = arith.cmpi slt, %add3A_1195, %sub3A_639 : i32
      %convert_element_type3A_1197 = arith.extui %lt3A_1196 : i1 to i32
      %add3A_1198 = arith.addi %add3A_1193, %convert_element_type3A_1197 : i32
      %select_n3A_1199 = arith.select %lt3A_1196, %add3A_1195, %select_n3A_1194 : i32
      %add3A_1200 = arith.addi %add3A_1195, %reduce_sum3A_989 : i32
      %lt3A_1201 = arith.cmpi slt, %add3A_1200, %sub3A_639 : i32
      %convert_element_type3A_1202 = arith.extui %lt3A_1201 : i1 to i32
      %add3A_1203 = arith.addi %add3A_1198, %convert_element_type3A_1202 : i32
      %select_n3A_1204 = arith.select %lt3A_1201, %add3A_1200, %select_n3A_1199 : i32
      %add3A_1205 = arith.addi %add3A_1200, %reduce_sum3A_997 : i32
      %lt3A_1206 = arith.cmpi slt, %add3A_1205, %sub3A_639 : i32
      %convert_element_type3A_1207 = arith.extui %lt3A_1206 : i1 to i32
      %add3A_1208 = arith.addi %add3A_1203, %convert_element_type3A_1207 : i32
      %select_n3A_1209 = arith.select %lt3A_1206, %add3A_1205, %select_n3A_1204 : i32
      %add3A_1210 = arith.addi %add3A_1205, %reduce_sum3A_1005 : i32
      %lt3A_1211 = arith.cmpi slt, %add3A_1210, %sub3A_639 : i32
      %convert_element_type3A_1212 = arith.extui %lt3A_1211 : i1 to i32
      %add3A_1213 = arith.addi %add3A_1208, %convert_element_type3A_1212 : i32
      %select_n3A_1214 = arith.select %lt3A_1211, %add3A_1210, %select_n3A_1209 : i32
      %mul3A_1215 = arith.constant 16 : i32
      %mul3A_1216 = arith.muli %add3A_874, %mul3A_1215 : i32
      %add3A_1217 = arith.addi %mul3A_1216, %add3A_1213 : i32
      %sub3A_1218 = arith.subi %sub3A_639, %select_n3A_1214 : i32
      %reduce_sum3A_1219 = arith.constant true
      %reduce_sum3A_1220 = vector.broadcast %reduce_sum3A_1219 : i1 to vector<16xi1>
      %reduce_sum3A_1221 = tpu.scan <sum>, %add3A_55 masked %reduce_sum3A_1220 : vector<16xf32>, vector<16xi1> -> vector<16xf32>
      %reduce_sum3A_1222 = vector.extract %reduce_sum3A_1221[15] : f32 from vector<16xf32>
      %broadcast_in_dim3A_1223 = vector.broadcast %reduce_sum3A_1222 : f32 to vector<16xf32>
      %mul3A_1224 = arith.constant 1.22070313E-4 : f32
      %mul3A_1225 = vector.broadcast %mul3A_1224 : f32 to vector<16xf32>
      %mul3A_1226 = arith.mulf %broadcast_in_dim3A_1223, %mul3A_1225 : vector<16xf32>
      %mul3A_1227 = arith.constant 64 : i32
      %mul3A_1228 = arith.muli %add3A_637, %mul3A_1227 : i32
      %add3A_1229 = arith.addi %mul3A_1228, %add3A_1217 : i32
      %broadcast_in_dim3A_1230 = vector.broadcast %add3A_1229 : i32 to vector<16xi32>
      %convert_element_type3A_1231 = arith.sitofp %broadcast_in_dim3A_1230 : vector<16xi32> to vector<16xf32>
      %mul3A_1232 = arith.constant 2.44140625E-4 : f32
      %mul3A_1233 = vector.broadcast %mul3A_1232 : f32 to vector<16xf32>
      %mul3A_1234 = arith.mulf %convert_element_type3A_1231, %mul3A_1233 : vector<16xf32>
      %add3A_1235 = arith.constant 1.22070313E-4 : f32
      %add3A_1236 = vector.broadcast %add3A_1235 : f32 to vector<16xf32>
      %add3A_1237 = arith.addf %mul3A_1234, %add3A_1236 : vector<16xf32>
      %sub3A_1238 = arith.constant 5.000000e-01 : f32
      %sub3A_1239 = vector.broadcast %sub3A_1238 : f32 to vector<16xf32>
      %sub3A_1240 = arith.subf %add3A_1237, %sub3A_1239 : vector<16xf32>
      %abs3A = math.absf %sub3A_1240 : vector<16xf32>
      %mul3A_1241 = arith.mulf %mul3A_1226, %abs3A : vector<16xf32>
      %gt3A = arith.constant 5.000000e-01 : f32
      %gt3A_1242 = vector.broadcast %gt3A : f32 to vector<16xf32>
      %gt3A_1243 = arith.cmpf ogt, %add3A_1237, %gt3A_1242 : vector<16xf32>
      %add3A_1244 = arith.constant 5.000000e-01 : f32
      %add3A_1245 = vector.broadcast %add3A_1244 : f32 to vector<16xf32>
      %add3A_1246 = arith.addf %add3A_1245, %mul3A_1241 : vector<16xf32>
      %add3A_1247 = arith.addf %add3A_1237, %mul3A_1241 : vector<16xf32>
      %select_n3A_1248 = arith.select %gt3A_1243, %add3A_1246, %add3A_1247 : vector<16xi1>, vector<16xf32>
      %mul3A_1249 = arith.constant 16 : i32
      %mul3A_1250 = arith.muli %mul3A_32, %mul3A_1249 : i32
      %swap3A_1251 = arith.index_cast %mul3A_1250 : i32 to index
      %swap3A_1252 = tpu.vector_load %arg7[%swap3A_1251] {strides = array<i32>} : memref<1024xf32, #tpu.memory_space<vmem>>, vector<16xf32>,
      tpu.vector_store %arg7[%swap3A_1251], %select_n3A_1248 {strides = array<i32>} : memref<1024xf32, #tpu.memory_space<vmem>>, vector<16xf32>,
      %add3A_1253 = arith.constant 2 : i32
      %add3A_1254 = arith.addi %mul3A_32, %add3A_1253 : i32
      %lt3A_1255 = arith.constant 64 : i32
      %lt3A_1256 = arith.cmpi slt, %add3A_1254, %lt3A_1255 : i32
      %convert_element_type3A_1257 = arith.extui %lt3A_1256 : i1 to i32
      %cond3A = arith.constant 0 : i32
      %cond3A_1258 = arith.cmpi ne, %convert_element_type3A_1257, %cond3A : i32
      scf.if %cond3A_1258 {
        %add3A_2485 = arith.addi %mul3A_2, %mul3A_32 : i32
        %add3A_2486 = arith.constant 2 : i32
        %add3A_2487 = arith.addi %add3A_2485, %add3A_2486 : i32
        %dma_start3A_2488 = arith.constant 0 : i32
        %dma_start3A_2489 = tpu.memref_slice %arg2[%add3A_2487, %dma_start3A_2488] : memref<2048x8192xf32, #tpu.memory_space<hbm>> -> memref<1x8192xf32, #tpu.memory_space<hbm>>
        %dma_start3A_2490 = tpu.memref_squeeze %dma_start3A_2489 : memref<1x8192xf32, #tpu.memory_space<hbm>> -> memref<8192xf32, #tpu.memory_space<hbm>>
        %dma_start3A_2491 = arith.constant 0 : i32
        %dma_start3A_2492 = tpu.memref_slice %arg2[%add3A_2487, %dma_start3A_2491] : memref<2048x8192xf32, #tpu.memory_space<hbm>> -> memref<1x8192xf32, #tpu.memory_space<hbm>>
        %dma_start3A_2493 = tpu.memref_squeeze %dma_start3A_2492 : memref<1x8192xf32, #tpu.memory_space<hbm>> -> memref<8192xf32, #tpu.memory_space<hbm>>
        tpu.enqueue_dma source(%dma_start3A_2493 : memref<8192xf32, #tpu.memory_space<hbm>>) target(%arg4 : memref<8192xf32, #tpu.memory_space<vmem>>) target_semaphore(%arg9 : memref<!tpu.dma_semaphore, #tpu.memory_space<semaphore_mem>>)
      } else {
      }
      %add3A_1259 = arith.addi %mul3A_2, %mul3A_32 : i32
      %add3A_1260 = arith.constant 1 : i32
      %add3A_1261 = arith.addi %add3A_1259, %add3A_1260 : i32
      %dma_wait3A_1262 = arith.constant 0 : i32
      %dma_wait3A_1263 = tpu.memref_slice %arg2[%add3A_1261, %dma_wait3A_1262] : memref<2048x8192xf32, #tpu.memory_space<hbm>> -> memref<1x8192xf32, #tpu.memory_space<hbm>>
      %dma_wait3A_1264 = tpu.memref_squeeze %dma_wait3A_1263 : memref<1x8192xf32, #tpu.memory_space<hbm>> -> memref<8192xf32, #tpu.memory_space<hbm>>
      %dma_wait3A_1265 = arith.constant 0 : i32
      %dma_wait3A_1266 = tpu.memref_slice %arg2[%add3A_1261, %dma_wait3A_1265] : memref<2048x8192xf32, #tpu.memory_space<hbm>> -> memref<1x8192xf32, #tpu.memory_space<hbm>>
      %dma_wait3A_1267 = tpu.memref_squeeze %dma_wait3A_1266 : memref<1x8192xf32, #tpu.memory_space<hbm>> -> memref<8192xf32, #tpu.memory_space<hbm>>
      tpu.wait_dma2 semaphore(%arg10 : memref<!tpu.dma_semaphore, #tpu.memory_space<semaphore_mem>>) src(%dma_wait3A_1267 : memref<8192xf32, #tpu.memory_space<hbm>>) dst(%arg5 : memref<8192xf32, #tpu.memory_space<vmem>>)
      %add3A_1268 = arith.constant 1 : i32
      %add3A_1269 = arith.addi %mul3A_32, %add3A_1268 : i32
      %broadcast_in_dim3A_1270 = arith.constant 0.000000e+00 : f32
      %broadcast_in_dim3A_1271 = vector.broadcast %broadcast_in_dim3A_1270 : f32 to vector<16xf32>
      %broadcast_in_dim3A_1272 = arith.constant 0.000000e+00 : f32
      %broadcast_in_dim3A_1273 = vector.broadcast %broadcast_in_dim3A_1272 : f32 to vector<16xf32>
      %parallel_loop3A_1274 = arith.constant 0 : i32
      %parallel_loop3A_1275 = arith.constant 512 : i32
      %parallel_loop3A_1276 = arith.constant 2 : i32
      %parallel_loop3A_1277:2 = scf.for %parallel_loop3A_2485 = %parallel_loop3A_1274 to %parallel_loop3A_1275 step %parallel_loop3A_1276 iter_args(%parallel_loop3A_2486 = %broadcast_in_dim3A_1271, %parallel_loop3A_2487 = %broadcast_in_dim3A_1273) -> (vector<16xf32>, vector<16xf32>)  : i32 {
        %parallel_loop3A_2488 = arith.constant 16 : i32
        %parallel_loop3A_2489 = arith.muli %parallel_loop3A_2485, %parallel_loop3A_2488 : i32
        %parallel_loop3A_2490 = arith.index_cast %parallel_loop3A_2489 : i32 to index
        %parallel_loop3A_2491 = tpu.vector_load %arg5[%parallel_loop3A_2490] {strides = array<i32>} : memref<8192xf32, #tpu.memory_space<vmem>>, vector<16xf32>,
        %parallel_loop3A_2492 = arith.constant 1 : i32
        %parallel_loop3A_2493 = arith.addi %parallel_loop3A_2485, %parallel_loop3A_2492 : i32
        %parallel_loop3A_2494 = arith.constant 16 : i32
        %parallel_loop3A_2495 = arith.muli %parallel_loop3A_2493, %parallel_loop3A_2494 : i32
        %parallel_loop3A_2496 = arith.index_cast %parallel_loop3A_2495 : i32 to index
        %parallel_loop3A_2497 = tpu.vector_load %arg5[%parallel_loop3A_2496] {strides = array<i32>} : memref<8192xf32, #tpu.memory_space<vmem>>, vector<16xf32>,
        %parallel_loop3A_2498 = arith.constant 6.400000e+01 : f32
        %parallel_loop3A_2499 = vector.broadcast %parallel_loop3A_2498 : f32 to vector<16xf32>
        %parallel_loop3A_2500 = arith.mulf %parallel_loop3A_2491, %parallel_loop3A_2499 : vector<16xf32>
        %parallel_loop3A_2501 = arith.fptosi %parallel_loop3A_2500 : vector<16xf32> to vector<16xi32>
        %parallel_loop3A_2502 = arith.constant 6.400000e+01 : f32
        %parallel_loop3A_2503 = vector.broadcast %parallel_loop3A_2502 : f32 to vector<16xf32>
        %parallel_loop3A_2504 = arith.mulf %parallel_loop3A_2497, %parallel_loop3A_2503 : vector<16xf32>
        %parallel_loop3A_2505 = arith.fptosi %parallel_loop3A_2504 : vector<16xf32> to vector<16xi32>
        %parallel_loop3A_2506 = arith.constant 16 : i32
        %parallel_loop3A_2507 = vector.broadcast %parallel_loop3A_2506 : i32 to vector<16xi32>
        %parallel_loop3A_2508 = arith.muli %parallel_loop3A_2501, %parallel_loop3A_2507 : vector<16xi32>
        %parallel_loop3A_2509 = arith.addi %parallel_loop3A_2508, %iota3A : vector<16xi32>
        tpu.vector_store_idx %arg6[%parallel_loop3A_2509], %broadcast_in_dim3A_5 {add = true} : memref<1024xi32, #tpu.memory_space<vmem>>[vector<16xi32>], vector<16xi32>,
        %parallel_loop3A_2510 = arith.constant 16 : i32
        %parallel_loop3A_2511 = vector.broadcast %parallel_loop3A_2510 : i32 to vector<16xi32>
        %parallel_loop3A_2512 = arith.muli %parallel_loop3A_2505, %parallel_loop3A_2511 : vector<16xi32>
        %parallel_loop3A_2513 = arith.addi %parallel_loop3A_2512, %iota3A : vector<16xi32>
        tpu.vector_store_idx %arg6[%parallel_loop3A_2513], %broadcast_in_dim3A_5 {add = true} : memref<1024xi32, #tpu.memory_space<vmem>>[vector<16xi32>], vector<16xi32>,
        %parallel_loop3A_2514 = arith.addf %parallel_loop3A_2486, %parallel_loop3A_2491 : vector<16xf32>
        %parallel_loop3A_2515 = arith.addf %parallel_loop3A_2487, %parallel_loop3A_2497 : vector<16xf32>
        scf.yield %parallel_loop3A_2514, %parallel_loop3A_2515 : vector<16xf32>, vector<16xf32>
      } {sc.loop_unroll_factor = 4 : i64, sc.parallel_access}
      %add3A_1278 = arith.addf %parallel_loop3A_1277#0, %parallel_loop3A_1277#1 : vector<16xf32>
      %get3A_1279 = arith.constant 0 : index
      %get3A_1280 = tpu.vector_load %arg6[%get3A_1279] {strides = array<i32>} : memref<1024xi32, #tpu.memory_space<vmem>>, vector<16xi32>,
      %get3A_1281 = arith.constant 16 : index
      %get3A_1282 = tpu.vector_load %arg6[%get3A_1281] {strides = array<i32>} : memref<1024xi32, #tpu.memory_space<vmem>>, vector<16xi32>,
      %add3A_1283 = arith.addi %get3A_1280, %get3A_1282 : vector<16xi32>
      %get3A_1284 = arith.constant 32 : index
      %get3A_1285 = tpu.vector_load %arg6[%get3A_1284] {strides = array<i32>} : memref<1024xi32, #tpu.memory_space<vmem>>, vector<16xi32>,
      %add3A_1286 = arith.addi %add3A_1283, %get3A_1285 : vector<16xi32>
      %get3A_1287 = arith.constant 48 : index
      %get3A_1288 = tpu.vector_load %arg6[%get3A_1287] {strides = array<i32>} : memref<1024xi32, #tpu.memory_space<vmem>>, vector<16xi32>,
      %add3A_1289 = arith.addi %add3A_1286, %get3A_1288 : vector<16xi32>
      %get3A_1290 = arith.constant 64 : index
      %get3A_1291 = tpu.vector_load %arg6[%get3A_1290] {strides = array<i32>} : memref<1024xi32, #tpu.memory_space<vmem>>, vector<16xi32>,
      %add3A_1292 = arith.addi %add3A_1289, %get3A_1291 : vector<16xi32>
      %get3A_1293 = arith.constant 80 : index
      %get3A_1294 = tpu.vector_load %arg6[%get3A_1293] {strides = array<i32>} : memref<1024xi32, #tpu.memory_space<vmem>>, vector<16xi32>,
      %add3A_1295 = arith.addi %add3A_1292, %get3A_1294 : vector<16xi32>
      %get3A_1296 = arith.constant 96 : index
      %get3A_1297 = tpu.vector_load %arg6[%get3A_1296] {strides = array<i32>} : memref<1024xi32, #tpu.memory_space<vmem>>, vector<16xi32>,
      %add3A_1298 = arith.addi %add3A_1295, %get3A_1297 : vector<16xi32>
      %get3A_1299 = arith.constant 112 : index
      %get3A_1300 = tpu.vector_load %arg6[%get3A_1299] {strides = array<i32>} : memref<1024xi32, #tpu.memory_space<vmem>>, vector<16xi32>,
      %add3A_1301 = arith.addi %add3A_1298, %get3A_1300 : vector<16xi32>
      %get3A_1302 = arith.constant 128 : index
      %get3A_1303 = tpu.vector_load %arg6[%get3A_1302] {strides = array<i32>} : memref<1024xi32, #tpu.memory_space<vmem>>, vector<16xi32>,
      %add3A_1304 = arith.addi %add3A_1301, %get3A_1303 : vector<16xi32>
      %get3A_1305 = arith.constant 144 : index
      %get3A_1306 = tpu.vector_load %arg6[%get3A_1305] {strides = array<i32>} : memref<1024xi32, #tpu.memory_space<vmem>>, vector<16xi32>,
      %add3A_1307 = arith.addi %add3A_1304, %get3A_1306 : vector<16xi32>
      %get3A_1308 = arith.constant 160 : index
      %get3A_1309 = tpu.vector_load %arg6[%get3A_1308] {strides = array<i32>} : memref<1024xi32, #tpu.memory_space<vmem>>, vector<16xi32>,
      %add3A_1310 = arith.addi %add3A_1307, %get3A_1309 : vector<16xi32>
      %get3A_1311 = arith.constant 176 : index
      %get3A_1312 = tpu.vector_load %arg6[%get3A_1311] {strides = array<i32>} : memref<1024xi32, #tpu.memory_space<vmem>>, vector<16xi32>,
      %add3A_1313 = arith.addi %add3A_1310, %get3A_1312 : vector<16xi32>
      %get3A_1314 = arith.constant 192 : index
      %get3A_1315 = tpu.vector_load %arg6[%get3A_1314] {strides = array<i32>} : memref<1024xi32, #tpu.memory_space<vmem>>, vector<16xi32>,
      %add3A_1316 = arith.addi %add3A_1313, %get3A_1315 : vector<16xi32>
      %get3A_1317 = arith.constant 208 : index
      %get3A_1318 = tpu.vector_load %arg6[%get3A_1317] {strides = array<i32>} : memref<1024xi32, #tpu.memory_space<vmem>>, vector<16xi32>,
      %add3A_1319 = arith.addi %add3A_1316, %get3A_1318 : vector<16xi32>
      %get3A_1320 = arith.constant 224 : index
      %get3A_1321 = tpu.vector_load %arg6[%get3A_1320] {strides = array<i32>} : memref<1024xi32, #tpu.memory_space<vmem>>, vector<16xi32>,
      %add3A_1322 = arith.addi %add3A_1319, %get3A_1321 : vector<16xi32>
      %get3A_1323 = arith.constant 240 : index
      %get3A_1324 = tpu.vector_load %arg6[%get3A_1323] {strides = array<i32>} : memref<1024xi32, #tpu.memory_space<vmem>>, vector<16xi32>,
      %add3A_1325 = arith.addi %add3A_1322, %get3A_1324 : vector<16xi32>
      %reduce_sum3A_1326 = arith.constant true
      %reduce_sum3A_1327 = vector.broadcast %reduce_sum3A_1326 : i1 to vector<16xi1>
      %reduce_sum3A_1328 = tpu.scan <sum>, %add3A_1325 masked %reduce_sum3A_1327 : vector<16xi32>, vector<16xi1> -> vector<16xi32>
      %reduce_sum3A_1329 = vector.extract %reduce_sum3A_1328[15] : i32 from vector<16xi32>
      %get3A_1330 = arith.constant 256 : index
      %get3A_1331 = tpu.vector_load %arg6[%get3A_1330] {strides = array<i32>} : memref<1024xi32, #tpu.memory_space<vmem>>, vector<16xi32>,
      %get3A_1332 = arith.constant 272 : index
      %get3A_1333 = tpu.vector_load %arg6[%get3A_1332] {strides = array<i32>} : memref<1024xi32, #tpu.memory_space<vmem>>, vector<16xi32>,
      %add3A_1334 = arith.addi %get3A_1331, %get3A_1333 : vector<16xi32>
      %get3A_1335 = arith.constant 288 : index
      %get3A_1336 = tpu.vector_load %arg6[%get3A_1335] {strides = array<i32>} : memref<1024xi32, #tpu.memory_space<vmem>>, vector<16xi32>,
      %add3A_1337 = arith.addi %add3A_1334, %get3A_1336 : vector<16xi32>
      %get3A_1338 = arith.constant 304 : index
      %get3A_1339 = tpu.vector_load %arg6[%get3A_1338] {strides = array<i32>} : memref<1024xi32, #tpu.memory_space<vmem>>, vector<16xi32>,
      %add3A_1340 = arith.addi %add3A_1337, %get3A_1339 : vector<16xi32>
      %get3A_1341 = arith.constant 320 : index
      %get3A_1342 = tpu.vector_load %arg6[%get3A_1341] {strides = array<i32>} : memref<1024xi32, #tpu.memory_space<vmem>>, vector<16xi32>,
      %add3A_1343 = arith.addi %add3A_1340, %get3A_1342 : vector<16xi32>
      %get3A_1344 = arith.constant 336 : index
      %get3A_1345 = tpu.vector_load %arg6[%get3A_1344] {strides = array<i32>} : memref<1024xi32, #tpu.memory_space<vmem>>, vector<16xi32>,
      %add3A_1346 = arith.addi %add3A_1343, %get3A_1345 : vector<16xi32>
      %get3A_1347 = arith.constant 352 : index
      %get3A_1348 = tpu.vector_load %arg6[%get3A_1347] {strides = array<i32>} : memref<1024xi32, #tpu.memory_space<vmem>>, vector<16xi32>,
      %add3A_1349 = arith.addi %add3A_1346, %get3A_1348 : vector<16xi32>
      %get3A_1350 = arith.constant 368 : index
      %get3A_1351 = tpu.vector_load %arg6[%get3A_1350] {strides = array<i32>} : memref<1024xi32, #tpu.memory_space<vmem>>, vector<16xi32>,
      %add3A_1352 = arith.addi %add3A_1349, %get3A_1351 : vector<16xi32>
      %get3A_1353 = arith.constant 384 : index
      %get3A_1354 = tpu.vector_load %arg6[%get3A_1353] {strides = array<i32>} : memref<1024xi32, #tpu.memory_space<vmem>>, vector<16xi32>,
      %add3A_1355 = arith.addi %add3A_1352, %get3A_1354 : vector<16xi32>
      %get3A_1356 = arith.constant 400 : index
      %get3A_1357 = tpu.vector_load %arg6[%get3A_1356] {strides = array<i32>} : memref<1024xi32, #tpu.memory_space<vmem>>, vector<16xi32>,
      %add3A_1358 = arith.addi %add3A_1355, %get3A_1357 : vector<16xi32>
      %get3A_1359 = arith.constant 416 : index
      %get3A_1360 = tpu.vector_load %arg6[%get3A_1359] {strides = array<i32>} : memref<1024xi32, #tpu.memory_space<vmem>>, vector<16xi32>,
      %add3A_1361 = arith.addi %add3A_1358, %get3A_1360 : vector<16xi32>
      %get3A_1362 = arith.constant 432 : index
      %get3A_1363 = tpu.vector_load %arg6[%get3A_1362] {strides = array<i32>} : memref<1024xi32, #tpu.memory_space<vmem>>, vector<16xi32>,
      %add3A_1364 = arith.addi %add3A_1361, %get3A_1363 : vector<16xi32>
      %get3A_1365 = arith.constant 448 : index
      %get3A_1366 = tpu.vector_load %arg6[%get3A_1365] {strides = array<i32>} : memref<1024xi32, #tpu.memory_space<vmem>>, vector<16xi32>,
      %add3A_1367 = arith.addi %add3A_1364, %get3A_1366 : vector<16xi32>
      %get3A_1368 = arith.constant 464 : index
      %get3A_1369 = tpu.vector_load %arg6[%get3A_1368] {strides = array<i32>} : memref<1024xi32, #tpu.memory_space<vmem>>, vector<16xi32>,
      %add3A_1370 = arith.addi %add3A_1367, %get3A_1369 : vector<16xi32>
      %get3A_1371 = arith.constant 480 : index
      %get3A_1372 = tpu.vector_load %arg6[%get3A_1371] {strides = array<i32>} : memref<1024xi32, #tpu.memory_space<vmem>>, vector<16xi32>,
      %add3A_1373 = arith.addi %add3A_1370, %get3A_1372 : vector<16xi32>
      %get3A_1374 = arith.constant 496 : index
      %get3A_1375 = tpu.vector_load %arg6[%get3A_1374] {strides = array<i32>} : memref<1024xi32, #tpu.memory_space<vmem>>, vector<16xi32>,
      %add3A_1376 = arith.addi %add3A_1373, %get3A_1375 : vector<16xi32>
      %reduce_sum3A_1377 = arith.constant true
      %reduce_sum3A_1378 = vector.broadcast %reduce_sum3A_1377 : i1 to vector<16xi1>
      %reduce_sum3A_1379 = tpu.scan <sum>, %add3A_1376 masked %reduce_sum3A_1378 : vector<16xi32>, vector<16xi1> -> vector<16xi32>
      %reduce_sum3A_1380 = vector.extract %reduce_sum3A_1379[15] : i32 from vector<16xi32>
      %get3A_1381 = arith.constant 512 : index
      %get3A_1382 = tpu.vector_load %arg6[%get3A_1381] {strides = array<i32>} : memref<1024xi32, #tpu.memory_space<vmem>>, vector<16xi32>,
      %get3A_1383 = arith.constant 528 : index
      %get3A_1384 = tpu.vector_load %arg6[%get3A_1383] {strides = array<i32>} : memref<1024xi32, #tpu.memory_space<vmem>>, vector<16xi32>,
      %add3A_1385 = arith.addi %get3A_1382, %get3A_1384 : vector<16xi32>
      %get3A_1386 = arith.constant 544 : index
      %get3A_1387 = tpu.vector_load %arg6[%get3A_1386] {strides = array<i32>} : memref<1024xi32, #tpu.memory_space<vmem>>, vector<16xi32>,
      %add3A_1388 = arith.addi %add3A_1385, %get3A_1387 : vector<16xi32>
      %get3A_1389 = arith.constant 560 : index
      %get3A_1390 = tpu.vector_load %arg6[%get3A_1389] {strides = array<i32>} : memref<1024xi32, #tpu.memory_space<vmem>>, vector<16xi32>,
      %add3A_1391 = arith.addi %add3A_1388, %get3A_1390 : vector<16xi32>
      %get3A_1392 = arith.constant 576 : index
      %get3A_1393 = tpu.vector_load %arg6[%get3A_1392] {strides = array<i32>} : memref<1024xi32, #tpu.memory_space<vmem>>, vector<16xi32>,
      %add3A_1394 = arith.addi %add3A_1391, %get3A_1393 : vector<16xi32>
      %get3A_1395 = arith.constant 592 : index
      %get3A_1396 = tpu.vector_load %arg6[%get3A_1395] {strides = array<i32>} : memref<1024xi32, #tpu.memory_space<vmem>>, vector<16xi32>,
      %add3A_1397 = arith.addi %add3A_1394, %get3A_1396 : vector<16xi32>
      %get3A_1398 = arith.constant 608 : index
      %get3A_1399 = tpu.vector_load %arg6[%get3A_1398] {strides = array<i32>} : memref<1024xi32, #tpu.memory_space<vmem>>, vector<16xi32>,
      %add3A_1400 = arith.addi %add3A_1397, %get3A_1399 : vector<16xi32>
      %get3A_1401 = arith.constant 624 : index
      %get3A_1402 = tpu.vector_load %arg6[%get3A_1401] {strides = array<i32>} : memref<1024xi32, #tpu.memory_space<vmem>>, vector<16xi32>,
      %add3A_1403 = arith.addi %add3A_1400, %get3A_1402 : vector<16xi32>
      %get3A_1404 = arith.constant 640 : index
      %get3A_1405 = tpu.vector_load %arg6[%get3A_1404] {strides = array<i32>} : memref<1024xi32, #tpu.memory_space<vmem>>, vector<16xi32>,
      %add3A_1406 = arith.addi %add3A_1403, %get3A_1405 : vector<16xi32>
      %get3A_1407 = arith.constant 656 : index
      %get3A_1408 = tpu.vector_load %arg6[%get3A_1407] {strides = array<i32>} : memref<1024xi32, #tpu.memory_space<vmem>>, vector<16xi32>,
      %add3A_1409 = arith.addi %add3A_1406, %get3A_1408 : vector<16xi32>
      %get3A_1410 = arith.constant 672 : index
      %get3A_1411 = tpu.vector_load %arg6[%get3A_1410] {strides = array<i32>} : memref<1024xi32, #tpu.memory_space<vmem>>, vector<16xi32>,
      %add3A_1412 = arith.addi %add3A_1409, %get3A_1411 : vector<16xi32>
      %get3A_1413 = arith.constant 688 : index
      %get3A_1414 = tpu.vector_load %arg6[%get3A_1413] {strides = array<i32>} : memref<1024xi32, #tpu.memory_space<vmem>>, vector<16xi32>,
      %add3A_1415 = arith.addi %add3A_1412, %get3A_1414 : vector<16xi32>
      %get3A_1416 = arith.constant 704 : index
      %get3A_1417 = tpu.vector_load %arg6[%get3A_1416] {strides = array<i32>} : memref<1024xi32, #tpu.memory_space<vmem>>, vector<16xi32>,
      %add3A_1418 = arith.addi %add3A_1415, %get3A_1417 : vector<16xi32>
      %get3A_1419 = arith.constant 720 : index
      %get3A_1420 = tpu.vector_load %arg6[%get3A_1419] {strides = array<i32>} : memref<1024xi32, #tpu.memory_space<vmem>>, vector<16xi32>,
      %add3A_1421 = arith.addi %add3A_1418, %get3A_1420 : vector<16xi32>
      %get3A_1422 = arith.constant 736 : index
      %get3A_1423 = tpu.vector_load %arg6[%get3A_1422] {strides = array<i32>} : memref<1024xi32, #tpu.memory_space<vmem>>, vector<16xi32>,
      %add3A_1424 = arith.addi %add3A_1421, %get3A_1423 : vector<16xi32>
      %get3A_1425 = arith.constant 752 : index
      %get3A_1426 = tpu.vector_load %arg6[%get3A_1425] {strides = array<i32>} : memref<1024xi32, #tpu.memory_space<vmem>>, vector<16xi32>,
      %add3A_1427 = arith.addi %add3A_1424, %get3A_1426 : vector<16xi32>
      %reduce_sum3A_1428 = arith.constant true
      %reduce_sum3A_1429 = vector.broadcast %reduce_sum3A_1428 : i1 to vector<16xi1>
      %reduce_sum3A_1430 = tpu.scan <sum>, %add3A_1427 masked %reduce_sum3A_1429 : vector<16xi32>, vector<16xi1> -> vector<16xi32>
      %reduce_sum3A_1431 = vector.extract %reduce_sum3A_1430[15] : i32 from vector<16xi32>
      %get3A_1432 = arith.constant 768 : index
      %get3A_1433 = tpu.vector_load %arg6[%get3A_1432] {strides = array<i32>} : memref<1024xi32, #tpu.memory_space<vmem>>, vector<16xi32>,
      %get3A_1434 = arith.constant 784 : index
      %get3A_1435 = tpu.vector_load %arg6[%get3A_1434] {strides = array<i32>} : memref<1024xi32, #tpu.memory_space<vmem>>, vector<16xi32>,
      %add3A_1436 = arith.addi %get3A_1433, %get3A_1435 : vector<16xi32>
      %get3A_1437 = arith.constant 800 : index
      %get3A_1438 = tpu.vector_load %arg6[%get3A_1437] {strides = array<i32>} : memref<1024xi32, #tpu.memory_space<vmem>>, vector<16xi32>,
      %add3A_1439 = arith.addi %add3A_1436, %get3A_1438 : vector<16xi32>
      %get3A_1440 = arith.constant 816 : index
      %get3A_1441 = tpu.vector_load %arg6[%get3A_1440] {strides = array<i32>} : memref<1024xi32, #tpu.memory_space<vmem>>, vector<16xi32>,
      %add3A_1442 = arith.addi %add3A_1439, %get3A_1441 : vector<16xi32>
      %get3A_1443 = arith.constant 832 : index
      %get3A_1444 = tpu.vector_load %arg6[%get3A_1443] {strides = array<i32>} : memref<1024xi32, #tpu.memory_space<vmem>>, vector<16xi32>,
      %add3A_1445 = arith.addi %add3A_1442, %get3A_1444 : vector<16xi32>
      %get3A_1446 = arith.constant 848 : index
      %get3A_1447 = tpu.vector_load %arg6[%get3A_1446] {strides = array<i32>} : memref<1024xi32, #tpu.memory_space<vmem>>, vector<16xi32>,
      %add3A_1448 = arith.addi %add3A_1445, %get3A_1447 : vector<16xi32>
      %get3A_1449 = arith.constant 864 : index
      %get3A_1450 = tpu.vector_load %arg6[%get3A_1449] {strides = array<i32>} : memref<1024xi32, #tpu.memory_space<vmem>>, vector<16xi32>,
      %add3A_1451 = arith.addi %add3A_1448, %get3A_1450 : vector<16xi32>
      %get3A_1452 = arith.constant 880 : index
      %get3A_1453 = tpu.vector_load %arg6[%get3A_1452] {strides = array<i32>} : memref<1024xi32, #tpu.memory_space<vmem>>, vector<16xi32>,
      %add3A_1454 = arith.addi %add3A_1451, %get3A_1453 : vector<16xi32>
      %get3A_1455 = arith.constant 896 : index
      %get3A_1456 = tpu.vector_load %arg6[%get3A_1455] {strides = array<i32>} : memref<1024xi32, #tpu.memory_space<vmem>>, vector<16xi32>,
      %add3A_1457 = arith.addi %add3A_1454, %get3A_1456 : vector<16xi32>
      %get3A_1458 = arith.constant 912 : index
      %get3A_1459 = tpu.vector_load %arg6[%get3A_1458] {strides = array<i32>} : memref<1024xi32, #tpu.memory_space<vmem>>, vector<16xi32>,
      %add3A_1460 = arith.addi %add3A_1457, %get3A_1459 : vector<16xi32>
      %get3A_1461 = arith.constant 928 : index
      %get3A_1462 = tpu.vector_load %arg6[%get3A_1461] {strides = array<i32>} : memref<1024xi32, #tpu.memory_space<vmem>>, vector<16xi32>,
      %add3A_1463 = arith.addi %add3A_1460, %get3A_1462 : vector<16xi32>
      %get3A_1464 = arith.constant 944 : index
      %get3A_1465 = tpu.vector_load %arg6[%get3A_1464] {strides = array<i32>} : memref<1024xi32, #tpu.memory_space<vmem>>, vector<16xi32>,
      %add3A_1466 = arith.addi %add3A_1463, %get3A_1465 : vector<16xi32>
      %get3A_1467 = arith.constant 960 : index
      %get3A_1468 = tpu.vector_load %arg6[%get3A_1467] {strides = array<i32>} : memref<1024xi32, #tpu.memory_space<vmem>>, vector<16xi32>,
      %add3A_1469 = arith.addi %add3A_1466, %get3A_1468 : vector<16xi32>
      %get3A_1470 = arith.constant 976 : index
      %get3A_1471 = tpu.vector_load %arg6[%get3A_1470] {strides = array<i32>} : memref<1024xi32, #tpu.memory_space<vmem>>, vector<16xi32>,
      %add3A_1472 = arith.addi %add3A_1469, %get3A_1471 : vector<16xi32>
      %get3A_1473 = arith.constant 992 : index
      %get3A_1474 = tpu.vector_load %arg6[%get3A_1473] {strides = array<i32>} : memref<1024xi32, #tpu.memory_space<vmem>>, vector<16xi32>,
      %add3A_1475 = arith.addi %add3A_1472, %get3A_1474 : vector<16xi32>
      %get3A_1476 = arith.constant 1008 : index
      %get3A_1477 = tpu.vector_load %arg6[%get3A_1476] {strides = array<i32>} : memref<1024xi32, #tpu.memory_space<vmem>>, vector<16xi32>,
      %add3A_1478 = arith.addi %add3A_1475, %get3A_1477 : vector<16xi32>
      %reduce_sum3A_1479 = arith.constant true
      %reduce_sum3A_1480 = vector.broadcast %reduce_sum3A_1479 : i1 to vector<16xi1>
      %reduce_sum3A_1481 = tpu.scan <sum>, %add3A_1478 masked %reduce_sum3A_1480 : vector<16xi32>, vector<16xi1> -> vector<16xi32>
      %reduce_sum3A_1482 = vector.extract %reduce_sum3A_1481[15] : i32 from vector<16xi32>
      %add3A_1483 = arith.constant 0 : i32
      %add3A_1484 = arith.addi %add3A_1483, %reduce_sum3A_1329 : i32
      %lt3A_1485 = arith.constant 4096 : i32
      %lt3A_1486 = arith.cmpi slt, %add3A_1484, %lt3A_1485 : i32
      %convert_element_type3A_1487 = arith.extui %lt3A_1486 : i1 to i32
      %add3A_1488 = arith.constant 0 : i32
      %add3A_1489 = arith.addi %add3A_1488, %convert_element_type3A_1487 : i32
      %jit3A_1490 = arith.constant 0 : i32
      %select_n3A_1491 = arith.select %lt3A_1486, %add3A_1484, %jit3A_1490 : i32
      %add3A_1492 = arith.addi %add3A_1484, %reduce_sum3A_1380 : i32
      %lt3A_1493 = arith.constant 4096 : i32
      %lt3A_1494 = arith.cmpi slt, %add3A_1492, %lt3A_1493 : i32
      %convert_element_type3A_1495 = arith.extui %lt3A_1494 : i1 to i32
      %add3A_1496 = arith.addi %add3A_1489, %convert_element_type3A_1495 : i32
      %select_n3A_1497 = arith.select %lt3A_1494, %add3A_1492, %select_n3A_1491 : i32
      %add3A_1498 = arith.addi %add3A_1492, %reduce_sum3A_1431 : i32
      %lt3A_1499 = arith.constant 4096 : i32
      %lt3A_1500 = arith.cmpi slt, %add3A_1498, %lt3A_1499 : i32
      %convert_element_type3A_1501 = arith.extui %lt3A_1500 : i1 to i32
      %add3A_1502 = arith.addi %add3A_1496, %convert_element_type3A_1501 : i32
      %select_n3A_1503 = arith.select %lt3A_1500, %add3A_1498, %select_n3A_1497 : i32
      %add3A_1504 = arith.addi %add3A_1498, %reduce_sum3A_1482 : i32
      %lt3A_1505 = arith.constant 4096 : i32
      %lt3A_1506 = arith.cmpi slt, %add3A_1504, %lt3A_1505 : i32
      %convert_element_type3A_1507 = arith.extui %lt3A_1506 : i1 to i32
      %add3A_1508 = arith.addi %add3A_1502, %convert_element_type3A_1507 : i32
      %select_n3A_1509 = arith.select %lt3A_1506, %add3A_1504, %select_n3A_1503 : i32
      %mul3A_1510 = arith.constant 256 : i32
      %mul3A_1511 = arith.muli %add3A_1508, %mul3A_1510 : i32
      %add3A_1512 = arith.constant 0 : i32
      %add3A_1513 = arith.addi %mul3A_1511, %add3A_1512 : i32
      %get3A_1514 = arith.index_cast %add3A_1513 : i32 to index
      %get3A_1515 = tpu.vector_load %arg6[%get3A_1514] {strides = array<i32>} : memref<1024xi32, #tpu.memory_space<vmem>>, vector<16xi32>,
      %reduce_sum3A_1516 = arith.constant true
      %reduce_sum3A_1517 = vector.broadcast %reduce_sum3A_1516 : i1 to vector<16xi1>
      %reduce_sum3A_1518 = tpu.scan <sum>, %get3A_1515 masked %reduce_sum3A_1517 : vector<16xi32>, vector<16xi1> -> vector<16xi32>
      %reduce_sum3A_1519 = vector.extract %reduce_sum3A_1518[15] : i32 from vector<16xi32>
      %add3A_1520 = arith.constant 16 : i32
      %add3A_1521 = arith.addi %mul3A_1511, %add3A_1520 : i32
      %get3A_1522 = arith.index_cast %add3A_1521 : i32 to index
      %get3A_1523 = tpu.vector_load %arg6[%get3A_1522] {strides = array<i32>} : memref<1024xi32, #tpu.memory_space<vmem>>, vector<16xi32>,
      %reduce_sum3A_1524 = arith.constant true
      %reduce_sum3A_1525 = vector.broadcast %reduce_sum3A_1524 : i1 to vector<16xi1>
      %reduce_sum3A_1526 = tpu.scan <sum>, %get3A_1523 masked %reduce_sum3A_1525 : vector<16xi32>, vector<16xi1> -> vector<16xi32>
      %reduce_sum3A_1527 = vector.extract %reduce_sum3A_1526[15] : i32 from vector<16xi32>
      %add3A_1528 = arith.constant 32 : i32
      %add3A_1529 = arith.addi %mul3A_1511, %add3A_1528 : i32
      %get3A_1530 = arith.index_cast %add3A_1529 : i32 to index
      %get3A_1531 = tpu.vector_load %arg6[%get3A_1530] {strides = array<i32>} : memref<1024xi32, #tpu.memory_space<vmem>>, vector<16xi32>,
      %reduce_sum3A_1532 = arith.constant true
      %reduce_sum3A_1533 = vector.broadcast %reduce_sum3A_1532 : i1 to vector<16xi1>
      %reduce_sum3A_1534 = tpu.scan <sum>, %get3A_1531 masked %reduce_sum3A_1533 : vector<16xi32>, vector<16xi1> -> vector<16xi32>
      %reduce_sum3A_1535 = vector.extract %reduce_sum3A_1534[15] : i32 from vector<16xi32>
      %add3A_1536 = arith.constant 48 : i32
      %add3A_1537 = arith.addi %mul3A_1511, %add3A_1536 : i32
      %get3A_1538 = arith.index_cast %add3A_1537 : i32 to index
      %get3A_1539 = tpu.vector_load %arg6[%get3A_1538] {strides = array<i32>} : memref<1024xi32, #tpu.memory_space<vmem>>, vector<16xi32>,
      %reduce_sum3A_1540 = arith.constant true
      %reduce_sum3A_1541 = vector.broadcast %reduce_sum3A_1540 : i1 to vector<16xi1>
      %reduce_sum3A_1542 = tpu.scan <sum>, %get3A_1539 masked %reduce_sum3A_1541 : vector<16xi32>, vector<16xi1> -> vector<16xi32>
      %reduce_sum3A_1543 = vector.extract %reduce_sum3A_1542[15] : i32 from vector<16xi32>
      %add3A_1544 = arith.constant 64 : i32
      %add3A_1545 = arith.addi %mul3A_1511, %add3A_1544 : i32
      %get3A_1546 = arith.index_cast %add3A_1545 : i32 to index
      %get3A_1547 = tpu.vector_load %arg6[%get3A_1546] {strides = array<i32>} : memref<1024xi32, #tpu.memory_space<vmem>>, vector<16xi32>,
      %reduce_sum3A_1548 = arith.constant true
      %reduce_sum3A_1549 = vector.broadcast %reduce_sum3A_1548 : i1 to vector<16xi1>
      %reduce_sum3A_1550 = tpu.scan <sum>, %get3A_1547 masked %reduce_sum3A_1549 : vector<16xi32>, vector<16xi1> -> vector<16xi32>
      %reduce_sum3A_1551 = vector.extract %reduce_sum3A_1550[15] : i32 from vector<16xi32>
      %add3A_1552 = arith.constant 80 : i32
      %add3A_1553 = arith.addi %mul3A_1511, %add3A_1552 : i32
      %get3A_1554 = arith.index_cast %add3A_1553 : i32 to index
      %get3A_1555 = tpu.vector_load %arg6[%get3A_1554] {strides = array<i32>} : memref<1024xi32, #tpu.memory_space<vmem>>, vector<16xi32>,
      %reduce_sum3A_1556 = arith.constant true
      %reduce_sum3A_1557 = vector.broadcast %reduce_sum3A_1556 : i1 to vector<16xi1>
      %reduce_sum3A_1558 = tpu.scan <sum>, %get3A_1555 masked %reduce_sum3A_1557 : vector<16xi32>, vector<16xi1> -> vector<16xi32>
      %reduce_sum3A_1559 = vector.extract %reduce_sum3A_1558[15] : i32 from vector<16xi32>
      %add3A_1560 = arith.constant 96 : i32
      %add3A_1561 = arith.addi %mul3A_1511, %add3A_1560 : i32
      %get3A_1562 = arith.index_cast %add3A_1561 : i32 to index
      %get3A_1563 = tpu.vector_load %arg6[%get3A_1562] {strides = array<i32>} : memref<1024xi32, #tpu.memory_space<vmem>>, vector<16xi32>,
      %reduce_sum3A_1564 = arith.constant true
      %reduce_sum3A_1565 = vector.broadcast %reduce_sum3A_1564 : i1 to vector<16xi1>
      %reduce_sum3A_1566 = tpu.scan <sum>, %get3A_1563 masked %reduce_sum3A_1565 : vector<16xi32>, vector<16xi1> -> vector<16xi32>
      %reduce_sum3A_1567 = vector.extract %reduce_sum3A_1566[15] : i32 from vector<16xi32>
      %add3A_1568 = arith.constant 112 : i32
      %add3A_1569 = arith.addi %mul3A_1511, %add3A_1568 : i32
      %get3A_1570 = arith.index_cast %add3A_1569 : i32 to index
      %get3A_1571 = tpu.vector_load %arg6[%get3A_1570] {strides = array<i32>} : memref<1024xi32, #tpu.memory_space<vmem>>, vector<16xi32>,
      %reduce_sum3A_1572 = arith.constant true
      %reduce_sum3A_1573 = vector.broadcast %reduce_sum3A_1572 : i1 to vector<16xi1>
      %reduce_sum3A_1574 = tpu.scan <sum>, %get3A_1571 masked %reduce_sum3A_1573 : vector<16xi32>, vector<16xi1> -> vector<16xi32>
      %reduce_sum3A_1575 = vector.extract %reduce_sum3A_1574[15] : i32 from vector<16xi32>
      %add3A_1576 = arith.constant 128 : i32
      %add3A_1577 = arith.addi %mul3A_1511, %add3A_1576 : i32
      %get3A_1578 = arith.index_cast %add3A_1577 : i32 to index
      %get3A_1579 = tpu.vector_load %arg6[%get3A_1578] {strides = array<i32>} : memref<1024xi32, #tpu.memory_space<vmem>>, vector<16xi32>,
      %reduce_sum3A_1580 = arith.constant true
      %reduce_sum3A_1581 = vector.broadcast %reduce_sum3A_1580 : i1 to vector<16xi1>
      %reduce_sum3A_1582 = tpu.scan <sum>, %get3A_1579 masked %reduce_sum3A_1581 : vector<16xi32>, vector<16xi1> -> vector<16xi32>
      %reduce_sum3A_1583 = vector.extract %reduce_sum3A_1582[15] : i32 from vector<16xi32>
      %add3A_1584 = arith.constant 144 : i32
      %add3A_1585 = arith.addi %mul3A_1511, %add3A_1584 : i32
      %get3A_1586 = arith.index_cast %add3A_1585 : i32 to index
      %get3A_1587 = tpu.vector_load %arg6[%get3A_1586] {strides = array<i32>} : memref<1024xi32, #tpu.memory_space<vmem>>, vector<16xi32>,
      %reduce_sum3A_1588 = arith.constant true
      %reduce_sum3A_1589 = vector.broadcast %reduce_sum3A_1588 : i1 to vector<16xi1>
      %reduce_sum3A_1590 = tpu.scan <sum>, %get3A_1587 masked %reduce_sum3A_1589 : vector<16xi32>, vector<16xi1> -> vector<16xi32>
      %reduce_sum3A_1591 = vector.extract %reduce_sum3A_1590[15] : i32 from vector<16xi32>
      %add3A_1592 = arith.constant 160 : i32
      %add3A_1593 = arith.addi %mul3A_1511, %add3A_1592 : i32
      %get3A_1594 = arith.index_cast %add3A_1593 : i32 to index
      %get3A_1595 = tpu.vector_load %arg6[%get3A_1594] {strides = array<i32>} : memref<1024xi32, #tpu.memory_space<vmem>>, vector<16xi32>,
      %reduce_sum3A_1596 = arith.constant true
      %reduce_sum3A_1597 = vector.broadcast %reduce_sum3A_1596 : i1 to vector<16xi1>
      %reduce_sum3A_1598 = tpu.scan <sum>, %get3A_1595 masked %reduce_sum3A_1597 : vector<16xi32>, vector<16xi1> -> vector<16xi32>
      %reduce_sum3A_1599 = vector.extract %reduce_sum3A_1598[15] : i32 from vector<16xi32>
      %add3A_1600 = arith.constant 176 : i32
      %add3A_1601 = arith.addi %mul3A_1511, %add3A_1600 : i32
      %get3A_1602 = arith.index_cast %add3A_1601 : i32 to index
      %get3A_1603 = tpu.vector_load %arg6[%get3A_1602] {strides = array<i32>} : memref<1024xi32, #tpu.memory_space<vmem>>, vector<16xi32>,
      %reduce_sum3A_1604 = arith.constant true
      %reduce_sum3A_1605 = vector.broadcast %reduce_sum3A_1604 : i1 to vector<16xi1>
      %reduce_sum3A_1606 = tpu.scan <sum>, %get3A_1603 masked %reduce_sum3A_1605 : vector<16xi32>, vector<16xi1> -> vector<16xi32>
      %reduce_sum3A_1607 = vector.extract %reduce_sum3A_1606[15] : i32 from vector<16xi32>
      %add3A_1608 = arith.constant 192 : i32
      %add3A_1609 = arith.addi %mul3A_1511, %add3A_1608 : i32
      %get3A_1610 = arith.index_cast %add3A_1609 : i32 to index
      %get3A_1611 = tpu.vector_load %arg6[%get3A_1610] {strides = array<i32>} : memref<1024xi32, #tpu.memory_space<vmem>>, vector<16xi32>,
      %reduce_sum3A_1612 = arith.constant true
      %reduce_sum3A_1613 = vector.broadcast %reduce_sum3A_1612 : i1 to vector<16xi1>
      %reduce_sum3A_1614 = tpu.scan <sum>, %get3A_1611 masked %reduce_sum3A_1613 : vector<16xi32>, vector<16xi1> -> vector<16xi32>
      %reduce_sum3A_1615 = vector.extract %reduce_sum3A_1614[15] : i32 from vector<16xi32>
      %add3A_1616 = arith.constant 208 : i32
      %add3A_1617 = arith.addi %mul3A_1511, %add3A_1616 : i32
      %get3A_1618 = arith.index_cast %add3A_1617 : i32 to index
      %get3A_1619 = tpu.vector_load %arg6[%get3A_1618] {strides = array<i32>} : memref<1024xi32, #tpu.memory_space<vmem>>, vector<16xi32>,
      %reduce_sum3A_1620 = arith.constant true
      %reduce_sum3A_1621 = vector.broadcast %reduce_sum3A_1620 : i1 to vector<16xi1>
      %reduce_sum3A_1622 = tpu.scan <sum>, %get3A_1619 masked %reduce_sum3A_1621 : vector<16xi32>, vector<16xi1> -> vector<16xi32>
      %reduce_sum3A_1623 = vector.extract %reduce_sum3A_1622[15] : i32 from vector<16xi32>
      %add3A_1624 = arith.constant 224 : i32
      %add3A_1625 = arith.addi %mul3A_1511, %add3A_1624 : i32
      %get3A_1626 = arith.index_cast %add3A_1625 : i32 to index
      %get3A_1627 = tpu.vector_load %arg6[%get3A_1626] {strides = array<i32>} : memref<1024xi32, #tpu.memory_space<vmem>>, vector<16xi32>,
      %reduce_sum3A_1628 = arith.constant true
      %reduce_sum3A_1629 = vector.broadcast %reduce_sum3A_1628 : i1 to vector<16xi1>
      %reduce_sum3A_1630 = tpu.scan <sum>, %get3A_1627 masked %reduce_sum3A_1629 : vector<16xi32>, vector<16xi1> -> vector<16xi32>
      %reduce_sum3A_1631 = vector.extract %reduce_sum3A_1630[15] : i32 from vector<16xi32>
      %add3A_1632 = arith.constant 240 : i32
      %add3A_1633 = arith.addi %mul3A_1511, %add3A_1632 : i32
      %get3A_1634 = arith.index_cast %add3A_1633 : i32 to index
      %get3A_1635 = tpu.vector_load %arg6[%get3A_1634] {strides = array<i32>} : memref<1024xi32, #tpu.memory_space<vmem>>, vector<16xi32>,
      %reduce_sum3A_1636 = arith.constant true
      %reduce_sum3A_1637 = vector.broadcast %reduce_sum3A_1636 : i1 to vector<16xi1>
      %reduce_sum3A_1638 = tpu.scan <sum>, %get3A_1635 masked %reduce_sum3A_1637 : vector<16xi32>, vector<16xi1> -> vector<16xi32>
      %reduce_sum3A_1639 = vector.extract %reduce_sum3A_1638[15] : i32 from vector<16xi32>
      %swap3A_1640 = arith.constant 0 : index
      %swap3A_1641 = tpu.vector_load %arg6[%swap3A_1640] {strides = array<i32>} : memref<1024xi32, #tpu.memory_space<vmem>>, vector<16xi32>,
      tpu.vector_store %arg6[%swap3A_1640], %broadcast_in_dim3A_7 {strides = array<i32>} : memref<1024xi32, #tpu.memory_space<vmem>>, vector<16xi32>,
      %swap3A_1642 = arith.constant 16 : index
      %swap3A_1643 = tpu.vector_load %arg6[%swap3A_1642] {strides = array<i32>} : memref<1024xi32, #tpu.memory_space<vmem>>, vector<16xi32>,
      tpu.vector_store %arg6[%swap3A_1642], %broadcast_in_dim3A_7 {strides = array<i32>} : memref<1024xi32, #tpu.memory_space<vmem>>, vector<16xi32>,
      %swap3A_1644 = arith.constant 32 : index
      %swap3A_1645 = tpu.vector_load %arg6[%swap3A_1644] {strides = array<i32>} : memref<1024xi32, #tpu.memory_space<vmem>>, vector<16xi32>,
      tpu.vector_store %arg6[%swap3A_1644], %broadcast_in_dim3A_7 {strides = array<i32>} : memref<1024xi32, #tpu.memory_space<vmem>>, vector<16xi32>,
      %swap3A_1646 = arith.constant 48 : index
      %swap3A_1647 = tpu.vector_load %arg6[%swap3A_1646] {strides = array<i32>} : memref<1024xi32, #tpu.memory_space<vmem>>, vector<16xi32>,
      tpu.vector_store %arg6[%swap3A_1646], %broadcast_in_dim3A_7 {strides = array<i32>} : memref<1024xi32, #tpu.memory_space<vmem>>, vector<16xi32>,
      %swap3A_1648 = arith.constant 64 : index
      %swap3A_1649 = tpu.vector_load %arg6[%swap3A_1648] {strides = array<i32>} : memref<1024xi32, #tpu.memory_space<vmem>>, vector<16xi32>,
      tpu.vector_store %arg6[%swap3A_1648], %broadcast_in_dim3A_7 {strides = array<i32>} : memref<1024xi32, #tpu.memory_space<vmem>>, vector<16xi32>,
      %swap3A_1650 = arith.constant 80 : index
      %swap3A_1651 = tpu.vector_load %arg6[%swap3A_1650] {strides = array<i32>} : memref<1024xi32, #tpu.memory_space<vmem>>, vector<16xi32>,
      tpu.vector_store %arg6[%swap3A_1650], %broadcast_in_dim3A_7 {strides = array<i32>} : memref<1024xi32, #tpu.memory_space<vmem>>, vector<16xi32>,
      %swap3A_1652 = arith.constant 96 : index
      %swap3A_1653 = tpu.vector_load %arg6[%swap3A_1652] {strides = array<i32>} : memref<1024xi32, #tpu.memory_space<vmem>>, vector<16xi32>,
      tpu.vector_store %arg6[%swap3A_1652], %broadcast_in_dim3A_7 {strides = array<i32>} : memref<1024xi32, #tpu.memory_space<vmem>>, vector<16xi32>,
      %swap3A_1654 = arith.constant 112 : index
      %swap3A_1655 = tpu.vector_load %arg6[%swap3A_1654] {strides = array<i32>} : memref<1024xi32, #tpu.memory_space<vmem>>, vector<16xi32>,
      tpu.vector_store %arg6[%swap3A_1654], %broadcast_in_dim3A_7 {strides = array<i32>} : memref<1024xi32, #tpu.memory_space<vmem>>, vector<16xi32>,
      %swap3A_1656 = arith.constant 128 : index
      %swap3A_1657 = tpu.vector_load %arg6[%swap3A_1656] {strides = array<i32>} : memref<1024xi32, #tpu.memory_space<vmem>>, vector<16xi32>,
      tpu.vector_store %arg6[%swap3A_1656], %broadcast_in_dim3A_7 {strides = array<i32>} : memref<1024xi32, #tpu.memory_space<vmem>>, vector<16xi32>,
      %swap3A_1658 = arith.constant 144 : index
      %swap3A_1659 = tpu.vector_load %arg6[%swap3A_1658] {strides = array<i32>} : memref<1024xi32, #tpu.memory_space<vmem>>, vector<16xi32>,
      tpu.vector_store %arg6[%swap3A_1658], %broadcast_in_dim3A_7 {strides = array<i32>} : memref<1024xi32, #tpu.memory_space<vmem>>, vector<16xi32>,
      %swap3A_1660 = arith.constant 160 : index
      %swap3A_1661 = tpu.vector_load %arg6[%swap3A_1660] {strides = array<i32>} : memref<1024xi32, #tpu.memory_space<vmem>>, vector<16xi32>,
      tpu.vector_store %arg6[%swap3A_1660], %broadcast_in_dim3A_7 {strides = array<i32>} : memref<1024xi32, #tpu.memory_space<vmem>>, vector<16xi32>,
      %swap3A_1662 = arith.constant 176 : index
      %swap3A_1663 = tpu.vector_load %arg6[%swap3A_1662] {strides = array<i32>} : memref<1024xi32, #tpu.memory_space<vmem>>, vector<16xi32>,
      tpu.vector_store %arg6[%swap3A_1662], %broadcast_in_dim3A_7 {strides = array<i32>} : memref<1024xi32, #tpu.memory_space<vmem>>, vector<16xi32>,
      %swap3A_1664 = arith.constant 192 : index
      %swap3A_1665 = tpu.vector_load %arg6[%swap3A_1664] {strides = array<i32>} : memref<1024xi32, #tpu.memory_space<vmem>>, vector<16xi32>,
      tpu.vector_store %arg6[%swap3A_1664], %broadcast_in_dim3A_7 {strides = array<i32>} : memref<1024xi32, #tpu.memory_space<vmem>>, vector<16xi32>,
      %swap3A_1666 = arith.constant 208 : index
      %swap3A_1667 = tpu.vector_load %arg6[%swap3A_1666] {strides = array<i32>} : memref<1024xi32, #tpu.memory_space<vmem>>, vector<16xi32>,
      tpu.vector_store %arg6[%swap3A_1666], %broadcast_in_dim3A_7 {strides = array<i32>} : memref<1024xi32, #tpu.memory_space<vmem>>, vector<16xi32>,
      %swap3A_1668 = arith.constant 224 : index
      %swap3A_1669 = tpu.vector_load %arg6[%swap3A_1668] {strides = array<i32>} : memref<1024xi32, #tpu.memory_space<vmem>>, vector<16xi32>,
      tpu.vector_store %arg6[%swap3A_1668], %broadcast_in_dim3A_7 {strides = array<i32>} : memref<1024xi32, #tpu.memory_space<vmem>>, vector<16xi32>,
      %swap3A_1670 = arith.constant 240 : index
      %swap3A_1671 = tpu.vector_load %arg6[%swap3A_1670] {strides = array<i32>} : memref<1024xi32, #tpu.memory_space<vmem>>, vector<16xi32>,
      tpu.vector_store %arg6[%swap3A_1670], %broadcast_in_dim3A_7 {strides = array<i32>} : memref<1024xi32, #tpu.memory_space<vmem>>, vector<16xi32>,
      %swap3A_1672 = arith.constant 256 : index
      %swap3A_1673 = tpu.vector_load %arg6[%swap3A_1672] {strides = array<i32>} : memref<1024xi32, #tpu.memory_space<vmem>>, vector<16xi32>,
      tpu.vector_store %arg6[%swap3A_1672], %broadcast_in_dim3A_7 {strides = array<i32>} : memref<1024xi32, #tpu.memory_space<vmem>>, vector<16xi32>,
      %swap3A_1674 = arith.constant 272 : index
      %swap3A_1675 = tpu.vector_load %arg6[%swap3A_1674] {strides = array<i32>} : memref<1024xi32, #tpu.memory_space<vmem>>, vector<16xi32>,
      tpu.vector_store %arg6[%swap3A_1674], %broadcast_in_dim3A_7 {strides = array<i32>} : memref<1024xi32, #tpu.memory_space<vmem>>, vector<16xi32>,
      %swap3A_1676 = arith.constant 288 : index
      %swap3A_1677 = tpu.vector_load %arg6[%swap3A_1676] {strides = array<i32>} : memref<1024xi32, #tpu.memory_space<vmem>>, vector<16xi32>,
      tpu.vector_store %arg6[%swap3A_1676], %broadcast_in_dim3A_7 {strides = array<i32>} : memref<1024xi32, #tpu.memory_space<vmem>>, vector<16xi32>,
      %swap3A_1678 = arith.constant 304 : index
      %swap3A_1679 = tpu.vector_load %arg6[%swap3A_1678] {strides = array<i32>} : memref<1024xi32, #tpu.memory_space<vmem>>, vector<16xi32>,
      tpu.vector_store %arg6[%swap3A_1678], %broadcast_in_dim3A_7 {strides = array<i32>} : memref<1024xi32, #tpu.memory_space<vmem>>, vector<16xi32>,
      %swap3A_1680 = arith.constant 320 : index
      %swap3A_1681 = tpu.vector_load %arg6[%swap3A_1680] {strides = array<i32>} : memref<1024xi32, #tpu.memory_space<vmem>>, vector<16xi32>,
      tpu.vector_store %arg6[%swap3A_1680], %broadcast_in_dim3A_7 {strides = array<i32>} : memref<1024xi32, #tpu.memory_space<vmem>>, vector<16xi32>,
      %swap3A_1682 = arith.constant 336 : index
      %swap3A_1683 = tpu.vector_load %arg6[%swap3A_1682] {strides = array<i32>} : memref<1024xi32, #tpu.memory_space<vmem>>, vector<16xi32>,
      tpu.vector_store %arg6[%swap3A_1682], %broadcast_in_dim3A_7 {strides = array<i32>} : memref<1024xi32, #tpu.memory_space<vmem>>, vector<16xi32>,
      %swap3A_1684 = arith.constant 352 : index
      %swap3A_1685 = tpu.vector_load %arg6[%swap3A_1684] {strides = array<i32>} : memref<1024xi32, #tpu.memory_space<vmem>>, vector<16xi32>,
      tpu.vector_store %arg6[%swap3A_1684], %broadcast_in_dim3A_7 {strides = array<i32>} : memref<1024xi32, #tpu.memory_space<vmem>>, vector<16xi32>,
      %swap3A_1686 = arith.constant 368 : index
      %swap3A_1687 = tpu.vector_load %arg6[%swap3A_1686] {strides = array<i32>} : memref<1024xi32, #tpu.memory_space<vmem>>, vector<16xi32>,
      tpu.vector_store %arg6[%swap3A_1686], %broadcast_in_dim3A_7 {strides = array<i32>} : memref<1024xi32, #tpu.memory_space<vmem>>, vector<16xi32>,
      %swap3A_1688 = arith.constant 384 : index
      %swap3A_1689 = tpu.vector_load %arg6[%swap3A_1688] {strides = array<i32>} : memref<1024xi32, #tpu.memory_space<vmem>>, vector<16xi32>,
      tpu.vector_store %arg6[%swap3A_1688], %broadcast_in_dim3A_7 {strides = array<i32>} : memref<1024xi32, #tpu.memory_space<vmem>>, vector<16xi32>,
      %swap3A_1690 = arith.constant 400 : index
      %swap3A_1691 = tpu.vector_load %arg6[%swap3A_1690] {strides = array<i32>} : memref<1024xi32, #tpu.memory_space<vmem>>, vector<16xi32>,
      tpu.vector_store %arg6[%swap3A_1690], %broadcast_in_dim3A_7 {strides = array<i32>} : memref<1024xi32, #tpu.memory_space<vmem>>, vector<16xi32>,
      %swap3A_1692 = arith.constant 416 : index
      %swap3A_1693 = tpu.vector_load %arg6[%swap3A_1692] {strides = array<i32>} : memref<1024xi32, #tpu.memory_space<vmem>>, vector<16xi32>,
      tpu.vector_store %arg6[%swap3A_1692], %broadcast_in_dim3A_7 {strides = array<i32>} : memref<1024xi32, #tpu.memory_space<vmem>>, vector<16xi32>,
      %swap3A_1694 = arith.constant 432 : index
      %swap3A_1695 = tpu.vector_load %arg6[%swap3A_1694] {strides = array<i32>} : memref<1024xi32, #tpu.memory_space<vmem>>, vector<16xi32>,
      tpu.vector_store %arg6[%swap3A_1694], %broadcast_in_dim3A_7 {strides = array<i32>} : memref<1024xi32, #tpu.memory_space<vmem>>, vector<16xi32>,
      %swap3A_1696 = arith.constant 448 : index
      %swap3A_1697 = tpu.vector_load %arg6[%swap3A_1696] {strides = array<i32>} : memref<1024xi32, #tpu.memory_space<vmem>>, vector<16xi32>,
      tpu.vector_store %arg6[%swap3A_1696], %broadcast_in_dim3A_7 {strides = array<i32>} : memref<1024xi32, #tpu.memory_space<vmem>>, vector<16xi32>,
      %swap3A_1698 = arith.constant 464 : index
      %swap3A_1699 = tpu.vector_load %arg6[%swap3A_1698] {strides = array<i32>} : memref<1024xi32, #tpu.memory_space<vmem>>, vector<16xi32>,
      tpu.vector_store %arg6[%swap3A_1698], %broadcast_in_dim3A_7 {strides = array<i32>} : memref<1024xi32, #tpu.memory_space<vmem>>, vector<16xi32>,
      %swap3A_1700 = arith.constant 480 : index
      %swap3A_1701 = tpu.vector_load %arg6[%swap3A_1700] {strides = array<i32>} : memref<1024xi32, #tpu.memory_space<vmem>>, vector<16xi32>,
      tpu.vector_store %arg6[%swap3A_1700], %broadcast_in_dim3A_7 {strides = array<i32>} : memref<1024xi32, #tpu.memory_space<vmem>>, vector<16xi32>,
      %swap3A_1702 = arith.constant 496 : index
      %swap3A_1703 = tpu.vector_load %arg6[%swap3A_1702] {strides = array<i32>} : memref<1024xi32, #tpu.memory_space<vmem>>, vector<16xi32>,
      tpu.vector_store %arg6[%swap3A_1702], %broadcast_in_dim3A_7 {strides = array<i32>} : memref<1024xi32, #tpu.memory_space<vmem>>, vector<16xi32>,
      %swap3A_1704 = arith.constant 512 : index
      %swap3A_1705 = tpu.vector_load %arg6[%swap3A_1704] {strides = array<i32>} : memref<1024xi32, #tpu.memory_space<vmem>>, vector<16xi32>,
      tpu.vector_store %arg6[%swap3A_1704], %broadcast_in_dim3A_7 {strides = array<i32>} : memref<1024xi32, #tpu.memory_space<vmem>>, vector<16xi32>,
      %swap3A_1706 = arith.constant 528 : index
      %swap3A_1707 = tpu.vector_load %arg6[%swap3A_1706] {strides = array<i32>} : memref<1024xi32, #tpu.memory_space<vmem>>, vector<16xi32>,
      tpu.vector_store %arg6[%swap3A_1706], %broadcast_in_dim3A_7 {strides = array<i32>} : memref<1024xi32, #tpu.memory_space<vmem>>, vector<16xi32>,
      %swap3A_1708 = arith.constant 544 : index
      %swap3A_1709 = tpu.vector_load %arg6[%swap3A_1708] {strides = array<i32>} : memref<1024xi32, #tpu.memory_space<vmem>>, vector<16xi32>,
      tpu.vector_store %arg6[%swap3A_1708], %broadcast_in_dim3A_7 {strides = array<i32>} : memref<1024xi32, #tpu.memory_space<vmem>>, vector<16xi32>,
      %swap3A_1710 = arith.constant 560 : index
      %swap3A_1711 = tpu.vector_load %arg6[%swap3A_1710] {strides = array<i32>} : memref<1024xi32, #tpu.memory_space<vmem>>, vector<16xi32>,
      tpu.vector_store %arg6[%swap3A_1710], %broadcast_in_dim3A_7 {strides = array<i32>} : memref<1024xi32, #tpu.memory_space<vmem>>, vector<16xi32>,
      %swap3A_1712 = arith.constant 576 : index
      %swap3A_1713 = tpu.vector_load %arg6[%swap3A_1712] {strides = array<i32>} : memref<1024xi32, #tpu.memory_space<vmem>>, vector<16xi32>,
      tpu.vector_store %arg6[%swap3A_1712], %broadcast_in_dim3A_7 {strides = array<i32>} : memref<1024xi32, #tpu.memory_space<vmem>>, vector<16xi32>,
      %swap3A_1714 = arith.constant 592 : index
      %swap3A_1715 = tpu.vector_load %arg6[%swap3A_1714] {strides = array<i32>} : memref<1024xi32, #tpu.memory_space<vmem>>, vector<16xi32>,
      tpu.vector_store %arg6[%swap3A_1714], %broadcast_in_dim3A_7 {strides = array<i32>} : memref<1024xi32, #tpu.memory_space<vmem>>, vector<16xi32>,
      %swap3A_1716 = arith.constant 608 : index
      %swap3A_1717 = tpu.vector_load %arg6[%swap3A_1716] {strides = array<i32>} : memref<1024xi32, #tpu.memory_space<vmem>>, vector<16xi32>,
      tpu.vector_store %arg6[%swap3A_1716], %broadcast_in_dim3A_7 {strides = array<i32>} : memref<1024xi32, #tpu.memory_space<vmem>>, vector<16xi32>,
      %swap3A_1718 = arith.constant 624 : index
      %swap3A_1719 = tpu.vector_load %arg6[%swap3A_1718] {strides = array<i32>} : memref<1024xi32, #tpu.memory_space<vmem>>, vector<16xi32>,
      tpu.vector_store %arg6[%swap3A_1718], %broadcast_in_dim3A_7 {strides = array<i32>} : memref<1024xi32, #tpu.memory_space<vmem>>, vector<16xi32>,
      %swap3A_1720 = arith.constant 640 : index
      %swap3A_1721 = tpu.vector_load %arg6[%swap3A_1720] {strides = array<i32>} : memref<1024xi32, #tpu.memory_space<vmem>>, vector<16xi32>,
      tpu.vector_store %arg6[%swap3A_1720], %broadcast_in_dim3A_7 {strides = array<i32>} : memref<1024xi32, #tpu.memory_space<vmem>>, vector<16xi32>,
      %swap3A_1722 = arith.constant 656 : index
      %swap3A_1723 = tpu.vector_load %arg6[%swap3A_1722] {strides = array<i32>} : memref<1024xi32, #tpu.memory_space<vmem>>, vector<16xi32>,
      tpu.vector_store %arg6[%swap3A_1722], %broadcast_in_dim3A_7 {strides = array<i32>} : memref<1024xi32, #tpu.memory_space<vmem>>, vector<16xi32>,
      %swap3A_1724 = arith.constant 672 : index
      %swap3A_1725 = tpu.vector_load %arg6[%swap3A_1724] {strides = array<i32>} : memref<1024xi32, #tpu.memory_space<vmem>>, vector<16xi32>,
      tpu.vector_store %arg6[%swap3A_1724], %broadcast_in_dim3A_7 {strides = array<i32>} : memref<1024xi32, #tpu.memory_space<vmem>>, vector<16xi32>,
      %swap3A_1726 = arith.constant 688 : index
      %swap3A_1727 = tpu.vector_load %arg6[%swap3A_1726] {strides = array<i32>} : memref<1024xi32, #tpu.memory_space<vmem>>, vector<16xi32>,
      tpu.vector_store %arg6[%swap3A_1726], %broadcast_in_dim3A_7 {strides = array<i32>} : memref<1024xi32, #tpu.memory_space<vmem>>, vector<16xi32>,
      %swap3A_1728 = arith.constant 704 : index
      %swap3A_1729 = tpu.vector_load %arg6[%swap3A_1728] {strides = array<i32>} : memref<1024xi32, #tpu.memory_space<vmem>>, vector<16xi32>,
      tpu.vector_store %arg6[%swap3A_1728], %broadcast_in_dim3A_7 {strides = array<i32>} : memref<1024xi32, #tpu.memory_space<vmem>>, vector<16xi32>,
      %swap3A_1730 = arith.constant 720 : index
      %swap3A_1731 = tpu.vector_load %arg6[%swap3A_1730] {strides = array<i32>} : memref<1024xi32, #tpu.memory_space<vmem>>, vector<16xi32>,
      tpu.vector_store %arg6[%swap3A_1730], %broadcast_in_dim3A_7 {strides = array<i32>} : memref<1024xi32, #tpu.memory_space<vmem>>, vector<16xi32>,
      %swap3A_1732 = arith.constant 736 : index
      %swap3A_1733 = tpu.vector_load %arg6[%swap3A_1732] {strides = array<i32>} : memref<1024xi32, #tpu.memory_space<vmem>>, vector<16xi32>,
      tpu.vector_store %arg6[%swap3A_1732], %broadcast_in_dim3A_7 {strides = array<i32>} : memref<1024xi32, #tpu.memory_space<vmem>>, vector<16xi32>,
      %swap3A_1734 = arith.constant 752 : index
      %swap3A_1735 = tpu.vector_load %arg6[%swap3A_1734] {strides = array<i32>} : memref<1024xi32, #tpu.memory_space<vmem>>, vector<16xi32>,
      tpu.vector_store %arg6[%swap3A_1734], %broadcast_in_dim3A_7 {strides = array<i32>} : memref<1024xi32, #tpu.memory_space<vmem>>, vector<16xi32>,
      %swap3A_1736 = arith.constant 768 : index
      %swap3A_1737 = tpu.vector_load %arg6[%swap3A_1736] {strides = array<i32>} : memref<1024xi32, #tpu.memory_space<vmem>>, vector<16xi32>,
      tpu.vector_store %arg6[%swap3A_1736], %broadcast_in_dim3A_7 {strides = array<i32>} : memref<1024xi32, #tpu.memory_space<vmem>>, vector<16xi32>,
      %swap3A_1738 = arith.constant 784 : index
      %swap3A_1739 = tpu.vector_load %arg6[%swap3A_1738] {strides = array<i32>} : memref<1024xi32, #tpu.memory_space<vmem>>, vector<16xi32>,
      tpu.vector_store %arg6[%swap3A_1738], %broadcast_in_dim3A_7 {strides = array<i32>} : memref<1024xi32, #tpu.memory_space<vmem>>, vector<16xi32>,
      %swap3A_1740 = arith.constant 800 : index
      %swap3A_1741 = tpu.vector_load %arg6[%swap3A_1740] {strides = array<i32>} : memref<1024xi32, #tpu.memory_space<vmem>>, vector<16xi32>,
      tpu.vector_store %arg6[%swap3A_1740], %broadcast_in_dim3A_7 {strides = array<i32>} : memref<1024xi32, #tpu.memory_space<vmem>>, vector<16xi32>,
      %swap3A_1742 = arith.constant 816 : index
      %swap3A_1743 = tpu.vector_load %arg6[%swap3A_1742] {strides = array<i32>} : memref<1024xi32, #tpu.memory_space<vmem>>, vector<16xi32>,
      tpu.vector_store %arg6[%swap3A_1742], %broadcast_in_dim3A_7 {strides = array<i32>} : memref<1024xi32, #tpu.memory_space<vmem>>, vector<16xi32>,
      %swap3A_1744 = arith.constant 832 : index
      %swap3A_1745 = tpu.vector_load %arg6[%swap3A_1744] {strides = array<i32>} : memref<1024xi32, #tpu.memory_space<vmem>>, vector<16xi32>,
      tpu.vector_store %arg6[%swap3A_1744], %broadcast_in_dim3A_7 {strides = array<i32>} : memref<1024xi32, #tpu.memory_space<vmem>>, vector<16xi32>,
      %swap3A_1746 = arith.constant 848 : index
      %swap3A_1747 = tpu.vector_load %arg6[%swap3A_1746] {strides = array<i32>} : memref<1024xi32, #tpu.memory_space<vmem>>, vector<16xi32>,
      tpu.vector_store %arg6[%swap3A_1746], %broadcast_in_dim3A_7 {strides = array<i32>} : memref<1024xi32, #tpu.memory_space<vmem>>, vector<16xi32>,
      %swap3A_1748 = arith.constant 864 : index
      %swap3A_1749 = tpu.vector_load %arg6[%swap3A_1748] {strides = array<i32>} : memref<1024xi32, #tpu.memory_space<vmem>>, vector<16xi32>,
      tpu.vector_store %arg6[%swap3A_1748], %broadcast_in_dim3A_7 {strides = array<i32>} : memref<1024xi32, #tpu.memory_space<vmem>>, vector<16xi32>,
      %swap3A_1750 = arith.constant 880 : index
      %swap3A_1751 = tpu.vector_load %arg6[%swap3A_1750] {strides = array<i32>} : memref<1024xi32, #tpu.memory_space<vmem>>, vector<16xi32>,
      tpu.vector_store %arg6[%swap3A_1750], %broadcast_in_dim3A_7 {strides = array<i32>} : memref<1024xi32, #tpu.memory_space<vmem>>, vector<16xi32>,
      %swap3A_1752 = arith.constant 896 : index
      %swap3A_1753 = tpu.vector_load %arg6[%swap3A_1752] {strides = array<i32>} : memref<1024xi32, #tpu.memory_space<vmem>>, vector<16xi32>,
      tpu.vector_store %arg6[%swap3A_1752], %broadcast_in_dim3A_7 {strides = array<i32>} : memref<1024xi32, #tpu.memory_space<vmem>>, vector<16xi32>,
      %swap3A_1754 = arith.constant 912 : index
      %swap3A_1755 = tpu.vector_load %arg6[%swap3A_1754] {strides = array<i32>} : memref<1024xi32, #tpu.memory_space<vmem>>, vector<16xi32>,
      tpu.vector_store %arg6[%swap3A_1754], %broadcast_in_dim3A_7 {strides = array<i32>} : memref<1024xi32, #tpu.memory_space<vmem>>, vector<16xi32>,
      %swap3A_1756 = arith.constant 928 : index
      %swap3A_1757 = tpu.vector_load %arg6[%swap3A_1756] {strides = array<i32>} : memref<1024xi32, #tpu.memory_space<vmem>>, vector<16xi32>,
      tpu.vector_store %arg6[%swap3A_1756], %broadcast_in_dim3A_7 {strides = array<i32>} : memref<1024xi32, #tpu.memory_space<vmem>>, vector<16xi32>,
      %swap3A_1758 = arith.constant 944 : index
      %swap3A_1759 = tpu.vector_load %arg6[%swap3A_1758] {strides = array<i32>} : memref<1024xi32, #tpu.memory_space<vmem>>, vector<16xi32>,
      tpu.vector_store %arg6[%swap3A_1758], %broadcast_in_dim3A_7 {strides = array<i32>} : memref<1024xi32, #tpu.memory_space<vmem>>, vector<16xi32>,
      %swap3A_1760 = arith.constant 960 : index
      %swap3A_1761 = tpu.vector_load %arg6[%swap3A_1760] {strides = array<i32>} : memref<1024xi32, #tpu.memory_space<vmem>>, vector<16xi32>,
      tpu.vector_store %arg6[%swap3A_1760], %broadcast_in_dim3A_7 {strides = array<i32>} : memref<1024xi32, #tpu.memory_space<vmem>>, vector<16xi32>,
      %swap3A_1762 = arith.constant 976 : index
      %swap3A_1763 = tpu.vector_load %arg6[%swap3A_1762] {strides = array<i32>} : memref<1024xi32, #tpu.memory_space<vmem>>, vector<16xi32>,
      tpu.vector_store %arg6[%swap3A_1762], %broadcast_in_dim3A_7 {strides = array<i32>} : memref<1024xi32, #tpu.memory_space<vmem>>, vector<16xi32>,
      %swap3A_1764 = arith.constant 992 : index
      %swap3A_1765 = tpu.vector_load %arg6[%swap3A_1764] {strides = array<i32>} : memref<1024xi32, #tpu.memory_space<vmem>>, vector<16xi32>,
      tpu.vector_store %arg6[%swap3A_1764], %broadcast_in_dim3A_7 {strides = array<i32>} : memref<1024xi32, #tpu.memory_space<vmem>>, vector<16xi32>,
      %swap3A_1766 = arith.constant 1008 : index
      %swap3A_1767 = tpu.vector_load %arg6[%swap3A_1766] {strides = array<i32>} : memref<1024xi32, #tpu.memory_space<vmem>>, vector<16xi32>,
      tpu.vector_store %arg6[%swap3A_1766], %broadcast_in_dim3A_7 {strides = array<i32>} : memref<1024xi32, #tpu.memory_space<vmem>>, vector<16xi32>,
      %add3A_1768 = arith.addi %select_n3A_1509, %reduce_sum3A_1519 : i32
      %lt3A_1769 = arith.constant 4096 : i32
      %lt3A_1770 = arith.cmpi slt, %add3A_1768, %lt3A_1769 : i32
      %convert_element_type3A_1771 = arith.extui %lt3A_1770 : i1 to i32
      %add3A_1772 = arith.constant 0 : i32
      %add3A_1773 = arith.addi %add3A_1772, %convert_element_type3A_1771 : i32
      %select_n3A_1774 = arith.select %lt3A_1770, %add3A_1768, %select_n3A_1509 : i32
      %add3A_1775 = arith.addi %add3A_1768, %reduce_sum3A_1527 : i32
      %lt3A_1776 = arith.constant 4096 : i32
      %lt3A_1777 = arith.cmpi slt, %add3A_1775, %lt3A_1776 : i32
      %convert_element_type3A_1778 = arith.extui %lt3A_1777 : i1 to i32
      %add3A_1779 = arith.addi %add3A_1773, %convert_element_type3A_1778 : i32
      %select_n3A_1780 = arith.select %lt3A_1777, %add3A_1775, %select_n3A_1774 : i32
      %add3A_1781 = arith.addi %add3A_1775, %reduce_sum3A_1535 : i32
      %lt3A_1782 = arith.constant 4096 : i32
      %lt3A_1783 = arith.cmpi slt, %add3A_1781, %lt3A_1782 : i32
      %convert_element_type3A_1784 = arith.extui %lt3A_1783 : i1 to i32
      %add3A_1785 = arith.addi %add3A_1779, %convert_element_type3A_1784 : i32
      %select_n3A_1786 = arith.select %lt3A_1783, %add3A_1781, %select_n3A_1780 : i32
      %add3A_1787 = arith.addi %add3A_1781, %reduce_sum3A_1543 : i32
      %lt3A_1788 = arith.constant 4096 : i32
      %lt3A_1789 = arith.cmpi slt, %add3A_1787, %lt3A_1788 : i32
      %convert_element_type3A_1790 = arith.extui %lt3A_1789 : i1 to i32
      %add3A_1791 = arith.addi %add3A_1785, %convert_element_type3A_1790 : i32
      %select_n3A_1792 = arith.select %lt3A_1789, %add3A_1787, %select_n3A_1786 : i32
      %add3A_1793 = arith.addi %add3A_1787, %reduce_sum3A_1551 : i32
      %lt3A_1794 = arith.constant 4096 : i32
      %lt3A_1795 = arith.cmpi slt, %add3A_1793, %lt3A_1794 : i32
      %convert_element_type3A_1796 = arith.extui %lt3A_1795 : i1 to i32
      %add3A_1797 = arith.addi %add3A_1791, %convert_element_type3A_1796 : i32
      %select_n3A_1798 = arith.select %lt3A_1795, %add3A_1793, %select_n3A_1792 : i32
      %add3A_1799 = arith.addi %add3A_1793, %reduce_sum3A_1559 : i32
      %lt3A_1800 = arith.constant 4096 : i32
      %lt3A_1801 = arith.cmpi slt, %add3A_1799, %lt3A_1800 : i32
      %convert_element_type3A_1802 = arith.extui %lt3A_1801 : i1 to i32
      %add3A_1803 = arith.addi %add3A_1797, %convert_element_type3A_1802 : i32
      %select_n3A_1804 = arith.select %lt3A_1801, %add3A_1799, %select_n3A_1798 : i32
      %add3A_1805 = arith.addi %add3A_1799, %reduce_sum3A_1567 : i32
      %lt3A_1806 = arith.constant 4096 : i32
      %lt3A_1807 = arith.cmpi slt, %add3A_1805, %lt3A_1806 : i32
      %convert_element_type3A_1808 = arith.extui %lt3A_1807 : i1 to i32
      %add3A_1809 = arith.addi %add3A_1803, %convert_element_type3A_1808 : i32
      %select_n3A_1810 = arith.select %lt3A_1807, %add3A_1805, %select_n3A_1804 : i32
      %add3A_1811 = arith.addi %add3A_1805, %reduce_sum3A_1575 : i32
      %lt3A_1812 = arith.constant 4096 : i32
      %lt3A_1813 = arith.cmpi slt, %add3A_1811, %lt3A_1812 : i32
      %convert_element_type3A_1814 = arith.extui %lt3A_1813 : i1 to i32
      %add3A_1815 = arith.addi %add3A_1809, %convert_element_type3A_1814 : i32
      %select_n3A_1816 = arith.select %lt3A_1813, %add3A_1811, %select_n3A_1810 : i32
      %add3A_1817 = arith.addi %add3A_1811, %reduce_sum3A_1583 : i32
      %lt3A_1818 = arith.constant 4096 : i32
      %lt3A_1819 = arith.cmpi slt, %add3A_1817, %lt3A_1818 : i32
      %convert_element_type3A_1820 = arith.extui %lt3A_1819 : i1 to i32
      %add3A_1821 = arith.addi %add3A_1815, %convert_element_type3A_1820 : i32
      %select_n3A_1822 = arith.select %lt3A_1819, %add3A_1817, %select_n3A_1816 : i32
      %add3A_1823 = arith.addi %add3A_1817, %reduce_sum3A_1591 : i32
      %lt3A_1824 = arith.constant 4096 : i32
      %lt3A_1825 = arith.cmpi slt, %add3A_1823, %lt3A_1824 : i32
      %convert_element_type3A_1826 = arith.extui %lt3A_1825 : i1 to i32
      %add3A_1827 = arith.addi %add3A_1821, %convert_element_type3A_1826 : i32
      %select_n3A_1828 = arith.select %lt3A_1825, %add3A_1823, %select_n3A_1822 : i32
      %add3A_1829 = arith.addi %add3A_1823, %reduce_sum3A_1599 : i32
      %lt3A_1830 = arith.constant 4096 : i32
      %lt3A_1831 = arith.cmpi slt, %add3A_1829, %lt3A_1830 : i32
      %convert_element_type3A_1832 = arith.extui %lt3A_1831 : i1 to i32
      %add3A_1833 = arith.addi %add3A_1827, %convert_element_type3A_1832 : i32
      %select_n3A_1834 = arith.select %lt3A_1831, %add3A_1829, %select_n3A_1828 : i32
      %add3A_1835 = arith.addi %add3A_1829, %reduce_sum3A_1607 : i32
      %lt3A_1836 = arith.constant 4096 : i32
      %lt3A_1837 = arith.cmpi slt, %add3A_1835, %lt3A_1836 : i32
      %convert_element_type3A_1838 = arith.extui %lt3A_1837 : i1 to i32
      %add3A_1839 = arith.addi %add3A_1833, %convert_element_type3A_1838 : i32
      %select_n3A_1840 = arith.select %lt3A_1837, %add3A_1835, %select_n3A_1834 : i32
      %add3A_1841 = arith.addi %add3A_1835, %reduce_sum3A_1615 : i32
      %lt3A_1842 = arith.constant 4096 : i32
      %lt3A_1843 = arith.cmpi slt, %add3A_1841, %lt3A_1842 : i32
      %convert_element_type3A_1844 = arith.extui %lt3A_1843 : i1 to i32
      %add3A_1845 = arith.addi %add3A_1839, %convert_element_type3A_1844 : i32
      %select_n3A_1846 = arith.select %lt3A_1843, %add3A_1841, %select_n3A_1840 : i32
      %add3A_1847 = arith.addi %add3A_1841, %reduce_sum3A_1623 : i32
      %lt3A_1848 = arith.constant 4096 : i32
      %lt3A_1849 = arith.cmpi slt, %add3A_1847, %lt3A_1848 : i32
      %convert_element_type3A_1850 = arith.extui %lt3A_1849 : i1 to i32
      %add3A_1851 = arith.addi %add3A_1845, %convert_element_type3A_1850 : i32
      %select_n3A_1852 = arith.select %lt3A_1849, %add3A_1847, %select_n3A_1846 : i32
      %add3A_1853 = arith.addi %add3A_1847, %reduce_sum3A_1631 : i32
      %lt3A_1854 = arith.constant 4096 : i32
      %lt3A_1855 = arith.cmpi slt, %add3A_1853, %lt3A_1854 : i32
      %convert_element_type3A_1856 = arith.extui %lt3A_1855 : i1 to i32
      %add3A_1857 = arith.addi %add3A_1851, %convert_element_type3A_1856 : i32
      %select_n3A_1858 = arith.select %lt3A_1855, %add3A_1853, %select_n3A_1852 : i32
      %add3A_1859 = arith.addi %add3A_1853, %reduce_sum3A_1639 : i32
      %lt3A_1860 = arith.constant 4096 : i32
      %lt3A_1861 = arith.cmpi slt, %add3A_1859, %lt3A_1860 : i32
      %convert_element_type3A_1862 = arith.extui %lt3A_1861 : i1 to i32
      %add3A_1863 = arith.addi %add3A_1857, %convert_element_type3A_1862 : i32
      %select_n3A_1864 = arith.select %lt3A_1861, %add3A_1859, %select_n3A_1858 : i32
      %mul3A_1865 = arith.constant 16 : i32
      %mul3A_1866 = arith.muli %add3A_1508, %mul3A_1865 : i32
      %add3A_1867 = arith.addi %mul3A_1866, %add3A_1863 : i32
      %sub3A_1868 = arith.constant 4096 : i32
      %sub3A_1869 = arith.subi %sub3A_1868, %select_n3A_1864 : i32
      %sub3A_1870 = arith.constant 1 : i32
      %sub3A_1871 = arith.subi %add3A_1867, %sub3A_1870 : i32
      %mul3A_1872 = arith.constant 64 : i32
      %mul3A_1873 = arith.muli %sub3A_1871, %mul3A_1872 : i32
      %broadcast_in_dim3A_1874 = vector.broadcast %mul3A_1873 : i32 to vector<16xi32>
      %convert_element_type3A_1875 = arith.sitofp %broadcast_in_dim3A_1874 : vector<16xi32> to vector<16xf32>
      %parallel_loop3A_1876 = arith.constant 0 : i32
      %parallel_loop3A_1877 = arith.constant 512 : i32
      %parallel_loop3A_1878 = arith.constant 1 : i32
      scf.for %parallel_loop3A_2485 = %parallel_loop3A_1876 to %parallel_loop3A_1877 step %parallel_loop3A_1878  : i32 {
        %parallel_loop3A_2486 = arith.constant 16 : i32
        %parallel_loop3A_2487 = arith.muli %parallel_loop3A_2485, %parallel_loop3A_2486 : i32
        %parallel_loop3A_2488 = arith.index_cast %parallel_loop3A_2487 : i32 to index
        %parallel_loop3A_2489 = tpu.vector_load %arg5[%parallel_loop3A_2488] {strides = array<i32>} : memref<8192xf32, #tpu.memory_space<vmem>>, vector<16xf32>,
        %parallel_loop3A_2490 = arith.constant 4.096000e+03 : f32
        %parallel_loop3A_2491 = vector.broadcast %parallel_loop3A_2490 : f32 to vector<16xf32>
        %parallel_loop3A_2492 = arith.mulf %parallel_loop3A_2489, %parallel_loop3A_2491 : vector<16xf32>
        %parallel_loop3A_2493 = arith.subf %parallel_loop3A_2492, %convert_element_type3A_1875 : vector<16xf32>
        %parallel_loop3A_2494 = arith.fptosi %parallel_loop3A_2493 : vector<16xf32> to vector<16xi32>
        %parallel_loop3A_2495 = arith.constant 64 : i32
        %parallel_loop3A_2496 = vector.broadcast %parallel_loop3A_2495 : i32 to vector<16xi32>
        %parallel_loop3A_2497 = arith.subi %parallel_loop3A_2494, %parallel_loop3A_2496 : vector<16xi32>
        %parallel_loop3A_2498 = arith.constant 64 : i32
        %parallel_loop3A_2499 = vector.broadcast %parallel_loop3A_2498 : i32 to vector<16xi32>
        %parallel_loop3A_2500 = arith.cmpi ult, %parallel_loop3A_2497, %parallel_loop3A_2499 : vector<16xi32>
        %parallel_loop3A_2501 = arith.constant 16 : i32
        %parallel_loop3A_2502 = vector.broadcast %parallel_loop3A_2501 : i32 to vector<16xi32>
        %parallel_loop3A_2503 = arith.muli %parallel_loop3A_2494, %parallel_loop3A_2502 : vector<16xi32>
        %parallel_loop3A_2504 = arith.addi %parallel_loop3A_2503, %sub3A_4 : vector<16xi32>
        tpu.vector_store_idx %arg6[%parallel_loop3A_2504], %broadcast_in_dim3A_5 masked %parallel_loop3A_2500 {add = true} : memref<1024xi32, #tpu.memory_space<vmem>>[vector<16xi32>], vector<16xi32>, vector<16xi1>
      } {sc.loop_unroll_factor = 8 : i64, sc.parallel_access}
      %get3A_1879 = arith.constant 0 : index
      %get3A_1880 = tpu.vector_load %arg6[%get3A_1879] {strides = array<i32>} : memref<1024xi32, #tpu.memory_space<vmem>>, vector<16xi32>,
      %get3A_1881 = arith.constant 16 : index
      %get3A_1882 = tpu.vector_load %arg6[%get3A_1881] {strides = array<i32>} : memref<1024xi32, #tpu.memory_space<vmem>>, vector<16xi32>,
      %add3A_1883 = arith.addi %get3A_1880, %get3A_1882 : vector<16xi32>
      %get3A_1884 = arith.constant 32 : index
      %get3A_1885 = tpu.vector_load %arg6[%get3A_1884] {strides = array<i32>} : memref<1024xi32, #tpu.memory_space<vmem>>, vector<16xi32>,
      %add3A_1886 = arith.addi %add3A_1883, %get3A_1885 : vector<16xi32>
      %get3A_1887 = arith.constant 48 : index
      %get3A_1888 = tpu.vector_load %arg6[%get3A_1887] {strides = array<i32>} : memref<1024xi32, #tpu.memory_space<vmem>>, vector<16xi32>,
      %add3A_1889 = arith.addi %add3A_1886, %get3A_1888 : vector<16xi32>
      %get3A_1890 = arith.constant 64 : index
      %get3A_1891 = tpu.vector_load %arg6[%get3A_1890] {strides = array<i32>} : memref<1024xi32, #tpu.memory_space<vmem>>, vector<16xi32>,
      %add3A_1892 = arith.addi %add3A_1889, %get3A_1891 : vector<16xi32>
      %get3A_1893 = arith.constant 80 : index
      %get3A_1894 = tpu.vector_load %arg6[%get3A_1893] {strides = array<i32>} : memref<1024xi32, #tpu.memory_space<vmem>>, vector<16xi32>,
      %add3A_1895 = arith.addi %add3A_1892, %get3A_1894 : vector<16xi32>
      %get3A_1896 = arith.constant 96 : index
      %get3A_1897 = tpu.vector_load %arg6[%get3A_1896] {strides = array<i32>} : memref<1024xi32, #tpu.memory_space<vmem>>, vector<16xi32>,
      %add3A_1898 = arith.addi %add3A_1895, %get3A_1897 : vector<16xi32>
      %get3A_1899 = arith.constant 112 : index
      %get3A_1900 = tpu.vector_load %arg6[%get3A_1899] {strides = array<i32>} : memref<1024xi32, #tpu.memory_space<vmem>>, vector<16xi32>,
      %add3A_1901 = arith.addi %add3A_1898, %get3A_1900 : vector<16xi32>
      %get3A_1902 = arith.constant 128 : index
      %get3A_1903 = tpu.vector_load %arg6[%get3A_1902] {strides = array<i32>} : memref<1024xi32, #tpu.memory_space<vmem>>, vector<16xi32>,
      %add3A_1904 = arith.addi %add3A_1901, %get3A_1903 : vector<16xi32>
      %get3A_1905 = arith.constant 144 : index
      %get3A_1906 = tpu.vector_load %arg6[%get3A_1905] {strides = array<i32>} : memref<1024xi32, #tpu.memory_space<vmem>>, vector<16xi32>,
      %add3A_1907 = arith.addi %add3A_1904, %get3A_1906 : vector<16xi32>
      %get3A_1908 = arith.constant 160 : index
      %get3A_1909 = tpu.vector_load %arg6[%get3A_1908] {strides = array<i32>} : memref<1024xi32, #tpu.memory_space<vmem>>, vector<16xi32>,
      %add3A_1910 = arith.addi %add3A_1907, %get3A_1909 : vector<16xi32>
      %get3A_1911 = arith.constant 176 : index
      %get3A_1912 = tpu.vector_load %arg6[%get3A_1911] {strides = array<i32>} : memref<1024xi32, #tpu.memory_space<vmem>>, vector<16xi32>,
      %add3A_1913 = arith.addi %add3A_1910, %get3A_1912 : vector<16xi32>
      %get3A_1914 = arith.constant 192 : index
      %get3A_1915 = tpu.vector_load %arg6[%get3A_1914] {strides = array<i32>} : memref<1024xi32, #tpu.memory_space<vmem>>, vector<16xi32>,
      %add3A_1916 = arith.addi %add3A_1913, %get3A_1915 : vector<16xi32>
      %get3A_1917 = arith.constant 208 : index
      %get3A_1918 = tpu.vector_load %arg6[%get3A_1917] {strides = array<i32>} : memref<1024xi32, #tpu.memory_space<vmem>>, vector<16xi32>,
      %add3A_1919 = arith.addi %add3A_1916, %get3A_1918 : vector<16xi32>
      %get3A_1920 = arith.constant 224 : index
      %get3A_1921 = tpu.vector_load %arg6[%get3A_1920] {strides = array<i32>} : memref<1024xi32, #tpu.memory_space<vmem>>, vector<16xi32>,
      %add3A_1922 = arith.addi %add3A_1919, %get3A_1921 : vector<16xi32>
      %get3A_1923 = arith.constant 240 : index
      %get3A_1924 = tpu.vector_load %arg6[%get3A_1923] {strides = array<i32>} : memref<1024xi32, #tpu.memory_space<vmem>>, vector<16xi32>,
      %add3A_1925 = arith.addi %add3A_1922, %get3A_1924 : vector<16xi32>
      %reduce_sum3A_1926 = arith.constant true
      %reduce_sum3A_1927 = vector.broadcast %reduce_sum3A_1926 : i1 to vector<16xi1>
      %reduce_sum3A_1928 = tpu.scan <sum>, %add3A_1925 masked %reduce_sum3A_1927 : vector<16xi32>, vector<16xi1> -> vector<16xi32>
      %reduce_sum3A_1929 = vector.extract %reduce_sum3A_1928[15] : i32 from vector<16xi32>
      %get3A_1930 = arith.constant 256 : index
      %get3A_1931 = tpu.vector_load %arg6[%get3A_1930] {strides = array<i32>} : memref<1024xi32, #tpu.memory_space<vmem>>, vector<16xi32>,
      %get3A_1932 = arith.constant 272 : index
      %get3A_1933 = tpu.vector_load %arg6[%get3A_1932] {strides = array<i32>} : memref<1024xi32, #tpu.memory_space<vmem>>, vector<16xi32>,
      %add3A_1934 = arith.addi %get3A_1931, %get3A_1933 : vector<16xi32>
      %get3A_1935 = arith.constant 288 : index
      %get3A_1936 = tpu.vector_load %arg6[%get3A_1935] {strides = array<i32>} : memref<1024xi32, #tpu.memory_space<vmem>>, vector<16xi32>,
      %add3A_1937 = arith.addi %add3A_1934, %get3A_1936 : vector<16xi32>
      %get3A_1938 = arith.constant 304 : index
      %get3A_1939 = tpu.vector_load %arg6[%get3A_1938] {strides = array<i32>} : memref<1024xi32, #tpu.memory_space<vmem>>, vector<16xi32>,
      %add3A_1940 = arith.addi %add3A_1937, %get3A_1939 : vector<16xi32>
      %get3A_1941 = arith.constant 320 : index
      %get3A_1942 = tpu.vector_load %arg6[%get3A_1941] {strides = array<i32>} : memref<1024xi32, #tpu.memory_space<vmem>>, vector<16xi32>,
      %add3A_1943 = arith.addi %add3A_1940, %get3A_1942 : vector<16xi32>
      %get3A_1944 = arith.constant 336 : index
      %get3A_1945 = tpu.vector_load %arg6[%get3A_1944] {strides = array<i32>} : memref<1024xi32, #tpu.memory_space<vmem>>, vector<16xi32>,
      %add3A_1946 = arith.addi %add3A_1943, %get3A_1945 : vector<16xi32>
      %get3A_1947 = arith.constant 352 : index
      %get3A_1948 = tpu.vector_load %arg6[%get3A_1947] {strides = array<i32>} : memref<1024xi32, #tpu.memory_space<vmem>>, vector<16xi32>,
      %add3A_1949 = arith.addi %add3A_1946, %get3A_1948 : vector<16xi32>
      %get3A_1950 = arith.constant 368 : index
      %get3A_1951 = tpu.vector_load %arg6[%get3A_1950] {strides = array<i32>} : memref<1024xi32, #tpu.memory_space<vmem>>, vector<16xi32>,
      %add3A_1952 = arith.addi %add3A_1949, %get3A_1951 : vector<16xi32>
      %get3A_1953 = arith.constant 384 : index
      %get3A_1954 = tpu.vector_load %arg6[%get3A_1953] {strides = array<i32>} : memref<1024xi32, #tpu.memory_space<vmem>>, vector<16xi32>,
      %add3A_1955 = arith.addi %add3A_1952, %get3A_1954 : vector<16xi32>
      %get3A_1956 = arith.constant 400 : index
      %get3A_1957 = tpu.vector_load %arg6[%get3A_1956] {strides = array<i32>} : memref<1024xi32, #tpu.memory_space<vmem>>, vector<16xi32>,
      %add3A_1958 = arith.addi %add3A_1955, %get3A_1957 : vector<16xi32>
      %get3A_1959 = arith.constant 416 : index
      %get3A_1960 = tpu.vector_load %arg6[%get3A_1959] {strides = array<i32>} : memref<1024xi32, #tpu.memory_space<vmem>>, vector<16xi32>,
      %add3A_1961 = arith.addi %add3A_1958, %get3A_1960 : vector<16xi32>
      %get3A_1962 = arith.constant 432 : index
      %get3A_1963 = tpu.vector_load %arg6[%get3A_1962] {strides = array<i32>} : memref<1024xi32, #tpu.memory_space<vmem>>, vector<16xi32>,
      %add3A_1964 = arith.addi %add3A_1961, %get3A_1963 : vector<16xi32>
      %get3A_1965 = arith.constant 448 : index
      %get3A_1966 = tpu.vector_load %arg6[%get3A_1965] {strides = array<i32>} : memref<1024xi32, #tpu.memory_space<vmem>>, vector<16xi32>,
      %add3A_1967 = arith.addi %add3A_1964, %get3A_1966 : vector<16xi32>
      %get3A_1968 = arith.constant 464 : index
      %get3A_1969 = tpu.vector_load %arg6[%get3A_1968] {strides = array<i32>} : memref<1024xi32, #tpu.memory_space<vmem>>, vector<16xi32>,
      %add3A_1970 = arith.addi %add3A_1967, %get3A_1969 : vector<16xi32>
      %get3A_1971 = arith.constant 480 : index
      %get3A_1972 = tpu.vector_load %arg6[%get3A_1971] {strides = array<i32>} : memref<1024xi32, #tpu.memory_space<vmem>>, vector<16xi32>,
      %add3A_1973 = arith.addi %add3A_1970, %get3A_1972 : vector<16xi32>
      %get3A_1974 = arith.constant 496 : index
      %get3A_1975 = tpu.vector_load %arg6[%get3A_1974] {strides = array<i32>} : memref<1024xi32, #tpu.memory_space<vmem>>, vector<16xi32>,
      %add3A_1976 = arith.addi %add3A_1973, %get3A_1975 : vector<16xi32>
      %reduce_sum3A_1977 = arith.constant true
      %reduce_sum3A_1978 = vector.broadcast %reduce_sum3A_1977 : i1 to vector<16xi1>
      %reduce_sum3A_1979 = tpu.scan <sum>, %add3A_1976 masked %reduce_sum3A_1978 : vector<16xi32>, vector<16xi1> -> vector<16xi32>
      %reduce_sum3A_1980 = vector.extract %reduce_sum3A_1979[15] : i32 from vector<16xi32>
      %get3A_1981 = arith.constant 512 : index
      %get3A_1982 = tpu.vector_load %arg6[%get3A_1981] {strides = array<i32>} : memref<1024xi32, #tpu.memory_space<vmem>>, vector<16xi32>,
      %get3A_1983 = arith.constant 528 : index
      %get3A_1984 = tpu.vector_load %arg6[%get3A_1983] {strides = array<i32>} : memref<1024xi32, #tpu.memory_space<vmem>>, vector<16xi32>,
      %add3A_1985 = arith.addi %get3A_1982, %get3A_1984 : vector<16xi32>
      %get3A_1986 = arith.constant 544 : index
      %get3A_1987 = tpu.vector_load %arg6[%get3A_1986] {strides = array<i32>} : memref<1024xi32, #tpu.memory_space<vmem>>, vector<16xi32>,
      %add3A_1988 = arith.addi %add3A_1985, %get3A_1987 : vector<16xi32>
      %get3A_1989 = arith.constant 560 : index
      %get3A_1990 = tpu.vector_load %arg6[%get3A_1989] {strides = array<i32>} : memref<1024xi32, #tpu.memory_space<vmem>>, vector<16xi32>,
      %add3A_1991 = arith.addi %add3A_1988, %get3A_1990 : vector<16xi32>
      %get3A_1992 = arith.constant 576 : index
      %get3A_1993 = tpu.vector_load %arg6[%get3A_1992] {strides = array<i32>} : memref<1024xi32, #tpu.memory_space<vmem>>, vector<16xi32>,
      %add3A_1994 = arith.addi %add3A_1991, %get3A_1993 : vector<16xi32>
      %get3A_1995 = arith.constant 592 : index
      %get3A_1996 = tpu.vector_load %arg6[%get3A_1995] {strides = array<i32>} : memref<1024xi32, #tpu.memory_space<vmem>>, vector<16xi32>,
      %add3A_1997 = arith.addi %add3A_1994, %get3A_1996 : vector<16xi32>
      %get3A_1998 = arith.constant 608 : index
      %get3A_1999 = tpu.vector_load %arg6[%get3A_1998] {strides = array<i32>} : memref<1024xi32, #tpu.memory_space<vmem>>, vector<16xi32>,
      %add3A_2000 = arith.addi %add3A_1997, %get3A_1999 : vector<16xi32>
      %get3A_2001 = arith.constant 624 : index
      %get3A_2002 = tpu.vector_load %arg6[%get3A_2001] {strides = array<i32>} : memref<1024xi32, #tpu.memory_space<vmem>>, vector<16xi32>,
      %add3A_2003 = arith.addi %add3A_2000, %get3A_2002 : vector<16xi32>
      %get3A_2004 = arith.constant 640 : index
      %get3A_2005 = tpu.vector_load %arg6[%get3A_2004] {strides = array<i32>} : memref<1024xi32, #tpu.memory_space<vmem>>, vector<16xi32>,
      %add3A_2006 = arith.addi %add3A_2003, %get3A_2005 : vector<16xi32>
      %get3A_2007 = arith.constant 656 : index
      %get3A_2008 = tpu.vector_load %arg6[%get3A_2007] {strides = array<i32>} : memref<1024xi32, #tpu.memory_space<vmem>>, vector<16xi32>,
      %add3A_2009 = arith.addi %add3A_2006, %get3A_2008 : vector<16xi32>
      %get3A_2010 = arith.constant 672 : index
      %get3A_2011 = tpu.vector_load %arg6[%get3A_2010] {strides = array<i32>} : memref<1024xi32, #tpu.memory_space<vmem>>, vector<16xi32>,
      %add3A_2012 = arith.addi %add3A_2009, %get3A_2011 : vector<16xi32>
      %get3A_2013 = arith.constant 688 : index
      %get3A_2014 = tpu.vector_load %arg6[%get3A_2013] {strides = array<i32>} : memref<1024xi32, #tpu.memory_space<vmem>>, vector<16xi32>,
      %add3A_2015 = arith.addi %add3A_2012, %get3A_2014 : vector<16xi32>
      %get3A_2016 = arith.constant 704 : index
      %get3A_2017 = tpu.vector_load %arg6[%get3A_2016] {strides = array<i32>} : memref<1024xi32, #tpu.memory_space<vmem>>, vector<16xi32>,
      %add3A_2018 = arith.addi %add3A_2015, %get3A_2017 : vector<16xi32>
      %get3A_2019 = arith.constant 720 : index
      %get3A_2020 = tpu.vector_load %arg6[%get3A_2019] {strides = array<i32>} : memref<1024xi32, #tpu.memory_space<vmem>>, vector<16xi32>,
      %add3A_2021 = arith.addi %add3A_2018, %get3A_2020 : vector<16xi32>
      %get3A_2022 = arith.constant 736 : index
      %get3A_2023 = tpu.vector_load %arg6[%get3A_2022] {strides = array<i32>} : memref<1024xi32, #tpu.memory_space<vmem>>, vector<16xi32>,
      %add3A_2024 = arith.addi %add3A_2021, %get3A_2023 : vector<16xi32>
      %get3A_2025 = arith.constant 752 : index
      %get3A_2026 = tpu.vector_load %arg6[%get3A_2025] {strides = array<i32>} : memref<1024xi32, #tpu.memory_space<vmem>>, vector<16xi32>,
      %add3A_2027 = arith.addi %add3A_2024, %get3A_2026 : vector<16xi32>
      %reduce_sum3A_2028 = arith.constant true
      %reduce_sum3A_2029 = vector.broadcast %reduce_sum3A_2028 : i1 to vector<16xi1>
      %reduce_sum3A_2030 = tpu.scan <sum>, %add3A_2027 masked %reduce_sum3A_2029 : vector<16xi32>, vector<16xi1> -> vector<16xi32>
      %reduce_sum3A_2031 = vector.extract %reduce_sum3A_2030[15] : i32 from vector<16xi32>
      %get3A_2032 = arith.constant 768 : index
      %get3A_2033 = tpu.vector_load %arg6[%get3A_2032] {strides = array<i32>} : memref<1024xi32, #tpu.memory_space<vmem>>, vector<16xi32>,
      %get3A_2034 = arith.constant 784 : index
      %get3A_2035 = tpu.vector_load %arg6[%get3A_2034] {strides = array<i32>} : memref<1024xi32, #tpu.memory_space<vmem>>, vector<16xi32>,
      %add3A_2036 = arith.addi %get3A_2033, %get3A_2035 : vector<16xi32>
      %get3A_2037 = arith.constant 800 : index
      %get3A_2038 = tpu.vector_load %arg6[%get3A_2037] {strides = array<i32>} : memref<1024xi32, #tpu.memory_space<vmem>>, vector<16xi32>,
      %add3A_2039 = arith.addi %add3A_2036, %get3A_2038 : vector<16xi32>
      %get3A_2040 = arith.constant 816 : index
      %get3A_2041 = tpu.vector_load %arg6[%get3A_2040] {strides = array<i32>} : memref<1024xi32, #tpu.memory_space<vmem>>, vector<16xi32>,
      %add3A_2042 = arith.addi %add3A_2039, %get3A_2041 : vector<16xi32>
      %get3A_2043 = arith.constant 832 : index
      %get3A_2044 = tpu.vector_load %arg6[%get3A_2043] {strides = array<i32>} : memref<1024xi32, #tpu.memory_space<vmem>>, vector<16xi32>,
      %add3A_2045 = arith.addi %add3A_2042, %get3A_2044 : vector<16xi32>
      %get3A_2046 = arith.constant 848 : index
      %get3A_2047 = tpu.vector_load %arg6[%get3A_2046] {strides = array<i32>} : memref<1024xi32, #tpu.memory_space<vmem>>, vector<16xi32>,
      %add3A_2048 = arith.addi %add3A_2045, %get3A_2047 : vector<16xi32>
      %get3A_2049 = arith.constant 864 : index
      %get3A_2050 = tpu.vector_load %arg6[%get3A_2049] {strides = array<i32>} : memref<1024xi32, #tpu.memory_space<vmem>>, vector<16xi32>,
      %add3A_2051 = arith.addi %add3A_2048, %get3A_2050 : vector<16xi32>
      %get3A_2052 = arith.constant 880 : index
      %get3A_2053 = tpu.vector_load %arg6[%get3A_2052] {strides = array<i32>} : memref<1024xi32, #tpu.memory_space<vmem>>, vector<16xi32>,
      %add3A_2054 = arith.addi %add3A_2051, %get3A_2053 : vector<16xi32>
      %get3A_2055 = arith.constant 896 : index
      %get3A_2056 = tpu.vector_load %arg6[%get3A_2055] {strides = array<i32>} : memref<1024xi32, #tpu.memory_space<vmem>>, vector<16xi32>,
      %add3A_2057 = arith.addi %add3A_2054, %get3A_2056 : vector<16xi32>
      %get3A_2058 = arith.constant 912 : index
      %get3A_2059 = tpu.vector_load %arg6[%get3A_2058] {strides = array<i32>} : memref<1024xi32, #tpu.memory_space<vmem>>, vector<16xi32>,
      %add3A_2060 = arith.addi %add3A_2057, %get3A_2059 : vector<16xi32>
      %get3A_2061 = arith.constant 928 : index
      %get3A_2062 = tpu.vector_load %arg6[%get3A_2061] {strides = array<i32>} : memref<1024xi32, #tpu.memory_space<vmem>>, vector<16xi32>,
      %add3A_2063 = arith.addi %add3A_2060, %get3A_2062 : vector<16xi32>
      %get3A_2064 = arith.constant 944 : index
      %get3A_2065 = tpu.vector_load %arg6[%get3A_2064] {strides = array<i32>} : memref<1024xi32, #tpu.memory_space<vmem>>, vector<16xi32>,
      %add3A_2066 = arith.addi %add3A_2063, %get3A_2065 : vector<16xi32>
      %get3A_2067 = arith.constant 960 : index
      %get3A_2068 = tpu.vector_load %arg6[%get3A_2067] {strides = array<i32>} : memref<1024xi32, #tpu.memory_space<vmem>>, vector<16xi32>,
      %add3A_2069 = arith.addi %add3A_2066, %get3A_2068 : vector<16xi32>
      %get3A_2070 = arith.constant 976 : index
      %get3A_2071 = tpu.vector_load %arg6[%get3A_2070] {strides = array<i32>} : memref<1024xi32, #tpu.memory_space<vmem>>, vector<16xi32>,
      %add3A_2072 = arith.addi %add3A_2069, %get3A_2071 : vector<16xi32>
      %get3A_2073 = arith.constant 992 : index
      %get3A_2074 = tpu.vector_load %arg6[%get3A_2073] {strides = array<i32>} : memref<1024xi32, #tpu.memory_space<vmem>>, vector<16xi32>,
      %add3A_2075 = arith.addi %add3A_2072, %get3A_2074 : vector<16xi32>
      %get3A_2076 = arith.constant 1008 : index
      %get3A_2077 = tpu.vector_load %arg6[%get3A_2076] {strides = array<i32>} : memref<1024xi32, #tpu.memory_space<vmem>>, vector<16xi32>,
      %add3A_2078 = arith.addi %add3A_2075, %get3A_2077 : vector<16xi32>
      %reduce_sum3A_2079 = arith.constant true
      %reduce_sum3A_2080 = vector.broadcast %reduce_sum3A_2079 : i1 to vector<16xi1>
      %reduce_sum3A_2081 = tpu.scan <sum>, %add3A_2078 masked %reduce_sum3A_2080 : vector<16xi32>, vector<16xi1> -> vector<16xi32>
      %reduce_sum3A_2082 = vector.extract %reduce_sum3A_2081[15] : i32 from vector<16xi32>
      %add3A_2083 = arith.constant 0 : i32
      %add3A_2084 = arith.addi %add3A_2083, %reduce_sum3A_1929 : i32
      %lt3A_2085 = arith.cmpi slt, %add3A_2084, %sub3A_1869 : i32
      %convert_element_type3A_2086 = arith.extui %lt3A_2085 : i1 to i32
      %add3A_2087 = arith.constant 0 : i32
      %add3A_2088 = arith.addi %add3A_2087, %convert_element_type3A_2086 : i32
      %jit3A_2089 = arith.constant 0 : i32
      %select_n3A_2090 = arith.select %lt3A_2085, %add3A_2084, %jit3A_2089 : i32
      %add3A_2091 = arith.addi %add3A_2084, %reduce_sum3A_1980 : i32
      %lt3A_2092 = arith.cmpi slt, %add3A_2091, %sub3A_1869 : i32
      %convert_element_type3A_2093 = arith.extui %lt3A_2092 : i1 to i32
      %add3A_2094 = arith.addi %add3A_2088, %convert_element_type3A_2093 : i32
      %select_n3A_2095 = arith.select %lt3A_2092, %add3A_2091, %select_n3A_2090 : i32
      %add3A_2096 = arith.addi %add3A_2091, %reduce_sum3A_2031 : i32
      %lt3A_2097 = arith.cmpi slt, %add3A_2096, %sub3A_1869 : i32
      %convert_element_type3A_2098 = arith.extui %lt3A_2097 : i1 to i32
      %add3A_2099 = arith.addi %add3A_2094, %convert_element_type3A_2098 : i32
      %select_n3A_2100 = arith.select %lt3A_2097, %add3A_2096, %select_n3A_2095 : i32
      %add3A_2101 = arith.addi %add3A_2096, %reduce_sum3A_2082 : i32
      %lt3A_2102 = arith.cmpi slt, %add3A_2101, %sub3A_1869 : i32
      %convert_element_type3A_2103 = arith.extui %lt3A_2102 : i1 to i32
      %add3A_2104 = arith.addi %add3A_2099, %convert_element_type3A_2103 : i32
      %select_n3A_2105 = arith.select %lt3A_2102, %add3A_2101, %select_n3A_2100 : i32
      %mul3A_2106 = arith.constant 256 : i32
      %mul3A_2107 = arith.muli %add3A_2104, %mul3A_2106 : i32
      %add3A_2108 = arith.constant 0 : i32
      %add3A_2109 = arith.addi %mul3A_2107, %add3A_2108 : i32
      %get3A_2110 = arith.index_cast %add3A_2109 : i32 to index
      %get3A_2111 = tpu.vector_load %arg6[%get3A_2110] {strides = array<i32>} : memref<1024xi32, #tpu.memory_space<vmem>>, vector<16xi32>,
      %reduce_sum3A_2112 = arith.constant true
      %reduce_sum3A_2113 = vector.broadcast %reduce_sum3A_2112 : i1 to vector<16xi1>
      %reduce_sum3A_2114 = tpu.scan <sum>, %get3A_2111 masked %reduce_sum3A_2113 : vector<16xi32>, vector<16xi1> -> vector<16xi32>
      %reduce_sum3A_2115 = vector.extract %reduce_sum3A_2114[15] : i32 from vector<16xi32>
      %add3A_2116 = arith.constant 16 : i32
      %add3A_2117 = arith.addi %mul3A_2107, %add3A_2116 : i32
      %get3A_2118 = arith.index_cast %add3A_2117 : i32 to index
      %get3A_2119 = tpu.vector_load %arg6[%get3A_2118] {strides = array<i32>} : memref<1024xi32, #tpu.memory_space<vmem>>, vector<16xi32>,
      %reduce_sum3A_2120 = arith.constant true
      %reduce_sum3A_2121 = vector.broadcast %reduce_sum3A_2120 : i1 to vector<16xi1>
      %reduce_sum3A_2122 = tpu.scan <sum>, %get3A_2119 masked %reduce_sum3A_2121 : vector<16xi32>, vector<16xi1> -> vector<16xi32>
      %reduce_sum3A_2123 = vector.extract %reduce_sum3A_2122[15] : i32 from vector<16xi32>
      %add3A_2124 = arith.constant 32 : i32
      %add3A_2125 = arith.addi %mul3A_2107, %add3A_2124 : i32
      %get3A_2126 = arith.index_cast %add3A_2125 : i32 to index
      %get3A_2127 = tpu.vector_load %arg6[%get3A_2126] {strides = array<i32>} : memref<1024xi32, #tpu.memory_space<vmem>>, vector<16xi32>,
      %reduce_sum3A_2128 = arith.constant true
      %reduce_sum3A_2129 = vector.broadcast %reduce_sum3A_2128 : i1 to vector<16xi1>
      %reduce_sum3A_2130 = tpu.scan <sum>, %get3A_2127 masked %reduce_sum3A_2129 : vector<16xi32>, vector<16xi1> -> vector<16xi32>
      %reduce_sum3A_2131 = vector.extract %reduce_sum3A_2130[15] : i32 from vector<16xi32>
      %add3A_2132 = arith.constant 48 : i32
      %add3A_2133 = arith.addi %mul3A_2107, %add3A_2132 : i32
      %get3A_2134 = arith.index_cast %add3A_2133 : i32 to index
      %get3A_2135 = tpu.vector_load %arg6[%get3A_2134] {strides = array<i32>} : memref<1024xi32, #tpu.memory_space<vmem>>, vector<16xi32>,
      %reduce_sum3A_2136 = arith.constant true
      %reduce_sum3A_2137 = vector.broadcast %reduce_sum3A_2136 : i1 to vector<16xi1>
      %reduce_sum3A_2138 = tpu.scan <sum>, %get3A_2135 masked %reduce_sum3A_2137 : vector<16xi32>, vector<16xi1> -> vector<16xi32>
      %reduce_sum3A_2139 = vector.extract %reduce_sum3A_2138[15] : i32 from vector<16xi32>
      %add3A_2140 = arith.constant 64 : i32
      %add3A_2141 = arith.addi %mul3A_2107, %add3A_2140 : i32
      %get3A_2142 = arith.index_cast %add3A_2141 : i32 to index
      %get3A_2143 = tpu.vector_load %arg6[%get3A_2142] {strides = array<i32>} : memref<1024xi32, #tpu.memory_space<vmem>>, vector<16xi32>,
      %reduce_sum3A_2144 = arith.constant true
      %reduce_sum3A_2145 = vector.broadcast %reduce_sum3A_2144 : i1 to vector<16xi1>
      %reduce_sum3A_2146 = tpu.scan <sum>, %get3A_2143 masked %reduce_sum3A_2145 : vector<16xi32>, vector<16xi1> -> vector<16xi32>
      %reduce_sum3A_2147 = vector.extract %reduce_sum3A_2146[15] : i32 from vector<16xi32>
      %add3A_2148 = arith.constant 80 : i32
      %add3A_2149 = arith.addi %mul3A_2107, %add3A_2148 : i32
      %get3A_2150 = arith.index_cast %add3A_2149 : i32 to index
      %get3A_2151 = tpu.vector_load %arg6[%get3A_2150] {strides = array<i32>} : memref<1024xi32, #tpu.memory_space<vmem>>, vector<16xi32>,
      %reduce_sum3A_2152 = arith.constant true
      %reduce_sum3A_2153 = vector.broadcast %reduce_sum3A_2152 : i1 to vector<16xi1>
      %reduce_sum3A_2154 = tpu.scan <sum>, %get3A_2151 masked %reduce_sum3A_2153 : vector<16xi32>, vector<16xi1> -> vector<16xi32>
      %reduce_sum3A_2155 = vector.extract %reduce_sum3A_2154[15] : i32 from vector<16xi32>
      %add3A_2156 = arith.constant 96 : i32
      %add3A_2157 = arith.addi %mul3A_2107, %add3A_2156 : i32
      %get3A_2158 = arith.index_cast %add3A_2157 : i32 to index
      %get3A_2159 = tpu.vector_load %arg6[%get3A_2158] {strides = array<i32>} : memref<1024xi32, #tpu.memory_space<vmem>>, vector<16xi32>,
      %reduce_sum3A_2160 = arith.constant true
      %reduce_sum3A_2161 = vector.broadcast %reduce_sum3A_2160 : i1 to vector<16xi1>
      %reduce_sum3A_2162 = tpu.scan <sum>, %get3A_2159 masked %reduce_sum3A_2161 : vector<16xi32>, vector<16xi1> -> vector<16xi32>
      %reduce_sum3A_2163 = vector.extract %reduce_sum3A_2162[15] : i32 from vector<16xi32>
      %add3A_2164 = arith.constant 112 : i32
      %add3A_2165 = arith.addi %mul3A_2107, %add3A_2164 : i32
      %get3A_2166 = arith.index_cast %add3A_2165 : i32 to index
      %get3A_2167 = tpu.vector_load %arg6[%get3A_2166] {strides = array<i32>} : memref<1024xi32, #tpu.memory_space<vmem>>, vector<16xi32>,
      %reduce_sum3A_2168 = arith.constant true
      %reduce_sum3A_2169 = vector.broadcast %reduce_sum3A_2168 : i1 to vector<16xi1>
      %reduce_sum3A_2170 = tpu.scan <sum>, %get3A_2167 masked %reduce_sum3A_2169 : vector<16xi32>, vector<16xi1> -> vector<16xi32>
      %reduce_sum3A_2171 = vector.extract %reduce_sum3A_2170[15] : i32 from vector<16xi32>
      %add3A_2172 = arith.constant 128 : i32
      %add3A_2173 = arith.addi %mul3A_2107, %add3A_2172 : i32
      %get3A_2174 = arith.index_cast %add3A_2173 : i32 to index
      %get3A_2175 = tpu.vector_load %arg6[%get3A_2174] {strides = array<i32>} : memref<1024xi32, #tpu.memory_space<vmem>>, vector<16xi32>,
      %reduce_sum3A_2176 = arith.constant true
      %reduce_sum3A_2177 = vector.broadcast %reduce_sum3A_2176 : i1 to vector<16xi1>
      %reduce_sum3A_2178 = tpu.scan <sum>, %get3A_2175 masked %reduce_sum3A_2177 : vector<16xi32>, vector<16xi1> -> vector<16xi32>
      %reduce_sum3A_2179 = vector.extract %reduce_sum3A_2178[15] : i32 from vector<16xi32>
      %add3A_2180 = arith.constant 144 : i32
      %add3A_2181 = arith.addi %mul3A_2107, %add3A_2180 : i32
      %get3A_2182 = arith.index_cast %add3A_2181 : i32 to index
      %get3A_2183 = tpu.vector_load %arg6[%get3A_2182] {strides = array<i32>} : memref<1024xi32, #tpu.memory_space<vmem>>, vector<16xi32>,
      %reduce_sum3A_2184 = arith.constant true
      %reduce_sum3A_2185 = vector.broadcast %reduce_sum3A_2184 : i1 to vector<16xi1>
      %reduce_sum3A_2186 = tpu.scan <sum>, %get3A_2183 masked %reduce_sum3A_2185 : vector<16xi32>, vector<16xi1> -> vector<16xi32>
      %reduce_sum3A_2187 = vector.extract %reduce_sum3A_2186[15] : i32 from vector<16xi32>
      %add3A_2188 = arith.constant 160 : i32
      %add3A_2189 = arith.addi %mul3A_2107, %add3A_2188 : i32
      %get3A_2190 = arith.index_cast %add3A_2189 : i32 to index
      %get3A_2191 = tpu.vector_load %arg6[%get3A_2190] {strides = array<i32>} : memref<1024xi32, #tpu.memory_space<vmem>>, vector<16xi32>,
      %reduce_sum3A_2192 = arith.constant true
      %reduce_sum3A_2193 = vector.broadcast %reduce_sum3A_2192 : i1 to vector<16xi1>
      %reduce_sum3A_2194 = tpu.scan <sum>, %get3A_2191 masked %reduce_sum3A_2193 : vector<16xi32>, vector<16xi1> -> vector<16xi32>
      %reduce_sum3A_2195 = vector.extract %reduce_sum3A_2194[15] : i32 from vector<16xi32>
      %add3A_2196 = arith.constant 176 : i32
      %add3A_2197 = arith.addi %mul3A_2107, %add3A_2196 : i32
      %get3A_2198 = arith.index_cast %add3A_2197 : i32 to index
      %get3A_2199 = tpu.vector_load %arg6[%get3A_2198] {strides = array<i32>} : memref<1024xi32, #tpu.memory_space<vmem>>, vector<16xi32>,
      %reduce_sum3A_2200 = arith.constant true
      %reduce_sum3A_2201 = vector.broadcast %reduce_sum3A_2200 : i1 to vector<16xi1>
      %reduce_sum3A_2202 = tpu.scan <sum>, %get3A_2199 masked %reduce_sum3A_2201 : vector<16xi32>, vector<16xi1> -> vector<16xi32>
      %reduce_sum3A_2203 = vector.extract %reduce_sum3A_2202[15] : i32 from vector<16xi32>
      %add3A_2204 = arith.constant 192 : i32
      %add3A_2205 = arith.addi %mul3A_2107, %add3A_2204 : i32
      %get3A_2206 = arith.index_cast %add3A_2205 : i32 to index
      %get3A_2207 = tpu.vector_load %arg6[%get3A_2206] {strides = array<i32>} : memref<1024xi32, #tpu.memory_space<vmem>>, vector<16xi32>,
      %reduce_sum3A_2208 = arith.constant true
      %reduce_sum3A_2209 = vector.broadcast %reduce_sum3A_2208 : i1 to vector<16xi1>
      %reduce_sum3A_2210 = tpu.scan <sum>, %get3A_2207 masked %reduce_sum3A_2209 : vector<16xi32>, vector<16xi1> -> vector<16xi32>
      %reduce_sum3A_2211 = vector.extract %reduce_sum3A_2210[15] : i32 from vector<16xi32>
      %add3A_2212 = arith.constant 208 : i32
      %add3A_2213 = arith.addi %mul3A_2107, %add3A_2212 : i32
      %get3A_2214 = arith.index_cast %add3A_2213 : i32 to index
      %get3A_2215 = tpu.vector_load %arg6[%get3A_2214] {strides = array<i32>} : memref<1024xi32, #tpu.memory_space<vmem>>, vector<16xi32>,
      %reduce_sum3A_2216 = arith.constant true
      %reduce_sum3A_2217 = vector.broadcast %reduce_sum3A_2216 : i1 to vector<16xi1>
      %reduce_sum3A_2218 = tpu.scan <sum>, %get3A_2215 masked %reduce_sum3A_2217 : vector<16xi32>, vector<16xi1> -> vector<16xi32>
      %reduce_sum3A_2219 = vector.extract %reduce_sum3A_2218[15] : i32 from vector<16xi32>
      %add3A_2220 = arith.constant 224 : i32
      %add3A_2221 = arith.addi %mul3A_2107, %add3A_2220 : i32
      %get3A_2222 = arith.index_cast %add3A_2221 : i32 to index
      %get3A_2223 = tpu.vector_load %arg6[%get3A_2222] {strides = array<i32>} : memref<1024xi32, #tpu.memory_space<vmem>>, vector<16xi32>,
      %reduce_sum3A_2224 = arith.constant true
      %reduce_sum3A_2225 = vector.broadcast %reduce_sum3A_2224 : i1 to vector<16xi1>
      %reduce_sum3A_2226 = tpu.scan <sum>, %get3A_2223 masked %reduce_sum3A_2225 : vector<16xi32>, vector<16xi1> -> vector<16xi32>
      %reduce_sum3A_2227 = vector.extract %reduce_sum3A_2226[15] : i32 from vector<16xi32>
      %add3A_2228 = arith.constant 240 : i32
      %add3A_2229 = arith.addi %mul3A_2107, %add3A_2228 : i32
      %get3A_2230 = arith.index_cast %add3A_2229 : i32 to index
      %get3A_2231 = tpu.vector_load %arg6[%get3A_2230] {strides = array<i32>} : memref<1024xi32, #tpu.memory_space<vmem>>, vector<16xi32>,
      %reduce_sum3A_2232 = arith.constant true
      %reduce_sum3A_2233 = vector.broadcast %reduce_sum3A_2232 : i1 to vector<16xi1>
      %reduce_sum3A_2234 = tpu.scan <sum>, %get3A_2231 masked %reduce_sum3A_2233 : vector<16xi32>, vector<16xi1> -> vector<16xi32>
      %reduce_sum3A_2235 = vector.extract %reduce_sum3A_2234[15] : i32 from vector<16xi32>
      %swap3A_2236 = arith.constant 0 : index
      %swap3A_2237 = tpu.vector_load %arg6[%swap3A_2236] {strides = array<i32>} : memref<1024xi32, #tpu.memory_space<vmem>>, vector<16xi32>,
      tpu.vector_store %arg6[%swap3A_2236], %broadcast_in_dim3A_7 {strides = array<i32>} : memref<1024xi32, #tpu.memory_space<vmem>>, vector<16xi32>,
      %swap3A_2238 = arith.constant 16 : index
      %swap3A_2239 = tpu.vector_load %arg6[%swap3A_2238] {strides = array<i32>} : memref<1024xi32, #tpu.memory_space<vmem>>, vector<16xi32>,
      tpu.vector_store %arg6[%swap3A_2238], %broadcast_in_dim3A_7 {strides = array<i32>} : memref<1024xi32, #tpu.memory_space<vmem>>, vector<16xi32>,
      %swap3A_2240 = arith.constant 32 : index
      %swap3A_2241 = tpu.vector_load %arg6[%swap3A_2240] {strides = array<i32>} : memref<1024xi32, #tpu.memory_space<vmem>>, vector<16xi32>,
      tpu.vector_store %arg6[%swap3A_2240], %broadcast_in_dim3A_7 {strides = array<i32>} : memref<1024xi32, #tpu.memory_space<vmem>>, vector<16xi32>,
      %swap3A_2242 = arith.constant 48 : index
      %swap3A_2243 = tpu.vector_load %arg6[%swap3A_2242] {strides = array<i32>} : memref<1024xi32, #tpu.memory_space<vmem>>, vector<16xi32>,
      tpu.vector_store %arg6[%swap3A_2242], %broadcast_in_dim3A_7 {strides = array<i32>} : memref<1024xi32, #tpu.memory_space<vmem>>, vector<16xi32>,
      %swap3A_2244 = arith.constant 64 : index
      %swap3A_2245 = tpu.vector_load %arg6[%swap3A_2244] {strides = array<i32>} : memref<1024xi32, #tpu.memory_space<vmem>>, vector<16xi32>,
      tpu.vector_store %arg6[%swap3A_2244], %broadcast_in_dim3A_7 {strides = array<i32>} : memref<1024xi32, #tpu.memory_space<vmem>>, vector<16xi32>,
      %swap3A_2246 = arith.constant 80 : index
      %swap3A_2247 = tpu.vector_load %arg6[%swap3A_2246] {strides = array<i32>} : memref<1024xi32, #tpu.memory_space<vmem>>, vector<16xi32>,
      tpu.vector_store %arg6[%swap3A_2246], %broadcast_in_dim3A_7 {strides = array<i32>} : memref<1024xi32, #tpu.memory_space<vmem>>, vector<16xi32>,
      %swap3A_2248 = arith.constant 96 : index
      %swap3A_2249 = tpu.vector_load %arg6[%swap3A_2248] {strides = array<i32>} : memref<1024xi32, #tpu.memory_space<vmem>>, vector<16xi32>,
      tpu.vector_store %arg6[%swap3A_2248], %broadcast_in_dim3A_7 {strides = array<i32>} : memref<1024xi32, #tpu.memory_space<vmem>>, vector<16xi32>,
      %swap3A_2250 = arith.constant 112 : index
      %swap3A_2251 = tpu.vector_load %arg6[%swap3A_2250] {strides = array<i32>} : memref<1024xi32, #tpu.memory_space<vmem>>, vector<16xi32>,
      tpu.vector_store %arg6[%swap3A_2250], %broadcast_in_dim3A_7 {strides = array<i32>} : memref<1024xi32, #tpu.memory_space<vmem>>, vector<16xi32>,
      %swap3A_2252 = arith.constant 128 : index
      %swap3A_2253 = tpu.vector_load %arg6[%swap3A_2252] {strides = array<i32>} : memref<1024xi32, #tpu.memory_space<vmem>>, vector<16xi32>,
      tpu.vector_store %arg6[%swap3A_2252], %broadcast_in_dim3A_7 {strides = array<i32>} : memref<1024xi32, #tpu.memory_space<vmem>>, vector<16xi32>,
      %swap3A_2254 = arith.constant 144 : index
      %swap3A_2255 = tpu.vector_load %arg6[%swap3A_2254] {strides = array<i32>} : memref<1024xi32, #tpu.memory_space<vmem>>, vector<16xi32>,
      tpu.vector_store %arg6[%swap3A_2254], %broadcast_in_dim3A_7 {strides = array<i32>} : memref<1024xi32, #tpu.memory_space<vmem>>, vector<16xi32>,
      %swap3A_2256 = arith.constant 160 : index
      %swap3A_2257 = tpu.vector_load %arg6[%swap3A_2256] {strides = array<i32>} : memref<1024xi32, #tpu.memory_space<vmem>>, vector<16xi32>,
      tpu.vector_store %arg6[%swap3A_2256], %broadcast_in_dim3A_7 {strides = array<i32>} : memref<1024xi32, #tpu.memory_space<vmem>>, vector<16xi32>,
      %swap3A_2258 = arith.constant 176 : index
      %swap3A_2259 = tpu.vector_load %arg6[%swap3A_2258] {strides = array<i32>} : memref<1024xi32, #tpu.memory_space<vmem>>, vector<16xi32>,
      tpu.vector_store %arg6[%swap3A_2258], %broadcast_in_dim3A_7 {strides = array<i32>} : memref<1024xi32, #tpu.memory_space<vmem>>, vector<16xi32>,
      %swap3A_2260 = arith.constant 192 : index
      %swap3A_2261 = tpu.vector_load %arg6[%swap3A_2260] {strides = array<i32>} : memref<1024xi32, #tpu.memory_space<vmem>>, vector<16xi32>,
      tpu.vector_store %arg6[%swap3A_2260], %broadcast_in_dim3A_7 {strides = array<i32>} : memref<1024xi32, #tpu.memory_space<vmem>>, vector<16xi32>,
      %swap3A_2262 = arith.constant 208 : index
      %swap3A_2263 = tpu.vector_load %arg6[%swap3A_2262] {strides = array<i32>} : memref<1024xi32, #tpu.memory_space<vmem>>, vector<16xi32>,
      tpu.vector_store %arg6[%swap3A_2262], %broadcast_in_dim3A_7 {strides = array<i32>} : memref<1024xi32, #tpu.memory_space<vmem>>, vector<16xi32>,
      %swap3A_2264 = arith.constant 224 : index
      %swap3A_2265 = tpu.vector_load %arg6[%swap3A_2264] {strides = array<i32>} : memref<1024xi32, #tpu.memory_space<vmem>>, vector<16xi32>,
      tpu.vector_store %arg6[%swap3A_2264], %broadcast_in_dim3A_7 {strides = array<i32>} : memref<1024xi32, #tpu.memory_space<vmem>>, vector<16xi32>,
      %swap3A_2266 = arith.constant 240 : index
      %swap3A_2267 = tpu.vector_load %arg6[%swap3A_2266] {strides = array<i32>} : memref<1024xi32, #tpu.memory_space<vmem>>, vector<16xi32>,
      tpu.vector_store %arg6[%swap3A_2266], %broadcast_in_dim3A_7 {strides = array<i32>} : memref<1024xi32, #tpu.memory_space<vmem>>, vector<16xi32>,
      %swap3A_2268 = arith.constant 256 : index
      %swap3A_2269 = tpu.vector_load %arg6[%swap3A_2268] {strides = array<i32>} : memref<1024xi32, #tpu.memory_space<vmem>>, vector<16xi32>,
      tpu.vector_store %arg6[%swap3A_2268], %broadcast_in_dim3A_7 {strides = array<i32>} : memref<1024xi32, #tpu.memory_space<vmem>>, vector<16xi32>,
      %swap3A_2270 = arith.constant 272 : index
      %swap3A_2271 = tpu.vector_load %arg6[%swap3A_2270] {strides = array<i32>} : memref<1024xi32, #tpu.memory_space<vmem>>, vector<16xi32>,
      tpu.vector_store %arg6[%swap3A_2270], %broadcast_in_dim3A_7 {strides = array<i32>} : memref<1024xi32, #tpu.memory_space<vmem>>, vector<16xi32>,
      %swap3A_2272 = arith.constant 288 : index
      %swap3A_2273 = tpu.vector_load %arg6[%swap3A_2272] {strides = array<i32>} : memref<1024xi32, #tpu.memory_space<vmem>>, vector<16xi32>,
      tpu.vector_store %arg6[%swap3A_2272], %broadcast_in_dim3A_7 {strides = array<i32>} : memref<1024xi32, #tpu.memory_space<vmem>>, vector<16xi32>,
      %swap3A_2274 = arith.constant 304 : index
      %swap3A_2275 = tpu.vector_load %arg6[%swap3A_2274] {strides = array<i32>} : memref<1024xi32, #tpu.memory_space<vmem>>, vector<16xi32>,
      tpu.vector_store %arg6[%swap3A_2274], %broadcast_in_dim3A_7 {strides = array<i32>} : memref<1024xi32, #tpu.memory_space<vmem>>, vector<16xi32>,
      %swap3A_2276 = arith.constant 320 : index
      %swap3A_2277 = tpu.vector_load %arg6[%swap3A_2276] {strides = array<i32>} : memref<1024xi32, #tpu.memory_space<vmem>>, vector<16xi32>,
      tpu.vector_store %arg6[%swap3A_2276], %broadcast_in_dim3A_7 {strides = array<i32>} : memref<1024xi32, #tpu.memory_space<vmem>>, vector<16xi32>,
      %swap3A_2278 = arith.constant 336 : index
      %swap3A_2279 = tpu.vector_load %arg6[%swap3A_2278] {strides = array<i32>} : memref<1024xi32, #tpu.memory_space<vmem>>, vector<16xi32>,
      tpu.vector_store %arg6[%swap3A_2278], %broadcast_in_dim3A_7 {strides = array<i32>} : memref<1024xi32, #tpu.memory_space<vmem>>, vector<16xi32>,
      %swap3A_2280 = arith.constant 352 : index
      %swap3A_2281 = tpu.vector_load %arg6[%swap3A_2280] {strides = array<i32>} : memref<1024xi32, #tpu.memory_space<vmem>>, vector<16xi32>,
      tpu.vector_store %arg6[%swap3A_2280], %broadcast_in_dim3A_7 {strides = array<i32>} : memref<1024xi32, #tpu.memory_space<vmem>>, vector<16xi32>,
      %swap3A_2282 = arith.constant 368 : index
      %swap3A_2283 = tpu.vector_load %arg6[%swap3A_2282] {strides = array<i32>} : memref<1024xi32, #tpu.memory_space<vmem>>, vector<16xi32>,
      tpu.vector_store %arg6[%swap3A_2282], %broadcast_in_dim3A_7 {strides = array<i32>} : memref<1024xi32, #tpu.memory_space<vmem>>, vector<16xi32>,
      %swap3A_2284 = arith.constant 384 : index
      %swap3A_2285 = tpu.vector_load %arg6[%swap3A_2284] {strides = array<i32>} : memref<1024xi32, #tpu.memory_space<vmem>>, vector<16xi32>,
      tpu.vector_store %arg6[%swap3A_2284], %broadcast_in_dim3A_7 {strides = array<i32>} : memref<1024xi32, #tpu.memory_space<vmem>>, vector<16xi32>,
      %swap3A_2286 = arith.constant 400 : index
      %swap3A_2287 = tpu.vector_load %arg6[%swap3A_2286] {strides = array<i32>} : memref<1024xi32, #tpu.memory_space<vmem>>, vector<16xi32>,
      tpu.vector_store %arg6[%swap3A_2286], %broadcast_in_dim3A_7 {strides = array<i32>} : memref<1024xi32, #tpu.memory_space<vmem>>, vector<16xi32>,
      %swap3A_2288 = arith.constant 416 : index
      %swap3A_2289 = tpu.vector_load %arg6[%swap3A_2288] {strides = array<i32>} : memref<1024xi32, #tpu.memory_space<vmem>>, vector<16xi32>,
      tpu.vector_store %arg6[%swap3A_2288], %broadcast_in_dim3A_7 {strides = array<i32>} : memref<1024xi32, #tpu.memory_space<vmem>>, vector<16xi32>,
      %swap3A_2290 = arith.constant 432 : index
      %swap3A_2291 = tpu.vector_load %arg6[%swap3A_2290] {strides = array<i32>} : memref<1024xi32, #tpu.memory_space<vmem>>, vector<16xi32>,
      tpu.vector_store %arg6[%swap3A_2290], %broadcast_in_dim3A_7 {strides = array<i32>} : memref<1024xi32, #tpu.memory_space<vmem>>, vector<16xi32>,
      %swap3A_2292 = arith.constant 448 : index
      %swap3A_2293 = tpu.vector_load %arg6[%swap3A_2292] {strides = array<i32>} : memref<1024xi32, #tpu.memory_space<vmem>>, vector<16xi32>,
      tpu.vector_store %arg6[%swap3A_2292], %broadcast_in_dim3A_7 {strides = array<i32>} : memref<1024xi32, #tpu.memory_space<vmem>>, vector<16xi32>,
      %swap3A_2294 = arith.constant 464 : index
      %swap3A_2295 = tpu.vector_load %arg6[%swap3A_2294] {strides = array<i32>} : memref<1024xi32, #tpu.memory_space<vmem>>, vector<16xi32>,
      tpu.vector_store %arg6[%swap3A_2294], %broadcast_in_dim3A_7 {strides = array<i32>} : memref<1024xi32, #tpu.memory_space<vmem>>, vector<16xi32>,
      %swap3A_2296 = arith.constant 480 : index
      %swap3A_2297 = tpu.vector_load %arg6[%swap3A_2296] {strides = array<i32>} : memref<1024xi32, #tpu.memory_space<vmem>>, vector<16xi32>,
      tpu.vector_store %arg6[%swap3A_2296], %broadcast_in_dim3A_7 {strides = array<i32>} : memref<1024xi32, #tpu.memory_space<vmem>>, vector<16xi32>,
      %swap3A_2298 = arith.constant 496 : index
      %swap3A_2299 = tpu.vector_load %arg6[%swap3A_2298] {strides = array<i32>} : memref<1024xi32, #tpu.memory_space<vmem>>, vector<16xi32>,
      tpu.vector_store %arg6[%swap3A_2298], %broadcast_in_dim3A_7 {strides = array<i32>} : memref<1024xi32, #tpu.memory_space<vmem>>, vector<16xi32>,
      %swap3A_2300 = arith.constant 512 : index
      %swap3A_2301 = tpu.vector_load %arg6[%swap3A_2300] {strides = array<i32>} : memref<1024xi32, #tpu.memory_space<vmem>>, vector<16xi32>,
      tpu.vector_store %arg6[%swap3A_2300], %broadcast_in_dim3A_7 {strides = array<i32>} : memref<1024xi32, #tpu.memory_space<vmem>>, vector<16xi32>,
      %swap3A_2302 = arith.constant 528 : index
      %swap3A_2303 = tpu.vector_load %arg6[%swap3A_2302] {strides = array<i32>} : memref<1024xi32, #tpu.memory_space<vmem>>, vector<16xi32>,
      tpu.vector_store %arg6[%swap3A_2302], %broadcast_in_dim3A_7 {strides = array<i32>} : memref<1024xi32, #tpu.memory_space<vmem>>, vector<16xi32>,
      %swap3A_2304 = arith.constant 544 : index
      %swap3A_2305 = tpu.vector_load %arg6[%swap3A_2304] {strides = array<i32>} : memref<1024xi32, #tpu.memory_space<vmem>>, vector<16xi32>,
      tpu.vector_store %arg6[%swap3A_2304], %broadcast_in_dim3A_7 {strides = array<i32>} : memref<1024xi32, #tpu.memory_space<vmem>>, vector<16xi32>,
      %swap3A_2306 = arith.constant 560 : index
      %swap3A_2307 = tpu.vector_load %arg6[%swap3A_2306] {strides = array<i32>} : memref<1024xi32, #tpu.memory_space<vmem>>, vector<16xi32>,
      tpu.vector_store %arg6[%swap3A_2306], %broadcast_in_dim3A_7 {strides = array<i32>} : memref<1024xi32, #tpu.memory_space<vmem>>, vector<16xi32>,
      %swap3A_2308 = arith.constant 576 : index
      %swap3A_2309 = tpu.vector_load %arg6[%swap3A_2308] {strides = array<i32>} : memref<1024xi32, #tpu.memory_space<vmem>>, vector<16xi32>,
      tpu.vector_store %arg6[%swap3A_2308], %broadcast_in_dim3A_7 {strides = array<i32>} : memref<1024xi32, #tpu.memory_space<vmem>>, vector<16xi32>,
      %swap3A_2310 = arith.constant 592 : index
      %swap3A_2311 = tpu.vector_load %arg6[%swap3A_2310] {strides = array<i32>} : memref<1024xi32, #tpu.memory_space<vmem>>, vector<16xi32>,
      tpu.vector_store %arg6[%swap3A_2310], %broadcast_in_dim3A_7 {strides = array<i32>} : memref<1024xi32, #tpu.memory_space<vmem>>, vector<16xi32>,
      %swap3A_2312 = arith.constant 608 : index
      %swap3A_2313 = tpu.vector_load %arg6[%swap3A_2312] {strides = array<i32>} : memref<1024xi32, #tpu.memory_space<vmem>>, vector<16xi32>,
      tpu.vector_store %arg6[%swap3A_2312], %broadcast_in_dim3A_7 {strides = array<i32>} : memref<1024xi32, #tpu.memory_space<vmem>>, vector<16xi32>,
      %swap3A_2314 = arith.constant 624 : index
      %swap3A_2315 = tpu.vector_load %arg6[%swap3A_2314] {strides = array<i32>} : memref<1024xi32, #tpu.memory_space<vmem>>, vector<16xi32>,
      tpu.vector_store %arg6[%swap3A_2314], %broadcast_in_dim3A_7 {strides = array<i32>} : memref<1024xi32, #tpu.memory_space<vmem>>, vector<16xi32>,
      %swap3A_2316 = arith.constant 640 : index
      %swap3A_2317 = tpu.vector_load %arg6[%swap3A_2316] {strides = array<i32>} : memref<1024xi32, #tpu.memory_space<vmem>>, vector<16xi32>,
      tpu.vector_store %arg6[%swap3A_2316], %broadcast_in_dim3A_7 {strides = array<i32>} : memref<1024xi32, #tpu.memory_space<vmem>>, vector<16xi32>,
      %swap3A_2318 = arith.constant 656 : index
      %swap3A_2319 = tpu.vector_load %arg6[%swap3A_2318] {strides = array<i32>} : memref<1024xi32, #tpu.memory_space<vmem>>, vector<16xi32>,
      tpu.vector_store %arg6[%swap3A_2318], %broadcast_in_dim3A_7 {strides = array<i32>} : memref<1024xi32, #tpu.memory_space<vmem>>, vector<16xi32>,
      %swap3A_2320 = arith.constant 672 : index
      %swap3A_2321 = tpu.vector_load %arg6[%swap3A_2320] {strides = array<i32>} : memref<1024xi32, #tpu.memory_space<vmem>>, vector<16xi32>,
      tpu.vector_store %arg6[%swap3A_2320], %broadcast_in_dim3A_7 {strides = array<i32>} : memref<1024xi32, #tpu.memory_space<vmem>>, vector<16xi32>,
      %swap3A_2322 = arith.constant 688 : index
      %swap3A_2323 = tpu.vector_load %arg6[%swap3A_2322] {strides = array<i32>} : memref<1024xi32, #tpu.memory_space<vmem>>, vector<16xi32>,
      tpu.vector_store %arg6[%swap3A_2322], %broadcast_in_dim3A_7 {strides = array<i32>} : memref<1024xi32, #tpu.memory_space<vmem>>, vector<16xi32>,
      %swap3A_2324 = arith.constant 704 : index
      %swap3A_2325 = tpu.vector_load %arg6[%swap3A_2324] {strides = array<i32>} : memref<1024xi32, #tpu.memory_space<vmem>>, vector<16xi32>,
      tpu.vector_store %arg6[%swap3A_2324], %broadcast_in_dim3A_7 {strides = array<i32>} : memref<1024xi32, #tpu.memory_space<vmem>>, vector<16xi32>,
      %swap3A_2326 = arith.constant 720 : index
      %swap3A_2327 = tpu.vector_load %arg6[%swap3A_2326] {strides = array<i32>} : memref<1024xi32, #tpu.memory_space<vmem>>, vector<16xi32>,
      tpu.vector_store %arg6[%swap3A_2326], %broadcast_in_dim3A_7 {strides = array<i32>} : memref<1024xi32, #tpu.memory_space<vmem>>, vector<16xi32>,
      %swap3A_2328 = arith.constant 736 : index
      %swap3A_2329 = tpu.vector_load %arg6[%swap3A_2328] {strides = array<i32>} : memref<1024xi32, #tpu.memory_space<vmem>>, vector<16xi32>,
      tpu.vector_store %arg6[%swap3A_2328], %broadcast_in_dim3A_7 {strides = array<i32>} : memref<1024xi32, #tpu.memory_space<vmem>>, vector<16xi32>,
      %swap3A_2330 = arith.constant 752 : index
      %swap3A_2331 = tpu.vector_load %arg6[%swap3A_2330] {strides = array<i32>} : memref<1024xi32, #tpu.memory_space<vmem>>, vector<16xi32>,
      tpu.vector_store %arg6[%swap3A_2330], %broadcast_in_dim3A_7 {strides = array<i32>} : memref<1024xi32, #tpu.memory_space<vmem>>, vector<16xi32>,
      %swap3A_2332 = arith.constant 768 : index
      %swap3A_2333 = tpu.vector_load %arg6[%swap3A_2332] {strides = array<i32>} : memref<1024xi32, #tpu.memory_space<vmem>>, vector<16xi32>,
      tpu.vector_store %arg6[%swap3A_2332], %broadcast_in_dim3A_7 {strides = array<i32>} : memref<1024xi32, #tpu.memory_space<vmem>>, vector<16xi32>,
      %swap3A_2334 = arith.constant 784 : index
      %swap3A_2335 = tpu.vector_load %arg6[%swap3A_2334] {strides = array<i32>} : memref<1024xi32, #tpu.memory_space<vmem>>, vector<16xi32>,
      tpu.vector_store %arg6[%swap3A_2334], %broadcast_in_dim3A_7 {strides = array<i32>} : memref<1024xi32, #tpu.memory_space<vmem>>, vector<16xi32>,
      %swap3A_2336 = arith.constant 800 : index
      %swap3A_2337 = tpu.vector_load %arg6[%swap3A_2336] {strides = array<i32>} : memref<1024xi32, #tpu.memory_space<vmem>>, vector<16xi32>,
      tpu.vector_store %arg6[%swap3A_2336], %broadcast_in_dim3A_7 {strides = array<i32>} : memref<1024xi32, #tpu.memory_space<vmem>>, vector<16xi32>,
      %swap3A_2338 = arith.constant 816 : index
      %swap3A_2339 = tpu.vector_load %arg6[%swap3A_2338] {strides = array<i32>} : memref<1024xi32, #tpu.memory_space<vmem>>, vector<16xi32>,
      tpu.vector_store %arg6[%swap3A_2338], %broadcast_in_dim3A_7 {strides = array<i32>} : memref<1024xi32, #tpu.memory_space<vmem>>, vector<16xi32>,
      %swap3A_2340 = arith.constant 832 : index
      %swap3A_2341 = tpu.vector_load %arg6[%swap3A_2340] {strides = array<i32>} : memref<1024xi32, #tpu.memory_space<vmem>>, vector<16xi32>,
      tpu.vector_store %arg6[%swap3A_2340], %broadcast_in_dim3A_7 {strides = array<i32>} : memref<1024xi32, #tpu.memory_space<vmem>>, vector<16xi32>,
      %swap3A_2342 = arith.constant 848 : index
      %swap3A_2343 = tpu.vector_load %arg6[%swap3A_2342] {strides = array<i32>} : memref<1024xi32, #tpu.memory_space<vmem>>, vector<16xi32>,
      tpu.vector_store %arg6[%swap3A_2342], %broadcast_in_dim3A_7 {strides = array<i32>} : memref<1024xi32, #tpu.memory_space<vmem>>, vector<16xi32>,
      %swap3A_2344 = arith.constant 864 : index
      %swap3A_2345 = tpu.vector_load %arg6[%swap3A_2344] {strides = array<i32>} : memref<1024xi32, #tpu.memory_space<vmem>>, vector<16xi32>,
      tpu.vector_store %arg6[%swap3A_2344], %broadcast_in_dim3A_7 {strides = array<i32>} : memref<1024xi32, #tpu.memory_space<vmem>>, vector<16xi32>,
      %swap3A_2346 = arith.constant 880 : index
      %swap3A_2347 = tpu.vector_load %arg6[%swap3A_2346] {strides = array<i32>} : memref<1024xi32, #tpu.memory_space<vmem>>, vector<16xi32>,
      tpu.vector_store %arg6[%swap3A_2346], %broadcast_in_dim3A_7 {strides = array<i32>} : memref<1024xi32, #tpu.memory_space<vmem>>, vector<16xi32>,
      %swap3A_2348 = arith.constant 896 : index
      %swap3A_2349 = tpu.vector_load %arg6[%swap3A_2348] {strides = array<i32>} : memref<1024xi32, #tpu.memory_space<vmem>>, vector<16xi32>,
      tpu.vector_store %arg6[%swap3A_2348], %broadcast_in_dim3A_7 {strides = array<i32>} : memref<1024xi32, #tpu.memory_space<vmem>>, vector<16xi32>,
      %swap3A_2350 = arith.constant 912 : index
      %swap3A_2351 = tpu.vector_load %arg6[%swap3A_2350] {strides = array<i32>} : memref<1024xi32, #tpu.memory_space<vmem>>, vector<16xi32>,
      tpu.vector_store %arg6[%swap3A_2350], %broadcast_in_dim3A_7 {strides = array<i32>} : memref<1024xi32, #tpu.memory_space<vmem>>, vector<16xi32>,
      %swap3A_2352 = arith.constant 928 : index
      %swap3A_2353 = tpu.vector_load %arg6[%swap3A_2352] {strides = array<i32>} : memref<1024xi32, #tpu.memory_space<vmem>>, vector<16xi32>,
      tpu.vector_store %arg6[%swap3A_2352], %broadcast_in_dim3A_7 {strides = array<i32>} : memref<1024xi32, #tpu.memory_space<vmem>>, vector<16xi32>,
      %swap3A_2354 = arith.constant 944 : index
      %swap3A_2355 = tpu.vector_load %arg6[%swap3A_2354] {strides = array<i32>} : memref<1024xi32, #tpu.memory_space<vmem>>, vector<16xi32>,
      tpu.vector_store %arg6[%swap3A_2354], %broadcast_in_dim3A_7 {strides = array<i32>} : memref<1024xi32, #tpu.memory_space<vmem>>, vector<16xi32>,
      %swap3A_2356 = arith.constant 960 : index
      %swap3A_2357 = tpu.vector_load %arg6[%swap3A_2356] {strides = array<i32>} : memref<1024xi32, #tpu.memory_space<vmem>>, vector<16xi32>,
      tpu.vector_store %arg6[%swap3A_2356], %broadcast_in_dim3A_7 {strides = array<i32>} : memref<1024xi32, #tpu.memory_space<vmem>>, vector<16xi32>,
      %swap3A_2358 = arith.constant 976 : index
      %swap3A_2359 = tpu.vector_load %arg6[%swap3A_2358] {strides = array<i32>} : memref<1024xi32, #tpu.memory_space<vmem>>, vector<16xi32>,
      tpu.vector_store %arg6[%swap3A_2358], %broadcast_in_dim3A_7 {strides = array<i32>} : memref<1024xi32, #tpu.memory_space<vmem>>, vector<16xi32>,
      %swap3A_2360 = arith.constant 992 : index
      %swap3A_2361 = tpu.vector_load %arg6[%swap3A_2360] {strides = array<i32>} : memref<1024xi32, #tpu.memory_space<vmem>>, vector<16xi32>,
      tpu.vector_store %arg6[%swap3A_2360], %broadcast_in_dim3A_7 {strides = array<i32>} : memref<1024xi32, #tpu.memory_space<vmem>>, vector<16xi32>,
      %swap3A_2362 = arith.constant 1008 : index
      %swap3A_2363 = tpu.vector_load %arg6[%swap3A_2362] {strides = array<i32>} : memref<1024xi32, #tpu.memory_space<vmem>>, vector<16xi32>,
      tpu.vector_store %arg6[%swap3A_2362], %broadcast_in_dim3A_7 {strides = array<i32>} : memref<1024xi32, #tpu.memory_space<vmem>>, vector<16xi32>,
      %add3A_2364 = arith.addi %select_n3A_2105, %reduce_sum3A_2115 : i32
      %lt3A_2365 = arith.cmpi slt, %add3A_2364, %sub3A_1869 : i32
      %convert_element_type3A_2366 = arith.extui %lt3A_2365 : i1 to i32
      %add3A_2367 = arith.constant 0 : i32
      %add3A_2368 = arith.addi %add3A_2367, %convert_element_type3A_2366 : i32
      %select_n3A_2369 = arith.select %lt3A_2365, %add3A_2364, %select_n3A_2105 : i32
      %add3A_2370 = arith.addi %add3A_2364, %reduce_sum3A_2123 : i32
      %lt3A_2371 = arith.cmpi slt, %add3A_2370, %sub3A_1869 : i32
      %convert_element_type3A_2372 = arith.extui %lt3A_2371 : i1 to i32
      %add3A_2373 = arith.addi %add3A_2368, %convert_element_type3A_2372 : i32
      %select_n3A_2374 = arith.select %lt3A_2371, %add3A_2370, %select_n3A_2369 : i32
      %add3A_2375 = arith.addi %add3A_2370, %reduce_sum3A_2131 : i32
      %lt3A_2376 = arith.cmpi slt, %add3A_2375, %sub3A_1869 : i32
      %convert_element_type3A_2377 = arith.extui %lt3A_2376 : i1 to i32
      %add3A_2378 = arith.addi %add3A_2373, %convert_element_type3A_2377 : i32
      %select_n3A_2379 = arith.select %lt3A_2376, %add3A_2375, %select_n3A_2374 : i32
      %add3A_2380 = arith.addi %add3A_2375, %reduce_sum3A_2139 : i32
      %lt3A_2381 = arith.cmpi slt, %add3A_2380, %sub3A_1869 : i32
      %convert_element_type3A_2382 = arith.extui %lt3A_2381 : i1 to i32
      %add3A_2383 = arith.addi %add3A_2378, %convert_element_type3A_2382 : i32
      %select_n3A_2384 = arith.select %lt3A_2381, %add3A_2380, %select_n3A_2379 : i32
      %add3A_2385 = arith.addi %add3A_2380, %reduce_sum3A_2147 : i32
      %lt3A_2386 = arith.cmpi slt, %add3A_2385, %sub3A_1869 : i32
      %convert_element_type3A_2387 = arith.extui %lt3A_2386 : i1 to i32
      %add3A_2388 = arith.addi %add3A_2383, %convert_element_type3A_2387 : i32
      %select_n3A_2389 = arith.select %lt3A_2386, %add3A_2385, %select_n3A_2384 : i32
      %add3A_2390 = arith.addi %add3A_2385, %reduce_sum3A_2155 : i32
      %lt3A_2391 = arith.cmpi slt, %add3A_2390, %sub3A_1869 : i32
      %convert_element_type3A_2392 = arith.extui %lt3A_2391 : i1 to i32
      %add3A_2393 = arith.addi %add3A_2388, %convert_element_type3A_2392 : i32
      %select_n3A_2394 = arith.select %lt3A_2391, %add3A_2390, %select_n3A_2389 : i32
      %add3A_2395 = arith.addi %add3A_2390, %reduce_sum3A_2163 : i32
      %lt3A_2396 = arith.cmpi slt, %add3A_2395, %sub3A_1869 : i32
      %convert_element_type3A_2397 = arith.extui %lt3A_2396 : i1 to i32
      %add3A_2398 = arith.addi %add3A_2393, %convert_element_type3A_2397 : i32
      %select_n3A_2399 = arith.select %lt3A_2396, %add3A_2395, %select_n3A_2394 : i32
      %add3A_2400 = arith.addi %add3A_2395, %reduce_sum3A_2171 : i32
      %lt3A_2401 = arith.cmpi slt, %add3A_2400, %sub3A_1869 : i32
      %convert_element_type3A_2402 = arith.extui %lt3A_2401 : i1 to i32
      %add3A_2403 = arith.addi %add3A_2398, %convert_element_type3A_2402 : i32
      %select_n3A_2404 = arith.select %lt3A_2401, %add3A_2400, %select_n3A_2399 : i32
      %add3A_2405 = arith.addi %add3A_2400, %reduce_sum3A_2179 : i32
      %lt3A_2406 = arith.cmpi slt, %add3A_2405, %sub3A_1869 : i32
      %convert_element_type3A_2407 = arith.extui %lt3A_2406 : i1 to i32
      %add3A_2408 = arith.addi %add3A_2403, %convert_element_type3A_2407 : i32
      %select_n3A_2409 = arith.select %lt3A_2406, %add3A_2405, %select_n3A_2404 : i32
      %add3A_2410 = arith.addi %add3A_2405, %reduce_sum3A_2187 : i32
      %lt3A_2411 = arith.cmpi slt, %add3A_2410, %sub3A_1869 : i32
      %convert_element_type3A_2412 = arith.extui %lt3A_2411 : i1 to i32
      %add3A_2413 = arith.addi %add3A_2408, %convert_element_type3A_2412 : i32
      %select_n3A_2414 = arith.select %lt3A_2411, %add3A_2410, %select_n3A_2409 : i32
      %add3A_2415 = arith.addi %add3A_2410, %reduce_sum3A_2195 : i32
      %lt3A_2416 = arith.cmpi slt, %add3A_2415, %sub3A_1869 : i32
      %convert_element_type3A_2417 = arith.extui %lt3A_2416 : i1 to i32
      %add3A_2418 = arith.addi %add3A_2413, %convert_element_type3A_2417 : i32
      %select_n3A_2419 = arith.select %lt3A_2416, %add3A_2415, %select_n3A_2414 : i32
      %add3A_2420 = arith.addi %add3A_2415, %reduce_sum3A_2203 : i32
      %lt3A_2421 = arith.cmpi slt, %add3A_2420, %sub3A_1869 : i32
      %convert_element_type3A_2422 = arith.extui %lt3A_2421 : i1 to i32
      %add3A_2423 = arith.addi %add3A_2418, %convert_element_type3A_2422 : i32
      %select_n3A_2424 = arith.select %lt3A_2421, %add3A_2420, %select_n3A_2419 : i32
      %add3A_2425 = arith.addi %add3A_2420, %reduce_sum3A_2211 : i32
      %lt3A_2426 = arith.cmpi slt, %add3A_2425, %sub3A_1869 : i32
      %convert_element_type3A_2427 = arith.extui %lt3A_2426 : i1 to i32
      %add3A_2428 = arith.addi %add3A_2423, %convert_element_type3A_2427 : i32
      %select_n3A_2429 = arith.select %lt3A_2426, %add3A_2425, %select_n3A_2424 : i32
      %add3A_2430 = arith.addi %add3A_2425, %reduce_sum3A_2219 : i32
      %lt3A_2431 = arith.cmpi slt, %add3A_2430, %sub3A_1869 : i32
      %convert_element_type3A_2432 = arith.extui %lt3A_2431 : i1 to i32
      %add3A_2433 = arith.addi %add3A_2428, %convert_element_type3A_2432 : i32
      %select_n3A_2434 = arith.select %lt3A_2431, %add3A_2430, %select_n3A_2429 : i32
      %add3A_2435 = arith.addi %add3A_2430, %reduce_sum3A_2227 : i32
      %lt3A_2436 = arith.cmpi slt, %add3A_2435, %sub3A_1869 : i32
      %convert_element_type3A_2437 = arith.extui %lt3A_2436 : i1 to i32
      %add3A_2438 = arith.addi %add3A_2433, %convert_element_type3A_2437 : i32
      %select_n3A_2439 = arith.select %lt3A_2436, %add3A_2435, %select_n3A_2434 : i32
      %add3A_2440 = arith.addi %add3A_2435, %reduce_sum3A_2235 : i32
      %lt3A_2441 = arith.cmpi slt, %add3A_2440, %sub3A_1869 : i32
      %convert_element_type3A_2442 = arith.extui %lt3A_2441 : i1 to i32
      %add3A_2443 = arith.addi %add3A_2438, %convert_element_type3A_2442 : i32
      %select_n3A_2444 = arith.select %lt3A_2441, %add3A_2440, %select_n3A_2439 : i32
      %mul3A_2445 = arith.constant 16 : i32
      %mul3A_2446 = arith.muli %add3A_2104, %mul3A_2445 : i32
      %add3A_2447 = arith.addi %mul3A_2446, %add3A_2443 : i32
      %sub3A_2448 = arith.subi %sub3A_1869, %select_n3A_2444 : i32
      %reduce_sum3A_2449 = arith.constant true
      %reduce_sum3A_2450 = vector.broadcast %reduce_sum3A_2449 : i1 to vector<16xi1>
      %reduce_sum3A_2451 = tpu.scan <sum>, %add3A_1278 masked %reduce_sum3A_2450 : vector<16xf32>, vector<16xi1> -> vector<16xf32>
      %reduce_sum3A_2452 = vector.extract %reduce_sum3A_2451[15] : f32 from vector<16xf32>
      %broadcast_in_dim3A_2453 = vector.broadcast %reduce_sum3A_2452 : f32 to vector<16xf32>
      %mul3A_2454 = arith.constant 1.22070313E-4 : f32
      %mul3A_2455 = vector.broadcast %mul3A_2454 : f32 to vector<16xf32>
      %mul3A_2456 = arith.mulf %broadcast_in_dim3A_2453, %mul3A_2455 : vector<16xf32>
      %mul3A_2457 = arith.constant 64 : i32
      %mul3A_2458 = arith.muli %add3A_1867, %mul3A_2457 : i32
      %add3A_2459 = arith.addi %mul3A_2458, %add3A_2447 : i32
      %broadcast_in_dim3A_2460 = vector.broadcast %add3A_2459 : i32 to vector<16xi32>
      %convert_element_type3A_2461 = arith.sitofp %broadcast_in_dim3A_2460 : vector<16xi32> to vector<16xf32>
      %mul3A_2462 = arith.constant 2.44140625E-4 : f32
      %mul3A_2463 = vector.broadcast %mul3A_2462 : f32 to vector<16xf32>
      %mul3A_2464 = arith.mulf %convert_element_type3A_2461, %mul3A_2463 : vector<16xf32>
      %add3A_2465 = arith.constant 1.22070313E-4 : f32
      %add3A_2466 = vector.broadcast %add3A_2465 : f32 to vector<16xf32>
      %add3A_2467 = arith.addf %mul3A_2464, %add3A_2466 : vector<16xf32>
      %sub3A_2468 = arith.constant 5.000000e-01 : f32
      %sub3A_2469 = vector.broadcast %sub3A_2468 : f32 to vector<16xf32>
      %sub3A_2470 = arith.subf %add3A_2467, %sub3A_2469 : vector<16xf32>
      %abs3A_2471 = math.absf %sub3A_2470 : vector<16xf32>
      %mul3A_2472 = arith.mulf %mul3A_2456, %abs3A_2471 : vector<16xf32>
      %gt3A_2473 = arith.constant 5.000000e-01 : f32
      %gt3A_2474 = vector.broadcast %gt3A_2473 : f32 to vector<16xf32>
      %gt3A_2475 = arith.cmpf ogt, %add3A_2467, %gt3A_2474 : vector<16xf32>
      %add3A_2476 = arith.constant 5.000000e-01 : f32
      %add3A_2477 = vector.broadcast %add3A_2476 : f32 to vector<16xf32>
      %add3A_2478 = arith.addf %add3A_2477, %mul3A_2472 : vector<16xf32>
      %add3A_2479 = arith.addf %add3A_2467, %mul3A_2472 : vector<16xf32>
      %select_n3A_2480 = arith.select %gt3A_2475, %add3A_2478, %add3A_2479 : vector<16xi1>, vector<16xf32>
      %mul3A_2481 = arith.constant 16 : i32
      %mul3A_2482 = arith.muli %add3A_1269, %mul3A_2481 : i32
      %swap3A_2483 = arith.index_cast %mul3A_2482 : i32 to index
      %swap3A_2484 = tpu.vector_load %arg7[%swap3A_2483] {strides = array<i32>} : memref<1024xf32, #tpu.memory_space<vmem>>, vector<16xf32>,
      tpu.vector_store %arg7[%swap3A_2483], %select_n3A_2480 {strides = array<i32>} : memref<1024xf32, #tpu.memory_space<vmem>>, vector<16xf32>,
    }
    %scan3A_23 = arith.constant 32 : i32
    %scan3A_24 = arith.constant 0 : i32
    %scan3A_25 = arith.constant 0 : i32
    %scan3A_26 = arith.constant 4 : i32
    %scan3A_27 = arith.addi %scan3A_25, %scan3A_26 : i32
    %scan3A_28 = arith.constant 1 : i32
    scf.for %scan3A_30 = %scan3A_25 to %scan3A_27 step %scan3A_28  : i32 {
      %mul3A_31 = arith.constant 256 : i32
      %mul3A_32 = arith.muli %scan3A_30, %mul3A_31 : i32
      %mul3A_33 = arith.constant 16 : i32
      %mul3A_34 = vector.broadcast %mul3A_33 : i32 to vector<16xi32>
      %mul3A_35 = arith.muli %iota3A, %mul3A_34 : vector<16xi32>
      %add3A_36 = vector.broadcast %mul3A_32 : i32 to vector<16xi32>
      %add3A_37 = arith.addi %add3A_36, %mul3A_35 : vector<16xi32>
      %gather3A = tpu.vector_load_idx %arg7[%add3A_37] : memref<1024xf32, #tpu.memory_space<vmem>>[vector<16xi32>], vector<16xf32>,
      %mul3A_38 = arith.constant 16 : i32
      %mul3A_39 = arith.muli %scan3A_30, %mul3A_38 : i32
      %swap3A = arith.index_cast %mul3A_39 : i32 to index
      %swap3A_40 = tpu.vector_load %arg8[%swap3A] {strides = array<i32>} : memref<64xf32, #tpu.memory_space<vmem>>, vector<16xf32>,
      tpu.vector_store %arg8[%swap3A], %gather3A {strides = array<i32>} : memref<64xf32, #tpu.memory_space<vmem>>, vector<16xf32>,
    }
    %scan3A_29 = arith.constant 4 : i32
    "tpu.region"() ({
      %run_scoped3A = tpu.sem_alloc : memref<!tpu.dma_semaphore, #tpu.memory_space<semaphore_mem>>
      %dma_start3A_30 = tpu.memref_slice %arg3[%mul3A_2] : memref<2048xf32, #tpu.memory_space<hbm>> -> memref<64xf32, #tpu.memory_space<hbm>>
      %dma_start3A_31 = tpu.memref_slice %arg3[%mul3A_2] : memref<2048xf32, #tpu.memory_space<hbm>> -> memref<64xf32, #tpu.memory_space<hbm>>
      tpu.enqueue_dma source(%arg8 : memref<64xf32, #tpu.memory_space<vmem>>) target(%dma_start3A_31 : memref<64xf32, #tpu.memory_space<hbm>>) target_semaphore(%run_scoped3A : memref<!tpu.dma_semaphore, #tpu.memory_space<semaphore_mem>>)
      %dma_wait3A = tpu.memref_slice %arg3[%mul3A_2] : memref<2048xf32, #tpu.memory_space<hbm>> -> memref<64xf32, #tpu.memory_space<hbm>>
      %dma_wait3A_32 = tpu.memref_slice %arg3[%mul3A_2] : memref<2048xf32, #tpu.memory_space<hbm>> -> memref<64xf32, #tpu.memory_space<hbm>>
      tpu.wait_dma2 semaphore(%run_scoped3A : memref<!tpu.dma_semaphore, #tpu.memory_space<semaphore_mem>>) src(%arg8 : memref<64xf32, #tpu.memory_space<vmem>>) dst(%dma_wait3A_32 : memref<64xf32, #tpu.memory_space<hbm>>)
      tpu.yield
    }) : () -> ()
    return
  }
}

</mosaic_0001>

<sc_bundles>
// kernel: kernel.3.cloned.1.call-start
scs
__scs_entry_jumppad:
0x0: {  	(pc) =	sbr.rel $0x88, $3  }
0x1: {  	(tag) =	ssettag $0x0;
	lr =	simm.s32 $0x1  }
0x2: {  	[smem:$0x3FA0] =	sst lr;
	_ =	strace $0xD0000000  }
0x3: {  	_ = 	snop  }
0x4: {  	_ = 	snop  }
0x5: {  	_ = 	snop  }
0x6: {  	_ = 	snop  }
0x7: {  	_ = 	snop  }
__scs_overlays_trampoline_lowered:
0x8: {  	[smem:$0x3FAF] =	sst s0  }
0x9: {  	[smem:$0x3FB0] =	sst s1  }
0xa: {  	[smem:$0x3FB1] =	sst s2  }
0xb: {  	[smem:$0x3FB2] =	sst s3  }
0xc: {  	[smem:$0x3FB3] =	sst s4  }
0xd: {  	[smem:$0x3FB4] =	sst s5  }
0xe: {  	[smem:$0x3FB5] =	sst s6  }
0xf: {  	[smem:$0x3FB6] =	sst s7  }
0x10: {  	[smem:$0x3FB7] =	sst s8  }
0x11: {  	[smem:$0x3FB8] =	sst s9;
	s0 =	simm.s32 @!p0 $0x0  }
0x12: {  	s1 =	sld [smem:$0x3F9E];
	s0 =	simm.s32 @p0 $0x1  }
0x13: {  	[smem:$0x3FB9] =	sst s0;
	s0 =	simm.s32 @!p1 $0x0  }
0x14: {  	s2 =	sld [smem:$0x3F9D];
	s0 =	simm.s32 @p1 $0x1  }
0x15: {  	[smem:$0x3FBA] =	sst s0;
	s0 =	simm.s32 @!p2 $0x0  }
0x16: {  	s3 =	sld [smem:$0x3FDB];
	s0 =	simm.s32 @p2 $0x1  }
0x17: {  	s4 =	simm.s32 $0x1BF5;
	[smem:$0x3FBC] =	sst s0  }
0x18: {  	s0 =	sld [smem:$0x3F9F];
	_ =	swait.ge [sflag:s4], $0x0  }
0x19: {  	s7 =	sld [smem:$0x3FA0]  }
0x1a: {  	s8 =	sadd.s32 $0xFFFFE003, lr  }
0x1b: {  	s9 =	sadd.s32 $0xFFFFFEF7, lr;
	s5 =	simm.s32 $0xFFFFFFFF;
	p2 =	slt.u32 s8, $0xFFFFF086  }
0x1c: {  	p1 =	slt.u32 s9, $0xF7A;
	s5 =	simm.s32 @!p2 $0x0  }
0x1d: {  	s5 =	simm.s32 @p1 $0x1;
	p0 =	seq.s32 s7, s2  }
0x1e: {  	s7 =	smul.u32 @!p0 $0xF7A, s2;
	p2 =	seq.s32 @!p0 s5, $0x0  }
0x1f: {  	s9 =	smul.u32 $0xF7A, s1;
	s8 =	simm.s32 @!p0 $0x1BF5;
	p2 =	por !p2, p0  }
0x20: {  	[sflag:s8] =	ssyncset.s32 @!p0 $0xFFFFF086;
	s6 =	sadd.s32 @!p0 s3, s7;
	s7 =	simm.s32 @!p0 $0x108  }
0x21: {  	s3 =	sadd.s32 s3, s9;
	s6 =	sadd.s32 @!p0 $0x88, s6;
	s7 =	simm.s32 @p2 $0x1082  }
0x22: {  	[simem:s7], [sflag:s8] =	dma.local @!p0 [hbm:s6], $0xF7A  }
0x23: {  	s9 =	sor.u32 $0xD0000000, s2;
	s6 =	simm.s32 $0x108;
	_ =	swait.ge @!p0 [sflag:s8], $0x0  }
0x24: {  	s3 =	sadd.s32 $0x88, s3;
	s6 =	simm.s32 @!p1 $0x1082;
	[sflag:s4] =	ssyncset.s32 $0xFFFFF086  }
0x25: {  	[simem:s6], [sflag:s4] =	dma.local [hbm:s3], $0xF7A  }
0x26: {  	[smem:$0x3FA0] =	sst s1;
	(tag) =	ssettag s2;
	_ =	strace s9  }
0x27: {  	s1 =	sld [smem:$0x3FB0]  }
0x28: {  	s2 =	sld [smem:$0x3FB1]  }
0x29: {  	s4 =	sld [smem:$0x3FB3]  }
0x2a: {  	p0 =	seq.s32 s5, $0x0;
	s5 =	sld [smem:$0x3FB4]  }
0x2b: {  	s6 =	sld [smem:$0x3FB5]  }
0x2c: {  	s7 =	sld [smem:$0x3FB6]  }
0x2d: {  	s3 =	simm.s32 $0x108;
	s8 =	sld [smem:$0x3FB7]  }
0x2e: {  	s3 =	simm.s32 @!p0 $0x1082;
	s9 =	sld [smem:$0x3FB8]  }
0x2f: {  	lr =	sadd.s32 s0, s3;
	s0 =	sld [smem:$0x3FAF]  }
0x30: {  	s3 =	sld [smem:$0x3FB2]  }
0x31: {  	[smem:$0x3FBB] =	sst s10  }
0x32: {  	s10 =	sld [smem:$0x3FB9];
	_ =	sdelay $0x3  }
0x33: {  	p0 =	seq.s32 s10, $0x1;
	s10 =	sld [smem:$0x3FBB];
	_ =	sdelay $0x3  }
0x34: {  	[smem:$0x3FBB] =	sst s10  }
0x35: {  	s10 =	sld [smem:$0x3FBA];
	_ =	sdelay $0x3  }
0x36: {  	p1 =	seq.s32 s10, $0x1;
	s10 =	sld [smem:$0x3FBB];
	_ =	sdelay $0x3  }
0x37: {  	[smem:$0x3FBB] =	sst s10  }
0x38: {  	s10 =	sld [smem:$0x3FBC]  }
0x39: {  	_ = 	snop;
	(pc) =	sbr.ind lr, $3  }
0x3a: {  	_ = 	snop  }
0x3b: {  	_ = 	snop  }
0x3c: {  	p2 =	seq.s32 s10, $0x1;
	s10 =	sld [smem:$0x3FBB]  }
0x3d: {  	_ =	shalt  }
0x3e: {  	_ =	shalt  }
0x3f: {  	_ =	shalt  }
0x40: {  	_ =	shalt  }
0x41: {  	_ =	shalt  }
0x42: {  	_ =	shalt  }
0x43: {  	_ =	shalt  }
0x44: {  	_ =	shalt  }
0x45: {  	_ =	shalt  }
0x46: {  	_ =	shalt  }
0x47: {  	_ =	shalt  }
0x48: {  	_ =	shalt  }
0x49: {  	_ =	shalt  }
0x4a: {  	_ =	shalt  }
0x4b: {  	_ =	shalt  }
0x4c: {  	_ =	shalt  }
0x4d: {  	_ =	shalt  }
0x4e: {  	_ =	shalt  }
0x4f: {  	_ =	shalt  }
0x50: {  	_ =	shalt  }
0x51: {  	_ =	shalt  }
0x52: {  	_ =	shalt  }
0x53: {  	_ =	shalt  }
0x54: {  	_ =	shalt  }
0x55: {  	_ =	shalt  }
0x56: {  	_ =	shalt  }
0x57: {  	_ =	shalt  }
0x58: {  	_ =	shalt  }
0x59: {  	_ =	shalt  }
0x5a: {  	_ =	shalt  }
0x5b: {  	_ =	shalt  }
0x5c: {  	_ =	shalt  }
0x5d: {  	_ =	shalt  }
0x5e: {  	_ =	shalt  }
0x5f: {  	_ =	shalt  }
0x60: {  	_ =	shalt  }
0x61: {  	_ =	shalt  }
0x62: {  	_ =	shalt  }
0x63: {  	_ =	shalt  }
0x64: {  	_ =	shalt  }
0x65: {  	_ =	shalt  }
0x66: {  	_ =	shalt  }
0x67: {  	_ =	shalt  }
0x68: {  	_ =	shalt  }
0x69: {  	_ =	shalt  }
0x6a: {  	_ =	shalt  }
0x6b: {  	_ =	shalt  }
0x6c: {  	_ =	shalt  }
0x6d: {  	_ =	shalt  }
0x6e: {  	_ =	shalt  }
0x6f: {  	_ =	shalt  }
0x70: {  	_ =	shalt  }
0x71: {  	_ =	shalt  }
0x72: {  	_ =	shalt  }
0x73: {  	_ =	shalt  }
0x74: {  	_ =	shalt  }
0x75: {  	_ =	shalt  }
0x76: {  	_ =	shalt  }
0x77: {  	_ =	shalt  }
0x78: {  	_ =	shalt  }
0x79: {  	_ =	shalt  }
0x7a: {  	_ =	shalt  }
0x7b: {  	_ =	shalt  }
0x7c: {  	_ =	shalt  }
0x7d: {  	_ =	shalt  }
0x7e: {  	_ =	shalt  }
0x7f: {  	_ =	shalt  }
0x80: {  	_ =	shalt  }
0x81: {  	_ =	shalt  }
0x82: {  	_ =	shalt  }
0x83: {  	_ =	shalt  }
0x84: {  	_ =	shalt  }
0x85: {  	_ =	shalt  }
0x86: {  	_ =	shalt  }
0x87: {  	_ =	shalt  }
.Lfunc_end0:
.L_simem_size_0:
called_computation_lowered:
.L_overlay_start_0:
0x88: {  	s2 =	sld [smem:$0x3FD9]  }
0x89: {  	s3 =	sld [smem:$0x3FFE];
	_ =	sdelay $0x1  }
0x8a: {  	s1 =	srdreg.scid  }
0x8b: {  	s0 =	sand.u32 $0x1, s1  }
0x8c: {  	s18 =	sshll.u32 s0, $0xA;
	s2 =	sadd.s32 s3, s2  }
0x8d: {  	s2 =	sadd.s32 s2, s18  }
0x8e: {  	[smem:$0x3FC7] =	sst s2  }
0x8f: {  	_ = 	snop  }
0x90: {  	s2 =	sld [smem:$0x3FC9]  }
0x91: {  	s19 =	sld [smem:$0x3FD0];
	(tm) =	ssettm $0x1  }
0x92: {  	s4 =	sld [smem:$0x3FFB];
	_ =	sdelay $0x3  }
0x93: {  	_ =	strace s4  }
0x94: {  	s4 =	sld [smem:$0x3FFC];
	_ =	sdelay $0x3  }
0x95: {  	_ =	strace s4  }
0x96: {  	s4 =	sld [smem:$0x3FFD];
	_ =	sdelay $0x3  }
0x97: {  	_ =	strace s4  }
0x98: {  	_ =	strace $0x8FFFFFFF  }
0x99: {  	s20 =	sld [smem:$0x3FDB];
	_ =	sdelay $0x1  }
0x9a: {  	s5 =	simm.s32 $_scs_section_size  }
0x9b: {  	s6 =	simm.s32 $_size__tile_overlayer_lowered;
	s7 =	simm.s32 $_tile_overlayer_lowered  }
0x9c: {  	s23 =	simm.s32 $0x1BFF;
	s22 =	sshll.u32 s7, $0x1;
	s4 =	sadd.s32 s5, s20  }
0x9d: {  	s8 =	simm.s32 $0x0;
	s21 =	sshll.u32 s6, $0x1;
	s6 =	sadd.s32 s22, s4  }
0x9e: {  	[timem:s8], [sflag:s23] =	dma.local [hbm:s6], s21  }
0x9f: {  	_ =	swait.ge [sflag:s23], s21  }
0xa0: {  	s5 =	ssub.s32 $0x0, s21;
	[sflag:s23] =	ssyncset.done $0x0  }
0xa1: {  	[sflag:s23] =	ssyncadd.s32 s5;
	_ =	sdelay $0x1  }
0xa2: {  	s24 =	simm.s32 $0x1B8B  }
0xa3: {  	_ =	swait.ge [sflag:s24], $0x1  }
0xa4: {  	[sflag:s24] =	ssyncset.done $0x0  }
0xa5: {  	s25 =	simm.s32 $0x1B8E;
	[sflag:s24] =	ssyncadd.s32 $0xFFFFFFFF  }
0xa6: {  	s26 =	simm.s32 $execute0_lowered;
	[smem:$0x3FD2] =	sst s25  }
0xa7: {  	s5 =	sshll.u32 s26, $0x1;
	_ =	strace $0x80000046;
	[dreg:$0x1] =	wrdreg $0xFFFFFFFF  }
0xa8: {  	s28 =	simm.s32 $_size_execute0_lowered;
	s4 =	sadd.s32 s4, s5;
	[dreg:$0x0] =	wrdreg $0x0  }
0xa9: {  	s5 =	sshll.u32 s28, $0x1;
	[dreg:$0x2] =	wrdreg s4  }
0xaa: {  	[dreg:$0x3] =	wrdreg s5  }
0xab: {  	[dreg:$0x4] =	wrdreg $0xC0  }
0xac: {  	_ =	task [dreg:s8], $0x5FFFF  }
0xad: {  	[dreg:$0x1] =	wrdreg $0xFFFFFFFF  }
0xae: {  	[dreg:$0x0] =	wrdreg $0x60  }
0xaf: {  	[dreg:$0x2] =	wrdreg s2  }
0xb0: {  	[dreg:$0x3] =	wrdreg s19  }
0xb1: {  	[dreg:$0x4] =	wrdreg $0x9  }
0xb2: {  	_ =	task.clear_ibuf [dreg:s8], $0x5FFFF;
	_ =	strace $0x90000046  }
0xb3: {  	s29 =	simm.s32 $0x9;
	_ =	strace $0x80000048  }
0xb4: {  	_ =	swait.ge [sflag:s29], $0x1  }
0xb5: {  	[sflag:s29] =	ssyncadd.s32 $0xFFFFFFFF  }
0xb6: {  	_ =	strace $0x90000048  }
0xb7: {  	_ =	sfence  }
0xb8: {  	s30 =	sld [smem:$0x0];
	_ =	sdelay $0x2  }
0xb9: {  	s31 =	sshll.u32 s1, $0xD;
	s1 =	sshrl.u32 s1, $0x2  }
0xba: {  	s3 =	sand.u32 $0x4000, s31;
	s1 =	sadd.s32 s1, s30  }
0xbb: {  	s0 =	sor.u32 s3, s0;
	s1 =	sshll.u32 s1, $0x11  }
0xbc: {  	s0 =	sor.u32 s1, s0  }
0xbd: {  	s0 =	sadd.s32 $0x8F2B, s0  }
0xbe: {  	[sflag:s0] =	ssyncadd.remote.s32 $0x1  }
0xbf: {  	_ =	sfence.sel $0xFFFF  }
0xc0: {  	[dreg:$0x0] =	wrdreg $0xFFFFFFFF;
	(pc) =	sbr.abs _section_cstart, $3  }
0xc1: {  	[dreg:$0x1] =	wrdreg $0xFFFFFFFF  }
0xc2: {  	_ =	task.clear_ibuf [dreg:s8], $0x2FFFF;
	_ =	strace $0x9FFFFFFF  }
0xc3: {  	(tm) =	ssettm $0x7FFFFFFF  }
tec
execute0_lowered:
.L_overlay_start_1:
0x0: {  	(tag) =	ssettag $0x1  }
0x1: {  	s2 =	rddreg [dreg:$0x0]  }
0x2: {  	s0 =	rddreg [dreg:$0x1]  }
0x3: {  	s1 =	srdreg.scid;
	s3 =	stileid.u32  }
0x4: {  	s6 =	simm.s32 $0x0;
	s8 =	simm.s32 $0x80;
	s1 =	sand.u32 $0x1, s1  }
0x5: {  	s9 =	simm.s32 $0x400;
	s3 =	sshll.u32 s3, $0x7;
	s4 =	sshll.u32 s1, $0x6  }
0x6: {  	s11 =	simm.s32 $0x1;
	[smem:$0x7FF] =	sst s6;
	s4 =	sor.u32 s4, s3  }
0x7: {  	s1 =	ssub.s32 $0x2, s1;
	_ =	strace $0x80000047;
	s5 =	sshll.u32 s4, $0xA  }
0x8: {  	s28 =	sshrl.u32 s1, $0x1;
	s30 =	sshrl.u32 s4, $0x3;
	s29 =	sadd.s32 s2, s5  }
0x9: {  	s1 =	ssub.s32 s1, s28;
	s0 =	sadd.s32 s0, s30;
	[dreg:$0x3] =	wrdreg s29  }
0xa: {  	v0 =	vlaneseq.u32;
	s12 =	simm.s32 $0x4000;
	s31 =	smax.u32 s1, $0x1;
	[dreg:$0x4] =	wrdreg s0  }
0xb: {  	s13 =	simm.s32 $0x2;
	v1 =	vimm.s32 $0x0;
	v2 =	vimm.s32 $0x1;
	v3 =	vor.u32 $0xFFFFFC00, v0;
	s3 =	simm.s32 $0x0;
	[dreg:$0x5] =	wrdreg s31  }
.LBB2_1:
0xc: {  	[tilespmem:$0x4000] =	vst v1  }
0xd: {  	[tilespmem:$0x4010] =	vst v1  }
0xe: {  	[tilespmem:$0x4020] =	vst v1  }
0xf: {  	[tilespmem:$0x4030] =	vst v1  }
0x10: {  	[tilespmem:$0x4040] =	vst v1  }
0x11: {  	[tilespmem:$0x4050] =	vst v1  }
0x12: {  	[tilespmem:$0x4060] =	vst v1  }
0x13: {  	[tilespmem:$0x4070] =	vst v1  }
0x14: {  	[tilespmem:$0x4080] =	vst v1  }
0x15: {  	[tilespmem:$0x4090] =	vst v1  }
0x16: {  	[tilespmem:$0x40A0] =	vst v1  }
0x17: {  	[tilespmem:$0x40B0] =	vst v1  }
0x18: {  	[tilespmem:$0x40C0] =	vst v1  }
0x19: {  	[tilespmem:$0x40D0] =	vst v1  }
0x1a: {  	[tilespmem:$0x40E0] =	vst v1  }
0x1b: {  	[tilespmem:$0x40F0] =	vst v1  }
0x1c: {  	[tilespmem:$0x4100] =	vst v1  }
0x1d: {  	[tilespmem:$0x4110] =	vst v1  }
0x1e: {  	[tilespmem:$0x4120] =	vst v1  }
0x1f: {  	[tilespmem:$0x4130] =	vst v1  }
0x20: {  	[tilespmem:$0x4140] =	vst v1  }
0x21: {  	[tilespmem:$0x4150] =	vst v1  }
0x22: {  	[tilespmem:$0x4160] =	vst v1  }
0x23: {  	[tilespmem:$0x4170] =	vst v1  }
0x24: {  	[tilespmem:$0x4180] =	vst v1  }
0x25: {  	[tilespmem:$0x4190] =	vst v1  }
0x26: {  	[tilespmem:$0x41A0] =	vst v1  }
0x27: {  	[tilespmem:$0x41B0] =	vst v1  }
0x28: {  	[tilespmem:$0x41C0] =	vst v1  }
0x29: {  	[tilespmem:$0x41D0] =	vst v1  }
0x2a: {  	[tilespmem:$0x41E0] =	vst v1  }
0x2b: {  	[tilespmem:$0x41F0] =	vst v1  }
0x2c: {  	[tilespmem:$0x4200] =	vst v1  }
0x2d: {  	[tilespmem:$0x4210] =	vst v1  }
0x2e: {  	[tilespmem:$0x4220] =	vst v1  }
0x2f: {  	[tilespmem:$0x4230] =	vst v1  }
0x30: {  	[tilespmem:$0x4240] =	vst v1  }
0x31: {  	[tilespmem:$0x4250] =	vst v1  }
0x32: {  	[tilespmem:$0x4260] =	vst v1  }
0x33: {  	[tilespmem:$0x4270] =	vst v1  }
0x34: {  	[tilespmem:$0x4280] =	vst v1  }
0x35: {  	[tilespmem:$0x4290] =	vst v1  }
0x36: {  	[tilespmem:$0x42A0] =	vst v1  }
0x37: {  	[tilespmem:$0x42B0] =	vst v1  }
0x38: {  	[tilespmem:$0x42C0] =	vst v1  }
0x39: {  	[tilespmem:$0x42D0] =	vst v1  }
0x3a: {  	[tilespmem:$0x42E0] =	vst v1  }
0x3b: {  	[tilespmem:$0x42F0] =	vst v1  }
0x3c: {  	[tilespmem:$0x4300] =	vst v1  }
0x3d: {  	[tilespmem:$0x4310] =	vst v1  }
0x3e: {  	[tilespmem:$0x4320] =	vst v1  }
0x3f: {  	[tilespmem:$0x4330] =	vst v1  }
0x40: {  	[tilespmem:$0x4340] =	vst v1  }
0x41: {  	[tilespmem:$0x4350] =	vst v1  }
0x42: {  	[tilespmem:$0x4360] =	vst v1  }
0x43: {  	[tilespmem:$0x4370] =	vst v1  }
0x44: {  	[tilespmem:$0x4380] =	vst v1  }
0x45: {  	[tilespmem:$0x4390] =	vst v1  }
0x46: {  	[tilespmem:$0x43A0] =	vst v1  }
0x47: {  	[tilespmem:$0x43B0] =	vst v1  }
0x48: {  	[tilespmem:$0x43C0] =	vst v1  }
0x49: {  	[tilespmem:$0x43D0] =	vst v1  }
0x4a: {  	[dreg:$0x6] =	wrdreg s3;
	[tilespmem:$0x43E0] =	vst v1  }
0x4b: {  	[tilespmem:$0x43F0] =	vst v1;
	s0 =	rddreg [dreg:$0x3];
	s18 =	simm.s32 $0x0  }
0x4c: {  	[tilespmem:s6], [sflag:$0x1] =	stream.strided.gather [hbm4b:s0+s8], $0x2000, s9, s8, $0x38;
	[tilespmem:$0x4880] =	vst v63  }
.LBB2_2:
0x4d: {  	s0 =	sshll.u32 s18, $0x1  }
0x4e: {  	s19 =	sshll.u32 s18, $0x5;
	s20 =	sadd.s32 s4, s0  }
0x4f: {  	s1 =	sand.u32 $0x60, s19;
	s0 =	sshll.u32 s20, $0xA  }
0x50: {  	s1 =	sadd.s32 s1, s2;
	s0 =	sand.u32 $0x1FE000, s0  }
0x51: {  	s0 =	sadd.s32 s0, s1  }
0x52: {  	s29 =	simm.s32 $0x2000;
	s0 =	sadd.s32 $0x10, s0  }
0x53: {  	[tilespmem:s29], [sflag:$0x2] =	stream.strided.gather [hbm4b:s0+s8], $0x2000, s9, s8, $0x38;
	[tilespmem:$0x4880] =	vst v63  }
0x54: {  	_ =	swait.ge [sflag:s11], $0x2000  }
0x55: {  	[sflag:s11] =	ssyncset.done $0x0  }
0x56: {  	s30 =	simm.s32 $0x40;
	[sflag:s11] =	ssyncadd.s32 $0xFFFFE000  }
0x57: {  	v4 =	vld [tilespmem:s30+$0xFFFFFFC0]  }
0x58: {  	v5 =	vld [tilespmem:s30+$0xFFFFFFD0]  }
0x59: {  	v6 =	vld [tilespmem:s30+$0xFFFFFFE0]  }
0x5a: {  	v7 =	vld [tilespmem:s30+$0xFFFFFFF0]  }
0x5b: {  	v12 =	vld [tilespmem:s30+$0x30]  }
0x5c: {  	v8 =	vld [tilespmem:s30+$0x0]  }
0x5d: {  	v9 =	vld [tilespmem:s30+$0x10]  }
0x5e: {  	v11 =	vld [tilespmem:s30+$0x20];
	v10 =	vmul.f32 $6.400000000e+01, v4  }
0x5f: {  	v13 =	vimm.f32 $0.0e+00;
	v14 =	vmul.f32 $6.400000000e+01, v5;
	v15 =	vmul.f32 $6.400000000e+01, v6  }
0x60: {  	v4 =	vadd.f32 v4, v13;
	v16 =	vmul.f32 $6.400000000e+01, v7;
	v17 =	vmul.f32 $6.400000000e+01, v12  }
0x61: {  	v5 =	vadd.f32 v5, v13;
	v10 =	vtrunc.f32 v10;
	v13 =	vtrunc.f32 v14  }
0x62: {  	v14 =	vmul.f32 $6.400000000e+01, v8;
	v4 =	vadd.f32 v6, v4;
	v6 =	vmul.f32 $6.400000000e+01, v9  }
0x63: {  	v15 =	vtrunc.f32 v15;
	v5 =	vadd.f32 v7, v5;
	v7 =	vmul.f32 $6.400000000e+01, v11  }
0x64: {  	v4 =	vadd.f32 v8, v4;
	v8 =	vtrunc.f32 v16;
	v14 =	vtrunc.f32 v14  }
0x65: {  	v6 =	vtrunc.f32 v6;
	v7 =	vtrunc.f32 v7  }
0x66: {  	v5 =	vadd.f32 v9, v5;
	v9 =	vcvt.f32.s32 v10;
	v10 =	vtrunc.f32 v17  }
0x67: {  	s31 =	simm.s32 $0xC0;
	v8 =	vcvt.f32.s32 v8;
	v14 =	vcvt.f32.s32 v14  }
0x68: {  	v17 =	vld [tilespmem:s31+$0xFFFFFFF0];
	v6 =	vcvt.f32.s32 v6;
	v7 =	vcvt.f32.s32 v7  }
0x69: {  	v10 =	vcvt.f32.s32 v10;
	v4 =	vadd.f32 v11, v4;
	v5 =	vadd.f32 v12, v5;
	v11 =	vld [tilespmem:s31+$0xFFFFFFC0]  }
0x6a: {  	v12 =	vcvt.f32.s32 v13;
	v13 =	vcvt.f32.s32 v15;
	v15 =	vld [tilespmem:s31+$0xFFFFFFD0];
	v9 =	vshll.u32 v9, $0x4  }
0x6b: {  	v16 =	vld [tilespmem:s31+$0xFFFFFFE0];
	v8 =	vshll.u32 v8, $0x4;
	v14 =	vshll.u32 v14, $0x4;
	v6 =	vshll.u32 v6, $0x4  }
0x6c: {  	v18 =	vld [tilespmem:s31+$0x0];
	v7 =	vshll.u32 v7, $0x4;
	v9 =	vor.u32 v0, v9;
	v10 =	vshll.u32 v10, $0x4  }
0x6d: {  	v20 =	vld [tilespmem:s31+$0x10];
	v12 =	vshll.u32 v12, $0x4;
	v13 =	vshll.u32 v13, $0x4;
	v24 =	vor.u32 v0, v6  }
0x6e: {  	v12 =	vor.u32 v0, v12;
	v19 =	vmul.f32 $6.400000000e+01, v11;
	v4 =	vadd.f32 v11, v4  }
0x6f: {  	v22 =	vld [tilespmem:s31+$0x30];
	v23 =	vmul.f32 $6.400000000e+01, v17;
	v21 =	vmul.f32 $6.400000000e+01, v15;
	v5 =	vadd.f32 v15, v5  }
0x70: {  	v15 =	vtrunc.f32 v19;
	v19 =	vmul.f32 $6.400000000e+01, v16;
	v4 =	vadd.f32 v16, v4  }
0x71: {  	v11 =	vld [tilespmem:s31+$0x20];
	v5 =	vadd.f32 v17, v5;
	v16 =	vtrunc.f32 v21;
	v17 =	vmul.f32 $6.400000000e+01, v18  }
0x72: {  	v13 =	vor.u32 v0, v13;
	v21 =	vmul.f32 $6.400000000e+01, v20;
	v6 =	vcvt.f32.s32 v15  }
0x73: {  	v15 =	vcvt.f32.s32 v16;
	v4 =	vadd.f32 v18, v4;
	v5 =	vadd.f32 v20, v5  }
0x74: {  	[tilespmem:v9+s12+$0x0] =	vst.idx.add.s32.msk $0xffff, v2;
	v18 =	vtrunc.f32 v19;
	v20 =	vor.u32 v0, v8;
	v8 =	vmul.f32 $6.400000000e+01, v22  }
0x75: {  	s0 =	simm.s32 $0x140;
	v9 =	vor.u32 v0, v7;
	[tilespmem:v12+s12+$0x0] =	vst.idx.add.s32.msk $0xffff, v2;
	v17 =	vtrunc.f32 v17;
	v12 =	vtrunc.f32 v21  }
0x76: {  	v7 =	vld [tilespmem:s0+$0xFFFFFFC0];
	v19 =	vmul.f32 $6.400000000e+01, v11;
	v16 =	vcvt.f32.s32 v18;
	v6 =	vshll.u32 v6, $0x4  }
0x77: {  	[tilespmem:v13+s12+$0x0] =	vst.idx.add.s32.msk $0xffff, v2;
	v12 =	vcvt.f32.s32 v12;
	v4 =	vadd.f32 v11, v4;
	v5 =	vadd.f32 v22, v5  }
0x78: {  	v21 =	vld [tilespmem:s0+$0xFFFFFFE0];
	v11 =	vtrunc.f32 v23;
	v23 =	vor.u32 v0, v14;
	v13 =	vtrunc.f32 v8  }
0x79: {  	v18 =	vld [tilespmem:s0+$0xFFFFFFD0];
	v8 =	vor.u32 v0, v10;
	v28 =	vor.u32 v0, v6;
	v14 =	vtrunc.f32 v19  }
0x7a: {  	v22 =	vld [tilespmem:s0+$0xFFFFFFF0];
	v10 =	vcvt.f32.s32 v11;
	v11 =	vcvt.f32.s32 v17;
	v17 =	vshll.u32 v15, $0x4  }
0x7b: {  	v25 =	vshll.u32 v16, $0x4;
	v12 =	vshll.u32 v12, $0x4;
	v15 =	vcvt.f32.s32 v14  }
0x7c: {  	v27 =	vld [tilespmem:s0+$0x10];
	v19 =	vor.u32 v0, v17;
	v26 =	vshll.u32 v10, $0x4;
	v10 =	vcvt.f32.s32 v13  }
0x7d: {  	v13 =	vld [tilespmem:s0+$0x0];
	v14 =	vshll.u32 v11, $0x4;
	v29 =	vmul.f32 $6.400000000e+01, v21;
	v11 =	vshll.u32 v15, $0x4  }
0x7e: {  	v15 =	vmul.f32 $6.400000000e+01, v7;
	v7 =	vadd.f32 v7, v4;
	v16 =	vadd.f32 v18, v5;
	v4 =	vld [tilespmem:s0+$0x20]  }
0x7f: {  	v6 =	vmul.f32 $6.400000000e+01, v18;
	v5 =	vld [tilespmem:s0+$0x30];
	v18 =	vor.u32 v0, v25;
	v17 =	vmul.f32 $6.400000000e+01, v22  }
0x80: {  	[tilespmem:v20+s12+$0x0] =	vst.idx.add.s32.msk $0xffff, v2;
	v20 =	vtrunc.f32 v29;
	v7 =	vadd.f32 v21, v7;
	v30 =	vadd.f32 v22, v16  }
0x81: {  	v10 =	vshll.u32 v10, $0x4;
	[tilespmem:v23+s12+$0x0] =	vst.idx.add.s32.msk $0xffff, v2;
	v15 =	vtrunc.f32 v15;
	v16 =	vtrunc.f32 v6  }
0x82: {  	[tilespmem:v28+s12+$0x0] =	vst.idx.add.s32.msk $0xffff, v2;
	v21 =	vmul.f32 $6.400000000e+01, v27;
	v7 =	vadd.f32 v13, v7;
	v6 =	vadd.f32 v27, v30  }
0x83: {  	s1 =	simm.s32 $0x10;
	[tilespmem:v24+s12+$0x0] =	vst.idx.add.s32.msk $0xffff, v2;
	v22 =	vmul.f32 $6.400000000e+01, v13;
	v13 =	vor.u32 v0, v26;
	v23 =	vmul.f32 $6.400000000e+01, v4  }
.LBB2_3:
0x84: {  	s1 =	sadd.s32 $0x8, s1;
	v24 =	vmul.f32 $6.400000000e+01, v5;
	v4 =	vadd.f32 v4, v7;
	v5 =	vadd.f32 v5, v6;
	[tilespmem:v19+s12+$0x0] =	vst.idx.add.s32.msk $0xffff, v2  }
0x85: {  	v6 =	vtrunc.f32 v17;
	v7 =	vtrunc.f32 v22;
	v25 =	vor.u32 v0, v14;
	p0 =	slt.u32 s1, $0x1F8;
	[tilespmem:v9+s12+$0x0] =	vst.idx.add.s32.msk $0xffff, v2  }
0x86: {  	v14 =	vtrunc.f32 v21;
	v26 =	vor.u32 v0, v12;
	v17 =	vtrunc.f32 v23;
	[tilespmem:v18+s12+$0x0] =	vst.idx.add.s32.msk $0xffff, v2  }
0x87: {  	v12 =	vcvt.f32.s32 v15;
	s0 =	sadd.s32 $0x80, s0;
	v9 =	vor.u32 v0, v11;
	v15 =	vtrunc.f32 v24;
	[tilespmem:v8+s12+$0x0] =	vst.idx.add.s32.msk $0xffff, v2  }
0x88: {  	v11 =	vcvt.f32.s32 v16;
	v16 =	vcvt.f32.s32 v20;
	v8 =	vor.u32 v0, v10;
	v18 =	vld [tilespmem:s0+$0xFFFFFFC0]  }
0x89: {  	v6 =	vcvt.f32.s32 v6;
	v7 =	vcvt.f32.s32 v7;
	v10 =	vshll.u32 v12, $0x4;
	v19 =	vld [tilespmem:s0+$0xFFFFFFD0]  }
0x8a: {  	v17 =	vcvt.f32.s32 v17;
	v21 =	vshll.u32 v11, $0x4;
	v11 =	vcvt.f32.s32 v14;
	v20 =	vld [tilespmem:s0+$0xFFFFFFE0]  }
0x8b: {  	v23 =	vshll.u32 v16, $0x4;
	v24 =	vshll.u32 v6, $0x4;
	v6 =	vcvt.f32.s32 v15;
	v22 =	vld [tilespmem:s0+$0xFFFFFFF0]  }
0x8c: {  	v14 =	vshll.u32 v7, $0x4;
	v12 =	vshll.u32 v11, $0x4;
	v11 =	vshll.u32 v17, $0x4;
	v27 =	vld [tilespmem:s0+$0x0]  }
0x8d: {  	v29 =	vor.u32 v0, v10;
	v10 =	vshll.u32 v6, $0x4;
	v7 =	vmul.f32 $6.400000000e+01, v18;
	v28 =	vld [tilespmem:s0+$0x10]  }
0x8e: {  	v16 =	vadd.f32 v18, v4;
	v6 =	vmul.f32 $6.400000000e+01, v19;
	v18 =	vadd.f32 v19, v5;
	v4 =	vld [tilespmem:s0+$0x20]  }
.Ltmp0:
0x8f: {  	v19 =	vor.u32 v0, v21;
	v15 =	vtrunc.f32 v7;
	v30 =	vmul.f32 $6.400000000e+01, v20;
	v5 =	vld [tilespmem:s0+$0x30];
	(pc) =	sbr.rel @p0 .LBB2_3-.Ltmp0, $4  }
0x90: {  	v7 =	vadd.f32 v20, v16;
	v17 =	vmul.f32 $6.400000000e+01, v22;
	v20 =	vadd.f32 v22, v18;
	[tilespmem:v13+s12+$0x0] =	vst.idx.add.s32.msk $0xffff, v2  }
0x91: {  	v16 =	vtrunc.f32 v6;
	v18 =	vor.u32 v0, v23;
	v22 =	vmul.f32 $6.400000000e+01, v27;
	[tilespmem:v25+s12+$0x0] =	vst.idx.add.s32.msk $0xffff, v2  }
0x92: {  	v7 =	vadd.f32 v27, v7;
	v21 =	vmul.f32 $6.400000000e+01, v28;
	v6 =	vadd.f32 v28, v20;
	[tilespmem:v29+s12+$0x0] =	vst.idx.add.s32.msk $0xffff, v2  }
0x93: {  	v13 =	vor.u32 v0, v24;
	v20 =	vtrunc.f32 v30;
	v23 =	vmul.f32 $6.400000000e+01, v4;
	[tilespmem:v26+s12+$0x0] =	vst.idx.add.s32.msk $0xffff, v2  }
0x94: {  	_ =	sdelay $0x2  }
0x95: {  	v15 =	vcvt.f32.s32 v15;
	v24 =	vmul.f32 $6.400000000e+01, v5  }
0x96: {  	[tilespmem:v19+s12+$0x0] =	vst.idx.add.s32.msk $0xffff, v2;
	v14 =	vor.u32 v0, v14;
	v16 =	vcvt.f32.s32 v16;
	v17 =	vtrunc.f32 v17  }
0x97: {  	v19 =	vtrunc.f32 v22;
	[tilespmem:v9+s12+$0x0] =	vst.idx.add.s32.msk $0xffff, v2;
	v12 =	vor.u32 v0, v12;
	v15 =	vshll.u32 v15, $0x4  }
0x98: {  	[tilespmem:v18+s12+$0x0] =	vst.idx.add.s32.msk $0xffff, v2;
	v18 =	vtrunc.f32 v21;
	v16 =	vshll.u32 v16, $0x4;
	v9 =	vor.u32 v0, v15  }
0x99: {  	v11 =	vor.u32 v0, v11;
	[tilespmem:v8+s12+$0x0] =	vst.idx.add.s32.msk $0xffff, v2;
	v15 =	vcvt.f32.s32 v20;
	v8 =	vor.u32 v0, v16  }
0x9a: {  	v10 =	vor.u32 v0, v10;
	[tilespmem:v13+s12+$0x0] =	vst.idx.add.s32.msk $0xffff, v2;
	v13 =	vtrunc.f32 v24;
	v16 =	vcvt.f32.s32 v17  }
0x9b: {  	v20 =	vtrunc.f32 v23;
	v17 =	vcvt.f32.s32 v19;
	v15 =	vshll.u32 v15, $0x4;
	[tilespmem:v14+s12+$0x0] =	vst.idx.add.s32.msk $0xffff, v2  }
0x9c: {  	v14 =	vcvt.f32.s32 v18;
	v16 =	vshll.u32 v16, $0x4;
	v15 =	vor.u32 v0, v15;
	[tilespmem:v12+s12+$0x0] =	vst.idx.add.s32.msk $0xffff, v2  }
0x9d: {  	v17 =	vshll.u32 v17, $0x4;
	v16 =	vor.u32 v0, v16;
	[tilespmem:v9+s12+$0x0] =	vst.idx.add.s32.msk $0xffff, v2;
	v9 =	vcvt.f32.s32 v20  }
0x9e: {  	v12 =	vcvt.f32.s32 v13;
	v13 =	vshll.u32 v14, $0x4;
	[tilespmem:v8+s12+$0x0] =	vst.idx.add.s32.msk $0xffff, v2;
	v8 =	vor.u32 v0, v17  }
0x9f: {  	[tilespmem:v11+s12+$0x0] =	vst.idx.add.s32.msk $0xffff, v2;
	v11 =	vor.u32 v0, v13;
	v9 =	vshll.u32 v9, $0x4  }
0xa0: {  	[tilespmem:v10+s12+$0x0] =	vst.idx.add.s32.msk $0xffff, v2;
	v12 =	vshll.u32 v12, $0x4;
	v9 =	vor.u32 v0, v9  }
0xa1: {  	v10 =	vor.u32 v0, v12;
	[tilespmem:v15+s12+$0x0] =	vst.idx.add.s32.msk $0xffff, v2  }
0xa2: {  	[tilespmem:v16+s12+$0x0] =	vst.idx.add.s32.msk $0xffff, v2  }
0xa3: {  	[tilespmem:v8+s12+$0x0] =	vst.idx.add.s32.msk $0xffff, v2  }
0xa4: {  	[tilespmem:v11+s12+$0x0] =	vst.idx.add.s32.msk $0xffff, v2  }
0xa5: {  	[tilespmem:v9+s12+$0x0] =	vst.idx.add.s32.msk $0xffff, v2  }
0xa6: {  	[tilespmem:v10+s12+$0x0] =	vst.idx.add.s32.msk $0xffff, v2  }
0xa7: {  	v8 =	vld [tilespmem:$0x4000]  }
0xa8: {  	v9 =	vld [tilespmem:$0x4010]  }
0xa9: {  	v10 =	vld [tilespmem:$0x4020]  }
0xaa: {  	v11 =	vld [tilespmem:$0x4030]  }
0xab: {  	v12 =	vld [tilespmem:$0x4040]  }
0xac: {  	v13 =	vld [tilespmem:$0x4050]  }
0xad: {  	v14 =	vld [tilespmem:$0x4060]  }
0xae: {  	v15 =	vld [tilespmem:$0x4070]  }
0xaf: {  	v16 =	vld [tilespmem:$0x4080]  }
0xb0: {  	v17 =	vld [tilespmem:$0x4090]  }
0xb1: {  	v18 =	vld [tilespmem:$0x40A0]  }
0xb2: {  	v19 =	vld [tilespmem:$0x40B0]  }
0xb3: {  	v20 =	vld [tilespmem:$0x40C0]  }
0xb4: {  	v49 =	vld [tilespmem:$0x40D0]  }
0xb5: {  	v50 =	vld [tilespmem:$0x40E0]  }
0xb6: {  	v51 =	vld [tilespmem:$0x40F0]  }
0xb7: {  	v52 =	vld [tilespmem:$0x4100]  }
0xb8: {  	v25 =	vld [tilespmem:$0x4110]  }
0xb9: {  	v26 =	vld [tilespmem:$0x4120]  }
0xba: {  	v27 =	vld [tilespmem:$0x4130]  }
0xbb: {  	v28 =	vld [tilespmem:$0x4140]  }
0xbc: {  	v29 =	vld [tilespmem:$0x4150]  }
0xbd: {  	v30 =	vld [tilespmem:$0x4160]  }
0xbe: {  	v31 =	vld [tilespmem:$0x4170]  }
0xbf: {  	v32 =	vld [tilespmem:$0x4180]  }
0xc0: {  	v33 =	vld [tilespmem:$0x4190]  }
0xc1: {  	v34 =	vld [tilespmem:$0x41A0]  }
0xc2: {  	v35 =	vld [tilespmem:$0x41B0]  }
0xc3: {  	v36 =	vld [tilespmem:$0x41C0]  }
0xc4: {  	v37 =	vld [tilespmem:$0x41D0]  }
0xc5: {  	v38 =	vld [tilespmem:$0x41E0]  }
0xc6: {  	v39 =	vld [tilespmem:$0x41F0]  }
0xc7: {  	v40 =	vld [tilespmem:$0x4200]  }
0xc8: {  	v41 =	vld [tilespmem:$0x4210]  }
0xc9: {  	v42 =	vld [tilespmem:$0x4220]  }
0xca: {  	v43 =	vld [tilespmem:$0x4230]  }
0xcb: {  	v44 =	vld [tilespmem:$0x4240]  }
0xcc: {  	v45 =	vld [tilespmem:$0x4250]  }
0xcd: {  	v46 =	vld [tilespmem:$0x4260]  }
0xce: {  	v53 =	vld [tilespmem:$0x4320];
	v8 =	vadd.s32 v8, v9  }
0xcf: {  	v55 =	vld [tilespmem:$0x4330];
	v8 =	vadd.s32 v10, v8  }
0xd0: {  	v56 =	vld [tilespmem:$0x4340];
	v8 =	vadd.s32 v11, v8  }
0xd1: {  	v57 =	vld [tilespmem:$0x4350];
	v8 =	vadd.s32 v12, v8  }
0xd2: {  	v58 =	vld [tilespmem:$0x4370];
	v8 =	vadd.s32 v13, v8  }
0xd3: {  	v59 =	vld [tilespmem:$0x4380];
	v8 =	vadd.s32 v14, v8  }
0xd4: {  	v60 =	vld [tilespmem:$0x4390];
	v8 =	vadd.s32 v15, v8  }
0xd5: {  	v9 =	vld [tilespmem:$0x4270];
	v8 =	vadd.s32 v16, v8  }
0xd6: {  	v10 =	vld [tilespmem:$0x4280];
	v8 =	vadd.s32 v17, v8  }
0xd7: {  	v54 =	vadd.s32 v40, v41;
	v8 =	vadd.s32 v18, v8;
	v18 =	vld [tilespmem:$0x4300]  }
0xd8: {  	v21 =	vadd.s32 v42, v54;
	v8 =	vadd.s32 v19, v8;
	v19 =	vld [tilespmem:$0x4310]  }
0xd9: {  	v11 =	vld [tilespmem:$0x4290];
	v21 =	vadd.s32 v43, v21;
	v8 =	vadd.s32 v20, v8;
	v20 =	vadd.s32 v52, v25  }
0xda: {  	v12 =	vld [tilespmem:$0x42A0];
	v21 =	vadd.s32 v44, v21;
	v20 =	vadd.s32 v26, v20  }
0xdb: {  	v13 =	vld [tilespmem:$0x42B0];
	v21 =	vadd.s32 v45, v21;
	v20 =	vadd.s32 v27, v20  }
0xdc: {  	v14 =	vld [tilespmem:$0x42C0];
	v21 =	vadd.s32 v46, v21;
	v20 =	vadd.s32 v28, v20  }
0xdd: {  	v9 =	vadd.s32 v9, v21;
	v20 =	vadd.s32 v29, v20;
	v18 =	vadd.s32 v18, v19;
	v19 =	vld [tilespmem:$0x4360]  }
0xde: {  	v15 =	vld [tilespmem:$0x42D0];
	v9 =	vadd.s32 v10, v9;
	v20 =	vadd.s32 v30, v20;
	v18 =	vadd.s32 v53, v18  }
0xdf: {  	v16 =	vld [tilespmem:$0x42E0];
	v9 =	vadd.s32 v11, v9;
	v20 =	vadd.s32 v31, v20;
	v18 =	vadd.s32 v55, v18  }
0xe0: {  	v17 =	vld [tilespmem:$0x42F0];
	v9 =	vadd.s32 v12, v9;
	v20 =	vadd.s32 v32, v20;
	v18 =	vadd.s32 v56, v18  }
0xe1: {  	v9 =	vadd.s32 v13, v9;
	v20 =	vadd.s32 v33, v20;
	v10 =	vadd.s32 v57, v18;
	v18 =	vld [tilespmem:$0x43A0]  }
0xe2: {  	v11 =	vld [tilespmem:$0x43B0];
	v9 =	vadd.s32 v14, v9;
	v20 =	vadd.s32 v34, v20;
	v10 =	vadd.s32 v19, v10  }
0xe3: {  	v12 =	vld [tilespmem:$0x43C0];
	v8 =	vadd.s32 v49, v8;
	v19 =	vadd.s32 v35, v20;
	v10 =	vadd.s32 v58, v10  }
0xe4: {  	v13 =	vld [tilespmem:$0x43D0];
	v9 =	vadd.s32 v15, v9;
	v19 =	vadd.s32 v36, v19;
	v10 =	vadd.s32 v59, v10  }
0xe5: {  	v14 =	vld [tilespmem:$0x43E0];
	v8 =	vadd.s32 v50, v8;
	v19 =	vadd.s32 v37, v19;
	v10 =	vadd.s32 v60, v10  }
0xe6: {  	v15 =	vld [tilespmem:$0x43F0];
	v8 =	vadd.s32 v51, v8;
	v19 =	vadd.s32 v38, v19;
	v10 =	vadd.s32 v18, v10  }
0xe7: {  	v9 =	vadd.s32 v16, v9;
	(xrf0) =	vadd.scan.msk.s32 $0xffff, v8;
	v8 =	vadd.s32 v39, v19;
	v10 =	vadd.s32 v11, v10  }
0xe8: {  	(xrf0) =	vadd.scan.msk.s32 $0xffff, v8;
	v8 =	vadd.s32 v17, v9;
	v9 =	vadd.s32 v12, v10  }
0xe9: {  	(xrf0) =	vadd.scan.msk.s32 $0xffff, v8;
	v8 =	vadd.s32 v13, v9  }
0xea: {  	v8 =	vadd.s32 v14, v8  }
0xeb: {  	v8 =	vadd.s32 v15, v8  }
0xec: {  	(xrf0) =	vadd.scan.msk.s32 $0xffff, v8;
	_ =	sdelay $0x1  }
0xed: {  	v8, _, _ =	vpop (xrf0)  }
0xee: {  	(v2sf) =	vpush v8, $0xF;
	v8, _, _ =	vpop (xrf0)  }
0xef: {  	(v2sf) =	vpush v8, $0xF  }
0xf0: {  	v8, _, _ =	vpop (xrf0)  }
0xf1: {  	(v2sf) =	vpush v8, $0xF;
	v8, _, _ =	vpop (xrf0)  }
0xf2: {  	(v2sf) =	vpush v8, $0xF;
	_ =	sdelay $0xa  }
0xf3: {  	s21 =	spop (v2sf)  }
0xf4: {  	s3 =	simm.s32 $0x1;
	s5 =	simm.s32 $0x1;
	s0 =	spop (v2sf)  }
0xf5: {  	s7 =	simm.s32 $0x1;
	p1 =	slt.s32 s21, $0x1000;
	s0 =	sadd.s32 s21, s0  }
0xf6: {  	s1 =	spop (v2sf);
	s3 =	simm.s32 @!p1 $0x0;
	p0 =	slt.s32 s0, $0x1000  }
0xf7: {  	s1 =	sadd.s32 s0, s1;
	s5 =	simm.s32 @!p0 $0x0;
	s6 =	spop (v2sf)  }
0xf8: {  	p2 =	slt.s32 s1, $0x1000;
	s5 =	sadd.s32 s3, s5;
	s3 =	sadd.s32 s1, s6  }
0xf9: {  	s7 =	simm.s32 @!p2 $0x0;
	s6 =	simm.s32 $0x1;
	p3 =	slt.s32 s3, $0x1000  }
0xfa: {  	s5 =	sadd.s32 s7, s5;
	s6 =	simm.s32 @!p3 $0x0  }
0xfb: {  	s5 =	sadd.s32 s6, s5  }
0xfc: {  	s22 =	sshll.u32 s5, $0xA  }
0xfd: {  	s5 =	sshrl.u32 s22, $0x2  }
0xfe: {  	v8 =	vld [tilespmem:s5+$0x4000]  }
0xff: {  	v9 =	vld [tilespmem:s5+$0x4010]  }
0x100: {  	v10 =	vld [tilespmem:s5+$0x4020]  }
0x101: {  	v11 =	vld [tilespmem:s5+$0x4030]  }
0x102: {  	v12 =	vld [tilespmem:s5+$0x4040]  }
0x103: {  	v13 =	vld [tilespmem:s5+$0x4050]  }
0x104: {  	v14 =	vld [tilespmem:s5+$0x4060]  }
0x105: {  	v15 =	vld [tilespmem:s5+$0x4070]  }
0x106: {  	v16 =	vld [tilespmem:s5+$0x4080]  }
0x107: {  	v17 =	vld [tilespmem:s5+$0x4090]  }
0x108: {  	v18 =	vld [tilespmem:s5+$0x40A0]  }
0x109: {  	v19 =	vld [tilespmem:s5+$0x40B0]  }
0x10a: {  	v20 =	vld [tilespmem:s5+$0x40C0]  }
0x10b: {  	v61 =	vld [tilespmem:s5+$0x40D0]  }
0x10c: {  	v62 =	vld [tilespmem:s5+$0x40E0]  }
0x10d: {  	v63 =	vld [tilespmem:s5+$0x40F0];
	[tilespmem:$0x4000] =	vst v1;
	(xrf0) =	vadd.scan.msk.s32 $0xffff, v8  }
0x10e: {  	[tilespmem:$0x4010] =	vst v1;
	(xrf0) =	vadd.scan.msk.s32 $0xffff, v9  }
0x10f: {  	[tilespmem:$0x4020] =	vst v1  }
0x110: {  	[tilespmem:$0x4030] =	vst v1;
	(xrf0) =	vadd.scan.msk.s32 $0xffff, v10  }
0x111: {  	[tilespmem:$0x4040] =	vst v1;
	(xrf0) =	vadd.scan.msk.s32 $0xffff, v11  }
0x112: {  	[tilespmem:$0x4050] =	vst v1  }
0x113: {  	[tilespmem:$0x4060] =	vst v1;
	v8, _, _ =	vpop (xrf0)  }
0x114: {  	[tilespmem:$0x4070] =	vst v1;
	(v2sf) =	vpush v8, $0xF;
	v8, _, _ =	vpop (xrf0)  }
0x115: {  	[tilespmem:$0x4080] =	vst v1;
	(v2sf) =	vpush v8, $0xF  }
0x116: {  	[tilespmem:$0x4090] =	vst v1;
	(xrf0) =	vadd.scan.msk.s32 $0xffff, v12;
	v8, _, _ =	vpop (xrf0)  }
0x117: {  	[tilespmem:$0x40A0] =	vst v1;
	(v2sf) =	vpush v8, $0xF;
	v8, _, _ =	vpop (xrf0)  }
0x118: {  	[tilespmem:$0x40B0] =	vst v1;
	(xrf0) =	vadd.scan.msk.s32 $0xffff, v13;
	(v2sf) =	vpush v8, $0xF  }
0x119: {  	[tilespmem:$0x40C0] =	vst v1  }
0x11a: {  	[tilespmem:$0x40D0] =	vst v1;
	(xrf0) =	vadd.scan.msk.s32 $0xffff, v14  }
0x11b: {  	[tilespmem:$0x40E0] =	vst v1  }
0x11c: {  	[tilespmem:$0x40F0] =	vst v1;
	(xrf0) =	vadd.scan.msk.s32 $0xffff, v15;
	v8, _, _ =	vpop (xrf0)  }
0x11d: {  	[tilespmem:$0x4100] =	vst v1;
	(v2sf) =	vpush v8, $0xF  }
0x11e: {  	[tilespmem:$0x4110] =	vst v1;
	v8, _, _ =	vpop (xrf0)  }
0x11f: {  	[tilespmem:$0x4120] =	vst v1;
	(v2sf) =	vpush v8, $0xF  }
0x120: {  	s21 =	simm.s32 @!p1 $0x0;
	[tilespmem:$0x4130] =	vst v1;
	v8, _, _ =	vpop (xrf0)  }
0x121: {  	s21 =	smov.u32 @p0 s0;
	[tilespmem:$0x4140] =	vst v1;
	(v2sf) =	vpush v8, $0xF  }
0x122: {  	s21 =	smov.u32 @p2 s1;
	[tilespmem:$0x4150] =	vst v1;
	v8, _, _ =	vpop (xrf0)  }
0x123: {  	s0 =	simm.s32 $0x1;
	s21 =	smov.u32 @p3 s3;
	[tilespmem:$0x4160] =	vst v1;
	(v2sf) =	vpush v8, $0xF;
	s7 =	spop (v2sf)  }
0x124: {  	s1 =	simm.s32 $0x1;
	[tilespmem:$0x4170] =	vst v1;
	(xrf0) =	vadd.scan.msk.s32 $0xffff, v16;
	s10 =	spop (v2sf);
	s23 =	sadd.s32 s7, s21  }
0x125: {  	s3 =	simm.s32 $0x1;
	[tilespmem:$0x4180] =	vst v1;
	(xrf0) =	vadd.scan.msk.s32 $0xffff, v17;
	p0 =	slt.s32 s23, $0x1000;
	s24 =	sadd.s32 s10, s23  }
0x126: {  	[tilespmem:$0x4190] =	vst v1;
	(xrf0) =	vadd.scan.msk.s32 $0xffff, v18;
	s14 =	spop (v2sf);
	p1 =	slt.s32 s24, $0x1000;
	s5 =	simm.s32 @!p0 $0x0  }
0x127: {  	[tilespmem:$0x41A0] =	vst v1;
	(xrf0) =	vadd.scan.msk.s32 $0xffff, v19;
	s1 =	simm.s32 @!p0 $0x0;
	s15 =	spop (v2sf);
	s25 =	sadd.s32 s14, s24  }
0x128: {  	[tilespmem:$0x41B0] =	vst v1;
	s5 =	simm.s32 @p0 $0x1;
	s3 =	simm.s32 @!p1 $0x0;
	p0 =	slt.s32 s25, $0x1000  }
0x129: {  	[tilespmem:$0x41C0] =	vst v1;
	s26 =	sadd.s32 s15, s25;
	[smem:$0x7F4] =	sst s5;
	s5 =	simm.s32 @!p1 $0x0  }
0x12a: {  	[tilespmem:$0x41D0] =	vst v1;
	v8, _, _ =	vpop (xrf0);
	s1 =	sadd.s32 s1, s3;
	s3 =	simm.s32 @!p0 $0x0;
	s0 =	simm.s32 @!p0 $0x0  }
0x12b: {  	[tilespmem:$0x41E0] =	vst v1;
	(v2sf) =	vpush v8, $0xF;
	v8, _, _ =	vpop (xrf0);
	s5 =	simm.s32 @p1 $0x1;
	s3 =	simm.s32 @p0 $0x1;
	p0 =	slt.s32 s26, $0x1000  }
0x12c: {  	[tilespmem:$0x41F0] =	vst v1;
	(v2sf) =	vpush v8, $0xF;
	v8, _, _ =	vpop (xrf0);
	s16 =	spop (v2sf);
	s0 =	sadd.s32 s0, s1;
	[smem:$0x7F5] =	sst s5  }
0x12d: {  	[tilespmem:$0x4200] =	vst v1;
	(v2sf) =	vpush v8, $0xF;
	v8, _, _ =	vpop (xrf0);
	[smem:$0x7F6] =	sst s3;
	s3 =	simm.s32 $0x1;
	s1 =	simm.s32 @!p0 $0x0  }
0x12e: {  	[tilespmem:$0x4210] =	vst v1;
	(xrf0) =	vadd.scan.msk.s32 $0xffff, v20;
	(v2sf) =	vpush v8, $0xF;
	s17 =	spop (v2sf);
	s28 =	sadd.s32 s16, s26;
	s5 =	simm.s32 $0x1  }
0x12f: {  	[tilespmem:$0x4220] =	vst v1;
	(xrf0) =	vadd.scan.msk.s32 $0xffff, v61;
	s1 =	simm.s32 @p0 $0x1;
	s3 =	simm.s32 @!p0 $0x0;
	p0 =	slt.s32 s28, $0x1000  }
0x130: {  	[tilespmem:$0x4230] =	vst v1;
	s29 =	sadd.s32 s17, s28;
	s6 =	spop (v2sf);
	[smem:$0x7F7] =	sst s1  }
0x131: {  	[tilespmem:$0x4240] =	vst v1;
	s0 =	sadd.s32 s3, s0;
	s3 =	simm.s32 $0x1;
	s1 =	simm.s32 @!p0 $0x0  }
0x132: {  	[tilespmem:$0x4250] =	vst v1;
	(xrf0) =	vadd.scan.msk.s32 $0xffff, v62;
	s7 =	spop (v2sf);
	s30 =	sadd.s32 s6, s29;
	s1 =	simm.s32 @p0 $0x1  }
0x133: {  	[tilespmem:$0x4260] =	vst v1;
	s3 =	simm.s32 @!p0 $0x0;
	p0 =	slt.s32 s29, $0x1000;
	s31 =	sadd.s32 s7, s30  }
0x134: {  	[tilespmem:$0x4270] =	vst v1;
	v8, _, _ =	vpop (xrf0);
	s7 =	simm.s32 $0x1;
	s0 =	sadd.s32 s3, s0;
	s3 =	simm.s32 @!p0 $0x0  }
0x135: {  	[tilespmem:$0x4280] =	vst v1;
	(xrf0) =	vadd.scan.msk.s32 $0xffff, v63;
	v9, _, _ =	vpop (xrf0);
	(v2sf) =	vpush v8, $0xF;
	[smem:$0x7F8] =	sst s1;
	s1 =	simm.s32 $0x1;
	s3 =	simm.s32 @p0 $0x1  }
0x136: {  	[tilespmem:$0x4290] =	vst v1;
	(v2sf) =	vpush v9, $0xF;
	s1 =	simm.s32 @!p0 $0x0;
	p0 =	slt.s32 s30, $0x1000;
	[smem:$0x7F9] =	sst s3  }
0x137: {  	[tilespmem:$0x42A0] =	vst v1;
	s0 =	sadd.s32 s1, s0;
	s1 =	simm.s32 $0x1;
	s3 =	simm.s32 @!p0 $0x0  }
0x138: {  	[tilespmem:$0x42B0] =	vst v1;
	v8, _, _ =	vpop (xrf0);
	s3 =	simm.s32 @p0 $0x1;
	s1 =	simm.s32 @!p0 $0x0;
	p0 =	slt.s32 s31, $0x1000  }
0x139: {  	[tilespmem:$0x42C0] =	vst v1;
	(v2sf) =	vpush v8, $0xF;
	[smem:$0x7FA] =	sst s3;
	s0 =	sadd.s32 s1, s0;
	s1 =	simm.s32 @!p0 $0x0  }
0x13a: {  	[tilespmem:$0x42D0] =	vst v1;
	s3 =	simm.s32 $0x1;
	s10 =	spop (v2sf);
	s1 =	simm.s32 @p0 $0x1  }
0x13b: {  	[tilespmem:$0x42E0] =	vst v1;
	v8, _, _ =	vpop (xrf0);
	s3 =	simm.s32 @!p0 $0x0;
	s14 =	spop (v2sf);
	[smem:$0x7FB] =	sst s1  }
0x13c: {  	[tilespmem:$0x42F0] =	vst v1;
	(v2sf) =	vpush v8, $0xF;
	s3 =	sadd.s32 s3, s0;
	s0 =	sadd.s32 s10, s31;
	s15 =	spop (v2sf)  }
0x13d: {  	[tilespmem:$0x4300] =	vst v1;
	s1 =	sadd.s32 s14, s0;
	p0 =	slt.s32 s0, $0x1000;
	s16 =	spop (v2sf)  }
0x13e: {  	[tilespmem:$0x4310] =	vst v1;
	s6 =	simm.s32 @!p0 $0x0;
	s5 =	simm.s32 @!p0 $0x0;
	s15 =	sadd.s32 s15, s1  }
0x13f: {  	[tilespmem:$0x4320] =	vst v1;
	s6 =	simm.s32 @p0 $0x1;
	p0 =	slt.s32 s1, $0x1000;
	s3 =	sadd.s32 s5, s3  }
0x140: {  	[tilespmem:$0x4330] =	vst v1;
	p3 =	slt.s32 s15, $0x1000;
	[smem:$0x7FC] =	sst s6;
	s6 =	simm.s32 $0x1  }
0x141: {  	[tilespmem:$0x4340] =	vst v1;
	s5 =	simm.s32 @!p0 $0x0;
	s7 =	simm.s32 @!p3 $0x0;
	s6 =	simm.s32 @!p0 $0x0  }
0x142: {  	[tilespmem:$0x4350] =	vst v1;
	s5 =	simm.s32 @p0 $0x1;
	s6 =	sadd.s32 s6, s3;
	s3 =	sadd.s32 s16, s15  }
0x143: {  	[tilespmem:$0x4360] =	vst v1;
	[smem:$0x7FD] =	sst s5;
	s5 =	simm.s32 $0x1;
	p4 =	slt.s32 s3, $0x1000  }
0x144: {  	[tilespmem:$0x4370] =	vst v1;
	s14 =	spop (v2sf);
	s6 =	sadd.s32 s7, s6;
	s5 =	simm.s32 @!p4 $0x0  }
0x145: {  	[tilespmem:$0x4380] =	vst v1;
	s17 =	spop (v2sf);
	s16 =	sadd.s32 s5, s6;
	s5 =	sadd.s32 s14, s3  }
0x146: {  	[tilespmem:$0x4390] =	vst v1;
	s14 =	simm.s32 $0x1;
	s6 =	sadd.s32 s17, s5;
	p5 =	slt.s32 s5, $0x1000  }
0x147: {  	[tilespmem:$0x43A0] =	vst v1;
	s7 =	simm.s32 $0x1;
	s14 =	simm.s32 @!p5 $0x0;
	p6 =	slt.s32 s6, $0x1000  }
0x148: {  	[tilespmem:$0x43B0] =	vst v1;
	s17 =	spop (v2sf);
	s14 =	sadd.s32 s14, s16;
	s7 =	simm.s32 @!p6 $0x0  }
0x149: {  	[tilespmem:$0x43C0] =	vst v1;
	s14 =	sadd.s32 s7, s14;
	s7 =	sadd.s32 s17, s6  }
0x14a: {  	[tilespmem:$0x43D0] =	vst v1;
	s17 =	simm.s32 $0x1;
	p0 =	slt.s32 s7, $0x1000  }
0x14b: {  	[tilespmem:$0x43E0] =	vst v1;
	s10 =	spop (v2sf);
	s17 =	simm.s32 @!p0 $0x0  }
0x14c: {  	[tilespmem:$0x43F0] =	vst v1;
	s16 =	sadd.s32 s10, s7;
	s14 =	sadd.s32 s17, s14;
	s17 =	simm.s32 $0x40  }
0x14d: {  	s10 =	simm.s32 $0x1;
	p1 =	slt.s32 s16, $0x1000;
	v9 =	vld [tilespmem:s17+$0x30]  }
0x14e: {  	s10 =	simm.s32 @!p1 $0x0;
	v10 =	vld [tilespmem:s17+$0xFFFFFFD0]  }
0x14f: {  	s10 =	sadd.s32 s10, s14;
	v11 =	vld [tilespmem:s17+$0xFFFFFFE0]  }
0x150: {  	v12 =	vld [tilespmem:s17+$0xFFFFFFF0];
	s10 =	sshll.u32 s10, $0x6  }
0x151: {  	v13 =	vld [tilespmem:s17+$0x0];
	s22 =	sadd.s32 s22, s10  }
0x152: {  	v14 =	vld [tilespmem:s17+$0x10];
	s10 =	sadd.s32 $0xFFFFFFC0, s22  }
0x153: {  	v15 =	vld [tilespmem:s17+$0x20];
	v8 =	vmov s10  }
0x154: {  	v16 =	vld [tilespmem:s17+$0xFFFFFFC0];
	v8 =	vcvt.s32.f32 v8  }
0x155: {  	v9 =	vmul.f32 $4.096000000e+03, v9  }
0x156: {  	v10 =	vmul.f32 $4.096000000e+03, v10;
	v8 =	vbroadcast v8, $0x0  }
0x157: {  	v4 =	vadd.f32 v4, v7;
	v11 =	vmul.f32 $4.096000000e+03, v11;
	v12 =	vmul.f32 $4.096000000e+03, v12  }
0x158: {  	v13 =	vmul.f32 $4.096000000e+03, v13;
	v14 =	vmul.f32 $4.096000000e+03, v14;
	v9 =	vsub.f32 v9, v8  }
0x159: {  	v15 =	vmul.f32 $4.096000000e+03, v15;
	v16 =	vmul.f32 $4.096000000e+03, v16;
	v10 =	vsub.f32 v10, v8  }
0x15a: {  	v11 =	vsub.f32 v11, v8;
	v12 =	vsub.f32 v12, v8;
	v9 =	vtrunc.f32 v9  }
0x15b: {  	v13 =	vsub.f32 v13, v8;
	v15 =	vsub.f32 v15, v8;
	v9 =	vcvt.f32.s32 v9  }
0x15c: {  	v16 =	vsub.f32 v16, v8;
	v10 =	vtrunc.f32 v10;
	v11 =	vtrunc.f32 v11  }
0x15d: {  	v12 =	vtrunc.f32 v12;
	v18 =	vtrunc.f32 v13;
	v17 =	vand.u32 $0xFFFFFFC0, v9  }
0x15e: {  	v15 =	vtrunc.f32 v15;
	v9 =	vshll.u32 v9, $0x4;
	vm0 =	veq.s32 v17, $0x40  }
0x15f: {  	v13 =	vcvt.f32.s32 v10;
	v11 =	vcvt.f32.s32 v11;
	v19 =	vadd.s32 v3, v9  }
0x160: {  	v14 =	vsub.f32 v14, v8;
	v12 =	vcvt.f32.s32 v12;
	v7 =	vcvt.f32.s32 v18  }
0x161: {  	v5 =	vadd.f32 v5, v6;
	v6 =	vcvt.f32.s32 v15;
	v9 =	vtrunc.f32 v16  }
0x162: {  	v16 =	vtrunc.f32 v14;
	v17 =	vcvt.f32.s32 v9  }
0x163: {  	v18 =	vand.u32 $0xFFFFFFC0, v11;
	v15 =	vand.u32 $0xFFFFFFC0, v7;
	v10 =	vcvt.f32.s32 v16  }
0x164: {  	s14 =	simm.s32 $0x0;
	s17 =	simm.s32 $0xC0;
	v14 =	vand.u32 $0xFFFFFFC0, v13;
	v16 =	vand.u32 $0xFFFFFFC0, v12;
	v9 =	vand.u32 $0xFFFFFFC0, v17;
	[tilespmem:v19+s12+$0x0] =	vst.idx.add.s32.msk vm0, v2  }
.LBB2_5:
0x165: {  	v19 =	vld [tilespmem:s17+$0x30];
	s14 =	sadd.s32 $0x8, s14;
	v17 =	vshll.u32 v17, $0x4;
	v20 =	vand.u32 $0xFFFFFFC0, v10;
	v21 =	vand.u32 $0xFFFFFFC0, v6  }
0x166: {  	v13 =	vshll.u32 v13, $0x4;
	v11 =	vshll.u32 v11, $0x4;
	v12 =	vshll.u32 v12, $0x4;
	v22 =	vld [tilespmem:s17+$0xFFFFFFD0];
	p2 =	slt.u32 s14, $0x1F8  }
0x167: {  	v7 =	vshll.u32 v7, $0x4;
	v10 =	vshll.u32 v10, $0x4;
	v6 =	vshll.u32 v6, $0x4;
	v23 =	vld [tilespmem:s17+$0xFFFFFFE0]  }
0x168: {  	vm6 =	veq.s32 v9, $0x40;
	vm5 =	veq.s32 v14, $0x40;
	vm4 =	veq.s32 v18, $0x40;
	v24 =	vld [tilespmem:s17+$0xFFFFFFF0]  }
0x169: {  	vm3 =	veq.s32 v16, $0x40;
	vm2 =	veq.s32 v15, $0x40;
	vm1 =	veq.s32 v20, $0x40;
	v9 =	vld [tilespmem:s17+$0x0]  }
0x16a: {  	v16 =	vadd.s32 v3, v17;
	vm0 =	veq.s32 v21, $0x40;
	v14 =	vld [tilespmem:s17+$0x10];
	v15 =	vmul.f32 $4.096000000e+03, v19  }
0x16b: {  	v13 =	vadd.s32 v3, v13;
	v11 =	vadd.s32 v3, v11;
	v17 =	vmul.f32 $4.096000000e+03, v22;
	v18 =	vld [tilespmem:s17+$0x20]  }
0x16c: {  	v12 =	vadd.s32 v3, v12;
	v19 =	vld [tilespmem:s17+$0xFFFFFFC0];
	v20 =	vmul.f32 $4.096000000e+03, v23;
	v15 =	vsub.f32 v15, v8  }
0x16d: {  	v7 =	vadd.s32 v3, v7;
	v17 =	vsub.f32 v17, v8;
	v21 =	vmul.f32 $4.096000000e+03, v24  }
0x16e: {  	v20 =	vsub.f32 v20, v8;
	v9 =	vmul.f32 $4.096000000e+03, v9;
	v15 =	vtrunc.f32 v15  }
0x16f: {  	v21 =	vsub.f32 v21, v8;
	v14 =	vmul.f32 $4.096000000e+03, v14;
	v15 =	vcvt.f32.s32 v15;
	[tilespmem:v16+s12+$0x0] =	vst.idx.add.s32.msk vm6, v2  }
0x170: {  	v16 =	vtrunc.f32 v17;
	v9 =	vsub.f32 v9, v8;
	v17 =	vmul.f32 $4.096000000e+03, v18;
	[tilespmem:v13+s12+$0x0] =	vst.idx.add.s32.msk vm5, v2  }
0x171: {  	v13 =	vmul.f32 $4.096000000e+03, v19;
	v14 =	vsub.f32 v14, v8;
	v18 =	vand.u32 $0xFFFFFFC0, v15;
	[tilespmem:v11+s12+$0x0] =	vst.idx.add.s32.msk vm4, v2  }
0x172: {  	v15 =	vshll.u32 v15, $0x4;
	v11 =	vsub.f32 v17, v8;
	vm4 =	veq.s32 v18, $0x40;
	[tilespmem:v12+s12+$0x0] =	vst.idx.add.s32.msk vm3, v2  }
0x173: {  	v18 =	vtrunc.f32 v20;
	v15 =	vadd.s32 v3, v15;
	v12 =	vsub.f32 v13, v8;
	[tilespmem:v7+s12+$0x0] =	vst.idx.add.s32.msk vm2, v2  }
0x174: {  	v19 =	vtrunc.f32 v9;
	v20 =	vadd.s32 v3, v10;
	v7 =	vtrunc.f32 v21  }
0x175: {  	v10 =	vtrunc.f32 v14;
	v21 =	vadd.s32 v3, v6;
	v9 =	vtrunc.f32 v12  }
.Ltmp1:
0x176: {  	v6 =	vtrunc.f32 v11;
	v17 =	vcvt.f32.s32 v9;
	(pc) =	sbr.rel @p2 .LBB2_5-.Ltmp1, $4  }
0x177: {  	v13 =	vcvt.f32.s32 v16;
	v11 =	vcvt.f32.s32 v18  }
0x178: {  	v12 =	vcvt.f32.s32 v7;
	v7 =	vcvt.f32.s32 v19;
	v9 =	vand.u32 $0xFFFFFFC0, v17;
	[tilespmem:v15+s12+$0x0] =	vst.idx.add.s32.msk vm4, v2  }
0x179: {  	v10 =	vcvt.f32.s32 v10;
	v14 =	vand.u32 $0xFFFFFFC0, v13;
	v6 =	vcvt.f32.s32 v6;
	[tilespmem:v20+s12+$0x0] =	vst.idx.add.s32.msk vm1, v2  }
0x17a: {  	s17 =	sadd.s32 $0x80, s17;
	v18 =	vand.u32 $0xFFFFFFC0, v11;
	v16 =	vand.u32 $0xFFFFFFC0, v12;
	v15 =	vand.u32 $0xFFFFFFC0, v7;
	[tilespmem:v21+s12+$0x0] =	vst.idx.add.s32.msk vm0, v2  }
0x17b: {  	v8 =	vshll.u32 v17, $0x4  }
0x17c: {  	v17 =	vand.u32 $0xFFFFFFC0, v10;
	v19 =	vand.u32 $0xFFFFFFC0, v6;
	vm0 =	veq.s32 v9, $0x40  }
0x17d: {  	v9 =	vshll.u32 v13, $0x4;
	vm1 =	veq.s32 v14, $0x40;
	v8 =	vadd.s32 v3, v8  }
0x17e: {  	v11 =	vshll.u32 v11, $0x4;
	vm2 =	veq.s32 v18, $0x40;
	v9 =	vadd.s32 v3, v9  }
0x17f: {  	v12 =	vshll.u32 v12, $0x4;
	vm3 =	veq.s32 v16, $0x40;
	v11 =	vadd.s32 v3, v11  }
0x180: {  	v7 =	vshll.u32 v7, $0x4;
	vm4 =	veq.s32 v15, $0x40;
	v12 =	vadd.s32 v3, v12  }
0x181: {  	v6 =	vshll.u32 v6, $0x4;
	v7 =	vadd.s32 v3, v7;
	vm6 =	veq.s32 v19, $0x40  }
0x182: {  	v10 =	vshll.u32 v10, $0x4;
	vm5 =	veq.s32 v17, $0x40;
	v6 =	vadd.s32 v3, v6;
	[tilespmem:v8+s12+$0x0] =	vst.idx.add.s32.msk vm0, v2  }
0x183: {  	v8 =	vadd.s32 v3, v10;
	[tilespmem:v9+s12+$0x0] =	vst.idx.add.s32.msk vm1, v2  }
0x184: {  	[tilespmem:v11+s12+$0x0] =	vst.idx.add.s32.msk vm2, v2  }
0x185: {  	[tilespmem:v12+s12+$0x0] =	vst.idx.add.s32.msk vm3, v2  }
0x186: {  	[tilespmem:v7+s12+$0x0] =	vst.idx.add.s32.msk vm4, v2  }
0x187: {  	[tilespmem:v6+s12+$0x0] =	vst.idx.add.s32.msk vm6, v2  }
0x188: {  	[tilespmem:v8+s12+$0x0] =	vst.idx.add.s32.msk vm5, v2  }
0x189: {  	v6 =	vld [tilespmem:$0x4000]  }
0x18a: {  	v7 =	vld [tilespmem:$0x4010]  }
0x18b: {  	v8 =	vld [tilespmem:$0x4020]  }
0x18c: {  	v9 =	vld [tilespmem:$0x4030]  }
0x18d: {  	v10 =	vld [tilespmem:$0x4040]  }
0x18e: {  	v11 =	vld [tilespmem:$0x4050]  }
0x18f: {  	v12 =	vld [tilespmem:$0x4060]  }
0x190: {  	v13 =	vld [tilespmem:$0x4070]  }
0x191: {  	v14 =	vld [tilespmem:$0x4080]  }
0x192: {  	v15 =	vld [tilespmem:$0x4090]  }
0x193: {  	v16 =	vld [tilespmem:$0x40A0]  }
0x194: {  	v17 =	vld [tilespmem:$0x40B0]  }
0x195: {  	v18 =	vld [tilespmem:$0x40C0]  }
0x196: {  	v19 =	vld [tilespmem:$0x40D0]  }
0x197: {  	v20 =	vld [tilespmem:$0x40E0]  }
0x198: {  	v21 =	vld [tilespmem:$0x40F0]  }
0x199: {  	v22 =	vld [tilespmem:$0x4100]  }
0x19a: {  	v23 =	vld [tilespmem:$0x4110]  }
0x19b: {  	v24 =	vld [tilespmem:$0x4120]  }
0x19c: {  	v25 =	vld [tilespmem:$0x4130]  }
0x19d: {  	v26 =	vld [tilespmem:$0x4140]  }
0x19e: {  	v27 =	vld [tilespmem:$0x4150]  }
0x19f: {  	v28 =	vld [tilespmem:$0x4160]  }
0x1a0: {  	v29 =	vld [tilespmem:$0x4170]  }
0x1a1: {  	v30 =	vld [tilespmem:$0x4180]  }
0x1a2: {  	v31 =	vld [tilespmem:$0x4190]  }
0x1a3: {  	v32 =	vld [tilespmem:$0x41A0]  }
0x1a4: {  	v33 =	vld [tilespmem:$0x41B0]  }
0x1a5: {  	v34 =	vld [tilespmem:$0x41C0]  }
0x1a6: {  	v35 =	vld [tilespmem:$0x41D0]  }
0x1a7: {  	v36 =	vld [tilespmem:$0x41E0]  }
0x1a8: {  	v37 =	vld [tilespmem:$0x41F0]  }
0x1a9: {  	v38 =	vld [tilespmem:$0x4200]  }
0x1aa: {  	v39 =	vld [tilespmem:$0x4210]  }
0x1ab: {  	v40 =	vld [tilespmem:$0x4220]  }
0x1ac: {  	v41 =	vld [tilespmem:$0x4230]  }
0x1ad: {  	v42 =	vld [tilespmem:$0x4240]  }
0x1ae: {  	v43 =	vld [tilespmem:$0x4250]  }
0x1af: {  	v44 =	vld [tilespmem:$0x4260]  }
0x1b0: {  	v6 =	vadd.s32 v6, v7;
	v7 =	vld [tilespmem:$0x4270]  }
0x1b1: {  	v6 =	vadd.s32 v8, v6;
	v8 =	vld [tilespmem:$0x4280]  }
0x1b2: {  	v6 =	vadd.s32 v9, v6;
	v9 =	vld [tilespmem:$0x4290]  }
0x1b3: {  	v6 =	vadd.s32 v10, v6;
	v10 =	vld [tilespmem:$0x42A0]  }
0x1b4: {  	v6 =	vadd.s32 v11, v6;
	v11 =	vld [tilespmem:$0x42B0]  }
0x1b5: {  	v6 =	vadd.s32 v12, v6;
	v12 =	vld [tilespmem:$0x42C0]  }
0x1b6: {  	v6 =	vadd.s32 v13, v6;
	v13 =	vld [tilespmem:$0x42D0]  }
0x1b7: {  	v6 =	vadd.s32 v14, v6;
	v14 =	vld [tilespmem:$0x42E0]  }
0x1b8: {  	v6 =	vadd.s32 v15, v6;
	v15 =	vld [tilespmem:$0x42F0]  }
0x1b9: {  	v6 =	vadd.s32 v16, v6;
	v16 =	vld [tilespmem:$0x4300]  }
0x1ba: {  	v6 =	vadd.s32 v17, v6;
	v17 =	vld [tilespmem:$0x4310]  }
0x1bb: {  	v6 =	vadd.s32 v18, v6;
	v18 =	vadd.s32 v22, v23;
	v22 =	vld [tilespmem:$0x4320]  }
0x1bc: {  	v23 =	vld [tilespmem:$0x4330];
	v6 =	vadd.s32 v19, v6;
	v18 =	vadd.s32 v24, v18;
	v19 =	vadd.s32 v38, v39  }
0x1bd: {  	v6 =	vadd.s32 v20, v6;
	v18 =	vadd.s32 v25, v18;
	v19 =	vadd.s32 v40, v19;
	v20 =	vld [tilespmem:$0x4340]  }
0x1be: {  	v6 =	vadd.s32 v21, v6;
	v18 =	vadd.s32 v26, v18;
	v19 =	vadd.s32 v41, v19;
	v21 =	vld [tilespmem:$0x4350]  }
0x1bf: {  	v18 =	vadd.s32 v27, v18;
	v19 =	vadd.s32 v42, v19;
	v16 =	vadd.s32 v16, v17;
	v17 =	vld [tilespmem:$0x4360]  }
0x1c0: {  	v18 =	vadd.s32 v28, v18;
	v19 =	vadd.s32 v43, v19;
	v16 =	vadd.s32 v22, v16;
	v22 =	vld [tilespmem:$0x4370]  }
0x1c1: {  	v18 =	vadd.s32 v29, v18;
	v19 =	vadd.s32 v44, v19;
	v16 =	vadd.s32 v23, v16;
	v23 =	vld [tilespmem:$0x4380]  }
0x1c2: {  	v18 =	vadd.s32 v30, v18;
	v7 =	vadd.s32 v7, v19;
	v16 =	vadd.s32 v20, v16;
	v19 =	vld [tilespmem:$0x4390]  }
0x1c3: {  	v18 =	vadd.s32 v31, v18;
	v7 =	vadd.s32 v8, v7;
	v8 =	vadd.s32 v21, v16;
	v16 =	vld [tilespmem:$0x43A0]  }
0x1c4: {  	v18 =	vadd.s32 v32, v18;
	v7 =	vadd.s32 v9, v7;
	v8 =	vadd.s32 v17, v8;
	v9 =	vld [tilespmem:$0x43B0]  }
0x1c5: {  	v17 =	vadd.s32 v33, v18;
	v7 =	vadd.s32 v10, v7;
	v8 =	vadd.s32 v22, v8;
	v10 =	vld [tilespmem:$0x43C0]  }
0x1c6: {  	v17 =	vadd.s32 v34, v17;
	v7 =	vadd.s32 v11, v7;
	v8 =	vadd.s32 v23, v8;
	v11 =	vld [tilespmem:$0x43D0]  }
0x1c7: {  	v17 =	vadd.s32 v35, v17;
	v7 =	vadd.s32 v12, v7;
	v8 =	vadd.s32 v19, v8;
	v12 =	vld [tilespmem:$0x43E0]  }
0x1c8: {  	s10 =	sld [smem:$0x7F4];
	v17 =	vadd.s32 v36, v17;
	v7 =	vadd.s32 v13, v7;
	v8 =	vadd.s32 v16, v8;
	v13 =	vld [tilespmem:$0x43F0]  }
0x1c9: {  	(xrf0) =	vadd.scan.msk.s32 $0xffff, v6;
	v6 =	vadd.s32 v37, v17;
	v7 =	vadd.s32 v14, v7;
	v8 =	vadd.s32 v9, v8  }
0x1ca: {  	(xrf0) =	vadd.scan.msk.s32 $0xffff, v6;
	v6 =	vadd.s32 v15, v7;
	v7 =	vadd.s32 v10, v8  }
0x1cb: {  	p2 =	seq.s32 s10, $0x1;
	(xrf0) =	vadd.scan.msk.s32 $0xffff, v6;
	v6 =	vadd.s32 v11, v7  }
0x1cc: {  	s21 =	smov.u32 @p2 s23;
	s23 =	sld [smem:$0x7F5];
	v6 =	vadd.s32 v12, v6  }
0x1cd: {  	v6 =	vadd.s32 v13, v6;
	_ =	sdelay $0x1  }
0x1ce: {  	p2 =	seq.s32 s23, $0x1;
	(xrf0) =	vadd.scan.msk.s32 $0xffff, v6  }
0x1cf: {  	s21 =	smov.u32 @p2 s24;
	s24 =	sld [smem:$0x7F6];
	v6, _, _ =	vpop (xrf0)  }
0x1d0: {  	s14 =	sld [smem:$0x7F7];
	(v2sf) =	vpush v6, $0xF;
	v6, _, _ =	vpop (xrf0)  }
0x1d1: {  	s17 =	sld [smem:$0x7F8];
	(v2sf) =	vpush v6, $0xF  }
0x1d2: {  	s23 =	sld [smem:$0x7F9];
	p2 =	seq.s32 s24, $0x1  }
0x1d3: {  	s24 =	sld [smem:$0x7FA];
	s21 =	smov.u32 @p2 s25;
	p2 =	seq.s32 s14, $0x1;
	v6, _, _ =	vpop (xrf0)  }
0x1d4: {  	s25 =	sld [smem:$0x7FB];
	s21 =	smov.u32 @p2 s26;
	p2 =	seq.s32 s17, $0x1;
	(v2sf) =	vpush v6, $0xF;
	v6, _, _ =	vpop (xrf0)  }
0x1d5: {  	s26 =	sld [smem:$0x7FC];
	s21 =	smov.u32 @p2 s28;
	p2 =	seq.s32 s23, $0x1;
	(v2sf) =	vpush v6, $0xF  }
0x1d6: {  	s28 =	sld [smem:$0x7FD];
	s21 =	smov.u32 @p2 s29;
	p2 =	seq.s32 s24, $0x1  }
0x1d7: {  	s21 =	smov.u32 @p2 s30;
	p2 =	seq.s32 s25, $0x1  }
0x1d8: {  	s21 =	smov.u32 @p2 s31;
	p2 =	seq.s32 s26, $0x1  }
0x1d9: {  	s21 =	smov.u32 @p2 s0;
	p2 =	seq.s32 s28, $0x1  }
0x1da: {  	s21 =	smov.u32 @p2 s1  }
0x1db: {  	s21 =	smov.u32 @p3 s15  }
0x1dc: {  	s21 =	smov.u32 @p4 s3  }
0x1dd: {  	s21 =	smov.u32 @p5 s5  }
0x1de: {  	s21 =	smov.u32 @p6 s6  }
0x1df: {  	s21 =	smov.u32 @p0 s7;
	s3 =	spop (v2sf)  }
0x1e0: {  	s21 =	smov.u32 @p1 s16;
	s29 =	spop (v2sf)  }
0x1e1: {  	s1 =	simm.s32 $0x1;
	s0 =	ssub.s32 $0x1000, s21;
	s5 =	sadd.s32 s3, s29  }
0x1e2: {  	s7 =	simm.s32 $0x1;
	p0 =	slt.s32 s3, s0;
	p1 =	slt.s32 s5, s0  }
0x1e3: {  	s30 =	spop (v2sf);
	s1 =	simm.s32 @!p0 $0x0;
	s7 =	simm.s32 @!p1 $0x0  }
0x1e4: {  	s31 =	spop (v2sf);
	s1 =	sadd.s32 s1, s7;
	s7 =	sadd.s32 s5, s30  }
0x1e5: {  	s14 =	simm.s32 $0x1;
	p2 =	slt.s32 s7, s0;
	s6 =	sadd.s32 s7, s31  }
0x1e6: {  	s10 =	simm.s32 $0x1;
	s14 =	simm.s32 @!p2 $0x0;
	p3 =	slt.s32 s6, s0  }
0x1e7: {  	s1 =	sadd.s32 s14, s1;
	s10 =	simm.s32 @!p3 $0x0  }
0x1e8: {  	s1 =	sadd.s32 s10, s1  }
0x1e9: {  	s10 =	sshll.u32 s1, $0x8  }
0x1ea: {  	v6 =	vld [tilespmem:s10+$0x4000]  }
0x1eb: {  	v7 =	vld [tilespmem:s10+$0x4010]  }
0x1ec: {  	v8 =	vld [tilespmem:s10+$0x4020]  }
0x1ed: {  	v9 =	vld [tilespmem:s10+$0x4030]  }
0x1ee: {  	v10 =	vld [tilespmem:s10+$0x4040]  }
0x1ef: {  	(xrf0) =	vadd.scan.msk.s32 $0xffff, v6;
	v6 =	vld [tilespmem:s10+$0x4050]  }
0x1f0: {  	(xrf0) =	vadd.scan.msk.s32 $0xffff, v7;
	v7 =	vld [tilespmem:s10+$0x4060]  }
0x1f1: {  	(xrf0) =	vadd.scan.msk.s32 $0xffff, v8;
	v8 =	vld [tilespmem:s10+$0x4070]  }
0x1f2: {  	(xrf0) =	vadd.scan.msk.s32 $0xffff, v9;
	v9 =	vld [tilespmem:s10+$0x4080]  }
0x1f3: {  	(xrf0) =	vadd.scan.msk.s32 $0xffff, v10;
	v10 =	vld [tilespmem:s10+$0x4090]  }
0x1f4: {  	(xrf0) =	vadd.scan.msk.s32 $0xffff, v6;
	v6 =	vld [tilespmem:s10+$0x40A0]  }
0x1f5: {  	v11, _, _ =	vpop (xrf0);
	(xrf0) =	vadd.scan.msk.s32 $0xffff, v7  }
0x1f6: {  	(v2sf) =	vpush v11, $0xF;
	v11, _, _ =	vpop (xrf0);
	(xrf0) =	vadd.scan.msk.s32 $0xffff, v8  }
0x1f7: {  	v7 =	vld [tilespmem:s10+$0x40B0];
	(v2sf) =	vpush v11, $0xF;
	v11, _, _ =	vpop (xrf0);
	(xrf0) =	vadd.scan.msk.s32 $0xffff, v9  }
0x1f8: {  	v8 =	vld [tilespmem:s10+$0x40C0];
	(v2sf) =	vpush v11, $0xF;
	v9, _, _ =	vpop (xrf0);
	(xrf0) =	vadd.scan.msk.s32 $0xffff, v10  }
0x1f9: {  	(v2sf) =	vpush v9, $0xF;
	v9, _, _ =	vpop (xrf0);
	(xrf0) =	vadd.scan.msk.s32 $0xffff, v6;
	v6 =	vld [tilespmem:s10+$0x40D0];
	_ =	sdelay $0x1  }
0x1fa: {  	(v2sf) =	vpush v9, $0xF;
	v9, _, _ =	vpop (xrf0)  }
0x1fb: {  	(xrf0) =	vadd.scan.msk.s32 $0xffff, v7;
	(v2sf) =	vpush v9, $0xF;
	v7, _, _ =	vpop (xrf0)  }
0x1fc: {  	(xrf0) =	vadd.scan.msk.s32 $0xffff, v8;
	(v2sf) =	vpush v7, $0xF;
	v7 =	vld [tilespmem:s10+$0x40E0]  }
0x1fd: {  	v8, _, _ =	vpop (xrf0);
	(xrf0) =	vadd.scan.msk.s32 $0xffff, v6;
	v6 =	vld [tilespmem:s10+$0x40F0];
	[tilespmem:$0x4000] =	vst v1  }
0x1fe: {  	[tilespmem:$0x4010] =	vst v1  }
0x1ff: {  	[tilespmem:$0x4020] =	vst v1  }
0x200: {  	[tilespmem:$0x4030] =	vst v1  }
0x201: {  	[tilespmem:$0x4040] =	vst v1  }
0x202: {  	[tilespmem:$0x4050] =	vst v1  }
0x203: {  	[tilespmem:$0x4060] =	vst v1  }
0x204: {  	[tilespmem:$0x4070] =	vst v1  }
0x205: {  	[tilespmem:$0x4080] =	vst v1  }
0x206: {  	[tilespmem:$0x4090] =	vst v1  }
0x207: {  	(v2sf) =	vpush v8, $0xF;
	[tilespmem:$0x40A0] =	vst v1  }
0x208: {  	v9, _, _ =	vpop (xrf0);
	[tilespmem:$0x40B0] =	vst v1  }
0x209: {  	s3 =	simm.s32 @!p0 $0x0;
	(v2sf) =	vpush v9, $0xF;
	[tilespmem:$0x40C0] =	vst v1  }
0x20a: {  	s29 =	simm.s32 $0x1;
	s3 =	smov.u32 @p1 s5;
	v8, _, _ =	vpop (xrf0);
	[tilespmem:$0x40D0] =	vst v1  }
0x20b: {  	s3 =	smov.u32 @p2 s7;
	s1 =	sshll.u32 s1, $0x4;
	[tilespmem:$0x40E0] =	vst v1;
	(v2sf) =	vpush v8, $0xF;
	s14 =	spop (v2sf)  }
0x20c: {  	s3 =	smov.u32 @p3 s6;
	s1 =	sadd.s32 s22, s1;
	[tilespmem:$0x40F0] =	vst v1;
	v9, _, _ =	vpop (xrf0);
	s21 =	spop (v2sf)  }
0x20d: {  	[tilespmem:$0x4100] =	vst v1;
	s10 =	simm.s32 $0x1;
	(v2sf) =	vpush v9, $0xF;
	s3 =	sadd.s32 s14, s3;
	s17 =	spop (v2sf)  }
0x20e: {  	[tilespmem:$0x4110] =	vst v1;
	v8, _, _ =	vpop (xrf0);
	p0 =	slt.s32 s3, s0;
	s14 =	sadd.s32 s21, s3;
	s21 =	simm.s32 $0x1  }
0x20f: {  	[tilespmem:$0x4120] =	vst v1;
	(v2sf) =	vpush v8, $0xF;
	s23 =	spop (v2sf);
	s10 =	simm.s32 @!p0 $0x0;
	p0 =	slt.s32 s14, s0  }
0x210: {  	[tilespmem:$0x4130] =	vst v1;
	v8, _, _ =	vpop (xrf0);
	s6 =	sadd.s32 s17, s14;
	s17 =	simm.s32 $0x1;
	s24 =	spop (v2sf)  }
0x211: {  	[tilespmem:$0x4140] =	vst v1;
	(xrf0) =	vadd.scan.msk.s32 $0xffff, v7;
	(v2sf) =	vpush v8, $0xF;
	s29 =	simm.s32 @!p0 $0x0;
	p0 =	slt.s32 s6, s0;
	s30 =	sadd.s32 s23, s6  }
0x212: {  	[tilespmem:$0x4150] =	vst v1;
	v7, _, _ =	vpop (xrf0);
	(xrf0) =	vadd.scan.msk.s32 $0xffff, v6;
	s23 =	simm.s32 $0x1;
	s1 =	sor.u32 s10, s1;
	s10 =	simm.s32 $0x1  }
0x213: {  	[tilespmem:$0x4160] =	vst v1;
	s31 =	spop (v2sf);
	s17 =	simm.s32 @!p0 $0x0;
	p0 =	slt.s32 s30, s0  }
0x214: {  	[tilespmem:$0x4170] =	vst v1;
	s14 =	sadd.s32 s24, s30;
	s30 =	simm.s32 $0x1;
	s1 =	sadd.s32 s29, s1  }
0x215: {  	[tilespmem:$0x4180] =	vst v1;
	(v2sf) =	vpush v7, $0xF;
	s25 =	spop (v2sf);
	s21 =	simm.s32 @!p0 $0x0;
	p0 =	slt.s32 s14, s0  }
0x216: {  	[tilespmem:$0x4190] =	vst v1;
	s24 =	sadd.s32 s31, s14;
	s1 =	sadd.s32 s17, s1;
	s26 =	spop (v2sf)  }
0x217: {  	[tilespmem:$0x41A0] =	vst v1;
	v6, _, _ =	vpop (xrf0);
	s23 =	simm.s32 @!p0 $0x0;
	p0 =	slt.s32 s24, s0;
	s24 =	sadd.s32 s25, s24  }
0x218: {  	[tilespmem:$0x41B0] =	vst v1;
	(v2sf) =	vpush v6, $0xF;
	v6, _, _ =	vpop (xrf0);
	s25 =	simm.s32 $0x1;
	s1 =	sadd.s32 s21, s1;
	s28 =	spop (v2sf)  }
0x219: {  	[tilespmem:$0x41C0] =	vst v1;
	(v2sf) =	vpush v6, $0xF;
	s30 =	simm.s32 @!p0 $0x0;
	p0 =	slt.s32 s24, s0;
	s24 =	sadd.s32 s26, s24  }
0x21a: {  	[tilespmem:$0x41D0] =	vst v1;
	s26 =	simm.s32 $0x1;
	s1 =	sadd.s32 s23, s1;
	s16 =	spop (v2sf)  }
0x21b: {  	[tilespmem:$0x41E0] =	vst v1;
	s25 =	simm.s32 @!p0 $0x0;
	p0 =	slt.s32 s24, s0;
	s24 =	sadd.s32 s28, s24  }
0x21c: {  	[tilespmem:$0x41F0] =	vst v1;
	s28 =	simm.s32 $0x1;
	s1 =	sadd.s32 s30, s1;
	s15 =	spop (v2sf)  }
0x21d: {  	[tilespmem:$0x4200] =	vst v1;
	s26 =	simm.s32 @!p0 $0x0;
	p0 =	slt.s32 s24, s0;
	s16 =	sadd.s32 s16, s24  }
0x21e: {  	[tilespmem:$0x4210] =	vst v1;
	s1 =	sadd.s32 s25, s1;
	s7 =	spop (v2sf);
	s28 =	simm.s32 @!p0 $0x0  }
0x21f: {  	[tilespmem:$0x4220] =	vst v1;
	p0 =	slt.s32 s16, s0;
	s15 =	sadd.s32 s15, s16;
	s16 =	simm.s32 $0x1  }
0x220: {  	[tilespmem:$0x4230] =	vst v1;
	s1 =	sadd.s32 s26, s1;
	s5 =	spop (v2sf);
	s10 =	simm.s32 @!p0 $0x0  }
0x221: {  	[tilespmem:$0x4240] =	vst v1;
	p0 =	slt.s32 s15, s0;
	s7 =	sadd.s32 s7, s15;
	s15 =	simm.s32 $0x1  }
0x222: {  	[tilespmem:$0x4250] =	vst v1;
	s1 =	sadd.s32 s28, s1;
	s16 =	simm.s32 @!p0 $0x0;
	p0 =	slt.s32 s7, s0  }
0x223: {  	[tilespmem:$0x4260] =	vst v1;
	s5 =	sadd.s32 s5, s7;
	s7 =	simm.s32 $0x1;
	s1 =	sadd.s32 s10, s1  }
0x224: {  	[tilespmem:$0x4270] =	vst v1;
	s15 =	simm.s32 @!p0 $0x0;
	p0 =	slt.s32 s5, s0;
	s3 =	spop (v2sf)  }
0x225: {  	[tilespmem:$0x4280] =	vst v1;
	s1 =	sadd.s32 s16, s1;
	s7 =	simm.s32 @!p0 $0x0;
	s3 =	sadd.s32 s3, s5  }
0x226: {  	[tilespmem:$0x4290] =	vst v1;
	s1 =	sadd.s32 s15, s1;
	s5 =	simm.s32 $0x1;
	p0 =	slt.s32 s3, s0  }
0x227: {  	[tilespmem:$0x42A0] =	vst v1;
	s1 =	sadd.s32 s7, s1;
	s6 =	spop (v2sf);
	s5 =	simm.s32 @!p0 $0x0  }
0x228: {  	v4 =	vadd.f32 v5, v4;
	[tilespmem:$0x42B0] =	vst v1;
	s3 =	sadd.s32 s6, s3;
	s6 =	simm.s32 $0x1;
	s31 =	spop (v2sf)  }
0x229: {  	[tilespmem:$0x42C0] =	vst v1;
	s1 =	sadd.s32 s5, s1;
	p0 =	slt.s32 s3, s0;
	s3 =	sadd.s32 s31, s3  }
0x22a: {  	(xrf2) =	vadd.scan.msk.f32 $0xffff, v4;
	[tilespmem:$0x42D0] =	vst v1;
	s6 =	simm.s32 @!p0 $0x0;
	p0 =	slt.s32 s3, s0;
	s0 =	simm.s32 $0x1  }
0x22b: {  	[tilespmem:$0x42E0] =	vst v1;
	s1 =	sadd.s32 s6, s1;
	s0 =	simm.s32 @!p0 $0x0  }
0x22c: {  	[tilespmem:$0x42F0] =	vst v1;
	s0 =	sadd.s32 s0, s1  }
0x22d: {  	[tilespmem:$0x4300] =	vst v1;
	v4 =	vmov s0  }
0x22e: {  	[tilespmem:$0x4310] =	vst v1;
	v4 =	vcvt.s32.f32 v4  }
0x22f: {  	[tilespmem:$0x4320] =	vst v1  }
0x230: {  	[tilespmem:$0x4330] =	vst v1;
	v4 =	vmul.f32 $2.441406250e-04, v4  }
0x231: {  	[tilespmem:$0x4340] =	vst v1  }
0x232: {  	[tilespmem:$0x4350] =	vst v1;
	v4 =	vadd.f32 $1.220703130e-04, v4  }
0x233: {  	[tilespmem:$0x4360] =	vst v1  }
0x234: {  	v5, _, _ =	vpop (xrf2);
	[tilespmem:$0x4370] =	vst v1;
	v4 =	vbroadcast v4, $0x0  }
0x235: {  	v5 =	vmul.f32 $1.220703130e-04, v5;
	[tilespmem:$0x4380] =	vst v1  }
0x236: {  	[tilespmem:$0x4390] =	vst v1;
	v6 =	vadd.f32 $-5.000000000e-01, v4  }
0x237: {  	v5 =	vbroadcast v5, $0xF;
	[tilespmem:$0x43A0] =	vst v1  }
0x238: {  	[tilespmem:$0x43B0] =	vst v1;
	p0 =	seq.s32 s18, $0x1F;
	v6 =	vand.u32 $0x7FFFFFFF, v6  }
0x239: {  	[tilespmem:$0x43C0] =	vst v1;
	s0 =	sadd.s32 @!p0 $0x2, s20;
	vm15 =	vgt.f32 v4, $5.000000000e-01;
	v5 =	vmul.f32 v6, v5  }
0x23a: {  	[tilespmem:$0x43D0] =	vst v1;
	s1 =	sshll.u32 @!p0 s0, $0x4;
	v4 =	vsel vm15, $0x3F000000, v4  }
0x23b: {  	s19 =	sand.u32 $0x3FFFFFE0, s19;
	[tilespmem:$0x43E0] =	vst v1;
	s0 =	sshll.u32 @!p0 s0, $0xA;
	s1 =	sand.u32 @!p0 $0x60, s1;
	v4 =	vadd.f32 v5, v4  }
0x23c: {  	[tilespmem:$0x43F0] =	vst v1;
	s3 =	simm.s32 @!p0 $0x400;
	s0 =	sand.u32 @!p0 $0xFFFE000, s0;
	s1 =	sadd.s32 @!p0 s2, s1  }
0x23d: {  	s5 =	simm.s32 @!p0 $0x0;
	s0 =	sadd.s32 @!p0 s0, s1;
	s1 =	simm.s32 @!p0 $0x80;
	[tilespmem:s19+$0x4400] =	vst v4  }
0x23e: {  	[tilespmem:s5], [sflag:$0x1] =	stream.strided.gather @!p0 [hbm4b:s0+s1], $0x2000, s3, s1, $0x38;
	[tilespmem:$0x4880] =	vst v63  }
0x23f: {  	_ =	swait.ge [sflag:s13], $0x2000  }
0x240: {  	[sflag:s13] =	ssyncset.done $0x0  }
0x241: {  	s30 =	simm.s32 $0x2040;
	[sflag:s13] =	ssyncadd.s32 $0xFFFFE000  }
0x242: {  	v4 =	vld [tilespmem:s30+$0xFFFFFFC0]  }
0x243: {  	v5 =	vld [tilespmem:s30+$0xFFFFFFD0]  }
0x244: {  	v6 =	vld [tilespmem:s30+$0xFFFFFFE0]  }
0x245: {  	v7 =	vld [tilespmem:s30+$0xFFFFFFF0]  }
0x246: {  	v12 =	vld [tilespmem:s30+$0x30]  }
0x247: {  	v8 =	vld [tilespmem:s30+$0x0]  }
0x248: {  	v9 =	vld [tilespmem:s30+$0x10]  }
0x249: {  	v11 =	vld [tilespmem:s30+$0x20];
	v10 =	vmul.f32 $6.400000000e+01, v4  }
0x24a: {  	v13 =	vimm.f32 $0.0e+00;
	v14 =	vmul.f32 $6.400000000e+01, v5;
	v15 =	vmul.f32 $6.400000000e+01, v6  }
0x24b: {  	v4 =	vadd.f32 v4, v13;
	v16 =	vmul.f32 $6.400000000e+01, v7;
	v17 =	vmul.f32 $6.400000000e+01, v12  }
0x24c: {  	v5 =	vadd.f32 v5, v13;
	v10 =	vtrunc.f32 v10;
	v13 =	vtrunc.f32 v14  }
0x24d: {  	v14 =	vmul.f32 $6.400000000e+01, v8;
	v4 =	vadd.f32 v6, v4;
	v6 =	vmul.f32 $6.400000000e+01, v9  }
0x24e: {  	v15 =	vtrunc.f32 v15;
	v5 =	vadd.f32 v7, v5;
	v7 =	vmul.f32 $6.400000000e+01, v11  }
0x24f: {  	v4 =	vadd.f32 v8, v4;
	v8 =	vtrunc.f32 v16;
	v14 =	vtrunc.f32 v14  }
0x250: {  	v6 =	vtrunc.f32 v6;
	v7 =	vtrunc.f32 v7  }
0x251: {  	v5 =	vadd.f32 v9, v5;
	v9 =	vcvt.f32.s32 v10;
	v10 =	vtrunc.f32 v17  }
0x252: {  	s31 =	simm.s32 $0x20C0;
	v8 =	vcvt.f32.s32 v8;
	v14 =	vcvt.f32.s32 v14  }
0x253: {  	v17 =	vld [tilespmem:s31+$0xFFFFFFF0];
	v6 =	vcvt.f32.s32 v6;
	v7 =	vcvt.f32.s32 v7  }
0x254: {  	v10 =	vcvt.f32.s32 v10;
	v4 =	vadd.f32 v11, v4;
	v5 =	vadd.f32 v12, v5;
	v11 =	vld [tilespmem:s31+$0xFFFFFFC0]  }
0x255: {  	v12 =	vcvt.f32.s32 v13;
	v13 =	vcvt.f32.s32 v15;
	v15 =	vld [tilespmem:s31+$0xFFFFFFD0];
	v9 =	vshll.u32 v9, $0x4  }
0x256: {  	v16 =	vld [tilespmem:s31+$0xFFFFFFE0];
	v8 =	vshll.u32 v8, $0x4;
	v14 =	vshll.u32 v14, $0x4;
	v6 =	vshll.u32 v6, $0x4  }
0x257: {  	v18 =	vld [tilespmem:s31+$0x0];
	v7 =	vshll.u32 v7, $0x4;
	v9 =	vor.u32 v0, v9;
	v10 =	vshll.u32 v10, $0x4  }
0x258: {  	v20 =	vld [tilespmem:s31+$0x10];
	v12 =	vshll.u32 v12, $0x4;
	v13 =	vshll.u32 v13, $0x4;
	v57 =	vor.u32 v0, v6  }
0x259: {  	v12 =	vor.u32 v0, v12;
	v19 =	vmul.f32 $6.400000000e+01, v11;
	v4 =	vadd.f32 v11, v4  }
0x25a: {  	v22 =	vld [tilespmem:s31+$0x30];
	v23 =	vmul.f32 $6.400000000e+01, v17;
	v21 =	vmul.f32 $6.400000000e+01, v15;
	v5 =	vadd.f32 v15, v5  }
0x25b: {  	v15 =	vtrunc.f32 v19;
	v19 =	vmul.f32 $6.400000000e+01, v16;
	v4 =	vadd.f32 v16, v4  }
0x25c: {  	v11 =	vld [tilespmem:s31+$0x20];
	v5 =	vadd.f32 v17, v5;
	v16 =	vtrunc.f32 v21;
	v17 =	vmul.f32 $6.400000000e+01, v18  }
0x25d: {  	v13 =	vor.u32 v0, v13;
	v21 =	vmul.f32 $6.400000000e+01, v20;
	v6 =	vcvt.f32.s32 v15  }
0x25e: {  	v15 =	vcvt.f32.s32 v16;
	v4 =	vadd.f32 v18, v4;
	v5 =	vadd.f32 v20, v5  }
0x25f: {  	[tilespmem:v9+s12+$0x0] =	vst.idx.add.s32.msk $0xffff, v2;
	v18 =	vtrunc.f32 v19;
	v20 =	vor.u32 v0, v8;
	v8 =	vmul.f32 $6.400000000e+01, v22  }
0x260: {  	s0 =	simm.s32 $0x2140;
	v9 =	vor.u32 v0, v7;
	[tilespmem:v12+s12+$0x0] =	vst.idx.add.s32.msk $0xffff, v2;
	v17 =	vtrunc.f32 v17;
	v12 =	vtrunc.f32 v21  }
0x261: {  	v7 =	vld [tilespmem:s0+$0xFFFFFFC0];
	v19 =	vmul.f32 $6.400000000e+01, v11;
	v16 =	vcvt.f32.s32 v18;
	v6 =	vshll.u32 v6, $0x4  }
0x262: {  	[tilespmem:v13+s12+$0x0] =	vst.idx.add.s32.msk $0xffff, v2;
	v12 =	vcvt.f32.s32 v12;
	v4 =	vadd.f32 v11, v4;
	v5 =	vadd.f32 v22, v5  }
0x263: {  	v21 =	vld [tilespmem:s0+$0xFFFFFFE0];
	v11 =	vtrunc.f32 v23;
	v23 =	vor.u32 v0, v14;
	v13 =	vtrunc.f32 v8  }
0x264: {  	v18 =	vld [tilespmem:s0+$0xFFFFFFD0];
	v8 =	vor.u32 v0, v10;
	v61 =	vor.u32 v0, v6;
	v14 =	vtrunc.f32 v19  }
0x265: {  	v22 =	vld [tilespmem:s0+$0xFFFFFFF0];
	v10 =	vcvt.f32.s32 v11;
	v11 =	vcvt.f32.s32 v17;
	v17 =	vshll.u32 v15, $0x4  }
0x266: {  	v58 =	vshll.u32 v16, $0x4;
	v12 =	vshll.u32 v12, $0x4;
	v15 =	vcvt.f32.s32 v14  }
0x267: {  	v60 =	vld [tilespmem:s0+$0x10];
	v19 =	vor.u32 v0, v17;
	v59 =	vshll.u32 v10, $0x4;
	v10 =	vcvt.f32.s32 v13  }
0x268: {  	v13 =	vld [tilespmem:s0+$0x0];
	v14 =	vshll.u32 v11, $0x4;
	v62 =	vmul.f32 $6.400000000e+01, v21;
	v11 =	vshll.u32 v15, $0x4  }
0x269: {  	v15 =	vmul.f32 $6.400000000e+01, v7;
	v7 =	vadd.f32 v7, v4;
	v16 =	vadd.f32 v18, v5;
	v4 =	vld [tilespmem:s0+$0x20]  }
0x26a: {  	v6 =	vmul.f32 $6.400000000e+01, v18;
	v5 =	vld [tilespmem:s0+$0x30];
	v18 =	vor.u32 v0, v58;
	v17 =	vmul.f32 $6.400000000e+01, v22  }
0x26b: {  	[tilespmem:v20+s12+$0x0] =	vst.idx.add.s32.msk $0xffff, v2;
	v20 =	vtrunc.f32 v62;
	v7 =	vadd.f32 v21, v7;
	v63 =	vadd.f32 v22, v16  }
0x26c: {  	v10 =	vshll.u32 v10, $0x4;
	[tilespmem:v23+s12+$0x0] =	vst.idx.add.s32.msk $0xffff, v2;
	v15 =	vtrunc.f32 v15;
	v16 =	vtrunc.f32 v6  }
0x26d: {  	[tilespmem:v61+s12+$0x0] =	vst.idx.add.s32.msk $0xffff, v2;
	v21 =	vmul.f32 $6.400000000e+01, v60;
	v7 =	vadd.f32 v13, v7;
	v6 =	vadd.f32 v60, v63  }
0x26e: {  	s1 =	simm.s32 $0x10;
	[tilespmem:v57+s12+$0x0] =	vst.idx.add.s32.msk $0xffff, v2;
	v22 =	vmul.f32 $6.400000000e+01, v13;
	v13 =	vor.u32 v0, v59;
	v23 =	vmul.f32 $6.400000000e+01, v4  }
.LBB2_7:
0x26f: {  	s1 =	sadd.s32 $0x8, s1;
	v24 =	vmul.f32 $6.400000000e+01, v5;
	v4 =	vadd.f32 v4, v7;
	v5 =	vadd.f32 v5, v6;
	[tilespmem:v19+s12+$0x0] =	vst.idx.add.s32.msk $0xffff, v2  }
0x270: {  	v6 =	vtrunc.f32 v17;
	v7 =	vtrunc.f32 v22;
	v25 =	vor.u32 v0, v14;
	p0 =	slt.u32 s1, $0x1F8;
	[tilespmem:v9+s12+$0x0] =	vst.idx.add.s32.msk $0xffff, v2  }
0x271: {  	v14 =	vtrunc.f32 v21;
	v26 =	vor.u32 v0, v12;
	v17 =	vtrunc.f32 v23;
	[tilespmem:v18+s12+$0x0] =	vst.idx.add.s32.msk $0xffff, v2  }
0x272: {  	v12 =	vcvt.f32.s32 v15;
	s0 =	sadd.s32 $0x80, s0;
	v9 =	vor.u32 v0, v11;
	v15 =	vtrunc.f32 v24;
	[tilespmem:v8+s12+$0x0] =	vst.idx.add.s32.msk $0xffff, v2  }
0x273: {  	v11 =	vcvt.f32.s32 v16;
	v16 =	vcvt.f32.s32 v20;
	v8 =	vor.u32 v0, v10;
	v18 =	vld [tilespmem:s0+$0xFFFFFFC0]  }
0x274: {  	v6 =	vcvt.f32.s32 v6;
	v7 =	vcvt.f32.s32 v7;
	v10 =	vshll.u32 v12, $0x4;
	v19 =	vld [tilespmem:s0+$0xFFFFFFD0]  }
0x275: {  	v17 =	vcvt.f32.s32 v17;
	v21 =	vshll.u32 v11, $0x4;
	v11 =	vcvt.f32.s32 v14;
	v20 =	vld [tilespmem:s0+$0xFFFFFFE0]  }
0x276: {  	v23 =	vshll.u32 v16, $0x4;
	v24 =	vshll.u32 v6, $0x4;
	v6 =	vcvt.f32.s32 v15;
	v22 =	vld [tilespmem:s0+$0xFFFFFFF0]  }
0x277: {  	v14 =	vshll.u32 v7, $0x4;
	v12 =	vshll.u32 v11, $0x4;
	v11 =	vshll.u32 v17, $0x4;
	v27 =	vld [tilespmem:s0+$0x0]  }
0x278: {  	v29 =	vor.u32 v0, v10;
	v10 =	vshll.u32 v6, $0x4;
	v7 =	vmul.f32 $6.400000000e+01, v18;
	v28 =	vld [tilespmem:s0+$0x10]  }
0x279: {  	v16 =	vadd.f32 v18, v4;
	v6 =	vmul.f32 $6.400000000e+01, v19;
	v18 =	vadd.f32 v19, v5;
	v4 =	vld [tilespmem:s0+$0x20]  }
.Ltmp2:
0x27a: {  	v19 =	vor.u32 v0, v21;
	v15 =	vtrunc.f32 v7;
	v30 =	vmul.f32 $6.400000000e+01, v20;
	v5 =	vld [tilespmem:s0+$0x30];
	(pc) =	sbr.rel @p0 .LBB2_7-.Ltmp2, $4  }
0x27b: {  	v7 =	vadd.f32 v20, v16;
	v17 =	vmul.f32 $6.400000000e+01, v22;
	v20 =	vadd.f32 v22, v18;
	[tilespmem:v13+s12+$0x0] =	vst.idx.add.s32.msk $0xffff, v2  }
0x27c: {  	v16 =	vtrunc.f32 v6;
	v18 =	vor.u32 v0, v23;
	v22 =	vmul.f32 $6.400000000e+01, v27;
	[tilespmem:v25+s12+$0x0] =	vst.idx.add.s32.msk $0xffff, v2  }
0x27d: {  	v7 =	vadd.f32 v27, v7;
	v21 =	vmul.f32 $6.400000000e+01, v28;
	v6 =	vadd.f32 v28, v20;
	[tilespmem:v29+s12+$0x0] =	vst.idx.add.s32.msk $0xffff, v2  }
0x27e: {  	v13 =	vor.u32 v0, v24;
	v20 =	vtrunc.f32 v30;
	v23 =	vmul.f32 $6.400000000e+01, v4;
	[tilespmem:v26+s12+$0x0] =	vst.idx.add.s32.msk $0xffff, v2  }
0x27f: {  	_ =	sdelay $0x2  }
0x280: {  	v15 =	vcvt.f32.s32 v15;
	v24 =	vmul.f32 $6.400000000e+01, v5  }
0x281: {  	[tilespmem:v19+s12+$0x0] =	vst.idx.add.s32.msk $0xffff, v2;
	v14 =	vor.u32 v0, v14;
	v16 =	vcvt.f32.s32 v16;
	v17 =	vtrunc.f32 v17  }
0x282: {  	v19 =	vtrunc.f32 v22;
	[tilespmem:v9+s12+$0x0] =	vst.idx.add.s32.msk $0xffff, v2;
	v12 =	vor.u32 v0, v12;
	v15 =	vshll.u32 v15, $0x4  }
0x283: {  	[tilespmem:v18+s12+$0x0] =	vst.idx.add.s32.msk $0xffff, v2;
	v18 =	vtrunc.f32 v21;
	v16 =	vshll.u32 v16, $0x4;
	v9 =	vor.u32 v0, v15  }
0x284: {  	v11 =	vor.u32 v0, v11;
	[tilespmem:v8+s12+$0x0] =	vst.idx.add.s32.msk $0xffff, v2;
	v15 =	vcvt.f32.s32 v20;
	v8 =	vor.u32 v0, v16  }
0x285: {  	v10 =	vor.u32 v0, v10;
	[tilespmem:v13+s12+$0x0] =	vst.idx.add.s32.msk $0xffff, v2;
	v13 =	vtrunc.f32 v24;
	v16 =	vcvt.f32.s32 v17  }
0x286: {  	v20 =	vtrunc.f32 v23;
	v17 =	vcvt.f32.s32 v19;
	v15 =	vshll.u32 v15, $0x4;
	[tilespmem:v14+s12+$0x0] =	vst.idx.add.s32.msk $0xffff, v2  }
0x287: {  	v14 =	vcvt.f32.s32 v18;
	v16 =	vshll.u32 v16, $0x4;
	v15 =	vor.u32 v0, v15;
	[tilespmem:v12+s12+$0x0] =	vst.idx.add.s32.msk $0xffff, v2  }
0x288: {  	v17 =	vshll.u32 v17, $0x4;
	v16 =	vor.u32 v0, v16;
	[tilespmem:v9+s12+$0x0] =	vst.idx.add.s32.msk $0xffff, v2;
	v9 =	vcvt.f32.s32 v20  }
0x289: {  	v12 =	vcvt.f32.s32 v13;
	v13 =	vshll.u32 v14, $0x4;
	[tilespmem:v8+s12+$0x0] =	vst.idx.add.s32.msk $0xffff, v2;
	v8 =	vor.u32 v0, v17  }
0x28a: {  	[tilespmem:v11+s12+$0x0] =	vst.idx.add.s32.msk $0xffff, v2;
	v11 =	vor.u32 v0, v13;
	v9 =	vshll.u32 v9, $0x4  }
0x28b: {  	[tilespmem:v10+s12+$0x0] =	vst.idx.add.s32.msk $0xffff, v2;
	v12 =	vshll.u32 v12, $0x4;
	v9 =	vor.u32 v0, v9  }
0x28c: {  	v10 =	vor.u32 v0, v12;
	[tilespmem:v15+s12+$0x0] =	vst.idx.add.s32.msk $0xffff, v2  }
0x28d: {  	[tilespmem:v16+s12+$0x0] =	vst.idx.add.s32.msk $0xffff, v2  }
0x28e: {  	[tilespmem:v8+s12+$0x0] =	vst.idx.add.s32.msk $0xffff, v2  }
0x28f: {  	[tilespmem:v11+s12+$0x0] =	vst.idx.add.s32.msk $0xffff, v2  }
0x290: {  	[tilespmem:v9+s12+$0x0] =	vst.idx.add.s32.msk $0xffff, v2  }
0x291: {  	[tilespmem:v10+s12+$0x0] =	vst.idx.add.s32.msk $0xffff, v2  }
0x292: {  	v8 =	vld [tilespmem:$0x4000]  }
0x293: {  	v9 =	vld [tilespmem:$0x4010]  }
0x294: {  	v10 =	vld [tilespmem:$0x4020]  }
0x295: {  	v11 =	vld [tilespmem:$0x4030]  }
0x296: {  	v12 =	vld [tilespmem:$0x4040]  }
0x297: {  	v13 =	vld [tilespmem:$0x4050]  }
0x298: {  	v14 =	vld [tilespmem:$0x4060]  }
0x299: {  	v15 =	vld [tilespmem:$0x4070]  }
0x29a: {  	v16 =	vld [tilespmem:$0x4080]  }
0x29b: {  	v17 =	vld [tilespmem:$0x4090]  }
0x29c: {  	v18 =	vld [tilespmem:$0x40A0]  }
0x29d: {  	v19 =	vld [tilespmem:$0x40B0]  }
0x29e: {  	v20 =	vld [tilespmem:$0x40C0]  }
0x29f: {  	v49 =	vld [tilespmem:$0x40D0]  }
0x2a0: {  	v50 =	vld [tilespmem:$0x40E0]  }
0x2a1: {  	v51 =	vld [tilespmem:$0x40F0]  }
0x2a2: {  	v52 =	vld [tilespmem:$0x4100]  }
0x2a3: {  	v25 =	vld [tilespmem:$0x4110]  }
0x2a4: {  	v26 =	vld [tilespmem:$0x4120]  }
0x2a5: {  	v27 =	vld [tilespmem:$0x4130]  }
0x2a6: {  	v28 =	vld [tilespmem:$0x4140]  }
0x2a7: {  	v29 =	vld [tilespmem:$0x4150]  }
0x2a8: {  	v30 =	vld [tilespmem:$0x4160]  }
0x2a9: {  	v31 =	vld [tilespmem:$0x4170]  }
0x2aa: {  	v32 =	vld [tilespmem:$0x4180]  }
0x2ab: {  	v33 =	vld [tilespmem:$0x4190]  }
0x2ac: {  	v34 =	vld [tilespmem:$0x41A0]  }
0x2ad: {  	v35 =	vld [tilespmem:$0x41B0]  }
0x2ae: {  	v36 =	vld [tilespmem:$0x41C0]  }
0x2af: {  	v37 =	vld [tilespmem:$0x41D0]  }
0x2b0: {  	v38 =	vld [tilespmem:$0x41E0]  }
0x2b1: {  	v39 =	vld [tilespmem:$0x41F0]  }
0x2b2: {  	v40 =	vld [tilespmem:$0x4200]  }
0x2b3: {  	v41 =	vld [tilespmem:$0x4210]  }
0x2b4: {  	v42 =	vld [tilespmem:$0x4220]  }
0x2b5: {  	v43 =	vld [tilespmem:$0x4230]  }
0x2b6: {  	v44 =	vld [tilespmem:$0x4240]  }
0x2b7: {  	v45 =	vld [tilespmem:$0x4250]  }
0x2b8: {  	v46 =	vld [tilespmem:$0x4260]  }
0x2b9: {  	v53 =	vld [tilespmem:$0x4320];
	v8 =	vadd.s32 v8, v9  }
0x2ba: {  	v55 =	vld [tilespmem:$0x4330];
	v8 =	vadd.s32 v10, v8  }
0x2bb: {  	v56 =	vld [tilespmem:$0x4340];
	v8 =	vadd.s32 v11, v8  }
0x2bc: {  	v57 =	vld [tilespmem:$0x4350];
	v8 =	vadd.s32 v12, v8  }
0x2bd: {  	v58 =	vld [tilespmem:$0x4370];
	v8 =	vadd.s32 v13, v8  }
0x2be: {  	v59 =	vld [tilespmem:$0x4380];
	v8 =	vadd.s32 v14, v8  }
0x2bf: {  	v60 =	vld [tilespmem:$0x4390];
	v8 =	vadd.s32 v15, v8  }
0x2c0: {  	v9 =	vld [tilespmem:$0x4270];
	v8 =	vadd.s32 v16, v8  }
0x2c1: {  	v10 =	vld [tilespmem:$0x4280];
	v8 =	vadd.s32 v17, v8  }
0x2c2: {  	v54 =	vadd.s32 v40, v41;
	v8 =	vadd.s32 v18, v8;
	v18 =	vld [tilespmem:$0x4300]  }
0x2c3: {  	v21 =	vadd.s32 v42, v54;
	v8 =	vadd.s32 v19, v8;
	v19 =	vld [tilespmem:$0x4310]  }
0x2c4: {  	v11 =	vld [tilespmem:$0x4290];
	v21 =	vadd.s32 v43, v21;
	v8 =	vadd.s32 v20, v8;
	v20 =	vadd.s32 v52, v25  }
0x2c5: {  	v12 =	vld [tilespmem:$0x42A0];
	v21 =	vadd.s32 v44, v21;
	v20 =	vadd.s32 v26, v20  }
0x2c6: {  	v13 =	vld [tilespmem:$0x42B0];
	v21 =	vadd.s32 v45, v21;
	v20 =	vadd.s32 v27, v20  }
0x2c7: {  	v14 =	vld [tilespmem:$0x42C0];
	v21 =	vadd.s32 v46, v21;
	v20 =	vadd.s32 v28, v20  }
0x2c8: {  	v9 =	vadd.s32 v9, v21;
	v20 =	vadd.s32 v29, v20;
	v18 =	vadd.s32 v18, v19;
	v19 =	vld [tilespmem:$0x4360]  }
0x2c9: {  	v15 =	vld [tilespmem:$0x42D0];
	v9 =	vadd.s32 v10, v9;
	v20 =	vadd.s32 v30, v20;
	v18 =	vadd.s32 v53, v18  }
0x2ca: {  	v16 =	vld [tilespmem:$0x42E0];
	v9 =	vadd.s32 v11, v9;
	v20 =	vadd.s32 v31, v20;
	v18 =	vadd.s32 v55, v18  }
0x2cb: {  	v17 =	vld [tilespmem:$0x42F0];
	v9 =	vadd.s32 v12, v9;
	v20 =	vadd.s32 v32, v20;
	v18 =	vadd.s32 v56, v18  }
0x2cc: {  	v9 =	vadd.s32 v13, v9;
	v20 =	vadd.s32 v33, v20;
	v10 =	vadd.s32 v57, v18;
	v18 =	vld [tilespmem:$0x43A0]  }
0x2cd: {  	v11 =	vld [tilespmem:$0x43B0];
	v9 =	vadd.s32 v14, v9;
	v20 =	vadd.s32 v34, v20;
	v10 =	vadd.s32 v19, v10  }
0x2ce: {  	v12 =	vld [tilespmem:$0x43C0];
	v8 =	vadd.s32 v49, v8;
	v19 =	vadd.s32 v35, v20;
	v10 =	vadd.s32 v58, v10  }
0x2cf: {  	v13 =	vld [tilespmem:$0x43D0];
	v9 =	vadd.s32 v15, v9;
	v19 =	vadd.s32 v36, v19;
	v10 =	vadd.s32 v59, v10  }
0x2d0: {  	v14 =	vld [tilespmem:$0x43E0];
	v8 =	vadd.s32 v50, v8;
	v19 =	vadd.s32 v37, v19;
	v10 =	vadd.s32 v60, v10  }
0x2d1: {  	v15 =	vld [tilespmem:$0x43F0];
	v8 =	vadd.s32 v51, v8;
	v19 =	vadd.s32 v38, v19;
	v10 =	vadd.s32 v18, v10  }
0x2d2: {  	v9 =	vadd.s32 v16, v9;
	(xrf0) =	vadd.scan.msk.s32 $0xffff, v8;
	v8 =	vadd.s32 v39, v19;
	v10 =	vadd.s32 v11, v10  }
0x2d3: {  	(xrf0) =	vadd.scan.msk.s32 $0xffff, v8;
	v8 =	vadd.s32 v17, v9;
	v9 =	vadd.s32 v12, v10  }
0x2d4: {  	(xrf0) =	vadd.scan.msk.s32 $0xffff, v8;
	v8 =	vadd.s32 v13, v9  }
0x2d5: {  	v8 =	vadd.s32 v14, v8  }
0x2d6: {  	v8 =	vadd.s32 v15, v8  }
0x2d7: {  	(xrf0) =	vadd.scan.msk.s32 $0xffff, v8;
	_ =	sdelay $0x1  }
0x2d8: {  	v8, _, _ =	vpop (xrf0)  }
0x2d9: {  	(v2sf) =	vpush v8, $0xF;
	v8, _, _ =	vpop (xrf0)  }
0x2da: {  	(v2sf) =	vpush v8, $0xF  }
0x2db: {  	v8, _, _ =	vpop (xrf0)  }
0x2dc: {  	(v2sf) =	vpush v8, $0xF;
	v8, _, _ =	vpop (xrf0)  }
0x2dd: {  	(v2sf) =	vpush v8, $0xF;
	_ =	sdelay $0xa  }
0x2de: {  	s20 =	spop (v2sf)  }
0x2df: {  	s3 =	simm.s32 $0x1;
	s5 =	simm.s32 $0x1;
	s0 =	spop (v2sf)  }
0x2e0: {  	s7 =	simm.s32 $0x1;
	p1 =	slt.s32 s20, $0x1000;
	s0 =	sadd.s32 s20, s0  }
0x2e1: {  	s1 =	spop (v2sf);
	s3 =	simm.s32 @!p1 $0x0;
	p0 =	slt.s32 s0, $0x1000  }
0x2e2: {  	s1 =	sadd.s32 s0, s1;
	s5 =	simm.s32 @!p0 $0x0;
	s6 =	spop (v2sf)  }
0x2e3: {  	p2 =	slt.s32 s1, $0x1000;
	s5 =	sadd.s32 s3, s5;
	s3 =	sadd.s32 s1, s6  }
0x2e4: {  	s7 =	simm.s32 @!p2 $0x0;
	s6 =	simm.s32 $0x1;
	p3 =	slt.s32 s3, $0x1000  }
0x2e5: {  	s5 =	sadd.s32 s7, s5;
	s6 =	simm.s32 @!p3 $0x0  }
0x2e6: {  	s5 =	sadd.s32 s6, s5  }
0x2e7: {  	s21 =	sshll.u32 s5, $0xA  }
0x2e8: {  	s5 =	sshrl.u32 s21, $0x2  }
0x2e9: {  	v8 =	vld [tilespmem:s5+$0x4000]  }
0x2ea: {  	v9 =	vld [tilespmem:s5+$0x4010]  }
0x2eb: {  	v10 =	vld [tilespmem:s5+$0x4020]  }
0x2ec: {  	v11 =	vld [tilespmem:s5+$0x4030]  }
0x2ed: {  	v12 =	vld [tilespmem:s5+$0x4040]  }
0x2ee: {  	v13 =	vld [tilespmem:s5+$0x4050]  }
0x2ef: {  	v14 =	vld [tilespmem:s5+$0x4060]  }
0x2f0: {  	v15 =	vld [tilespmem:s5+$0x4070]  }
0x2f1: {  	v16 =	vld [tilespmem:s5+$0x4080]  }
0x2f2: {  	v17 =	vld [tilespmem:s5+$0x4090]  }
0x2f3: {  	v18 =	vld [tilespmem:s5+$0x40A0]  }
0x2f4: {  	v19 =	vld [tilespmem:s5+$0x40B0]  }
0x2f5: {  	v20 =	vld [tilespmem:s5+$0x40C0]  }
0x2f6: {  	v61 =	vld [tilespmem:s5+$0x40D0]  }
0x2f7: {  	v62 =	vld [tilespmem:s5+$0x40E0]  }
0x2f8: {  	v63 =	vld [tilespmem:s5+$0x40F0];
	[tilespmem:$0x4000] =	vst v1  }
0x2f9: {  	[tilespmem:$0x4010] =	vst v1  }
0x2fa: {  	[tilespmem:$0x4020] =	vst v1;
	(xrf0) =	vadd.scan.msk.s32 $0xffff, v8  }
0x2fb: {  	[tilespmem:$0x4030] =	vst v1;
	(xrf0) =	vadd.scan.msk.s32 $0xffff, v9  }
0x2fc: {  	[tilespmem:$0x4040] =	vst v1;
	(xrf0) =	vadd.scan.msk.s32 $0xffff, v10  }
0x2fd: {  	[tilespmem:$0x4050] =	vst v1  }
0x2fe: {  	[tilespmem:$0x4060] =	vst v1;
	(xrf0) =	vadd.scan.msk.s32 $0xffff, v11  }
0x2ff: {  	[tilespmem:$0x4070] =	vst v1  }
0x300: {  	[tilespmem:$0x4080] =	vst v1;
	v8, _, _ =	vpop (xrf0)  }
0x301: {  	[tilespmem:$0x4090] =	vst v1;
	(v2sf) =	vpush v8, $0xF;
	v8, _, _ =	vpop (xrf0)  }
0x302: {  	[tilespmem:$0x40A0] =	vst v1;
	(v2sf) =	vpush v8, $0xF;
	v8, _, _ =	vpop (xrf0)  }
0x303: {  	[tilespmem:$0x40B0] =	vst v1;
	(xrf0) =	vadd.scan.msk.s32 $0xffff, v12;
	(v2sf) =	vpush v8, $0xF  }
0x304: {  	[tilespmem:$0x40C0] =	vst v1;
	(xrf0) =	vadd.scan.msk.s32 $0xffff, v13;
	v8, _, _ =	vpop (xrf0)  }
0x305: {  	[tilespmem:$0x40D0] =	vst v1;
	(v2sf) =	vpush v8, $0xF  }
0x306: {  	[tilespmem:$0x40E0] =	vst v1  }
0x307: {  	[tilespmem:$0x40F0] =	vst v1;
	(xrf0) =	vadd.scan.msk.s32 $0xffff, v14  }
0x308: {  	[tilespmem:$0x4100] =	vst v1;
	(xrf0) =	vadd.scan.msk.s32 $0xffff, v15  }
0x309: {  	[tilespmem:$0x4110] =	vst v1;
	v8, _, _ =	vpop (xrf0)  }
0x30a: {  	[tilespmem:$0x4120] =	vst v1;
	(v2sf) =	vpush v8, $0xF;
	v8, _, _ =	vpop (xrf0)  }
0x30b: {  	[tilespmem:$0x4130] =	vst v1;
	(v2sf) =	vpush v8, $0xF  }
0x30c: {  	[tilespmem:$0x4140] =	vst v1  }
0x30d: {  	s20 =	simm.s32 @!p1 $0x0;
	[tilespmem:$0x4150] =	vst v1;
	v8, _, _ =	vpop (xrf0)  }
0x30e: {  	s20 =	smov.u32 @p0 s0;
	[tilespmem:$0x4160] =	vst v1;
	(v2sf) =	vpush v8, $0xF;
	v8, _, _ =	vpop (xrf0)  }
0x30f: {  	s0 =	simm.s32 $0x1;
	s20 =	smov.u32 @p2 s1;
	[tilespmem:$0x4170] =	vst v1;
	(v2sf) =	vpush v8, $0xF  }
0x310: {  	s1 =	simm.s32 $0x1;
	s20 =	smov.u32 @p3 s3;
	[tilespmem:$0x4180] =	vst v1;
	s22 =	spop (v2sf)  }
0x311: {  	s3 =	simm.s32 $0x1;
	[tilespmem:$0x4190] =	vst v1;
	(xrf0) =	vadd.scan.msk.s32 $0xffff, v16;
	s23 =	spop (v2sf);
	s22 =	sadd.s32 s22, s20  }
0x312: {  	[tilespmem:$0x41A0] =	vst v1;
	(xrf0) =	vadd.scan.msk.s32 $0xffff, v17;
	s24 =	spop (v2sf);
	p0 =	slt.s32 s22, $0x1000;
	s23 =	sadd.s32 s23, s22  }
0x313: {  	[tilespmem:$0x41B0] =	vst v1;
	(xrf0) =	vadd.scan.msk.s32 $0xffff, v18;
	p1 =	slt.s32 s23, $0x1000;
	s5 =	simm.s32 @!p0 $0x0;
	s1 =	simm.s32 @!p0 $0x0  }
0x314: {  	[tilespmem:$0x41C0] =	vst v1;
	(xrf0) =	vadd.scan.msk.s32 $0xffff, v19;
	s25 =	spop (v2sf);
	s24 =	sadd.s32 s24, s23;
	s5 =	simm.s32 @p0 $0x1  }
0x315: {  	[tilespmem:$0x41D0] =	vst v1;
	s3 =	simm.s32 @!p1 $0x0;
	p0 =	slt.s32 s24, $0x1000;
	s25 =	sadd.s32 s25, s24  }
0x316: {  	[tilespmem:$0x41E0] =	vst v1;
	[smem:$0x7EA] =	sst s5;
	s5 =	simm.s32 @!p1 $0x0;
	s1 =	sadd.s32 s1, s3  }
0x317: {  	[tilespmem:$0x41F0] =	vst v1;
	v8, _, _ =	vpop (xrf0);
	s3 =	simm.s32 @!p0 $0x0;
	s0 =	simm.s32 @!p0 $0x0;
	s5 =	simm.s32 @p1 $0x1  }
0x318: {  	[tilespmem:$0x4200] =	vst v1;
	(xrf0) =	vadd.scan.msk.s32 $0xffff, v20;
	(v2sf) =	vpush v8, $0xF;
	v8, _, _ =	vpop (xrf0);
	s3 =	simm.s32 @p0 $0x1;
	p0 =	slt.s32 s25, $0x1000;
	[smem:$0x7EB] =	sst s5  }
0x319: {  	[tilespmem:$0x4210] =	vst v1;
	(v2sf) =	vpush v8, $0xF;
	v8, _, _ =	vpop (xrf0);
	s26 =	spop (v2sf);
	s0 =	sadd.s32 s0, s1;
	[smem:$0x7EC] =	sst s3  }
0x31a: {  	[tilespmem:$0x4220] =	vst v1;
	(v2sf) =	vpush v8, $0xF;
	v8, _, _ =	vpop (xrf0);
	s3 =	simm.s32 $0x1;
	s1 =	simm.s32 @!p0 $0x0;
	s31 =	spop (v2sf)  }
0x31b: {  	[tilespmem:$0x4230] =	vst v1;
	(xrf0) =	vadd.scan.msk.s32 $0xffff, v61;
	(v2sf) =	vpush v8, $0xF;
	s26 =	sadd.s32 s26, s25;
	s5 =	simm.s32 $0x1;
	s1 =	simm.s32 @p0 $0x1  }
0x31c: {  	[tilespmem:$0x4240] =	vst v1;
	(xrf0) =	vadd.scan.msk.s32 $0xffff, v62;
	s3 =	simm.s32 @!p0 $0x0;
	p0 =	slt.s32 s26, $0x1000;
	s28 =	sadd.s32 s31, s26  }
0x31d: {  	[tilespmem:$0x4250] =	vst v1;
	s6 =	spop (v2sf);
	[smem:$0x7ED] =	sst s1;
	s0 =	sadd.s32 s3, s0  }
0x31e: {  	[tilespmem:$0x4260] =	vst v1;
	v8, _, _ =	vpop (xrf0);
	s3 =	simm.s32 $0x1;
	s1 =	simm.s32 @!p0 $0x0;
	s7 =	spop (v2sf)  }
0x31f: {  	[tilespmem:$0x4270] =	vst v1;
	(xrf0) =	vadd.scan.msk.s32 $0xffff, v63;
	(v2sf) =	vpush v8, $0xF;
	s29 =	sadd.s32 s6, s28;
	s1 =	simm.s32 @p0 $0x1;
	s3 =	simm.s32 @!p0 $0x0  }
0x320: {  	[tilespmem:$0x4280] =	vst v1;
	p0 =	slt.s32 s28, $0x1000;
	s30 =	sadd.s32 s7, s29;
	[smem:$0x7EE] =	sst s1  }
0x321: {  	[tilespmem:$0x4290] =	vst v1;
	v9, _, _ =	vpop (xrf0);
	s1 =	simm.s32 $0x1;
	s0 =	sadd.s32 s3, s0;
	s3 =	simm.s32 @!p0 $0x0  }
0x322: {  	[tilespmem:$0x42A0] =	vst v1;
	(v2sf) =	vpush v9, $0xF;
	v8, _, _ =	vpop (xrf0);
	s3 =	simm.s32 @p0 $0x1;
	s1 =	simm.s32 @!p0 $0x0;
	p0 =	slt.s32 s29, $0x1000  }
0x323: {  	[tilespmem:$0x42B0] =	vst v1;
	(v2sf) =	vpush v8, $0xF;
	s7 =	simm.s32 $0x1;
	[smem:$0x7EF] =	sst s3;
	s3 =	simm.s32 @!p0 $0x0  }
0x324: {  	[tilespmem:$0x42C0] =	vst v1;
	s0 =	sadd.s32 s1, s0;
	s1 =	simm.s32 $0x1;
	s3 =	simm.s32 @p0 $0x1  }
0x325: {  	[tilespmem:$0x42D0] =	vst v1;
	v8, _, _ =	vpop (xrf0);
	s1 =	simm.s32 @!p0 $0x0;
	p0 =	slt.s32 s30, $0x1000;
	[smem:$0x7F0] =	sst s3  }
0x326: {  	[tilespmem:$0x42E0] =	vst v1;
	(v2sf) =	vpush v8, $0xF;
	s3 =	simm.s32 $0x1;
	s0 =	sadd.s32 s1, s0;
	s1 =	simm.s32 @!p0 $0x0  }
0x327: {  	[tilespmem:$0x42F0] =	vst v1;
	s10 =	spop (v2sf);
	s1 =	simm.s32 @p0 $0x1;
	s3 =	simm.s32 @!p0 $0x0  }
0x328: {  	[tilespmem:$0x4300] =	vst v1;
	s14 =	spop (v2sf);
	s3 =	sadd.s32 s3, s0;
	s0 =	sadd.s32 s10, s30  }
0x329: {  	[tilespmem:$0x4310] =	vst v1;
	[smem:$0x7F1] =	sst s1;
	s15 =	spop (v2sf);
	p0 =	slt.s32 s0, $0x1000  }
0x32a: {  	[tilespmem:$0x4320] =	vst v1;
	s1 =	sadd.s32 s14, s0;
	s16 =	spop (v2sf);
	s6 =	simm.s32 @!p0 $0x0  }
0x32b: {  	[tilespmem:$0x4330] =	vst v1;
	s5 =	simm.s32 @!p0 $0x0;
	s15 =	sadd.s32 s15, s1;
	s6 =	simm.s32 @p0 $0x1  }
0x32c: {  	[tilespmem:$0x4340] =	vst v1;
	p0 =	slt.s32 s1, $0x1000;
	s3 =	sadd.s32 s5, s3;
	p3 =	slt.s32 s15, $0x1000  }
0x32d: {  	[tilespmem:$0x4350] =	vst v1;
	[smem:$0x7F2] =	sst s6;
	s6 =	simm.s32 $0x1;
	s5 =	simm.s32 @!p0 $0x0  }
0x32e: {  	[tilespmem:$0x4360] =	vst v1;
	s7 =	simm.s32 @!p3 $0x0;
	s10 =	spop (v2sf);
	s6 =	simm.s32 @!p0 $0x0  }
0x32f: {  	[tilespmem:$0x4370] =	vst v1;
	s5 =	simm.s32 @p0 $0x1;
	s6 =	sadd.s32 s6, s3;
	s3 =	sadd.s32 s16, s15  }
0x330: {  	[tilespmem:$0x4380] =	vst v1;
	[smem:$0x7F3] =	sst s5;
	s5 =	simm.s32 $0x1;
	p4 =	slt.s32 s3, $0x1000  }
0x331: {  	[tilespmem:$0x4390] =	vst v1;
	s17 =	spop (v2sf);
	s6 =	sadd.s32 s7, s6;
	s5 =	simm.s32 @!p4 $0x0  }
0x332: {  	[tilespmem:$0x43A0] =	vst v1;
	s16 =	spop (v2sf);
	s14 =	sadd.s32 s5, s6;
	s5 =	sadd.s32 s10, s3  }
0x333: {  	[tilespmem:$0x43B0] =	vst v1;
	s10 =	simm.s32 $0x1;
	s6 =	sadd.s32 s17, s5;
	p5 =	slt.s32 s5, $0x1000  }
0x334: {  	[tilespmem:$0x43C0] =	vst v1;
	s7 =	simm.s32 $0x1;
	s10 =	simm.s32 @!p5 $0x0;
	p6 =	slt.s32 s6, $0x1000  }
0x335: {  	[tilespmem:$0x43D0] =	vst v1;
	s31 =	spop (v2sf);
	s10 =	sadd.s32 s10, s14;
	s7 =	simm.s32 @!p6 $0x0  }
0x336: {  	[tilespmem:$0x43E0] =	vst v1;
	s17 =	simm.s32 $0x1;
	s10 =	sadd.s32 s7, s10;
	s7 =	sadd.s32 s16, s6  }
0x337: {  	[tilespmem:$0x43F0] =	vst v1;
	s16 =	sadd.s32 s31, s7;
	p0 =	slt.s32 s7, $0x1000;
	s31 =	simm.s32 $0x2040  }
0x338: {  	s14 =	simm.s32 $0x1;
	s17 =	simm.s32 @!p0 $0x0;
	p1 =	slt.s32 s16, $0x1000;
	v9 =	vld [tilespmem:s31+$0x30]  }
0x339: {  	v10 =	vld [tilespmem:s31+$0xFFFFFFD0];
	s10 =	sadd.s32 s17, s10;
	s14 =	simm.s32 @!p1 $0x0  }
0x33a: {  	v11 =	vld [tilespmem:s31+$0xFFFFFFE0];
	s10 =	sadd.s32 s14, s10  }
0x33b: {  	v12 =	vld [tilespmem:s31+$0xFFFFFFF0];
	s10 =	sshll.u32 s10, $0x6  }
0x33c: {  	v13 =	vld [tilespmem:s31+$0x0];
	s21 =	sadd.s32 s21, s10  }
0x33d: {  	v14 =	vld [tilespmem:s31+$0x10];
	s10 =	sadd.s32 $0xFFFFFFC0, s21  }
0x33e: {  	v15 =	vld [tilespmem:s31+$0x20];
	v8 =	vmov s10  }
0x33f: {  	v16 =	vld [tilespmem:s31+$0xFFFFFFC0];
	v8 =	vcvt.s32.f32 v8  }
0x340: {  	v9 =	vmul.f32 $4.096000000e+03, v9  }
0x341: {  	v10 =	vmul.f32 $4.096000000e+03, v10;
	v8 =	vbroadcast v8, $0x0  }
0x342: {  	v4 =	vadd.f32 v4, v7;
	v11 =	vmul.f32 $4.096000000e+03, v11;
	v12 =	vmul.f32 $4.096000000e+03, v12  }
0x343: {  	v13 =	vmul.f32 $4.096000000e+03, v13;
	v14 =	vmul.f32 $4.096000000e+03, v14;
	v9 =	vsub.f32 v9, v8  }
0x344: {  	v15 =	vmul.f32 $4.096000000e+03, v15;
	v16 =	vmul.f32 $4.096000000e+03, v16;
	v10 =	vsub.f32 v10, v8  }
0x345: {  	v11 =	vsub.f32 v11, v8;
	v12 =	vsub.f32 v12, v8;
	v9 =	vtrunc.f32 v9  }
0x346: {  	v13 =	vsub.f32 v13, v8;
	v15 =	vsub.f32 v15, v8;
	v9 =	vcvt.f32.s32 v9  }
0x347: {  	v16 =	vsub.f32 v16, v8;
	v10 =	vtrunc.f32 v10;
	v11 =	vtrunc.f32 v11  }
0x348: {  	v12 =	vtrunc.f32 v12;
	v18 =	vtrunc.f32 v13;
	v17 =	vand.u32 $0xFFFFFFC0, v9  }
0x349: {  	v15 =	vtrunc.f32 v15;
	v9 =	vshll.u32 v9, $0x4;
	vm0 =	veq.s32 v17, $0x40  }
0x34a: {  	v13 =	vcvt.f32.s32 v10;
	v11 =	vcvt.f32.s32 v11;
	v19 =	vadd.s32 v3, v9  }
0x34b: {  	v14 =	vsub.f32 v14, v8;
	v12 =	vcvt.f32.s32 v12;
	v7 =	vcvt.f32.s32 v18  }
0x34c: {  	v5 =	vadd.f32 v5, v6;
	v6 =	vcvt.f32.s32 v15;
	v9 =	vtrunc.f32 v16  }
0x34d: {  	v16 =	vtrunc.f32 v14;
	v17 =	vcvt.f32.s32 v9  }
0x34e: {  	v18 =	vand.u32 $0xFFFFFFC0, v11;
	v15 =	vand.u32 $0xFFFFFFC0, v7;
	v10 =	vcvt.f32.s32 v16  }
0x34f: {  	s17 =	simm.s32 $0x20C0;
	s14 =	simm.s32 $0x0;
	v14 =	vand.u32 $0xFFFFFFC0, v13;
	v16 =	vand.u32 $0xFFFFFFC0, v12;
	v9 =	vand.u32 $0xFFFFFFC0, v17;
	[tilespmem:v19+s12+$0x0] =	vst.idx.add.s32.msk vm0, v2  }
.LBB2_9:
0x350: {  	v19 =	vld [tilespmem:s17+$0x30];
	s14 =	sadd.s32 $0x8, s14;
	v17 =	vshll.u32 v17, $0x4;
	v20 =	vand.u32 $0xFFFFFFC0, v10;
	v21 =	vand.u32 $0xFFFFFFC0, v6  }
0x351: {  	v13 =	vshll.u32 v13, $0x4;
	v11 =	vshll.u32 v11, $0x4;
	v12 =	vshll.u32 v12, $0x4;
	v22 =	vld [tilespmem:s17+$0xFFFFFFD0];
	p2 =	slt.u32 s14, $0x1F8  }
0x352: {  	v7 =	vshll.u32 v7, $0x4;
	v10 =	vshll.u32 v10, $0x4;
	v6 =	vshll.u32 v6, $0x4;
	v23 =	vld [tilespmem:s17+$0xFFFFFFE0]  }
0x353: {  	vm6 =	veq.s32 v9, $0x40;
	vm5 =	veq.s32 v14, $0x40;
	vm4 =	veq.s32 v18, $0x40;
	v24 =	vld [tilespmem:s17+$0xFFFFFFF0]  }
0x354: {  	vm3 =	veq.s32 v16, $0x40;
	vm2 =	veq.s32 v15, $0x40;
	vm1 =	veq.s32 v20, $0x40;
	v9 =	vld [tilespmem:s17+$0x0]  }
0x355: {  	v16 =	vadd.s32 v3, v17;
	vm0 =	veq.s32 v21, $0x40;
	v14 =	vld [tilespmem:s17+$0x10];
	v15 =	vmul.f32 $4.096000000e+03, v19  }
0x356: {  	v13 =	vadd.s32 v3, v13;
	v11 =	vadd.s32 v3, v11;
	v17 =	vmul.f32 $4.096000000e+03, v22;
	v18 =	vld [tilespmem:s17+$0x20]  }
0x357: {  	v12 =	vadd.s32 v3, v12;
	v19 =	vld [tilespmem:s17+$0xFFFFFFC0];
	v20 =	vmul.f32 $4.096000000e+03, v23;
	v15 =	vsub.f32 v15, v8  }
0x358: {  	v7 =	vadd.s32 v3, v7;
	v17 =	vsub.f32 v17, v8;
	v21 =	vmul.f32 $4.096000000e+03, v24  }
0x359: {  	v20 =	vsub.f32 v20, v8;
	v9 =	vmul.f32 $4.096000000e+03, v9;
	v15 =	vtrunc.f32 v15  }
0x35a: {  	v21 =	vsub.f32 v21, v8;
	v14 =	vmul.f32 $4.096000000e+03, v14;
	v15 =	vcvt.f32.s32 v15;
	[tilespmem:v16+s12+$0x0] =	vst.idx.add.s32.msk vm6, v2  }
0x35b: {  	v16 =	vtrunc.f32 v17;
	v9 =	vsub.f32 v9, v8;
	v17 =	vmul.f32 $4.096000000e+03, v18;
	[tilespmem:v13+s12+$0x0] =	vst.idx.add.s32.msk vm5, v2  }
0x35c: {  	v13 =	vmul.f32 $4.096000000e+03, v19;
	v14 =	vsub.f32 v14, v8;
	v18 =	vand.u32 $0xFFFFFFC0, v15;
	[tilespmem:v11+s12+$0x0] =	vst.idx.add.s32.msk vm4, v2  }
0x35d: {  	v15 =	vshll.u32 v15, $0x4;
	v11 =	vsub.f32 v17, v8;
	vm4 =	veq.s32 v18, $0x40;
	[tilespmem:v12+s12+$0x0] =	vst.idx.add.s32.msk vm3, v2  }
0x35e: {  	v18 =	vtrunc.f32 v20;
	v15 =	vadd.s32 v3, v15;
	v12 =	vsub.f32 v13, v8;
	[tilespmem:v7+s12+$0x0] =	vst.idx.add.s32.msk vm2, v2  }
0x35f: {  	v19 =	vtrunc.f32 v9;
	v20 =	vadd.s32 v3, v10;
	v7 =	vtrunc.f32 v21  }
0x360: {  	v10 =	vtrunc.f32 v14;
	v21 =	vadd.s32 v3, v6;
	v9 =	vtrunc.f32 v12  }
.Ltmp3:
0x361: {  	v6 =	vtrunc.f32 v11;
	v17 =	vcvt.f32.s32 v9;
	(pc) =	sbr.rel @p2 .LBB2_9-.Ltmp3, $4  }
0x362: {  	v13 =	vcvt.f32.s32 v16;
	v11 =	vcvt.f32.s32 v18  }
0x363: {  	v12 =	vcvt.f32.s32 v7;
	v7 =	vcvt.f32.s32 v19;
	v9 =	vand.u32 $0xFFFFFFC0, v17;
	[tilespmem:v15+s12+$0x0] =	vst.idx.add.s32.msk vm4, v2  }
0x364: {  	v10 =	vcvt.f32.s32 v10;
	v14 =	vand.u32 $0xFFFFFFC0, v13;
	v6 =	vcvt.f32.s32 v6;
	[tilespmem:v20+s12+$0x0] =	vst.idx.add.s32.msk vm1, v2  }
0x365: {  	s17 =	sadd.s32 $0x80, s17;
	v18 =	vand.u32 $0xFFFFFFC0, v11;
	v16 =	vand.u32 $0xFFFFFFC0, v12;
	v15 =	vand.u32 $0xFFFFFFC0, v7;
	[tilespmem:v21+s12+$0x0] =	vst.idx.add.s32.msk vm0, v2  }
0x366: {  	v8 =	vshll.u32 v17, $0x4  }
0x367: {  	v47 =	vand.u32 $0xFFFFFFC0, v10;
	v19 =	vand.u32 $0xFFFFFFC0, v6;
	vm0 =	veq.s32 v9, $0x40  }
0x368: {  	v48 =	vshll.u32 v13, $0x4;
	vm1 =	veq.s32 v14, $0x40;
	v8 =	vadd.s32 v3, v8  }
0x369: {  	v11 =	vshll.u32 v11, $0x4;
	vm2 =	veq.s32 v18, $0x40;
	v9 =	vadd.s32 v3, v48  }
0x36a: {  	v12 =	vshll.u32 v12, $0x4;
	vm3 =	veq.s32 v16, $0x40;
	v11 =	vadd.s32 v3, v11  }
0x36b: {  	v7 =	vshll.u32 v7, $0x4;
	vm4 =	veq.s32 v15, $0x40;
	v12 =	vadd.s32 v3, v12  }
0x36c: {  	v49 =	vshll.u32 v10, $0x4;
	vm5 =	veq.s32 v47, $0x40;
	v7 =	vadd.s32 v3, v7  }
0x36d: {  	v50 =	vshll.u32 v6, $0x4;
	vm6 =	veq.s32 v19, $0x40;
	v51 =	vadd.s32 v3, v49;
	[tilespmem:v8+s12+$0x0] =	vst.idx.add.s32.msk vm0, v2  }
0x36e: {  	v6 =	vadd.s32 v3, v50;
	[tilespmem:v9+s12+$0x0] =	vst.idx.add.s32.msk vm1, v2  }
0x36f: {  	[tilespmem:v11+s12+$0x0] =	vst.idx.add.s32.msk vm2, v2  }
0x370: {  	[tilespmem:v12+s12+$0x0] =	vst.idx.add.s32.msk vm3, v2  }
0x371: {  	[tilespmem:v7+s12+$0x0] =	vst.idx.add.s32.msk vm4, v2  }
0x372: {  	[tilespmem:v51+s12+$0x0] =	vst.idx.add.s32.msk vm5, v2  }
0x373: {  	[tilespmem:v6+s12+$0x0] =	vst.idx.add.s32.msk vm6, v2  }
0x374: {  	v6 =	vld [tilespmem:$0x4000]  }
0x375: {  	v7 =	vld [tilespmem:$0x4010]  }
0x376: {  	v8 =	vld [tilespmem:$0x4020]  }
0x377: {  	v9 =	vld [tilespmem:$0x4030]  }
0x378: {  	v52 =	vld [tilespmem:$0x4040]  }
0x379: {  	v11 =	vld [tilespmem:$0x4050]  }
0x37a: {  	v12 =	vld [tilespmem:$0x4060]  }
0x37b: {  	v53 =	vld [tilespmem:$0x4070]  }
0x37c: {  	v54 =	vld [tilespmem:$0x4080]  }
0x37d: {  	v55 =	vld [tilespmem:$0x4090]  }
0x37e: {  	v56 =	vld [tilespmem:$0x40A0]  }
0x37f: {  	v57 =	vld [tilespmem:$0x40B0]  }
0x380: {  	v58 =	vld [tilespmem:$0x40C0]  }
0x381: {  	v59 =	vld [tilespmem:$0x40D0]  }
0x382: {  	v20 =	vld [tilespmem:$0x40E0]  }
0x383: {  	v21 =	vld [tilespmem:$0x40F0]  }
0x384: {  	v22 =	vld [tilespmem:$0x4100]  }
0x385: {  	v23 =	vld [tilespmem:$0x4110]  }
0x386: {  	v24 =	vld [tilespmem:$0x4120]  }
0x387: {  	v25 =	vld [tilespmem:$0x4130]  }
0x388: {  	v26 =	vld [tilespmem:$0x4140]  }
0x389: {  	v27 =	vld [tilespmem:$0x4150]  }
0x38a: {  	v28 =	vld [tilespmem:$0x4160]  }
0x38b: {  	v29 =	vld [tilespmem:$0x4170]  }
0x38c: {  	v30 =	vld [tilespmem:$0x4180]  }
0x38d: {  	v31 =	vld [tilespmem:$0x4190]  }
0x38e: {  	v32 =	vld [tilespmem:$0x41A0]  }
0x38f: {  	v33 =	vld [tilespmem:$0x41B0]  }
0x390: {  	v34 =	vld [tilespmem:$0x41C0]  }
0x391: {  	v35 =	vld [tilespmem:$0x41D0]  }
0x392: {  	v36 =	vld [tilespmem:$0x41E0]  }
0x393: {  	v37 =	vld [tilespmem:$0x41F0]  }
0x394: {  	v38 =	vld [tilespmem:$0x4200]  }
0x395: {  	v39 =	vld [tilespmem:$0x4210]  }
0x396: {  	v40 =	vld [tilespmem:$0x4220]  }
0x397: {  	v41 =	vld [tilespmem:$0x4230]  }
0x398: {  	v42 =	vld [tilespmem:$0x4240]  }
0x399: {  	v43 =	vld [tilespmem:$0x4250]  }
0x39a: {  	v44 =	vld [tilespmem:$0x4260]  }
0x39b: {  	v60 =	vld [tilespmem:$0x4270]  }
0x39c: {  	v61 =	vld [tilespmem:$0x4280]  }
0x39d: {  	v62 =	vld [tilespmem:$0x4290]  }
0x39e: {  	v63 =	vld [tilespmem:$0x42A0]  }
0x39f: {  	v47 =	vld [tilespmem:$0x4300]  }
0x3a0: {  	v48 =	vld [tilespmem:$0x4310]  }
0x3a1: {  	v50 =	vld [tilespmem:$0x4320]  }
0x3a2: {  	v13 =	vld [tilespmem:$0x42D0];
	v6 =	vadd.s32 v6, v7  }
0x3a3: {  	v45 =	vld [tilespmem:$0x42E0];
	v6 =	vadd.s32 v8, v6  }
0x3a4: {  	v46 =	vld [tilespmem:$0x42F0];
	v49 =	vadd.s32 v22, v23;
	v51 =	vadd.s32 v38, v39;
	v6 =	vadd.s32 v9, v6  }
0x3a5: {  	v16 =	vadd.s32 v47, v48;
	v18 =	vadd.s32 v24, v49;
	v6 =	vadd.s32 v52, v6;
	v52 =	vld [tilespmem:$0x4330]  }
0x3a6: {  	v19 =	vadd.s32 v40, v51;
	v16 =	vadd.s32 v50, v16;
	v6 =	vadd.s32 v11, v6;
	v11 =	vld [tilespmem:$0x42B0]  }
0x3a7: {  	v18 =	vadd.s32 v25, v18;
	v19 =	vadd.s32 v41, v19;
	v6 =	vadd.s32 v12, v6;
	v12 =	vld [tilespmem:$0x42C0]  }
0x3a8: {  	v18 =	vadd.s32 v26, v18;
	v19 =	vadd.s32 v42, v19;
	v6 =	vadd.s32 v53, v6;
	v53 =	vld [tilespmem:$0x4340]  }
0x3a9: {  	v18 =	vadd.s32 v27, v18;
	v19 =	vadd.s32 v43, v19;
	v6 =	vadd.s32 v54, v6;
	v54 =	vld [tilespmem:$0x4350]  }
0x3aa: {  	v18 =	vadd.s32 v28, v18;
	v19 =	vadd.s32 v44, v19;
	v6 =	vadd.s32 v55, v6;
	v55 =	vld [tilespmem:$0x4360]  }
0x3ab: {  	v18 =	vadd.s32 v29, v18;
	v7 =	vadd.s32 v60, v19;
	v6 =	vadd.s32 v56, v6;
	v56 =	vld [tilespmem:$0x4370]  }
0x3ac: {  	v18 =	vadd.s32 v30, v18;
	v16 =	vadd.s32 v52, v16;
	v6 =	vadd.s32 v57, v6;
	v57 =	vld [tilespmem:$0x4380]  }
0x3ad: {  	v7 =	vadd.s32 v61, v7;
	v6 =	vadd.s32 v58, v6;
	v16 =	vadd.s32 v53, v16;
	v58 =	vld [tilespmem:$0x4390]  }
0x3ae: {  	v60 =	vld [tilespmem:$0x43A0];
	v18 =	vadd.s32 v31, v18;
	v6 =	vadd.s32 v59, v6;
	v59 =	vadd.s32 v54, v16  }
0x3af: {  	v61 =	vld [tilespmem:$0x43B0];
	v7 =	vadd.s32 v62, v7;
	v18 =	vadd.s32 v32, v18;
	v8 =	vadd.s32 v55, v59  }
0x3b0: {  	v7 =	vadd.s32 v63, v7;
	v63 =	vld [tilespmem:$0x43C0];
	v62 =	vadd.s32 v33, v18;
	v8 =	vadd.s32 v56, v8  }
0x3b1: {  	v17 =	vadd.s32 v34, v62;
	v6 =	vadd.s32 v20, v6;
	v20 =	vld [tilespmem:$0x43D0];
	v8 =	vadd.s32 v57, v8  }
0x3b2: {  	v17 =	vadd.s32 v35, v17;
	v6 =	vadd.s32 v21, v6;
	v21 =	vld [tilespmem:$0x43E0];
	v8 =	vadd.s32 v58, v8  }
0x3b3: {  	v22 =	vld [tilespmem:$0x43F0];
	v7 =	vadd.s32 v11, v7;
	v17 =	vadd.s32 v36, v17;
	v8 =	vadd.s32 v60, v8  }
0x3b4: {  	v7 =	vadd.s32 v12, v7;
	v23 =	vadd.s32 v37, v17;
	(xrf0) =	vadd.scan.msk.s32 $0xffff, v6;
	v8 =	vadd.s32 v61, v8  }
0x3b5: {  	v7 =	vadd.s32 v13, v7;
	(xrf0) =	vadd.scan.msk.s32 $0xffff, v23;
	v25 =	vadd.s32 v63, v8  }
0x3b6: {  	v7 =	vadd.s32 v45, v7;
	v26 =	vadd.s32 v20, v25  }
0x3b7: {  	v24 =	vadd.s32 v46, v7;
	v6 =	vadd.s32 v21, v26  }
0x3b8: {  	s10 =	sld [smem:$0x7EA];
	(xrf0) =	vadd.scan.msk.s32 $0xffff, v24;
	v6 =	vadd.s32 v22, v6  }
0x3b9: {  	s31 =	sld [smem:$0x7EB];
	(xrf0) =	vadd.scan.msk.s32 $0xffff, v6  }
0x3ba: {  	s14 =	sld [smem:$0x7EC];
	v27, _, _ =	vpop (xrf0)  }
0x3bb: {  	s17 =	sld [smem:$0x7ED];
	p2 =	seq.s32 s10, $0x1;
	(v2sf) =	vpush v27, $0xF;
	v28, _, _ =	vpop (xrf0)  }
0x3bc: {  	s20 =	smov.u32 @p2 s22;
	p2 =	seq.s32 s31, $0x1;
	s22 =	sld [smem:$0x7EE];
	(v2sf) =	vpush v28, $0xF  }
0x3bd: {  	s20 =	smov.u32 @p2 s23;
	p2 =	seq.s32 s14, $0x1;
	s23 =	sld [smem:$0x7EF]  }
0x3be: {  	s20 =	smov.u32 @p2 s24;
	p2 =	seq.s32 s17, $0x1;
	s24 =	sld [smem:$0x7F0];
	v29, _, _ =	vpop (xrf0)  }
0x3bf: {  	s20 =	smov.u32 @p2 s25;
	p2 =	seq.s32 s22, $0x1;
	s25 =	sld [smem:$0x7F1];
	(v2sf) =	vpush v29, $0xF;
	v30, _, _ =	vpop (xrf0)  }
0x3c0: {  	s20 =	smov.u32 @p2 s26;
	p2 =	seq.s32 s23, $0x1;
	s26 =	sld [smem:$0x7F2];
	(v2sf) =	vpush v30, $0xF  }
0x3c1: {  	s20 =	smov.u32 @p2 s28;
	p2 =	seq.s32 s24, $0x1;
	s28 =	sld [smem:$0x7F3]  }
0x3c2: {  	s20 =	smov.u32 @p2 s29;
	p2 =	seq.s32 s25, $0x1  }
0x3c3: {  	s20 =	smov.u32 @p2 s30;
	p2 =	seq.s32 s26, $0x1  }
0x3c4: {  	s20 =	smov.u32 @p2 s0;
	p2 =	seq.s32 s28, $0x1  }
0x3c5: {  	s20 =	smov.u32 @p2 s1  }
0x3c6: {  	s20 =	smov.u32 @p3 s15  }
0x3c7: {  	s20 =	smov.u32 @p4 s3  }
0x3c8: {  	s20 =	smov.u32 @p5 s5  }
0x3c9: {  	s20 =	smov.u32 @p6 s6  }
0x3ca: {  	s20 =	smov.u32 @p0 s7;
	s3 =	spop (v2sf)  }
0x3cb: {  	s20 =	smov.u32 @p1 s16;
	s29 =	spop (v2sf)  }
0x3cc: {  	s1 =	simm.s32 $0x1;
	s0 =	ssub.s32 $0x1000, s20;
	s5 =	sadd.s32 s3, s29  }
0x3cd: {  	s7 =	simm.s32 $0x1;
	p0 =	slt.s32 s3, s0;
	p1 =	slt.s32 s5, s0  }
0x3ce: {  	s30 =	spop (v2sf);
	s1 =	simm.s32 @!p0 $0x0;
	s7 =	simm.s32 @!p1 $0x0  }
0x3cf: {  	s1 =	sadd.s32 s1, s7;
	s7 =	sadd.s32 s5, s30;
	s31 =	spop (v2sf)  }
0x3d0: {  	s14 =	simm.s32 $0x1;
	p2 =	slt.s32 s7, s0;
	s6 =	sadd.s32 s7, s31  }
0x3d1: {  	s10 =	simm.s32 $0x1;
	s14 =	simm.s32 @!p2 $0x0;
	p3 =	slt.s32 s6, s0  }
0x3d2: {  	s1 =	sadd.s32 s14, s1;
	s10 =	simm.s32 @!p3 $0x0  }
0x3d3: {  	s1 =	sadd.s32 s10, s1  }
0x3d4: {  	s10 =	sshll.u32 s1, $0x8  }
0x3d5: {  	v31 =	vld [tilespmem:s10+$0x4000]  }
0x3d6: {  	v32 =	vld [tilespmem:s10+$0x4010]  }
0x3d7: {  	v33 =	vld [tilespmem:s10+$0x4020]  }
0x3d8: {  	v34 =	vld [tilespmem:s10+$0x4030]  }
0x3d9: {  	v35 =	vld [tilespmem:s10+$0x4040]  }
0x3da: {  	v36 =	vld [tilespmem:s10+$0x4050]  }
0x3db: {  	v37 =	vld [tilespmem:s10+$0x4060]  }
0x3dc: {  	v38 =	vld [tilespmem:s10+$0x4070];
	(xrf0) =	vadd.scan.msk.s32 $0xffff, v31  }
0x3dd: {  	v39 =	vld [tilespmem:s10+$0x4080];
	(xrf0) =	vadd.scan.msk.s32 $0xffff, v32  }
0x3de: {  	v40 =	vld [tilespmem:s10+$0x4090];
	(xrf0) =	vadd.scan.msk.s32 $0xffff, v33  }
0x3df: {  	v41 =	vld [tilespmem:s10+$0x40A0]  }
0x3e0: {  	v43 =	vld [tilespmem:s10+$0x40B0];
	(xrf0) =	vadd.scan.msk.s32 $0xffff, v34  }
0x3e1: {  	v45 =	vld [tilespmem:s10+$0x40C0];
	(xrf0) =	vadd.scan.msk.s32 $0xffff, v35  }
0x3e2: {  	v49 =	vld [tilespmem:s10+$0x40D0];
	v42, _, _ =	vpop (xrf0)  }
0x3e3: {  	v53 =	vld [tilespmem:s10+$0x40E0];
	(v2sf) =	vpush v42, $0xF;
	v44, _, _ =	vpop (xrf0)  }
0x3e4: {  	v56 =	vld [tilespmem:s10+$0x40F0];
	[tilespmem:$0x4000] =	vst v1;
	(xrf0) =	vadd.scan.msk.s32 $0xffff, v36;
	(v2sf) =	vpush v44, $0xF;
	v46, _, _ =	vpop (xrf0)  }
0x3e5: {  	[tilespmem:$0x4010] =	vst v1;
	(v2sf) =	vpush v46, $0xF  }
0x3e6: {  	[tilespmem:$0x4020] =	vst v1;
	(xrf0) =	vadd.scan.msk.s32 $0xffff, v37;
	v47, _, _ =	vpop (xrf0)  }
0x3e7: {  	[tilespmem:$0x4030] =	vst v1;
	(v2sf) =	vpush v47, $0xF;
	v48, _, _ =	vpop (xrf0)  }
0x3e8: {  	[tilespmem:$0x4040] =	vst v1;
	(xrf0) =	vadd.scan.msk.s32 $0xffff, v38;
	(v2sf) =	vpush v48, $0xF  }
0x3e9: {  	[tilespmem:$0x4050] =	vst v1  }
0x3ea: {  	[tilespmem:$0x4060] =	vst v1;
	(xrf0) =	vadd.scan.msk.s32 $0xffff, v39;
	v50, _, _ =	vpop (xrf0)  }
0x3eb: {  	[tilespmem:$0x4070] =	vst v1;
	(v2sf) =	vpush v50, $0xF  }
0x3ec: {  	[tilespmem:$0x4080] =	vst v1;
	(xrf0) =	vadd.scan.msk.s32 $0xffff, v40;
	v51, _, _ =	vpop (xrf0)  }
0x3ed: {  	[tilespmem:$0x4090] =	vst v1;
	(v2sf) =	vpush v51, $0xF  }
0x3ee: {  	[tilespmem:$0x40A0] =	vst v1;
	(xrf0) =	vadd.scan.msk.s32 $0xffff, v41;
	v52, _, _ =	vpop (xrf0)  }
0x3ef: {  	s3 =	simm.s32 @!p0 $0x0;
	[tilespmem:$0x40B0] =	vst v1;
	(xrf0) =	vadd.scan.msk.s32 $0xffff, v43;
	(v2sf) =	vpush v52, $0xF  }
0x3f0: {  	s3 =	smov.u32 @p1 s5;
	[tilespmem:$0x40C0] =	vst v1;
	v54, _, _ =	vpop (xrf0)  }
0x3f1: {  	s3 =	smov.u32 @p2 s7;
	[tilespmem:$0x40D0] =	vst v1;
	(xrf0) =	vadd.scan.msk.s32 $0xffff, v45;
	(v2sf) =	vpush v54, $0xF  }
0x3f2: {  	s28 =	simm.s32 $0x1;
	s3 =	smov.u32 @p3 s6;
	[tilespmem:$0x40E0] =	vst v1;
	v55, _, _ =	vpop (xrf0);
	s14 =	spop (v2sf)  }
0x3f3: {  	s1 =	sshll.u32 s1, $0x4;
	[tilespmem:$0x40F0] =	vst v1;
	s10 =	simm.s32 $0x1;
	(xrf0) =	vadd.scan.msk.s32 $0xffff, v49;
	(v2sf) =	vpush v55, $0xF;
	s20 =	spop (v2sf)  }
0x3f4: {  	[tilespmem:$0x4100] =	vst v1;
	s1 =	sadd.s32 s21, s1;
	v57, _, _ =	vpop (xrf0);
	s3 =	sadd.s32 s14, s3;
	s17 =	spop (v2sf)  }
0x3f5: {  	[tilespmem:$0x4110] =	vst v1;
	v58, _, _ =	vpop (xrf0);
	(v2sf) =	vpush v57, $0xF;
	p0 =	slt.s32 s3, s0;
	s14 =	sadd.s32 s20, s3;
	s20 =	simm.s32 $0x1  }
0x3f6: {  	[tilespmem:$0x4120] =	vst v1;
	(v2sf) =	vpush v58, $0xF;
	s22 =	spop (v2sf);
	s10 =	simm.s32 @!p0 $0x0;
	p0 =	slt.s32 s14, s0  }
0x3f7: {  	[tilespmem:$0x4130] =	vst v1;
	v59, _, _ =	vpop (xrf0);
	s6 =	sadd.s32 s17, s14;
	s17 =	simm.s32 $0x1;
	s23 =	spop (v2sf)  }
0x3f8: {  	[tilespmem:$0x4140] =	vst v1;
	(xrf0) =	vadd.scan.msk.s32 $0xffff, v53;
	(v2sf) =	vpush v59, $0xF;
	s28 =	simm.s32 @!p0 $0x0;
	p0 =	slt.s32 s6, s0;
	s29 =	sadd.s32 s22, s6  }
0x3f9: {  	[tilespmem:$0x4150] =	vst v1;
	v60, _, _ =	vpop (xrf0);
	(xrf0) =	vadd.scan.msk.s32 $0xffff, v56;
	s22 =	simm.s32 $0x1;
	s1 =	sor.u32 s10, s1;
	s10 =	simm.s32 $0x1  }
0x3fa: {  	[tilespmem:$0x4160] =	vst v1;
	s6 =	simm.s32 $0x1;
	s31 =	spop (v2sf);
	s17 =	simm.s32 @!p0 $0x0  }
0x3fb: {  	[tilespmem:$0x4170] =	vst v1;
	p0 =	slt.s32 s29, s0;
	s14 =	sadd.s32 s23, s29;
	s29 =	simm.s32 $0x1  }
0x3fc: {  	[tilespmem:$0x4180] =	vst v1;
	s1 =	sadd.s32 s28, s1;
	s24 =	spop (v2sf);
	s20 =	simm.s32 @!p0 $0x0  }
0x3fd: {  	[tilespmem:$0x4190] =	vst v1;
	(v2sf) =	vpush v60, $0xF;
	p0 =	slt.s32 s14, s0;
	s23 =	sadd.s32 s31, s14;
	s1 =	sadd.s32 s17, s1  }
0x3fe: {  	[tilespmem:$0x41A0] =	vst v1;
	v61, _, _ =	vpop (xrf0);
	s25 =	spop (v2sf);
	s22 =	simm.s32 @!p0 $0x0;
	p0 =	slt.s32 s23, s0  }
0x3ff: {  	[tilespmem:$0x41B0] =	vst v1;
	(v2sf) =	vpush v61, $0xF;
	v62, _, _ =	vpop (xrf0);
	s23 =	sadd.s32 s24, s23;
	s24 =	simm.s32 $0x1;
	s1 =	sadd.s32 s20, s1  }
0x400: {  	[tilespmem:$0x41C0] =	vst v1;
	(v2sf) =	vpush v62, $0xF;
	s26 =	spop (v2sf);
	s29 =	simm.s32 @!p0 $0x0;
	p0 =	slt.s32 s23, s0  }
0x401: {  	[tilespmem:$0x41D0] =	vst v1;
	s23 =	sadd.s32 s25, s23;
	s25 =	simm.s32 $0x1;
	s1 =	sadd.s32 s22, s1  }
0x402: {  	[tilespmem:$0x41E0] =	vst v1;
	s16 =	spop (v2sf);
	s24 =	simm.s32 @!p0 $0x0;
	p0 =	slt.s32 s23, s0  }
0x403: {  	[tilespmem:$0x41F0] =	vst v1;
	s23 =	sadd.s32 s26, s23;
	s26 =	simm.s32 $0x1;
	s1 =	sadd.s32 s29, s1  }
0x404: {  	[tilespmem:$0x4200] =	vst v1;
	s15 =	spop (v2sf);
	s25 =	simm.s32 @!p0 $0x0;
	p0 =	slt.s32 s23, s0  }
0x405: {  	[tilespmem:$0x4210] =	vst v1;
	s16 =	sadd.s32 s16, s23;
	s1 =	sadd.s32 s24, s1;
	s7 =	spop (v2sf)  }
0x406: {  	[tilespmem:$0x4220] =	vst v1;
	s26 =	simm.s32 @!p0 $0x0;
	p0 =	slt.s32 s16, s0;
	s15 =	sadd.s32 s15, s16  }
0x407: {  	[tilespmem:$0x4230] =	vst v1;
	s16 =	simm.s32 $0x1;
	s1 =	sadd.s32 s25, s1;
	s5 =	spop (v2sf)  }
0x408: {  	[tilespmem:$0x4240] =	vst v1;
	s10 =	simm.s32 @!p0 $0x0;
	p0 =	slt.s32 s15, s0;
	s7 =	sadd.s32 s7, s15  }
0x409: {  	[tilespmem:$0x4250] =	vst v1;
	s15 =	simm.s32 $0x1;
	s1 =	sadd.s32 s26, s1;
	s16 =	simm.s32 @!p0 $0x0  }
0x40a: {  	[tilespmem:$0x4260] =	vst v1;
	p0 =	slt.s32 s7, s0;
	s5 =	sadd.s32 s5, s7;
	s7 =	simm.s32 $0x1  }
0x40b: {  	[tilespmem:$0x4270] =	vst v1;
	s1 =	sadd.s32 s10, s1;
	s15 =	simm.s32 @!p0 $0x0;
	p0 =	slt.s32 s5, s0  }
0x40c: {  	[tilespmem:$0x4280] =	vst v1;
	s1 =	sadd.s32 s16, s1;
	s3 =	spop (v2sf);
	s7 =	simm.s32 @!p0 $0x0  }
0x40d: {  	[tilespmem:$0x4290] =	vst v1;
	s1 =	sadd.s32 s15, s1;
	s3 =	sadd.s32 s3, s5;
	s5 =	simm.s32 $0x1  }
0x40e: {  	[tilespmem:$0x42A0] =	vst v1;
	s1 =	sadd.s32 s7, s1;
	p0 =	slt.s32 s3, s0;
	s30 =	spop (v2sf)  }
0x40f: {  	v4 =	vadd.f32 v5, v4;
	[tilespmem:$0x42B0] =	vst v1;
	s5 =	simm.s32 @!p0 $0x0;
	s31 =	spop (v2sf);
	s3 =	sadd.s32 s30, s3  }
0x410: {  	[tilespmem:$0x42C0] =	vst v1;
	s1 =	sadd.s32 s5, s1;
	p0 =	slt.s32 s3, s0;
	s3 =	sadd.s32 s31, s3  }
0x411: {  	(xrf2) =	vadd.scan.msk.f32 $0xffff, v4;
	[tilespmem:$0x42D0] =	vst v1;
	s6 =	simm.s32 @!p0 $0x0;
	p0 =	slt.s32 s3, s0;
	s0 =	simm.s32 $0x1  }
0x412: {  	[tilespmem:$0x42E0] =	vst v1;
	s0 =	simm.s32 @!p0 $0x0;
	s1 =	sadd.s32 s6, s1  }
0x413: {  	[tilespmem:$0x42F0] =	vst v1;
	s0 =	sadd.s32 s0, s1  }
0x414: {  	[tilespmem:$0x4300] =	vst v1;
	v4 =	vmov s0  }
0x415: {  	[tilespmem:$0x4310] =	vst v1;
	v4 =	vcvt.s32.f32 v4  }
0x416: {  	[tilespmem:$0x4320] =	vst v1  }
0x417: {  	[tilespmem:$0x4330] =	vst v1;
	v4 =	vmul.f32 $2.441406250e-04, v4  }
0x418: {  	[tilespmem:$0x4340] =	vst v1  }
0x419: {  	[tilespmem:$0x4350] =	vst v1;
	v4 =	vadd.f32 $1.220703130e-04, v4  }
0x41a: {  	[tilespmem:$0x4360] =	vst v1  }
0x41b: {  	v5, _, _ =	vpop (xrf2);
	[tilespmem:$0x4370] =	vst v1;
	v4 =	vbroadcast v4, $0x0  }
0x41c: {  	v5 =	vmul.f32 $1.220703130e-04, v5;
	[tilespmem:$0x4380] =	vst v1  }
0x41d: {  	[tilespmem:$0x4390] =	vst v1;
	v63 =	vadd.f32 $-5.000000000e-01, v4  }
0x41e: {  	s18 =	sadd.s32 $0x1, s18;
	v5 =	vbroadcast v5, $0xF;
	[tilespmem:$0x43A0] =	vst v1  }
0x41f: {  	[tilespmem:$0x43B0] =	vst v1;
	p0 =	sne.s32 s18, $0x20;
	v6 =	vand.u32 $0x7FFFFFFF, v63  }
.Ltmp4:
0x420: {  	[tilespmem:$0x43C0] =	vst v1;
	vm15 =	vgt.f32 v4, $5.000000000e-01;
	v5 =	vmul.f32 v6, v5;
	(pc) =	sbr.rel @p0 .LBB2_2-.Ltmp4, $4  }
0x421: {  	[tilespmem:$0x43D0] =	vst v1;
	v4 =	vsel vm15, $0x3F000000, v4  }
0x422: {  	[tilespmem:$0x43E0] =	vst v1;
	v4 =	vadd.f32 v5, v4  }
0x423: {  	[tilespmem:$0x43F0] =	vst v1  }
0x424: {  	[tilespmem:s19+$0x4410] =	vst v4  }
0x425: {  	v4 =	vmul.u32 $0x10, v0;
	_ =	sdelay $0x4  }
0x426: {  	s0 =	simm.s32 $0x4400  }
0x427: {  	v5 =	vld.idx.msk [tilespmem:v4+s0+$0x0], $0xffff  }
0x428: {  	v6 =	vor.u32 $0x100, v4;
	_ =	sdelay $0x3  }
0x429: {  	[tilespmem:$0x4800] =	vst v5  }
0x42a: {  	v5 =	vld.idx.msk [tilespmem:v6+s0+$0x0], $0xffff  }
0x42b: {  	v63 =	vor.u32 $0x200, v4;
	_ =	sdelay $0x3  }
0x42c: {  	[tilespmem:$0x4810] =	vst v5  }
0x42d: {  	v5 =	vld.idx.msk [tilespmem:v63+s0+$0x0], $0xffff  }
0x42e: {  	v4 =	vor.u32 $0x300, v4;
	_ =	sdelay $0x3  }
0x42f: {  	[tilespmem:$0x4820] =	vst v5  }
0x430: {  	v4 =	vld.idx.msk [tilespmem:v4+s0+$0x0], $0xffff;
	_ =	sdelay $0x3  }
0x431: {  	s6 =	simm.s32 $0x0  }
0x432: {  	s29 =	rddreg [dreg:$0x4];
	s1 =	simm.s32 $0x4800;
	s30 =	simm.s32 $0x3;
	[tilespmem:$0x4830] =	vst v4  }
0x433: {  	[hbm4b:s29+s6] =	stream.linear.scatter [tilespmem:s1], [sflag:$0x3], $0x40, $0x38;
	[tilespmem:$0x4880] =	vst v63  }
0x434: {  	_ =	swait.ge [sflag:s30], $0x40  }
0x435: {  	s3 =	rddreg [dreg:$0x6]  }
0x436: {  	s31 =	rddreg [dreg:$0x5];
	s3 =	sadd.s32 $0x1, s3  }
0x437: {  	p0 =	sne.s32 s3, s31  }
.Ltmp5:
0x438: {  	_ = 	snop;
	(pc) =	sbr.rel @p0 .LBB2_1-.Ltmp5, $3  }
0x439: {  	_ =	sdelay $0x1  }
0x43a: {  	[sflag:s30] =	ssyncset.done $0x0  }
0x43b: {  	[sflag:s30] =	ssyncadd.s32 $0xFFFFFFC0  }
0x43c: {  	_ =	sfence.sel $0x180000  }
0x43d: {  	[bflag:$0x0] =	sbarrier.arrive $0xFFFF  }
0x43e: {  	_ =	strace $0x90000047  }
0x43f: {  	s0 =	stileid.u32;
	[bflag:$0x2] =	sbarrier.arrive $0xFFFF  }
0x440: {  	p0 =	sne.s32 s0, $0x0;
	s0 =	rddreg [dreg:$0x2]  }
0x441: {  	s0 =	sadd.s32 @!p0 $0x100000, s0  }
0x442: {  	[sflag:s0] =	ssyncadd.tile.s32 @!p0 $0x1;
	_ =	shalt  }
.Lfunc_end2:
_tile_overlayer_lowered:
.L_overlay_start_2:
0x443: {  	(tag) =	ssettag $0x2  }
0x444: {  	s0 =	rddreg [dreg:$0x0];
	s2 =	stileid.u32  }
0x445: {  	s1 =	rddreg [dreg:$0x1];
	p0 =	sne.s32 s2, $0x0  }
0x446: {  	s3 =	rddreg [dreg:$0x2];
	[bflag:$0x3] =	sbarrier.arrive $0xFFFF;
	s2 =	simm.s32 @!p0 $0x1C03  }
0x447: {  	[timem:s3], [sflag:s2] =	dma.local @!p0 [hbm:s0], s1  }
0x448: {  	s0 =	simm.s32 @!p0 $0x3  }
0x449: {  	_ =	swait.ge @!p0 [sflag:s0], s1  }
0x44a: {  	s1 =	ssub.s32 @!p0 $0x0, s1;
	[sflag:s0] =	ssyncset.done @!p0 $0x0  }
0x44b: {  	[sflag:s0] =	ssyncadd.s32 @!p0 s1  }
0x44c: {  	[bflag:$0x3] =	sbarrier.arrive $0xFFFF  }
0x44d: {  	_ =	shalt  }

</sc_bundles>
